<compile_context>
chip_gen: v7x
topology: tpu7x:2x2x1
jax: 0.10.2.dev20260603
libtpu: 0.0.44.dev20260713+nightly
codegen_flags: <defaults>
</compile_context>

<pallas_src>
import jax
import jax.numpy as jnp
from jax import lax
from jax.experimental import pallas as pl
from jax.experimental.pallas import tpu as pltpu
from jax.experimental.pallas import tpu_sc as plsc

_F32 = jnp.float32
_BR = 512
_CH = 128
_NW = 32
_G = 64
_SELU_L = 1.0507009873554805
_SELU_A = 1.6732632423543772


def _selu(x):
    return _SELU_L * jnp.where(x > 0, x, _SELU_A * (jnp.exp(jnp.minimum(x, 0.0)) - 1.0))


def _make_sc_agg(NP, D, nchunks):
    mesh = plsc.VectorSubcoreMesh(core_axis_name="c", subcore_axis_name="s")
    rows_per = NP // 16
    Dh = D // 2

    def body(hlo_hbm, hhi_hbm, src_hbm, dst_hbm, out_hbm,
             idx_s, idx_d, r0, r1, r2, r3, acc_sh,
             sg0, sg1, sg2, sg3, ss0, ss1, ss2, ss3):
        rows = [r0, r1, r2, r3]
        sem_g = [sg0, sg1, sg2, sg3]
        sem_s = [ss0, ss1, ss2, ss3]
        c = lax.axis_index("c")
        s = lax.axis_index("s")
        pltpu.sync_copy(src_hbm.at[s], idx_s)
        pltpu.sync_copy(dst_hbm.at[s], idx_d)

        nbuf = len(rows)

        def pipeline(h_hbm):
            pltpu.sync_copy(h_hbm.at[pl.ds(s * rows_per, rows_per)],
                            acc_sh.at[pl.ds(s * rows_per, rows_per)])
            plsc.subcore_barrier()
            for b in range(nbuf):
                pltpu.async_copy(h_hbm.at[idx_s.at[b]], rows[b], sem_g[b])

            def step(k, carry):
                base = k * nbuf
                for b in range(nbuf):
                    ci = base + b
                    pltpu.make_async_copy(h_hbm.at[idx_s.at[ci]], rows[b],
                                          sem_g[b]).wait()
                    pltpu.async_copy(rows[b], acc_sh.at[idx_d.at[ci]],
                                     sem_s[b], add=True)
                for b in range(nbuf):
                    ci = base + nbuf + b

                    @pl.when(ci < nchunks)
                    def _(ci=ci, b=b):
                        pltpu.make_async_copy(rows[b],
                                              acc_sh.at[idx_d.at[base + b]],
                                              sem_s[b]).wait()
                        pltpu.async_copy(h_hbm.at[idx_s.at[ci]], rows[b],
                                         sem_g[b])
                return carry

            lax.fori_loop(0, nchunks // nbuf, step, 0)
            for b in range(nbuf):
                pltpu.make_async_copy(rows[b], acc_sh.at[idx_d.at[0]],
                                      sem_s[b]).wait()

        @pl.when(c == 0)
        def _():
            pipeline(hlo_hbm)

        @pl.when(c == 1)
        def _():
            pipeline(hhi_hbm)

        plsc.subcore_barrier()
        pltpu.sync_copy(acc_sh.at[pl.ds(s * rows_per, rows_per)],
                        out_hbm.at[c, pl.ds(s * rows_per, rows_per)])

    return pl.kernel(
        body,
        out_type=jax.ShapeDtypeStruct((2, NP, Dh), _F32),
        mesh=mesh,
        compiler_params=pltpu.CompilerParams(use_tc_tiling_on_sc=False),
        scratch_types=(
            [pltpu.VMEM((nchunks, _CH), jnp.int32),
             pltpu.VMEM((nchunks, _CH), jnp.int32)]
            + [pltpu.VMEM((_CH, Dh), _F32)] * 4
            + [pltpu.VMEM_SHARED((NP, Dh), _F32)]
            + [pltpu.SemaphoreType.DMA] * 8
        ),
    )


def _onehot(b_ref):
    bcol = b_ref[:, 0:1]
    gid = lax.broadcasted_iota(jnp.int32, (1, _G), 1).astype(_F32)
    return jnp.where(bcol == gid, 1.0, 0.0).astype(_F32)


def _make_fused(NP, D, H, nreal):
    NB = NP // _BR
    Dh = D // 2
    HIGH = lax.Precision.HIGHEST

    def body(a2_ref, b_ref, w1_ref, g1_ref, b1_ref, w2_ref, b2_ref,
             gnw_ref, gnb_ref, gna_ref, hlo_ref, hhi_ref, pool_ref,
             t_s, c_s, s_s, ab_s, stst_s, cnt8_s, mean_s, rstd_s, cntb_s):
        p = pl.program_id(0)
        i = pl.program_id(1)

        @pl.when(p == 0)
        def _():
            h2 = jnp.concatenate([a2_ref[0], a2_ref[1]], axis=1)
            rid = lax.broadcasted_iota(jnp.int32, (_BR, 1), 0) + i * _BR
            h2 = jnp.where(rid < nreal, h2, 0.0)
            h2c = h2.astype(jnp.bfloat16).astype(_F32)
            cb = lax.dot_general(h2c, h2c, (((0,), (0,)), ((), ())),
                                 preferred_element_type=_F32, precision=HIGH)
            sb = jnp.broadcast_to(jnp.sum(h2c, axis=0, keepdims=True), (8, D))

            @pl.when(i == 0)
            def _():
                c_s[...] = cb
                s_s[...] = sb

            @pl.when(i != 0)
            def _():
                c_s[...] += cb
                s_s[...] += sb

        @pl.when(p == 1)
        def _():
            @pl.when(i == 0)
            def _():
                w1 = w1_ref[...].astype(jnp.bfloat16).astype(_F32)
                mu = lax.dot_general(s_s[0:1, :], w1, (((1,), (1,)), ((), ())),
                                     preferred_element_type=_F32,
                                     precision=HIGH) / nreal
                wc = lax.dot_general(w1, c_s[...], (((1,), (0,)), ((), ())),
                                     preferred_element_type=_F32, precision=HIGH)
                m2col = jnp.sum(wc * w1, axis=1, keepdims=True) / nreal
                ii = lax.broadcasted_iota(jnp.int32, (H, H), 0)
                jj = lax.broadcasted_iota(jnp.int32, (H, H), 1)
                eye = jnp.where(ii == jj, 1.0, 0.0).astype(_F32)
                m2 = lax.dot_general(m2col, eye, (((0,), (0,)), ((), ())),
                                     preferred_element_type=_F32,
                                     precision=HIGH)
                rstd = lax.rsqrt(m2 - mu * mu + 1e-5)
                alpha = g1_ref[...] * rstd
                ab_s[0:1, :] = alpha
                ab_s[1:2, :] = b1_ref[...] - mu * alpha

            h2 = jnp.concatenate([a2_ref[0], a2_ref[1]], axis=1)
            y = lax.dot_general(h2.astype(jnp.bfloat16),
                                w1_ref[...].astype(jnp.bfloat16),
                                (((1,), (1,)), ((), ())),
                                preferred_element_type=_F32)
            z = _selu(y * ab_s[0:1, :] + ab_s[1:2, :])
            t = lax.dot_general(z.astype(jnp.bfloat16),
                                w2_ref[...].astype(jnp.bfloat16),
                                (((1,), (1,)), ((), ())),
                                preferred_element_type=_F32) + b2_ref[...]
            t_s[pl.ds(i * _BR, _BR), :] = t
            m = _onehot(b_ref)
            ts = jnp.concatenate([t, t * t], axis=1)
            stb = lax.dot_general(m, ts, (((0,), (0,)), ((), ())),
                                  preferred_element_type=_F32, precision=HIGH)
            cb = jnp.broadcast_to(jnp.sum(m, axis=0, keepdims=True), (8, _G))

            @pl.when(i == 0)
            def _():
                stst_s[...] = stb
                cnt8_s[...] = cb

            @pl.when(i != 0)
            def _():
                stst_s[...] += stb
                cnt8_s[...] += cb

        @pl.when(p == 2)
        def _():
            @pl.when(i == 0)
            def _():
                ii = lax.broadcasted_iota(jnp.int32, (_G, _G), 0)
                jj = lax.broadcasted_iota(jnp.int32, (_G, _G), 1)
                eye = jnp.where(ii == jj, 1.0, 0.0).astype(_F32)
                cntcol = lax.dot_general(eye, cnt8_s[0:1, :],
                                         (((1,), (1,)), ((), ())),
                                         preferred_element_type=_F32,
                                         precision=HIGH)
                cnt = jnp.maximum(cntcol, 1.0)
                mean = stst_s[:, :D] / cnt
                a = gna_ref[...]
                var = stst_s[:, D:] / cnt - (2.0 * a - a * a) * mean * mean
                mean_s[...] = mean
                rstd_s[...] = lax.rsqrt(var + 1e-5)
                cntb_s[...] = jnp.broadcast_to(cnt, (_G, D))
                pool_ref[...] = jnp.zeros((_G, D), _F32)

            t = t_s[pl.ds(i * _BR, _BR), :]
            m = _onehot(b_ref)
            meanb = lax.dot_general(m, mean_s[...], (((1,), (0,)), ((), ())),
                                    preferred_element_type=_F32, precision=HIGH)
            rstdb = lax.dot_general(m, rstd_s[...], (((1,), (0,)), ((), ())),
                                    preferred_element_type=_F32, precision=HIGH)
            out = (t - gna_ref[...] * meanb) * rstdb * gnw_ref[...] \
                + gnb_ref[...]
            hn = _selu(out)
            hlo_ref[...] = hn[:, :Dh]
            hhi_ref[...] = hn[:, Dh:]
            pool_ref[...] += lax.dot_general(m, hn, (((0,), (0,)), ((), ())),
                                             preferred_element_type=_F32,
                                             precision=HIGH) / cntb_s[...]

    return pl.pallas_call(
        body,
        grid=(3, NB),
        in_specs=[pl.BlockSpec((2, _BR, Dh), lambda p, i: (0, i * (p < 2), 0)),
                  pl.BlockSpec((_BR, D), lambda p, i: (i * (p > 0), 0)),
                  pl.BlockSpec((H, D), lambda p, i: (0, 0)),
                  pl.BlockSpec((1, H), lambda p, i: (0, 0)),
                  pl.BlockSpec((1, H), lambda p, i: (0, 0)),
                  pl.BlockSpec((D, H), lambda p, i: (0, 0)),
                  pl.BlockSpec((1, D), lambda p, i: (0, 0)),
                  pl.BlockSpec((1, D), lambda p, i: (0, 0)),
                  pl.BlockSpec((1, D), lambda p, i: (0, 0)),
                  pl.BlockSpec((1, D), lambda p, i: (0, 0))],
        out_specs=[pl.BlockSpec((_BR, Dh), lambda p, i: (i, 0)),
                   pl.BlockSpec((_BR, Dh), lambda p, i: (i, 0)),
                   pl.BlockSpec((_G, D), lambda p, i: (0, 0))],
        out_shape=[jax.ShapeDtypeStruct((NP, Dh), _F32),
                   jax.ShapeDtypeStruct((NP, Dh), _F32),
                   jax.ShapeDtypeStruct((_G, D), _F32)],
        scratch_shapes=[pltpu.VMEM((NP, D), _F32),
                        pltpu.VMEM((D, D), _F32),
                        pltpu.VMEM((8, D), _F32),
                        pltpu.VMEM((2, H), _F32),
                        pltpu.VMEM((_G, 2 * D), _F32),
                        pltpu.VMEM((8, _G), _F32),
                        pltpu.VMEM((_G, D), _F32),
                        pltpu.VMEM((_G, D), _F32),
                        pltpu.VMEM((_G, D), _F32)],
    )


def kernel(x, edge_index, batch,
           W1_1, g1_1, b1_1, W2_1, b2_1, gnw_1, gnb_1, gna_1,
           W1_2, g1_2, b1_2, W2_2, b2_2, gnw_2, gnb_2, gna_2,
           W1_3, g1_3, b1_3, W2_3, b2_3, gnw_3, gnb_3, gna_3,
           W1_4, g1_4, b1_4, W2_4, b2_4, gnw_4, gnb_4, gna_4):
    params = (W1_1, g1_1, b1_1, W2_1, b2_1, gnw_1, gnb_1, gna_1,
              W1_2, g1_2, b1_2, W2_2, b2_2, gnw_2, gnb_2, gna_2,
              W1_3, g1_3, b1_3, W2_3, b2_3, gnw_3, gnb_3, gna_3,
              W1_4, g1_4, b1_4, W2_4, b2_4, gnw_4, gnb_4, gna_4)
    N, D = x.shape
    E = edge_index.shape[1]
    H = W1_1.shape[0]
    Dh = D // 2
    NP = -(-N // _BR) * _BR
    nsub = 16
    nchunks = -(-E // (nsub * _CH))
    nchunks = -(-nchunks // 4) * 4
    EP = nsub * nchunks * _CH
    padr = NP - N

    pad_idx = (jnp.arange(EP - E, dtype=jnp.int32) % padr) + N
    src_r = jnp.concatenate([edge_index[0], pad_idx]).reshape(nsub, nchunks, _CH)
    dst_r = jnp.concatenate([edge_index[1], pad_idx]).reshape(nsub, nchunks, _CH)
    hlo = jnp.pad(x[:, :Dh], ((0, NP - N), (0, 0)))
    hhi = jnp.pad(x[:, Dh:], ((0, NP - N), (0, 0)))
    bp = jnp.pad(batch, (0, NP - N), constant_values=_G)
    bf = jnp.broadcast_to(bp.astype(_F32)[:, None], (NP, D))

    sc_agg = _make_sc_agg(NP, D, nchunks)
    fused = _make_fused(NP, D, H, N)

    pools = []
    for li in range(4):
        w1, g1, b1, w2, b2, gnw, gnb, gna = params[8 * li: 8 * li + 8]
        h2s = sc_agg(hlo, hhi, src_r, dst_r)
        hlo, hhi, pool = fused(h2s, bf, w1,
                               g1.reshape(1, H), b1.reshape(1, H),
                               w2, b2.reshape(1, D),
                               gnw.reshape(1, D), gnb.reshape(1, D),
                               gna.reshape(1, D))
        pools.append(pool)
    return jnp.concatenate(pools, axis=1)

# --- scband reference (transcript-rebuilt; emitter-appended) ---
"""Pipeline reference for scband-gin-83872121356545 (READ-ONLY COPY).

The authoritative reference and input builder live on the scoring server;
editing this copy changes nothing except your own understanding.
"""

import jax, jax.numpy as jnp
import numpy as np

N = 10000
E = 320000
D = 128
H = 512
G = 64


def setup_inputs(seed: int = 0):
    key = jax.random.key(seed)
    ks = jax.random.split(key, 64)
    inp = {}
    inp["x"] = jax.random.normal(ks[0], (N, D), dtype=jnp.float32)
    inp["edge_index"] = jax.random.randint(ks[1], (2, E), 0, N, dtype=jnp.int32)
    inp["batch"] = jnp.sort(jax.random.randint(ks[2], (N,), 0, G, dtype=jnp.int32))
    j = 3
    for i in range(1, 5):
        inp[f"W1_{i}"] = jax.random.normal(ks[j], (H, D), dtype=jnp.float32) * 0.05; j += 1
        inp[f"g1_{i}"] = jnp.ones((H,), dtype=jnp.float32)
        inp[f"b1_{i}"] = jnp.zeros((H,), dtype=jnp.float32)
        inp[f"W2_{i}"] = jax.random.normal(ks[j], (D, H), dtype=jnp.float32) * 0.05; j += 1
        inp[f"b2_{i}"] = jnp.zeros((D,), dtype=jnp.float32)
        inp[f"gnw_{i}"] = jnp.ones((D,), dtype=jnp.float32)
        inp[f"gnb_{i}"] = jnp.zeros((D,), dtype=jnp.float32)
        inp[f"gna_{i}"] = jnp.ones((D,), dtype=jnp.float32)
    return inp


def _mlp(h, W1, g1, b1, W2, b2):
    # Linear(no bias) -> BatchNorm1d (training-mode batch stats) -> SELU -> Linear
    h = h @ W1.T
    mu = jnp.mean(h, axis=0)
    var = jnp.mean((h - mu) ** 2, axis=0)
    h = (h - mu) / jnp.sqrt(var + 1e-5) * g1 + b1
    h = jax.nn.selu(h)
    return h @ W2.T + b2


def _gin_conv(x, src, dst, W1, g1, b1, W2, b2):
    # GINConv with eps=0: MLP((1+eps)*x + sum_{j in N(i)} x_j)
    agg = jax.ops.segment_sum(x[src], dst, num_segments=N)
    return _mlp(x + agg, W1, g1, b1, W2, b2)


def _graph_norm(x, batch, w, b, a):
    cnt = jnp.clip(jax.ops.segment_sum(jnp.ones((x.shape[0], 1), dtype=x.dtype), batch, num_segments=G), 1.0)
    mean = jax.ops.segment_sum(x, batch, num_segments=G) / cnt
    out = x - a * mean[batch]
    var = jax.ops.segment_sum(out * out, batch, num_segments=G) / cnt
    std = jnp.sqrt(var + 1e-5)
    return w * out / std[batch] + b


def reference(x, edge_index, batch,
              W1_1, g1_1, b1_1, W2_1, b2_1, gnw_1, gnb_1, gna_1,
              W1_2, g1_2, b1_2, W2_2, b2_2, gnw_2, gnb_2, gna_2,
              W1_3, g1_3, b1_3, W2_3, b2_3, gnw_3, gnb_3, gna_3,
              W1_4, g1_4, b1_4, W2_4, b2_4, gnw_4, gnb_4, gna_4):
    p = {
        "W1_1": W1_1, "g1_1": g1_1, "b1_1": b1_1, "W2_1": W2_1, "b2_1": b2_1,
        "gnw_1": gnw_1, "gnb_1": gnb_1, "gna_1": gna_1,
        "W1_2": W1_2, "g1_2": g1_2, "b1_2": b1_2, "W2_2": W2_2, "b2_2": b2_2,
        "gnw_2": gnw_2, "gnb_2": gnb_2, "gna_2": gna_2,
        "W1_3": W1_3, "g1_3": g1_3, "b1_3": b1_3, "W2_3": W2_3, "b2_3": b2_3,
        "gnw_3": gnw_3, "gnb_3": gnb_3, "gna_3": gna_3,
        "W1_4": W1_4, "g1_4": g1_4, "b1_4": b1_4, "W2_4": W2_4, "b2_4": b2_4,
        "gnw_4": gnw_4, "gnb_4": gnb_4, "gna_4": gna_4,
    }
    src, dst = edge_index[0], edge_index[1]
    hs = []
    h = x
    for i in range(1, 5):
        h = _gin_conv(h, src, dst, p[f"W1_{i}"], p[f"g1_{i}"], p[f"b1_{i}"], p[f"W2_{i}"], p[f"b2_{i}"])
        h = _graph_norm(h, batch, p[f"gnw_{i}"], p[f"gnb_{i}"], p[f"gna_{i}"])
        h = jax.nn.selu(h)
        hs.append(h)
    hg = jnp.concatenate(hs, axis=1)
    cnt = jnp.clip(jax.ops.segment_sum(jnp.ones((hg.shape[0], 1), dtype=hg.dtype), batch, num_segments=G), 1.0)
    return jax.ops.segment_sum(hg, batch, num_segments=G) / cnt

if __name__ == "__main__":
    import jax
    _d = setup_inputs()
    print(jax.jit(kernel)(*tuple(_d.values())))

</pallas_src>

<mosaic_0001>
#map = affine_map<(d0, d1) -> (0, 0)>
#map1 = affine_map<(d0, d1) -> (0, 0, 0)>
module attributes {stable_mosaic.version = 14 : i64} {
  func.func @body(%arg0: i32, %arg1: i32, %arg2: memref<10240x64xf32, #tpu.memory_space<hbm>>, %arg3: memref<10240x64xf32, #tpu.memory_space<hbm>>, %arg4: memref<16x160x128xi32, #tpu.memory_space<hbm>>, %arg5: memref<16x160x128xi32, #tpu.memory_space<hbm>>, %arg6: memref<2x10240x64xf32, #tpu.memory_space<hbm>>, %arg7: memref<160x128xi32, #tpu.memory_space<vmem>>, %arg8: memref<160x128xi32, #tpu.memory_space<vmem>>, %arg9: memref<128x64xf32, #tpu.memory_space<vmem>>, %arg10: memref<128x64xf32, #tpu.memory_space<vmem>>, %arg11: memref<128x64xf32, #tpu.memory_space<vmem>>, %arg12: memref<128x64xf32, #tpu.memory_space<vmem>>, %arg13: memref<10240x64xf32, #tpu.memory_space<vmem_shared>>, %arg14: memref<!tpu.dma_semaphore, #tpu.memory_space<semaphore_mem>>, %arg15: memref<!tpu.dma_semaphore, #tpu.memory_space<semaphore_mem>>, %arg16: memref<!tpu.dma_semaphore, #tpu.memory_space<semaphore_mem>>, %arg17: memref<!tpu.dma_semaphore, #tpu.memory_space<semaphore_mem>>, %arg18: memref<!tpu.dma_semaphore, #tpu.memory_space<semaphore_mem>>, %arg19: memref<!tpu.dma_semaphore, #tpu.memory_space<semaphore_mem>>, %arg20: memref<!tpu.dma_semaphore, #tpu.memory_space<semaphore_mem>>, %arg21: memref<!tpu.dma_semaphore, #tpu.memory_space<semaphore_mem>>) attributes {dimension_semantics = [#tpu.dimension_semantics<core_parallel>, #tpu.dimension_semantics<subcore_parallel>], iteration_bounds = array<i64: 2, 16>, scalar_prefetch = 0 : i64, scratch_operands = 15 : i64, tpu.core_type = #tpu.core_type<sc_vector_subcore>, window_params = [{transform_indices = #map}, {transform_indices = #map}, {transform_indices = #map1}, {transform_indices = #map1}, {transform_indices = #map1}]} {
    "tpu.region"() ({
      %run_scoped3A = tpu.sem_alloc : memref<!tpu.dma_semaphore, #tpu.memory_space<semaphore_mem>>
      %dma_start3A = arith.constant 0 : i32
      %dma_start3A_10 = arith.constant 0 : i32
      %dma_start3A_11 = tpu.memref_slice %arg4[%arg1, %dma_start3A, %dma_start3A_10] : memref<16x160x128xi32, #tpu.memory_space<hbm>> -> memref<1x160x128xi32, #tpu.memory_space<hbm>>
      %dma_start3A_12 = tpu.memref_squeeze %dma_start3A_11 : memref<1x160x128xi32, #tpu.memory_space<hbm>> -> memref<160x128xi32, #tpu.memory_space<hbm>>
      %dma_start3A_13 = arith.constant 0 : i32
      %dma_start3A_14 = arith.constant 0 : i32
      %dma_start3A_15 = tpu.memref_slice %arg4[%arg1, %dma_start3A_13, %dma_start3A_14] : memref<16x160x128xi32, #tpu.memory_space<hbm>> -> memref<1x160x128xi32, #tpu.memory_space<hbm>>
      %dma_start3A_16 = tpu.memref_squeeze %dma_start3A_15 : memref<1x160x128xi32, #tpu.memory_space<hbm>> -> memref<160x128xi32, #tpu.memory_space<hbm>>
      tpu.enqueue_dma source(%dma_start3A_16 : memref<160x128xi32, #tpu.memory_space<hbm>>) target(%arg7 : memref<160x128xi32, #tpu.memory_space<vmem>>) target_semaphore(%run_scoped3A : memref<!tpu.dma_semaphore, #tpu.memory_space<semaphore_mem>>)
      %dma_wait3A = arith.constant 0 : i32
      %dma_wait3A_17 = arith.constant 0 : i32
      %dma_wait3A_18 = tpu.memref_slice %arg4[%arg1, %dma_wait3A, %dma_wait3A_17] : memref<16x160x128xi32, #tpu.memory_space<hbm>> -> memref<1x160x128xi32, #tpu.memory_space<hbm>>
      %dma_wait3A_19 = tpu.memref_squeeze %dma_wait3A_18 : memref<1x160x128xi32, #tpu.memory_space<hbm>> -> memref<160x128xi32, #tpu.memory_space<hbm>>
      %dma_wait3A_20 = arith.constant 0 : i32
      %dma_wait3A_21 = arith.constant 0 : i32
      %dma_wait3A_22 = tpu.memref_slice %arg4[%arg1, %dma_wait3A_20, %dma_wait3A_21] : memref<16x160x128xi32, #tpu.memory_space<hbm>> -> memref<1x160x128xi32, #tpu.memory_space<hbm>>
      %dma_wait3A_23 = tpu.memref_squeeze %dma_wait3A_22 : memref<1x160x128xi32, #tpu.memory_space<hbm>> -> memref<160x128xi32, #tpu.memory_space<hbm>>
      tpu.wait_dma2 semaphore(%run_scoped3A : memref<!tpu.dma_semaphore, #tpu.memory_space<semaphore_mem>>) src(%dma_wait3A_23 : memref<160x128xi32, #tpu.memory_space<hbm>>) dst(%arg7 : memref<160x128xi32, #tpu.memory_space<vmem>>)
      tpu.yield
    }) : () -> ()
    "tpu.region"() ({
      %run_scoped3A = tpu.sem_alloc : memref<!tpu.dma_semaphore, #tpu.memory_space<semaphore_mem>>
      %dma_start3A = arith.constant 0 : i32
      %dma_start3A_10 = arith.constant 0 : i32
      %dma_start3A_11 = tpu.memref_slice %arg5[%arg1, %dma_start3A, %dma_start3A_10] : memref<16x160x128xi32, #tpu.memory_space<hbm>> -> memref<1x160x128xi32, #tpu.memory_space<hbm>>
      %dma_start3A_12 = tpu.memref_squeeze %dma_start3A_11 : memref<1x160x128xi32, #tpu.memory_space<hbm>> -> memref<160x128xi32, #tpu.memory_space<hbm>>
      %dma_start3A_13 = arith.constant 0 : i32
      %dma_start3A_14 = arith.constant 0 : i32
      %dma_start3A_15 = tpu.memref_slice %arg5[%arg1, %dma_start3A_13, %dma_start3A_14] : memref<16x160x128xi32, #tpu.memory_space<hbm>> -> memref<1x160x128xi32, #tpu.memory_space<hbm>>
      %dma_start3A_16 = tpu.memref_squeeze %dma_start3A_15 : memref<1x160x128xi32, #tpu.memory_space<hbm>> -> memref<160x128xi32, #tpu.memory_space<hbm>>
      tpu.enqueue_dma source(%dma_start3A_16 : memref<160x128xi32, #tpu.memory_space<hbm>>) target(%arg8 : memref<160x128xi32, #tpu.memory_space<vmem>>) target_semaphore(%run_scoped3A : memref<!tpu.dma_semaphore, #tpu.memory_space<semaphore_mem>>)
      %dma_wait3A = arith.constant 0 : i32
      %dma_wait3A_17 = arith.constant 0 : i32
      %dma_wait3A_18 = tpu.memref_slice %arg5[%arg1, %dma_wait3A, %dma_wait3A_17] : memref<16x160x128xi32, #tpu.memory_space<hbm>> -> memref<1x160x128xi32, #tpu.memory_space<hbm>>
      %dma_wait3A_19 = tpu.memref_squeeze %dma_wait3A_18 : memref<1x160x128xi32, #tpu.memory_space<hbm>> -> memref<160x128xi32, #tpu.memory_space<hbm>>
      %dma_wait3A_20 = arith.constant 0 : i32
      %dma_wait3A_21 = arith.constant 0 : i32
      %dma_wait3A_22 = tpu.memref_slice %arg5[%arg1, %dma_wait3A_20, %dma_wait3A_21] : memref<16x160x128xi32, #tpu.memory_space<hbm>> -> memref<1x160x128xi32, #tpu.memory_space<hbm>>
      %dma_wait3A_23 = tpu.memref_squeeze %dma_wait3A_22 : memref<1x160x128xi32, #tpu.memory_space<hbm>> -> memref<160x128xi32, #tpu.memory_space<hbm>>
      tpu.wait_dma2 semaphore(%run_scoped3A : memref<!tpu.dma_semaphore, #tpu.memory_space<semaphore_mem>>) src(%dma_wait3A_23 : memref<160x128xi32, #tpu.memory_space<hbm>>) dst(%arg8 : memref<160x128xi32, #tpu.memory_space<vmem>>)
      tpu.yield
    }) : () -> ()
    %eq3A = arith.constant 0 : i32
    %eq3A_0 = arith.cmpi eq, %arg0, %eq3A : i32
    %convert_element_type3A = arith.extui %eq3A_0 : i1 to i32
    %cond3A = arith.constant 0 : i32
    %cond3A_1 = arith.cmpi ne, %convert_element_type3A, %cond3A : i32
    scf.if %cond3A_1 {
      %mul3A_10 = arith.constant 640 : i32
      %mul3A_11 = arith.muli %arg1, %mul3A_10 : i32
      %mul3A_12 = arith.constant 640 : i32
      %mul3A_13 = arith.muli %arg1, %mul3A_12 : i32
      "tpu.region"() ({
        %run_scoped3A = tpu.sem_alloc : memref<!tpu.dma_semaphore, #tpu.memory_space<semaphore_mem>>
        %dma_start3A_74 = arith.constant 0 : i32
        %dma_start3A_75 = tpu.memref_slice %arg13[%mul3A_13, %dma_start3A_74] : memref<10240x64xf32, #tpu.memory_space<vmem_shared>> -> memref<640x64xf32, #tpu.memory_space<vmem_shared>>
        %dma_start3A_76 = arith.constant 0 : i32
        %dma_start3A_77 = tpu.memref_slice %arg2[%mul3A_11, %dma_start3A_76] : memref<10240x64xf32, #tpu.memory_space<hbm>> -> memref<640x64xf32, #tpu.memory_space<hbm>>
        tpu.enqueue_dma source(%dma_start3A_77 : memref<640x64xf32, #tpu.memory_space<hbm>>) target(%dma_start3A_75 : memref<640x64xf32, #tpu.memory_space<vmem_shared>>) target_semaphore(%run_scoped3A : memref<!tpu.dma_semaphore, #tpu.memory_space<semaphore_mem>>)
        %dma_wait3A_78 = arith.constant 0 : i32
        %dma_wait3A_79 = tpu.memref_slice %arg13[%mul3A_13, %dma_wait3A_78] : memref<10240x64xf32, #tpu.memory_space<vmem_shared>> -> memref<640x64xf32, #tpu.memory_space<vmem_shared>>
        %dma_wait3A_80 = arith.constant 0 : i32
        %dma_wait3A_81 = tpu.memref_slice %arg2[%mul3A_11, %dma_wait3A_80] : memref<10240x64xf32, #tpu.memory_space<hbm>> -> memref<640x64xf32, #tpu.memory_space<hbm>>
        tpu.wait_dma2 semaphore(%run_scoped3A : memref<!tpu.dma_semaphore, #tpu.memory_space<semaphore_mem>>) src(%dma_wait3A_81 : memref<640x64xf32, #tpu.memory_space<hbm>>) dst(%dma_wait3A_79 : memref<640x64xf32, #tpu.memory_space<vmem_shared>>)
        tpu.yield
      }) : () -> ()
      %barrier3A_14 = arith.constant 0 : index
      tpu.barrier barrier_id(%barrier3A_14)
      %dma_start3A = arith.constant 0 : i32
      %dma_start3A_15 = arith.constant 0 : i32
      %dma_start3A_16 = tpu.memref_slice %arg7[%dma_start3A, %dma_start3A_15] : memref<160x128xi32, #tpu.memory_space<vmem>> -> memref<1x128xi32, #tpu.memory_space<vmem>>
      %dma_start3A_17 = tpu.memref_squeeze %dma_start3A_16 : memref<1x128xi32, #tpu.memory_space<vmem>> -> memref<128xi32, #tpu.memory_space<vmem>>
      %dma_start3A_18 = arith.constant 0 : i32
      %dma_start3A_19 = arith.constant 0 : i32
      %dma_start3A_20 = tpu.memref_slice %arg2[%dma_start3A_18, %dma_start3A_19] : memref<10240x64xf32, #tpu.memory_space<hbm>> -> memref<10240x64xf32, #tpu.memory_space<hbm>>
      tpu.enqueue_indirect_dma source(%dma_start3A_20 : memref<10240x64xf32, #tpu.memory_space<hbm>>) target(%arg9 : memref<128x64xf32, #tpu.memory_space<vmem>>) offsets(%dma_start3A_17 : memref<128xi32, #tpu.memory_space<vmem>>) semaphore(%arg14 : memref<!tpu.dma_semaphore, #tpu.memory_space<semaphore_mem>>)
      %dma_start3A_21 = arith.constant 1 : i32
      %dma_start3A_22 = arith.constant 0 : i32
      %dma_start3A_23 = tpu.memref_slice %arg7[%dma_start3A_21, %dma_start3A_22] : memref<160x128xi32, #tpu.memory_space<vmem>> -> memref<1x128xi32, #tpu.memory_space<vmem>>
      %dma_start3A_24 = tpu.memref_squeeze %dma_start3A_23 : memref<1x128xi32, #tpu.memory_space<vmem>> -> memref<128xi32, #tpu.memory_space<vmem>>
      %dma_start3A_25 = arith.constant 0 : i32
      %dma_start3A_26 = arith.constant 0 : i32
      %dma_start3A_27 = tpu.memref_slice %arg2[%dma_start3A_25, %dma_start3A_26] : memref<10240x64xf32, #tpu.memory_space<hbm>> -> memref<10240x64xf32, #tpu.memory_space<hbm>>
      tpu.enqueue_indirect_dma source(%dma_start3A_27 : memref<10240x64xf32, #tpu.memory_space<hbm>>) target(%arg10 : memref<128x64xf32, #tpu.memory_space<vmem>>) offsets(%dma_start3A_24 : memref<128xi32, #tpu.memory_space<vmem>>) semaphore(%arg15 : memref<!tpu.dma_semaphore, #tpu.memory_space<semaphore_mem>>)
      %dma_start3A_28 = arith.constant 2 : i32
      %dma_start3A_29 = arith.constant 0 : i32
      %dma_start3A_30 = tpu.memref_slice %arg7[%dma_start3A_28, %dma_start3A_29] : memref<160x128xi32, #tpu.memory_space<vmem>> -> memref<1x128xi32, #tpu.memory_space<vmem>>
      %dma_start3A_31 = tpu.memref_squeeze %dma_start3A_30 : memref<1x128xi32, #tpu.memory_space<vmem>> -> memref<128xi32, #tpu.memory_space<vmem>>
      %dma_start3A_32 = arith.constant 0 : i32
      %dma_start3A_33 = arith.constant 0 : i32
      %dma_start3A_34 = tpu.memref_slice %arg2[%dma_start3A_32, %dma_start3A_33] : memref<10240x64xf32, #tpu.memory_space<hbm>> -> memref<10240x64xf32, #tpu.memory_space<hbm>>
      tpu.enqueue_indirect_dma source(%dma_start3A_34 : memref<10240x64xf32, #tpu.memory_space<hbm>>) target(%arg11 : memref<128x64xf32, #tpu.memory_space<vmem>>) offsets(%dma_start3A_31 : memref<128xi32, #tpu.memory_space<vmem>>) semaphore(%arg16 : memref<!tpu.dma_semaphore, #tpu.memory_space<semaphore_mem>>)
      %dma_start3A_35 = arith.constant 3 : i32
      %dma_start3A_36 = arith.constant 0 : i32
      %dma_start3A_37 = tpu.memref_slice %arg7[%dma_start3A_35, %dma_start3A_36] : memref<160x128xi32, #tpu.memory_space<vmem>> -> memref<1x128xi32, #tpu.memory_space<vmem>>
      %dma_start3A_38 = tpu.memref_squeeze %dma_start3A_37 : memref<1x128xi32, #tpu.memory_space<vmem>> -> memref<128xi32, #tpu.memory_space<vmem>>
      %dma_start3A_39 = arith.constant 0 : i32
      %dma_start3A_40 = arith.constant 0 : i32
      %dma_start3A_41 = tpu.memref_slice %arg2[%dma_start3A_39, %dma_start3A_40] : memref<10240x64xf32, #tpu.memory_space<hbm>> -> memref<10240x64xf32, #tpu.memory_space<hbm>>
      tpu.enqueue_indirect_dma source(%dma_start3A_41 : memref<10240x64xf32, #tpu.memory_space<hbm>>) target(%arg12 : memref<128x64xf32, #tpu.memory_space<vmem>>) offsets(%dma_start3A_38 : memref<128xi32, #tpu.memory_space<vmem>>) semaphore(%arg17 : memref<!tpu.dma_semaphore, #tpu.memory_space<semaphore_mem>>)
      %scan3A = arith.constant 0 : i32
      %scan3A_42 = arith.constant 0 : i32
      %scan3A_43 = arith.constant 40 : i32
      %scan3A_44 = arith.addi %scan3A_42, %scan3A_43 : i32
      %scan3A_45 = arith.constant 1 : i32
      scf.for %scan3A_74 = %scan3A_42 to %scan3A_44 step %scan3A_45  : i32 {
        %mul3A_75 = arith.constant 4 : i32
        %mul3A_76 = arith.muli %scan3A_74, %mul3A_75 : i32
        %add3A = arith.constant 0 : i32
        %add3A_77 = arith.addi %mul3A_76, %add3A : i32
        %dma_wait3A_78 = arith.constant 0 : i32
        %dma_wait3A_79 = tpu.memref_slice %arg7[%add3A_77, %dma_wait3A_78] : memref<160x128xi32, #tpu.memory_space<vmem>> -> memref<1x128xi32, #tpu.memory_space<vmem>>
        %dma_wait3A_80 = tpu.memref_squeeze %dma_wait3A_79 : memref<1x128xi32, #tpu.memory_space<vmem>> -> memref<128xi32, #tpu.memory_space<vmem>>
        %dma_wait3A_81 = arith.constant 0 : i32
        %dma_wait3A_82 = arith.constant 0 : i32
        %dma_wait3A_83 = tpu.memref_slice %arg2[%dma_wait3A_81, %dma_wait3A_82] : memref<10240x64xf32, #tpu.memory_space<hbm>> -> memref<10240x64xf32, #tpu.memory_space<hbm>>
        tpu.wait_indirect_dma semaphore(%arg14 : memref<!tpu.dma_semaphore, #tpu.memory_space<semaphore_mem>>) src(%dma_wait3A_83 : memref<10240x64xf32, #tpu.memory_space<hbm>>) dst(%arg9 : memref<128x64xf32, #tpu.memory_space<vmem>>)
        %dma_start3A_84 = arith.constant 0 : i32
        %dma_start3A_85 = tpu.memref_slice %arg8[%add3A_77, %dma_start3A_84] : memref<160x128xi32, #tpu.memory_space<vmem>> -> memref<1x128xi32, #tpu.memory_space<vmem>>
        %dma_start3A_86 = tpu.memref_squeeze %dma_start3A_85 : memref<1x128xi32, #tpu.memory_space<vmem>> -> memref<128xi32, #tpu.memory_space<vmem>>
        %dma_start3A_87 = arith.constant 0 : i32
        %dma_start3A_88 = arith.constant 0 : i32
        %dma_start3A_89 = tpu.memref_slice %arg13[%dma_start3A_87, %dma_start3A_88] : memref<10240x64xf32, #tpu.memory_space<vmem_shared>> -> memref<10240x64xf32, #tpu.memory_space<vmem_shared>>
        tpu.enqueue_indirect_dma source(%arg9 : memref<128x64xf32, #tpu.memory_space<vmem>>) target(%dma_start3A_89 : memref<10240x64xf32, #tpu.memory_space<vmem_shared>>) offsets(%dma_start3A_86 : memref<128xi32, #tpu.memory_space<vmem>>) semaphore(%arg18 : memref<!tpu.dma_semaphore, #tpu.memory_space<semaphore_mem>>) {add = true}
        %add3A_90 = arith.constant 1 : i32
        %add3A_91 = arith.addi %mul3A_76, %add3A_90 : i32
        %dma_wait3A_92 = arith.constant 0 : i32
        %dma_wait3A_93 = tpu.memref_slice %arg7[%add3A_91, %dma_wait3A_92] : memref<160x128xi32, #tpu.memory_space<vmem>> -> memref<1x128xi32, #tpu.memory_space<vmem>>
        %dma_wait3A_94 = tpu.memref_squeeze %dma_wait3A_93 : memref<1x128xi32, #tpu.memory_space<vmem>> -> memref<128xi32, #tpu.memory_space<vmem>>
        %dma_wait3A_95 = arith.constant 0 : i32
        %dma_wait3A_96 = arith.constant 0 : i32
        %dma_wait3A_97 = tpu.memref_slice %arg2[%dma_wait3A_95, %dma_wait3A_96] : memref<10240x64xf32, #tpu.memory_space<hbm>> -> memref<10240x64xf32, #tpu.memory_space<hbm>>
        tpu.wait_indirect_dma semaphore(%arg15 : memref<!tpu.dma_semaphore, #tpu.memory_space<semaphore_mem>>) src(%dma_wait3A_97 : memref<10240x64xf32, #tpu.memory_space<hbm>>) dst(%arg10 : memref<128x64xf32, #tpu.memory_space<vmem>>)
        %dma_start3A_98 = arith.constant 0 : i32
        %dma_start3A_99 = tpu.memref_slice %arg8[%add3A_91, %dma_start3A_98] : memref<160x128xi32, #tpu.memory_space<vmem>> -> memref<1x128xi32, #tpu.memory_space<vmem>>
        %dma_start3A_100 = tpu.memref_squeeze %dma_start3A_99 : memref<1x128xi32, #tpu.memory_space<vmem>> -> memref<128xi32, #tpu.memory_space<vmem>>
        %dma_start3A_101 = arith.constant 0 : i32
        %dma_start3A_102 = arith.constant 0 : i32
        %dma_start3A_103 = tpu.memref_slice %arg13[%dma_start3A_101, %dma_start3A_102] : memref<10240x64xf32, #tpu.memory_space<vmem_shared>> -> memref<10240x64xf32, #tpu.memory_space<vmem_shared>>
        tpu.enqueue_indirect_dma source(%arg10 : memref<128x64xf32, #tpu.memory_space<vmem>>) target(%dma_start3A_103 : memref<10240x64xf32, #tpu.memory_space<vmem_shared>>) offsets(%dma_start3A_100 : memref<128xi32, #tpu.memory_space<vmem>>) semaphore(%arg19 : memref<!tpu.dma_semaphore, #tpu.memory_space<semaphore_mem>>) {add = true}
        %add3A_104 = arith.constant 2 : i32
        %add3A_105 = arith.addi %mul3A_76, %add3A_104 : i32
        %dma_wait3A_106 = arith.constant 0 : i32
        %dma_wait3A_107 = tpu.memref_slice %arg7[%add3A_105, %dma_wait3A_106] : memref<160x128xi32, #tpu.memory_space<vmem>> -> memref<1x128xi32, #tpu.memory_space<vmem>>
        %dma_wait3A_108 = tpu.memref_squeeze %dma_wait3A_107 : memref<1x128xi32, #tpu.memory_space<vmem>> -> memref<128xi32, #tpu.memory_space<vmem>>
        %dma_wait3A_109 = arith.constant 0 : i32
        %dma_wait3A_110 = arith.constant 0 : i32
        %dma_wait3A_111 = tpu.memref_slice %arg2[%dma_wait3A_109, %dma_wait3A_110] : memref<10240x64xf32, #tpu.memory_space<hbm>> -> memref<10240x64xf32, #tpu.memory_space<hbm>>
        tpu.wait_indirect_dma semaphore(%arg16 : memref<!tpu.dma_semaphore, #tpu.memory_space<semaphore_mem>>) src(%dma_wait3A_111 : memref<10240x64xf32, #tpu.memory_space<hbm>>) dst(%arg11 : memref<128x64xf32, #tpu.memory_space<vmem>>)
        %dma_start3A_112 = arith.constant 0 : i32
        %dma_start3A_113 = tpu.memref_slice %arg8[%add3A_105, %dma_start3A_112] : memref<160x128xi32, #tpu.memory_space<vmem>> -> memref<1x128xi32, #tpu.memory_space<vmem>>
        %dma_start3A_114 = tpu.memref_squeeze %dma_start3A_113 : memref<1x128xi32, #tpu.memory_space<vmem>> -> memref<128xi32, #tpu.memory_space<vmem>>
        %dma_start3A_115 = arith.constant 0 : i32
        %dma_start3A_116 = arith.constant 0 : i32
        %dma_start3A_117 = tpu.memref_slice %arg13[%dma_start3A_115, %dma_start3A_116] : memref<10240x64xf32, #tpu.memory_space<vmem_shared>> -> memref<10240x64xf32, #tpu.memory_space<vmem_shared>>
        tpu.enqueue_indirect_dma source(%arg11 : memref<128x64xf32, #tpu.memory_space<vmem>>) target(%dma_start3A_117 : memref<10240x64xf32, #tpu.memory_space<vmem_shared>>) offsets(%dma_start3A_114 : memref<128xi32, #tpu.memory_space<vmem>>) semaphore(%arg20 : memref<!tpu.dma_semaphore, #tpu.memory_space<semaphore_mem>>) {add = true}
        %add3A_118 = arith.constant 3 : i32
        %add3A_119 = arith.addi %mul3A_76, %add3A_118 : i32
        %dma_wait3A_120 = arith.constant 0 : i32
        %dma_wait3A_121 = tpu.memref_slice %arg7[%add3A_119, %dma_wait3A_120] : memref<160x128xi32, #tpu.memory_space<vmem>> -> memref<1x128xi32, #tpu.memory_space<vmem>>
        %dma_wait3A_122 = tpu.memref_squeeze %dma_wait3A_121 : memref<1x128xi32, #tpu.memory_space<vmem>> -> memref<128xi32, #tpu.memory_space<vmem>>
        %dma_wait3A_123 = arith.constant 0 : i32
        %dma_wait3A_124 = arith.constant 0 : i32
        %dma_wait3A_125 = tpu.memref_slice %arg2[%dma_wait3A_123, %dma_wait3A_124] : memref<10240x64xf32, #tpu.memory_space<hbm>> -> memref<10240x64xf32, #tpu.memory_space<hbm>>
        tpu.wait_indirect_dma semaphore(%arg17 : memref<!tpu.dma_semaphore, #tpu.memory_space<semaphore_mem>>) src(%dma_wait3A_125 : memref<10240x64xf32, #tpu.memory_space<hbm>>) dst(%arg12 : memref<128x64xf32, #tpu.memory_space<vmem>>)
        %dma_start3A_126 = arith.constant 0 : i32
        %dma_start3A_127 = tpu.memref_slice %arg8[%add3A_119, %dma_start3A_126] : memref<160x128xi32, #tpu.memory_space<vmem>> -> memref<1x128xi32, #tpu.memory_space<vmem>>
        %dma_start3A_128 = tpu.memref_squeeze %dma_start3A_127 : memref<1x128xi32, #tpu.memory_space<vmem>> -> memref<128xi32, #tpu.memory_space<vmem>>
        %dma_start3A_129 = arith.constant 0 : i32
        %dma_start3A_130 = arith.constant 0 : i32
        %dma_start3A_131 = tpu.memref_slice %arg13[%dma_start3A_129, %dma_start3A_130] : memref<10240x64xf32, #tpu.memory_space<vmem_shared>> -> memref<10240x64xf32, #tpu.memory_space<vmem_shared>>
        tpu.enqueue_indirect_dma source(%arg12 : memref<128x64xf32, #tpu.memory_space<vmem>>) target(%dma_start3A_131 : memref<10240x64xf32, #tpu.memory_space<vmem_shared>>) offsets(%dma_start3A_128 : memref<128xi32, #tpu.memory_space<vmem>>) semaphore(%arg21 : memref<!tpu.dma_semaphore, #tpu.memory_space<semaphore_mem>>) {add = true}
        %add3A_132 = arith.constant 4 : i32
        %add3A_133 = arith.addi %mul3A_76, %add3A_132 : i32
        %add3A_134 = arith.constant 0 : i32
        %add3A_135 = arith.addi %add3A_133, %add3A_134 : i32
        %lt3A = arith.constant 160 : i32
        %lt3A_136 = arith.cmpi slt, %add3A_135, %lt3A : i32
        %convert_element_type3A_137 = arith.extui %lt3A_136 : i1 to i32
        %cond3A_138 = arith.constant 0 : i32
        %cond3A_139 = arith.cmpi ne, %convert_element_type3A_137, %cond3A_138 : i32
        scf.if %cond3A_139 {
          %add3A_167 = arith.constant 0 : i32
          %add3A_168 = arith.addi %mul3A_76, %add3A_167 : i32
          %dma_wait3A_169 = arith.constant 0 : i32
          %dma_wait3A_170 = tpu.memref_slice %arg8[%add3A_168, %dma_wait3A_169] : memref<160x128xi32, #tpu.memory_space<vmem>> -> memref<1x128xi32, #tpu.memory_space<vmem>>
          %dma_wait3A_171 = tpu.memref_squeeze %dma_wait3A_170 : memref<1x128xi32, #tpu.memory_space<vmem>> -> memref<128xi32, #tpu.memory_space<vmem>>
          %dma_wait3A_172 = arith.constant 0 : i32
          %dma_wait3A_173 = arith.constant 0 : i32
          %dma_wait3A_174 = tpu.memref_slice %arg13[%dma_wait3A_172, %dma_wait3A_173] : memref<10240x64xf32, #tpu.memory_space<vmem_shared>> -> memref<10240x64xf32, #tpu.memory_space<vmem_shared>>
          tpu.wait_indirect_dma semaphore(%arg18 : memref<!tpu.dma_semaphore, #tpu.memory_space<semaphore_mem>>) src(%arg9 : memref<128x64xf32, #tpu.memory_space<vmem>>) dst(%dma_wait3A_174 : memref<10240x64xf32, #tpu.memory_space<vmem_shared>>)
          %dma_start3A_175 = arith.constant 0 : i32
          %dma_start3A_176 = tpu.memref_slice %arg7[%add3A_135, %dma_start3A_175] : memref<160x128xi32, #tpu.memory_space<vmem>> -> memref<1x128xi32, #tpu.memory_space<vmem>>
          %dma_start3A_177 = tpu.memref_squeeze %dma_start3A_176 : memref<1x128xi32, #tpu.memory_space<vmem>> -> memref<128xi32, #tpu.memory_space<vmem>>
          %dma_start3A_178 = arith.constant 0 : i32
          %dma_start3A_179 = arith.constant 0 : i32
          %dma_start3A_180 = tpu.memref_slice %arg2[%dma_start3A_178, %dma_start3A_179] : memref<10240x64xf32, #tpu.memory_space<hbm>> -> memref<10240x64xf32, #tpu.memory_space<hbm>>
          tpu.enqueue_indirect_dma source(%dma_start3A_180 : memref<10240x64xf32, #tpu.memory_space<hbm>>) target(%arg9 : memref<128x64xf32, #tpu.memory_space<vmem>>) offsets(%dma_start3A_177 : memref<128xi32, #tpu.memory_space<vmem>>) semaphore(%arg14 : memref<!tpu.dma_semaphore, #tpu.memory_space<semaphore_mem>>)
        } else {
        }
        %add3A_140 = arith.constant 4 : i32
        %add3A_141 = arith.addi %mul3A_76, %add3A_140 : i32
        %add3A_142 = arith.constant 1 : i32
        %add3A_143 = arith.addi %add3A_141, %add3A_142 : i32
        %lt3A_144 = arith.constant 160 : i32
        %lt3A_145 = arith.cmpi slt, %add3A_143, %lt3A_144 : i32
        %convert_element_type3A_146 = arith.extui %lt3A_145 : i1 to i32
        %cond3A_147 = arith.constant 0 : i32
        %cond3A_148 = arith.cmpi ne, %convert_element_type3A_146, %cond3A_147 : i32
        scf.if %cond3A_148 {
          %add3A_167 = arith.constant 1 : i32
          %add3A_168 = arith.addi %mul3A_76, %add3A_167 : i32
          %dma_wait3A_169 = arith.constant 0 : i32
          %dma_wait3A_170 = tpu.memref_slice %arg8[%add3A_168, %dma_wait3A_169] : memref<160x128xi32, #tpu.memory_space<vmem>> -> memref<1x128xi32, #tpu.memory_space<vmem>>
          %dma_wait3A_171 = tpu.memref_squeeze %dma_wait3A_170 : memref<1x128xi32, #tpu.memory_space<vmem>> -> memref<128xi32, #tpu.memory_space<vmem>>
          %dma_wait3A_172 = arith.constant 0 : i32
          %dma_wait3A_173 = arith.constant 0 : i32
          %dma_wait3A_174 = tpu.memref_slice %arg13[%dma_wait3A_172, %dma_wait3A_173] : memref<10240x64xf32, #tpu.memory_space<vmem_shared>> -> memref<10240x64xf32, #tpu.memory_space<vmem_shared>>
          tpu.wait_indirect_dma semaphore(%arg19 : memref<!tpu.dma_semaphore, #tpu.memory_space<semaphore_mem>>) src(%arg10 : memref<128x64xf32, #tpu.memory_space<vmem>>) dst(%dma_wait3A_174 : memref<10240x64xf32, #tpu.memory_space<vmem_shared>>)
          %dma_start3A_175 = arith.constant 0 : i32
          %dma_start3A_176 = tpu.memref_slice %arg7[%add3A_143, %dma_start3A_175] : memref<160x128xi32, #tpu.memory_space<vmem>> -> memref<1x128xi32, #tpu.memory_space<vmem>>
          %dma_start3A_177 = tpu.memref_squeeze %dma_start3A_176 : memref<1x128xi32, #tpu.memory_space<vmem>> -> memref<128xi32, #tpu.memory_space<vmem>>
          %dma_start3A_178 = arith.constant 0 : i32
          %dma_start3A_179 = arith.constant 0 : i32
          %dma_start3A_180 = tpu.memref_slice %arg2[%dma_start3A_178, %dma_start3A_179] : memref<10240x64xf32, #tpu.memory_space<hbm>> -> memref<10240x64xf32, #tpu.memory_space<hbm>>
          tpu.enqueue_indirect_dma source(%dma_start3A_180 : memref<10240x64xf32, #tpu.memory_space<hbm>>) target(%arg10 : memref<128x64xf32, #tpu.memory_space<vmem>>) offsets(%dma_start3A_177 : memref<128xi32, #tpu.memory_space<vmem>>) semaphore(%arg15 : memref<!tpu.dma_semaphore, #tpu.memory_space<semaphore_mem>>)
        } else {
        }
        %add3A_149 = arith.constant 4 : i32
        %add3A_150 = arith.addi %mul3A_76, %add3A_149 : i32
        %add3A_151 = arith.constant 2 : i32
        %add3A_152 = arith.addi %add3A_150, %add3A_151 : i32
        %lt3A_153 = arith.constant 160 : i32
        %lt3A_154 = arith.cmpi slt, %add3A_152, %lt3A_153 : i32
        %convert_element_type3A_155 = arith.extui %lt3A_154 : i1 to i32
        %cond3A_156 = arith.constant 0 : i32
        %cond3A_157 = arith.cmpi ne, %convert_element_type3A_155, %cond3A_156 : i32
        scf.if %cond3A_157 {
          %add3A_167 = arith.constant 2 : i32
          %add3A_168 = arith.addi %mul3A_76, %add3A_167 : i32
          %dma_wait3A_169 = arith.constant 0 : i32
          %dma_wait3A_170 = tpu.memref_slice %arg8[%add3A_168, %dma_wait3A_169] : memref<160x128xi32, #tpu.memory_space<vmem>> -> memref<1x128xi32, #tpu.memory_space<vmem>>
          %dma_wait3A_171 = tpu.memref_squeeze %dma_wait3A_170 : memref<1x128xi32, #tpu.memory_space<vmem>> -> memref<128xi32, #tpu.memory_space<vmem>>
          %dma_wait3A_172 = arith.constant 0 : i32
          %dma_wait3A_173 = arith.constant 0 : i32
          %dma_wait3A_174 = tpu.memref_slice %arg13[%dma_wait3A_172, %dma_wait3A_173] : memref<10240x64xf32, #tpu.memory_space<vmem_shared>> -> memref<10240x64xf32, #tpu.memory_space<vmem_shared>>
          tpu.wait_indirect_dma semaphore(%arg20 : memref<!tpu.dma_semaphore, #tpu.memory_space<semaphore_mem>>) src(%arg11 : memref<128x64xf32, #tpu.memory_space<vmem>>) dst(%dma_wait3A_174 : memref<10240x64xf32, #tpu.memory_space<vmem_shared>>)
          %dma_start3A_175 = arith.constant 0 : i32
          %dma_start3A_176 = tpu.memref_slice %arg7[%add3A_152, %dma_start3A_175] : memref<160x128xi32, #tpu.memory_space<vmem>> -> memref<1x128xi32, #tpu.memory_space<vmem>>
          %dma_start3A_177 = tpu.memref_squeeze %dma_start3A_176 : memref<1x128xi32, #tpu.memory_space<vmem>> -> memref<128xi32, #tpu.memory_space<vmem>>
          %dma_start3A_178 = arith.constant 0 : i32
          %dma_start3A_179 = arith.constant 0 : i32
          %dma_start3A_180 = tpu.memref_slice %arg2[%dma_start3A_178, %dma_start3A_179] : memref<10240x64xf32, #tpu.memory_space<hbm>> -> memref<10240x64xf32, #tpu.memory_space<hbm>>
          tpu.enqueue_indirect_dma source(%dma_start3A_180 : memref<10240x64xf32, #tpu.memory_space<hbm>>) target(%arg11 : memref<128x64xf32, #tpu.memory_space<vmem>>) offsets(%dma_start3A_177 : memref<128xi32, #tpu.memory_space<vmem>>) semaphore(%arg16 : memref<!tpu.dma_semaphore, #tpu.memory_space<semaphore_mem>>)
        } else {
        }
        %add3A_158 = arith.constant 4 : i32
        %add3A_159 = arith.addi %mul3A_76, %add3A_158 : i32
        %add3A_160 = arith.constant 3 : i32
        %add3A_161 = arith.addi %add3A_159, %add3A_160 : i32
        %lt3A_162 = arith.constant 160 : i32
        %lt3A_163 = arith.cmpi slt, %add3A_161, %lt3A_162 : i32
        %convert_element_type3A_164 = arith.extui %lt3A_163 : i1 to i32
        %cond3A_165 = arith.constant 0 : i32
        %cond3A_166 = arith.cmpi ne, %convert_element_type3A_164, %cond3A_165 : i32
        scf.if %cond3A_166 {
          %add3A_167 = arith.constant 3 : i32
          %add3A_168 = arith.addi %mul3A_76, %add3A_167 : i32
          %dma_wait3A_169 = arith.constant 0 : i32
          %dma_wait3A_170 = tpu.memref_slice %arg8[%add3A_168, %dma_wait3A_169] : memref<160x128xi32, #tpu.memory_space<vmem>> -> memref<1x128xi32, #tpu.memory_space<vmem>>
          %dma_wait3A_171 = tpu.memref_squeeze %dma_wait3A_170 : memref<1x128xi32, #tpu.memory_space<vmem>> -> memref<128xi32, #tpu.memory_space<vmem>>
          %dma_wait3A_172 = arith.constant 0 : i32
          %dma_wait3A_173 = arith.constant 0 : i32
          %dma_wait3A_174 = tpu.memref_slice %arg13[%dma_wait3A_172, %dma_wait3A_173] : memref<10240x64xf32, #tpu.memory_space<vmem_shared>> -> memref<10240x64xf32, #tpu.memory_space<vmem_shared>>
          tpu.wait_indirect_dma semaphore(%arg21 : memref<!tpu.dma_semaphore, #tpu.memory_space<semaphore_mem>>) src(%arg12 : memref<128x64xf32, #tpu.memory_space<vmem>>) dst(%dma_wait3A_174 : memref<10240x64xf32, #tpu.memory_space<vmem_shared>>)
          %dma_start3A_175 = arith.constant 0 : i32
          %dma_start3A_176 = tpu.memref_slice %arg7[%add3A_161, %dma_start3A_175] : memref<160x128xi32, #tpu.memory_space<vmem>> -> memref<1x128xi32, #tpu.memory_space<vmem>>
          %dma_start3A_177 = tpu.memref_squeeze %dma_start3A_176 : memref<1x128xi32, #tpu.memory_space<vmem>> -> memref<128xi32, #tpu.memory_space<vmem>>
          %dma_start3A_178 = arith.constant 0 : i32
          %dma_start3A_179 = arith.constant 0 : i32
          %dma_start3A_180 = tpu.memref_slice %arg2[%dma_start3A_178, %dma_start3A_179] : memref<10240x64xf32, #tpu.memory_space<hbm>> -> memref<10240x64xf32, #tpu.memory_space<hbm>>
          tpu.enqueue_indirect_dma source(%dma_start3A_180 : memref<10240x64xf32, #tpu.memory_space<hbm>>) target(%arg12 : memref<128x64xf32, #tpu.memory_space<vmem>>) offsets(%dma_start3A_177 : memref<128xi32, #tpu.memory_space<vmem>>) semaphore(%arg17 : memref<!tpu.dma_semaphore, #tpu.memory_space<semaphore_mem>>)
        } else {
        }
      }
      %scan3A_46 = arith.constant 40 : i32
      %dma_wait3A = arith.constant 0 : i32
      %dma_wait3A_47 = arith.constant 0 : i32
      %dma_wait3A_48 = tpu.memref_slice %arg8[%dma_wait3A, %dma_wait3A_47] : memref<160x128xi32, #tpu.memory_space<vmem>> -> memref<1x128xi32, #tpu.memory_space<vmem>>
      %dma_wait3A_49 = tpu.memref_squeeze %dma_wait3A_48 : memref<1x128xi32, #tpu.memory_space<vmem>> -> memref<128xi32, #tpu.memory_space<vmem>>
      %dma_wait3A_50 = arith.constant 0 : i32
      %dma_wait3A_51 = arith.constant 0 : i32
      %dma_wait3A_52 = tpu.memref_slice %arg13[%dma_wait3A_50, %dma_wait3A_51] : memref<10240x64xf32, #tpu.memory_space<vmem_shared>> -> memref<10240x64xf32, #tpu.memory_space<vmem_shared>>
      tpu.wait_indirect_dma semaphore(%arg18 : memref<!tpu.dma_semaphore, #tpu.memory_space<semaphore_mem>>) src(%arg9 : memref<128x64xf32, #tpu.memory_space<vmem>>) dst(%dma_wait3A_52 : memref<10240x64xf32, #tpu.memory_space<vmem_shared>>)
      %dma_wait3A_53 = arith.constant 0 : i32
      %dma_wait3A_54 = arith.constant 0 : i32
      %dma_wait3A_55 = tpu.memref_slice %arg8[%dma_wait3A_53, %dma_wait3A_54] : memref<160x128xi32, #tpu.memory_space<vmem>> -> memref<1x128xi32, #tpu.memory_space<vmem>>
      %dma_wait3A_56 = tpu.memref_squeeze %dma_wait3A_55 : memref<1x128xi32, #tpu.memory_space<vmem>> -> memref<128xi32, #tpu.memory_space<vmem>>
      %dma_wait3A_57 = arith.constant 0 : i32
      %dma_wait3A_58 = arith.constant 0 : i32
      %dma_wait3A_59 = tpu.memref_slice %arg13[%dma_wait3A_57, %dma_wait3A_58] : memref<10240x64xf32, #tpu.memory_space<vmem_shared>> -> memref<10240x64xf32, #tpu.memory_space<vmem_shared>>
      tpu.wait_indirect_dma semaphore(%arg19 : memref<!tpu.dma_semaphore, #tpu.memory_space<semaphore_mem>>) src(%arg10 : memref<128x64xf32, #tpu.memory_space<vmem>>) dst(%dma_wait3A_59 : memref<10240x64xf32, #tpu.memory_space<vmem_shared>>)
      %dma_wait3A_60 = arith.constant 0 : i32
      %dma_wait3A_61 = arith.constant 0 : i32
      %dma_wait3A_62 = tpu.memref_slice %arg8[%dma_wait3A_60, %dma_wait3A_61] : memref<160x128xi32, #tpu.memory_space<vmem>> -> memref<1x128xi32, #tpu.memory_space<vmem>>
      %dma_wait3A_63 = tpu.memref_squeeze %dma_wait3A_62 : memref<1x128xi32, #tpu.memory_space<vmem>> -> memref<128xi32, #tpu.memory_space<vmem>>
      %dma_wait3A_64 = arith.constant 0 : i32
      %dma_wait3A_65 = arith.constant 0 : i32
      %dma_wait3A_66 = tpu.memref_slice %arg13[%dma_wait3A_64, %dma_wait3A_65] : memref<10240x64xf32, #tpu.memory_space<vmem_shared>> -> memref<10240x64xf32, #tpu.memory_space<vmem_shared>>
      tpu.wait_indirect_dma semaphore(%arg20 : memref<!tpu.dma_semaphore, #tpu.memory_space<semaphore_mem>>) src(%arg11 : memref<128x64xf32, #tpu.memory_space<vmem>>) dst(%dma_wait3A_66 : memref<10240x64xf32, #tpu.memory_space<vmem_shared>>)
      %dma_wait3A_67 = arith.constant 0 : i32
      %dma_wait3A_68 = arith.constant 0 : i32
      %dma_wait3A_69 = tpu.memref_slice %arg8[%dma_wait3A_67, %dma_wait3A_68] : memref<160x128xi32, #tpu.memory_space<vmem>> -> memref<1x128xi32, #tpu.memory_space<vmem>>
      %dma_wait3A_70 = tpu.memref_squeeze %dma_wait3A_69 : memref<1x128xi32, #tpu.memory_space<vmem>> -> memref<128xi32, #tpu.memory_space<vmem>>
      %dma_wait3A_71 = arith.constant 0 : i32
      %dma_wait3A_72 = arith.constant 0 : i32
      %dma_wait3A_73 = tpu.memref_slice %arg13[%dma_wait3A_71, %dma_wait3A_72] : memref<10240x64xf32, #tpu.memory_space<vmem_shared>> -> memref<10240x64xf32, #tpu.memory_space<vmem_shared>>
      tpu.wait_indirect_dma semaphore(%arg21 : memref<!tpu.dma_semaphore, #tpu.memory_space<semaphore_mem>>) src(%arg12 : memref<128x64xf32, #tpu.memory_space<vmem>>) dst(%dma_wait3A_73 : memref<10240x64xf32, #tpu.memory_space<vmem_shared>>)
    } else {
    }
    %eq3A_2 = arith.constant 1 : i32
    %eq3A_3 = arith.cmpi eq, %arg0, %eq3A_2 : i32
    %convert_element_type3A_4 = arith.extui %eq3A_3 : i1 to i32
    %cond3A_5 = arith.constant 0 : i32
    %cond3A_6 = arith.cmpi ne, %convert_element_type3A_4, %cond3A_5 : i32
    scf.if %cond3A_6 {
      %mul3A_10 = arith.constant 640 : i32
      %mul3A_11 = arith.muli %arg1, %mul3A_10 : i32
      %mul3A_12 = arith.constant 640 : i32
      %mul3A_13 = arith.muli %arg1, %mul3A_12 : i32
      "tpu.region"() ({
        %run_scoped3A = tpu.sem_alloc : memref<!tpu.dma_semaphore, #tpu.memory_space<semaphore_mem>>
        %dma_start3A_74 = arith.constant 0 : i32
        %dma_start3A_75 = tpu.memref_slice %arg13[%mul3A_13, %dma_start3A_74] : memref<10240x64xf32, #tpu.memory_space<vmem_shared>> -> memref<640x64xf32, #tpu.memory_space<vmem_shared>>
        %dma_start3A_76 = arith.constant 0 : i32
        %dma_start3A_77 = tpu.memref_slice %arg3[%mul3A_11, %dma_start3A_76] : memref<10240x64xf32, #tpu.memory_space<hbm>> -> memref<640x64xf32, #tpu.memory_space<hbm>>
        tpu.enqueue_dma source(%dma_start3A_77 : memref<640x64xf32, #tpu.memory_space<hbm>>) target(%dma_start3A_75 : memref<640x64xf32, #tpu.memory_space<vmem_shared>>) target_semaphore(%run_scoped3A : memref<!tpu.dma_semaphore, #tpu.memory_space<semaphore_mem>>)
        %dma_wait3A_78 = arith.constant 0 : i32
        %dma_wait3A_79 = tpu.memref_slice %arg13[%mul3A_13, %dma_wait3A_78] : memref<10240x64xf32, #tpu.memory_space<vmem_shared>> -> memref<640x64xf32, #tpu.memory_space<vmem_shared>>
        %dma_wait3A_80 = arith.constant 0 : i32
        %dma_wait3A_81 = tpu.memref_slice %arg3[%mul3A_11, %dma_wait3A_80] : memref<10240x64xf32, #tpu.memory_space<hbm>> -> memref<640x64xf32, #tpu.memory_space<hbm>>
        tpu.wait_dma2 semaphore(%run_scoped3A : memref<!tpu.dma_semaphore, #tpu.memory_space<semaphore_mem>>) src(%dma_wait3A_81 : memref<640x64xf32, #tpu.memory_space<hbm>>) dst(%dma_wait3A_79 : memref<640x64xf32, #tpu.memory_space<vmem_shared>>)
        tpu.yield
      }) : () -> ()
      %barrier3A_14 = arith.constant 0 : index
      tpu.barrier barrier_id(%barrier3A_14)
      %dma_start3A = arith.constant 0 : i32
      %dma_start3A_15 = arith.constant 0 : i32
      %dma_start3A_16 = tpu.memref_slice %arg7[%dma_start3A, %dma_start3A_15] : memref<160x128xi32, #tpu.memory_space<vmem>> -> memref<1x128xi32, #tpu.memory_space<vmem>>
      %dma_start3A_17 = tpu.memref_squeeze %dma_start3A_16 : memref<1x128xi32, #tpu.memory_space<vmem>> -> memref<128xi32, #tpu.memory_space<vmem>>
      %dma_start3A_18 = arith.constant 0 : i32
      %dma_start3A_19 = arith.constant 0 : i32
      %dma_start3A_20 = tpu.memref_slice %arg3[%dma_start3A_18, %dma_start3A_19] : memref<10240x64xf32, #tpu.memory_space<hbm>> -> memref<10240x64xf32, #tpu.memory_space<hbm>>
      tpu.enqueue_indirect_dma source(%dma_start3A_20 : memref<10240x64xf32, #tpu.memory_space<hbm>>) target(%arg9 : memref<128x64xf32, #tpu.memory_space<vmem>>) offsets(%dma_start3A_17 : memref<128xi32, #tpu.memory_space<vmem>>) semaphore(%arg14 : memref<!tpu.dma_semaphore, #tpu.memory_space<semaphore_mem>>)
      %dma_start3A_21 = arith.constant 1 : i32
      %dma_start3A_22 = arith.constant 0 : i32
      %dma_start3A_23 = tpu.memref_slice %arg7[%dma_start3A_21, %dma_start3A_22] : memref<160x128xi32, #tpu.memory_space<vmem>> -> memref<1x128xi32, #tpu.memory_space<vmem>>
      %dma_start3A_24 = tpu.memref_squeeze %dma_start3A_23 : memref<1x128xi32, #tpu.memory_space<vmem>> -> memref<128xi32, #tpu.memory_space<vmem>>
      %dma_start3A_25 = arith.constant 0 : i32
      %dma_start3A_26 = arith.constant 0 : i32
      %dma_start3A_27 = tpu.memref_slice %arg3[%dma_start3A_25, %dma_start3A_26] : memref<10240x64xf32, #tpu.memory_space<hbm>> -> memref<10240x64xf32, #tpu.memory_space<hbm>>
      tpu.enqueue_indirect_dma source(%dma_start3A_27 : memref<10240x64xf32, #tpu.memory_space<hbm>>) target(%arg10 : memref<128x64xf32, #tpu.memory_space<vmem>>) offsets(%dma_start3A_24 : memref<128xi32, #tpu.memory_space<vmem>>) semaphore(%arg15 : memref<!tpu.dma_semaphore, #tpu.memory_space<semaphore_mem>>)
      %dma_start3A_28 = arith.constant 2 : i32
      %dma_start3A_29 = arith.constant 0 : i32
      %dma_start3A_30 = tpu.memref_slice %arg7[%dma_start3A_28, %dma_start3A_29] : memref<160x128xi32, #tpu.memory_space<vmem>> -> memref<1x128xi32, #tpu.memory_space<vmem>>
      %dma_start3A_31 = tpu.memref_squeeze %dma_start3A_30 : memref<1x128xi32, #tpu.memory_space<vmem>> -> memref<128xi32, #tpu.memory_space<vmem>>
      %dma_start3A_32 = arith.constant 0 : i32
      %dma_start3A_33 = arith.constant 0 : i32
      %dma_start3A_34 = tpu.memref_slice %arg3[%dma_start3A_32, %dma_start3A_33] : memref<10240x64xf32, #tpu.memory_space<hbm>> -> memref<10240x64xf32, #tpu.memory_space<hbm>>
      tpu.enqueue_indirect_dma source(%dma_start3A_34 : memref<10240x64xf32, #tpu.memory_space<hbm>>) target(%arg11 : memref<128x64xf32, #tpu.memory_space<vmem>>) offsets(%dma_start3A_31 : memref<128xi32, #tpu.memory_space<vmem>>) semaphore(%arg16 : memref<!tpu.dma_semaphore, #tpu.memory_space<semaphore_mem>>)
      %dma_start3A_35 = arith.constant 3 : i32
      %dma_start3A_36 = arith.constant 0 : i32
      %dma_start3A_37 = tpu.memref_slice %arg7[%dma_start3A_35, %dma_start3A_36] : memref<160x128xi32, #tpu.memory_space<vmem>> -> memref<1x128xi32, #tpu.memory_space<vmem>>
      %dma_start3A_38 = tpu.memref_squeeze %dma_start3A_37 : memref<1x128xi32, #tpu.memory_space<vmem>> -> memref<128xi32, #tpu.memory_space<vmem>>
      %dma_start3A_39 = arith.constant 0 : i32
      %dma_start3A_40 = arith.constant 0 : i32
      %dma_start3A_41 = tpu.memref_slice %arg3[%dma_start3A_39, %dma_start3A_40] : memref<10240x64xf32, #tpu.memory_space<hbm>> -> memref<10240x64xf32, #tpu.memory_space<hbm>>
      tpu.enqueue_indirect_dma source(%dma_start3A_41 : memref<10240x64xf32, #tpu.memory_space<hbm>>) target(%arg12 : memref<128x64xf32, #tpu.memory_space<vmem>>) offsets(%dma_start3A_38 : memref<128xi32, #tpu.memory_space<vmem>>) semaphore(%arg17 : memref<!tpu.dma_semaphore, #tpu.memory_space<semaphore_mem>>)
      %scan3A = arith.constant 0 : i32
      %scan3A_42 = arith.constant 0 : i32
      %scan3A_43 = arith.constant 40 : i32
      %scan3A_44 = arith.addi %scan3A_42, %scan3A_43 : i32
      %scan3A_45 = arith.constant 1 : i32
      scf.for %scan3A_74 = %scan3A_42 to %scan3A_44 step %scan3A_45  : i32 {
        %mul3A_75 = arith.constant 4 : i32
        %mul3A_76 = arith.muli %scan3A_74, %mul3A_75 : i32
        %add3A = arith.constant 0 : i32
        %add3A_77 = arith.addi %mul3A_76, %add3A : i32
        %dma_wait3A_78 = arith.constant 0 : i32
        %dma_wait3A_79 = tpu.memref_slice %arg7[%add3A_77, %dma_wait3A_78] : memref<160x128xi32, #tpu.memory_space<vmem>> -> memref<1x128xi32, #tpu.memory_space<vmem>>
        %dma_wait3A_80 = tpu.memref_squeeze %dma_wait3A_79 : memref<1x128xi32, #tpu.memory_space<vmem>> -> memref<128xi32, #tpu.memory_space<vmem>>
        %dma_wait3A_81 = arith.constant 0 : i32
        %dma_wait3A_82 = arith.constant 0 : i32
        %dma_wait3A_83 = tpu.memref_slice %arg3[%dma_wait3A_81, %dma_wait3A_82] : memref<10240x64xf32, #tpu.memory_space<hbm>> -> memref<10240x64xf32, #tpu.memory_space<hbm>>
        tpu.wait_indirect_dma semaphore(%arg14 : memref<!tpu.dma_semaphore, #tpu.memory_space<semaphore_mem>>) src(%dma_wait3A_83 : memref<10240x64xf32, #tpu.memory_space<hbm>>) dst(%arg9 : memref<128x64xf32, #tpu.memory_space<vmem>>)
        %dma_start3A_84 = arith.constant 0 : i32
        %dma_start3A_85 = tpu.memref_slice %arg8[%add3A_77, %dma_start3A_84] : memref<160x128xi32, #tpu.memory_space<vmem>> -> memref<1x128xi32, #tpu.memory_space<vmem>>
        %dma_start3A_86 = tpu.memref_squeeze %dma_start3A_85 : memref<1x128xi32, #tpu.memory_space<vmem>> -> memref<128xi32, #tpu.memory_space<vmem>>
        %dma_start3A_87 = arith.constant 0 : i32
        %dma_start3A_88 = arith.constant 0 : i32
        %dma_start3A_89 = tpu.memref_slice %arg13[%dma_start3A_87, %dma_start3A_88] : memref<10240x64xf32, #tpu.memory_space<vmem_shared>> -> memref<10240x64xf32, #tpu.memory_space<vmem_shared>>
        tpu.enqueue_indirect_dma source(%arg9 : memref<128x64xf32, #tpu.memory_space<vmem>>) target(%dma_start3A_89 : memref<10240x64xf32, #tpu.memory_space<vmem_shared>>) offsets(%dma_start3A_86 : memref<128xi32, #tpu.memory_space<vmem>>) semaphore(%arg18 : memref<!tpu.dma_semaphore, #tpu.memory_space<semaphore_mem>>) {add = true}
        %add3A_90 = arith.constant 1 : i32
        %add3A_91 = arith.addi %mul3A_76, %add3A_90 : i32
        %dma_wait3A_92 = arith.constant 0 : i32
        %dma_wait3A_93 = tpu.memref_slice %arg7[%add3A_91, %dma_wait3A_92] : memref<160x128xi32, #tpu.memory_space<vmem>> -> memref<1x128xi32, #tpu.memory_space<vmem>>
        %dma_wait3A_94 = tpu.memref_squeeze %dma_wait3A_93 : memref<1x128xi32, #tpu.memory_space<vmem>> -> memref<128xi32, #tpu.memory_space<vmem>>
        %dma_wait3A_95 = arith.constant 0 : i32
        %dma_wait3A_96 = arith.constant 0 : i32
        %dma_wait3A_97 = tpu.memref_slice %arg3[%dma_wait3A_95, %dma_wait3A_96] : memref<10240x64xf32, #tpu.memory_space<hbm>> -> memref<10240x64xf32, #tpu.memory_space<hbm>>
        tpu.wait_indirect_dma semaphore(%arg15 : memref<!tpu.dma_semaphore, #tpu.memory_space<semaphore_mem>>) src(%dma_wait3A_97 : memref<10240x64xf32, #tpu.memory_space<hbm>>) dst(%arg10 : memref<128x64xf32, #tpu.memory_space<vmem>>)
        %dma_start3A_98 = arith.constant 0 : i32
        %dma_start3A_99 = tpu.memref_slice %arg8[%add3A_91, %dma_start3A_98] : memref<160x128xi32, #tpu.memory_space<vmem>> -> memref<1x128xi32, #tpu.memory_space<vmem>>
        %dma_start3A_100 = tpu.memref_squeeze %dma_start3A_99 : memref<1x128xi32, #tpu.memory_space<vmem>> -> memref<128xi32, #tpu.memory_space<vmem>>
        %dma_start3A_101 = arith.constant 0 : i32
        %dma_start3A_102 = arith.constant 0 : i32
        %dma_start3A_103 = tpu.memref_slice %arg13[%dma_start3A_101, %dma_start3A_102] : memref<10240x64xf32, #tpu.memory_space<vmem_shared>> -> memref<10240x64xf32, #tpu.memory_space<vmem_shared>>
        tpu.enqueue_indirect_dma source(%arg10 : memref<128x64xf32, #tpu.memory_space<vmem>>) target(%dma_start3A_103 : memref<10240x64xf32, #tpu.memory_space<vmem_shared>>) offsets(%dma_start3A_100 : memref<128xi32, #tpu.memory_space<vmem>>) semaphore(%arg19 : memref<!tpu.dma_semaphore, #tpu.memory_space<semaphore_mem>>) {add = true}
        %add3A_104 = arith.constant 2 : i32
        %add3A_105 = arith.addi %mul3A_76, %add3A_104 : i32
        %dma_wait3A_106 = arith.constant 0 : i32
        %dma_wait3A_107 = tpu.memref_slice %arg7[%add3A_105, %dma_wait3A_106] : memref<160x128xi32, #tpu.memory_space<vmem>> -> memref<1x128xi32, #tpu.memory_space<vmem>>
        %dma_wait3A_108 = tpu.memref_squeeze %dma_wait3A_107 : memref<1x128xi32, #tpu.memory_space<vmem>> -> memref<128xi32, #tpu.memory_space<vmem>>
        %dma_wait3A_109 = arith.constant 0 : i32
        %dma_wait3A_110 = arith.constant 0 : i32
        %dma_wait3A_111 = tpu.memref_slice %arg3[%dma_wait3A_109, %dma_wait3A_110] : memref<10240x64xf32, #tpu.memory_space<hbm>> -> memref<10240x64xf32, #tpu.memory_space<hbm>>
        tpu.wait_indirect_dma semaphore(%arg16 : memref<!tpu.dma_semaphore, #tpu.memory_space<semaphore_mem>>) src(%dma_wait3A_111 : memref<10240x64xf32, #tpu.memory_space<hbm>>) dst(%arg11 : memref<128x64xf32, #tpu.memory_space<vmem>>)
        %dma_start3A_112 = arith.constant 0 : i32
        %dma_start3A_113 = tpu.memref_slice %arg8[%add3A_105, %dma_start3A_112] : memref<160x128xi32, #tpu.memory_space<vmem>> -> memref<1x128xi32, #tpu.memory_space<vmem>>
        %dma_start3A_114 = tpu.memref_squeeze %dma_start3A_113 : memref<1x128xi32, #tpu.memory_space<vmem>> -> memref<128xi32, #tpu.memory_space<vmem>>
        %dma_start3A_115 = arith.constant 0 : i32
        %dma_start3A_116 = arith.constant 0 : i32
        %dma_start3A_117 = tpu.memref_slice %arg13[%dma_start3A_115, %dma_start3A_116] : memref<10240x64xf32, #tpu.memory_space<vmem_shared>> -> memref<10240x64xf32, #tpu.memory_space<vmem_shared>>
        tpu.enqueue_indirect_dma source(%arg11 : memref<128x64xf32, #tpu.memory_space<vmem>>) target(%dma_start3A_117 : memref<10240x64xf32, #tpu.memory_space<vmem_shared>>) offsets(%dma_start3A_114 : memref<128xi32, #tpu.memory_space<vmem>>) semaphore(%arg20 : memref<!tpu.dma_semaphore, #tpu.memory_space<semaphore_mem>>) {add = true}
        %add3A_118 = arith.constant 3 : i32
        %add3A_119 = arith.addi %mul3A_76, %add3A_118 : i32
        %dma_wait3A_120 = arith.constant 0 : i32
        %dma_wait3A_121 = tpu.memref_slice %arg7[%add3A_119, %dma_wait3A_120] : memref<160x128xi32, #tpu.memory_space<vmem>> -> memref<1x128xi32, #tpu.memory_space<vmem>>
        %dma_wait3A_122 = tpu.memref_squeeze %dma_wait3A_121 : memref<1x128xi32, #tpu.memory_space<vmem>> -> memref<128xi32, #tpu.memory_space<vmem>>
        %dma_wait3A_123 = arith.constant 0 : i32
        %dma_wait3A_124 = arith.constant 0 : i32
        %dma_wait3A_125 = tpu.memref_slice %arg3[%dma_wait3A_123, %dma_wait3A_124] : memref<10240x64xf32, #tpu.memory_space<hbm>> -> memref<10240x64xf32, #tpu.memory_space<hbm>>
        tpu.wait_indirect_dma semaphore(%arg17 : memref<!tpu.dma_semaphore, #tpu.memory_space<semaphore_mem>>) src(%dma_wait3A_125 : memref<10240x64xf32, #tpu.memory_space<hbm>>) dst(%arg12 : memref<128x64xf32, #tpu.memory_space<vmem>>)
        %dma_start3A_126 = arith.constant 0 : i32
        %dma_start3A_127 = tpu.memref_slice %arg8[%add3A_119, %dma_start3A_126] : memref<160x128xi32, #tpu.memory_space<vmem>> -> memref<1x128xi32, #tpu.memory_space<vmem>>
        %dma_start3A_128 = tpu.memref_squeeze %dma_start3A_127 : memref<1x128xi32, #tpu.memory_space<vmem>> -> memref<128xi32, #tpu.memory_space<vmem>>
        %dma_start3A_129 = arith.constant 0 : i32
        %dma_start3A_130 = arith.constant 0 : i32
        %dma_start3A_131 = tpu.memref_slice %arg13[%dma_start3A_129, %dma_start3A_130] : memref<10240x64xf32, #tpu.memory_space<vmem_shared>> -> memref<10240x64xf32, #tpu.memory_space<vmem_shared>>
        tpu.enqueue_indirect_dma source(%arg12 : memref<128x64xf32, #tpu.memory_space<vmem>>) target(%dma_start3A_131 : memref<10240x64xf32, #tpu.memory_space<vmem_shared>>) offsets(%dma_start3A_128 : memref<128xi32, #tpu.memory_space<vmem>>) semaphore(%arg21 : memref<!tpu.dma_semaphore, #tpu.memory_space<semaphore_mem>>) {add = true}
        %add3A_132 = arith.constant 4 : i32
        %add3A_133 = arith.addi %mul3A_76, %add3A_132 : i32
        %add3A_134 = arith.constant 0 : i32
        %add3A_135 = arith.addi %add3A_133, %add3A_134 : i32
        %lt3A = arith.constant 160 : i32
        %lt3A_136 = arith.cmpi slt, %add3A_135, %lt3A : i32
        %convert_element_type3A_137 = arith.extui %lt3A_136 : i1 to i32
        %cond3A_138 = arith.constant 0 : i32
        %cond3A_139 = arith.cmpi ne, %convert_element_type3A_137, %cond3A_138 : i32
        scf.if %cond3A_139 {
          %add3A_167 = arith.constant 0 : i32
          %add3A_168 = arith.addi %mul3A_76, %add3A_167 : i32
          %dma_wait3A_169 = arith.constant 0 : i32
          %dma_wait3A_170 = tpu.memref_slice %arg8[%add3A_168, %dma_wait3A_169] : memref<160x128xi32, #tpu.memory_space<vmem>> -> memref<1x128xi32, #tpu.memory_space<vmem>>
          %dma_wait3A_171 = tpu.memref_squeeze %dma_wait3A_170 : memref<1x128xi32, #tpu.memory_space<vmem>> -> memref<128xi32, #tpu.memory_space<vmem>>
          %dma_wait3A_172 = arith.constant 0 : i32
          %dma_wait3A_173 = arith.constant 0 : i32
          %dma_wait3A_174 = tpu.memref_slice %arg13[%dma_wait3A_172, %dma_wait3A_173] : memref<10240x64xf32, #tpu.memory_space<vmem_shared>> -> memref<10240x64xf32, #tpu.memory_space<vmem_shared>>
          tpu.wait_indirect_dma semaphore(%arg18 : memref<!tpu.dma_semaphore, #tpu.memory_space<semaphore_mem>>) src(%arg9 : memref<128x64xf32, #tpu.memory_space<vmem>>) dst(%dma_wait3A_174 : memref<10240x64xf32, #tpu.memory_space<vmem_shared>>)
          %dma_start3A_175 = arith.constant 0 : i32
          %dma_start3A_176 = tpu.memref_slice %arg7[%add3A_135, %dma_start3A_175] : memref<160x128xi32, #tpu.memory_space<vmem>> -> memref<1x128xi32, #tpu.memory_space<vmem>>
          %dma_start3A_177 = tpu.memref_squeeze %dma_start3A_176 : memref<1x128xi32, #tpu.memory_space<vmem>> -> memref<128xi32, #tpu.memory_space<vmem>>
          %dma_start3A_178 = arith.constant 0 : i32
          %dma_start3A_179 = arith.constant 0 : i32
          %dma_start3A_180 = tpu.memref_slice %arg3[%dma_start3A_178, %dma_start3A_179] : memref<10240x64xf32, #tpu.memory_space<hbm>> -> memref<10240x64xf32, #tpu.memory_space<hbm>>
          tpu.enqueue_indirect_dma source(%dma_start3A_180 : memref<10240x64xf32, #tpu.memory_space<hbm>>) target(%arg9 : memref<128x64xf32, #tpu.memory_space<vmem>>) offsets(%dma_start3A_177 : memref<128xi32, #tpu.memory_space<vmem>>) semaphore(%arg14 : memref<!tpu.dma_semaphore, #tpu.memory_space<semaphore_mem>>)
        } else {
        }
        %add3A_140 = arith.constant 4 : i32
        %add3A_141 = arith.addi %mul3A_76, %add3A_140 : i32
        %add3A_142 = arith.constant 1 : i32
        %add3A_143 = arith.addi %add3A_141, %add3A_142 : i32
        %lt3A_144 = arith.constant 160 : i32
        %lt3A_145 = arith.cmpi slt, %add3A_143, %lt3A_144 : i32
        %convert_element_type3A_146 = arith.extui %lt3A_145 : i1 to i32
        %cond3A_147 = arith.constant 0 : i32
        %cond3A_148 = arith.cmpi ne, %convert_element_type3A_146, %cond3A_147 : i32
        scf.if %cond3A_148 {
          %add3A_167 = arith.constant 1 : i32
          %add3A_168 = arith.addi %mul3A_76, %add3A_167 : i32
          %dma_wait3A_169 = arith.constant 0 : i32
          %dma_wait3A_170 = tpu.memref_slice %arg8[%add3A_168, %dma_wait3A_169] : memref<160x128xi32, #tpu.memory_space<vmem>> -> memref<1x128xi32, #tpu.memory_space<vmem>>
          %dma_wait3A_171 = tpu.memref_squeeze %dma_wait3A_170 : memref<1x128xi32, #tpu.memory_space<vmem>> -> memref<128xi32, #tpu.memory_space<vmem>>
          %dma_wait3A_172 = arith.constant 0 : i32
          %dma_wait3A_173 = arith.constant 0 : i32
          %dma_wait3A_174 = tpu.memref_slice %arg13[%dma_wait3A_172, %dma_wait3A_173] : memref<10240x64xf32, #tpu.memory_space<vmem_shared>> -> memref<10240x64xf32, #tpu.memory_space<vmem_shared>>
          tpu.wait_indirect_dma semaphore(%arg19 : memref<!tpu.dma_semaphore, #tpu.memory_space<semaphore_mem>>) src(%arg10 : memref<128x64xf32, #tpu.memory_space<vmem>>) dst(%dma_wait3A_174 : memref<10240x64xf32, #tpu.memory_space<vmem_shared>>)
          %dma_start3A_175 = arith.constant 0 : i32
          %dma_start3A_176 = tpu.memref_slice %arg7[%add3A_143, %dma_start3A_175] : memref<160x128xi32, #tpu.memory_space<vmem>> -> memref<1x128xi32, #tpu.memory_space<vmem>>
          %dma_start3A_177 = tpu.memref_squeeze %dma_start3A_176 : memref<1x128xi32, #tpu.memory_space<vmem>> -> memref<128xi32, #tpu.memory_space<vmem>>
          %dma_start3A_178 = arith.constant 0 : i32
          %dma_start3A_179 = arith.constant 0 : i32
          %dma_start3A_180 = tpu.memref_slice %arg3[%dma_start3A_178, %dma_start3A_179] : memref<10240x64xf32, #tpu.memory_space<hbm>> -> memref<10240x64xf32, #tpu.memory_space<hbm>>
          tpu.enqueue_indirect_dma source(%dma_start3A_180 : memref<10240x64xf32, #tpu.memory_space<hbm>>) target(%arg10 : memref<128x64xf32, #tpu.memory_space<vmem>>) offsets(%dma_start3A_177 : memref<128xi32, #tpu.memory_space<vmem>>) semaphore(%arg15 : memref<!tpu.dma_semaphore, #tpu.memory_space<semaphore_mem>>)
        } else {
        }
        %add3A_149 = arith.constant 4 : i32
        %add3A_150 = arith.addi %mul3A_76, %add3A_149 : i32
        %add3A_151 = arith.constant 2 : i32
        %add3A_152 = arith.addi %add3A_150, %add3A_151 : i32
        %lt3A_153 = arith.constant 160 : i32
        %lt3A_154 = arith.cmpi slt, %add3A_152, %lt3A_153 : i32
        %convert_element_type3A_155 = arith.extui %lt3A_154 : i1 to i32
        %cond3A_156 = arith.constant 0 : i32
        %cond3A_157 = arith.cmpi ne, %convert_element_type3A_155, %cond3A_156 : i32
        scf.if %cond3A_157 {
          %add3A_167 = arith.constant 2 : i32
          %add3A_168 = arith.addi %mul3A_76, %add3A_167 : i32
          %dma_wait3A_169 = arith.constant 0 : i32
          %dma_wait3A_170 = tpu.memref_slice %arg8[%add3A_168, %dma_wait3A_169] : memref<160x128xi32, #tpu.memory_space<vmem>> -> memref<1x128xi32, #tpu.memory_space<vmem>>
          %dma_wait3A_171 = tpu.memref_squeeze %dma_wait3A_170 : memref<1x128xi32, #tpu.memory_space<vmem>> -> memref<128xi32, #tpu.memory_space<vmem>>
          %dma_wait3A_172 = arith.constant 0 : i32
          %dma_wait3A_173 = arith.constant 0 : i32
          %dma_wait3A_174 = tpu.memref_slice %arg13[%dma_wait3A_172, %dma_wait3A_173] : memref<10240x64xf32, #tpu.memory_space<vmem_shared>> -> memref<10240x64xf32, #tpu.memory_space<vmem_shared>>
          tpu.wait_indirect_dma semaphore(%arg20 : memref<!tpu.dma_semaphore, #tpu.memory_space<semaphore_mem>>) src(%arg11 : memref<128x64xf32, #tpu.memory_space<vmem>>) dst(%dma_wait3A_174 : memref<10240x64xf32, #tpu.memory_space<vmem_shared>>)
          %dma_start3A_175 = arith.constant 0 : i32
          %dma_start3A_176 = tpu.memref_slice %arg7[%add3A_152, %dma_start3A_175] : memref<160x128xi32, #tpu.memory_space<vmem>> -> memref<1x128xi32, #tpu.memory_space<vmem>>
          %dma_start3A_177 = tpu.memref_squeeze %dma_start3A_176 : memref<1x128xi32, #tpu.memory_space<vmem>> -> memref<128xi32, #tpu.memory_space<vmem>>
          %dma_start3A_178 = arith.constant 0 : i32
          %dma_start3A_179 = arith.constant 0 : i32
          %dma_start3A_180 = tpu.memref_slice %arg3[%dma_start3A_178, %dma_start3A_179] : memref<10240x64xf32, #tpu.memory_space<hbm>> -> memref<10240x64xf32, #tpu.memory_space<hbm>>
          tpu.enqueue_indirect_dma source(%dma_start3A_180 : memref<10240x64xf32, #tpu.memory_space<hbm>>) target(%arg11 : memref<128x64xf32, #tpu.memory_space<vmem>>) offsets(%dma_start3A_177 : memref<128xi32, #tpu.memory_space<vmem>>) semaphore(%arg16 : memref<!tpu.dma_semaphore, #tpu.memory_space<semaphore_mem>>)
        } else {
        }
        %add3A_158 = arith.constant 4 : i32
        %add3A_159 = arith.addi %mul3A_76, %add3A_158 : i32
        %add3A_160 = arith.constant 3 : i32
        %add3A_161 = arith.addi %add3A_159, %add3A_160 : i32
        %lt3A_162 = arith.constant 160 : i32
        %lt3A_163 = arith.cmpi slt, %add3A_161, %lt3A_162 : i32
        %convert_element_type3A_164 = arith.extui %lt3A_163 : i1 to i32
        %cond3A_165 = arith.constant 0 : i32
        %cond3A_166 = arith.cmpi ne, %convert_element_type3A_164, %cond3A_165 : i32
        scf.if %cond3A_166 {
          %add3A_167 = arith.constant 3 : i32
          %add3A_168 = arith.addi %mul3A_76, %add3A_167 : i32
          %dma_wait3A_169 = arith.constant 0 : i32
          %dma_wait3A_170 = tpu.memref_slice %arg8[%add3A_168, %dma_wait3A_169] : memref<160x128xi32, #tpu.memory_space<vmem>> -> memref<1x128xi32, #tpu.memory_space<vmem>>
          %dma_wait3A_171 = tpu.memref_squeeze %dma_wait3A_170 : memref<1x128xi32, #tpu.memory_space<vmem>> -> memref<128xi32, #tpu.memory_space<vmem>>
          %dma_wait3A_172 = arith.constant 0 : i32
          %dma_wait3A_173 = arith.constant 0 : i32
          %dma_wait3A_174 = tpu.memref_slice %arg13[%dma_wait3A_172, %dma_wait3A_173] : memref<10240x64xf32, #tpu.memory_space<vmem_shared>> -> memref<10240x64xf32, #tpu.memory_space<vmem_shared>>
          tpu.wait_indirect_dma semaphore(%arg21 : memref<!tpu.dma_semaphore, #tpu.memory_space<semaphore_mem>>) src(%arg12 : memref<128x64xf32, #tpu.memory_space<vmem>>) dst(%dma_wait3A_174 : memref<10240x64xf32, #tpu.memory_space<vmem_shared>>)
          %dma_start3A_175 = arith.constant 0 : i32
          %dma_start3A_176 = tpu.memref_slice %arg7[%add3A_161, %dma_start3A_175] : memref<160x128xi32, #tpu.memory_space<vmem>> -> memref<1x128xi32, #tpu.memory_space<vmem>>
          %dma_start3A_177 = tpu.memref_squeeze %dma_start3A_176 : memref<1x128xi32, #tpu.memory_space<vmem>> -> memref<128xi32, #tpu.memory_space<vmem>>
          %dma_start3A_178 = arith.constant 0 : i32
          %dma_start3A_179 = arith.constant 0 : i32
          %dma_start3A_180 = tpu.memref_slice %arg3[%dma_start3A_178, %dma_start3A_179] : memref<10240x64xf32, #tpu.memory_space<hbm>> -> memref<10240x64xf32, #tpu.memory_space<hbm>>
          tpu.enqueue_indirect_dma source(%dma_start3A_180 : memref<10240x64xf32, #tpu.memory_space<hbm>>) target(%arg12 : memref<128x64xf32, #tpu.memory_space<vmem>>) offsets(%dma_start3A_177 : memref<128xi32, #tpu.memory_space<vmem>>) semaphore(%arg17 : memref<!tpu.dma_semaphore, #tpu.memory_space<semaphore_mem>>)
        } else {
        }
      }
      %scan3A_46 = arith.constant 40 : i32
      %dma_wait3A = arith.constant 0 : i32
      %dma_wait3A_47 = arith.constant 0 : i32
      %dma_wait3A_48 = tpu.memref_slice %arg8[%dma_wait3A, %dma_wait3A_47] : memref<160x128xi32, #tpu.memory_space<vmem>> -> memref<1x128xi32, #tpu.memory_space<vmem>>
      %dma_wait3A_49 = tpu.memref_squeeze %dma_wait3A_48 : memref<1x128xi32, #tpu.memory_space<vmem>> -> memref<128xi32, #tpu.memory_space<vmem>>
      %dma_wait3A_50 = arith.constant 0 : i32
      %dma_wait3A_51 = arith.constant 0 : i32
      %dma_wait3A_52 = tpu.memref_slice %arg13[%dma_wait3A_50, %dma_wait3A_51] : memref<10240x64xf32, #tpu.memory_space<vmem_shared>> -> memref<10240x64xf32, #tpu.memory_space<vmem_shared>>
      tpu.wait_indirect_dma semaphore(%arg18 : memref<!tpu.dma_semaphore, #tpu.memory_space<semaphore_mem>>) src(%arg9 : memref<128x64xf32, #tpu.memory_space<vmem>>) dst(%dma_wait3A_52 : memref<10240x64xf32, #tpu.memory_space<vmem_shared>>)
      %dma_wait3A_53 = arith.constant 0 : i32
      %dma_wait3A_54 = arith.constant 0 : i32
      %dma_wait3A_55 = tpu.memref_slice %arg8[%dma_wait3A_53, %dma_wait3A_54] : memref<160x128xi32, #tpu.memory_space<vmem>> -> memref<1x128xi32, #tpu.memory_space<vmem>>
      %dma_wait3A_56 = tpu.memref_squeeze %dma_wait3A_55 : memref<1x128xi32, #tpu.memory_space<vmem>> -> memref<128xi32, #tpu.memory_space<vmem>>
      %dma_wait3A_57 = arith.constant 0 : i32
      %dma_wait3A_58 = arith.constant 0 : i32
      %dma_wait3A_59 = tpu.memref_slice %arg13[%dma_wait3A_57, %dma_wait3A_58] : memref<10240x64xf32, #tpu.memory_space<vmem_shared>> -> memref<10240x64xf32, #tpu.memory_space<vmem_shared>>
      tpu.wait_indirect_dma semaphore(%arg19 : memref<!tpu.dma_semaphore, #tpu.memory_space<semaphore_mem>>) src(%arg10 : memref<128x64xf32, #tpu.memory_space<vmem>>) dst(%dma_wait3A_59 : memref<10240x64xf32, #tpu.memory_space<vmem_shared>>)
      %dma_wait3A_60 = arith.constant 0 : i32
      %dma_wait3A_61 = arith.constant 0 : i32
      %dma_wait3A_62 = tpu.memref_slice %arg8[%dma_wait3A_60, %dma_wait3A_61] : memref<160x128xi32, #tpu.memory_space<vmem>> -> memref<1x128xi32, #tpu.memory_space<vmem>>
      %dma_wait3A_63 = tpu.memref_squeeze %dma_wait3A_62 : memref<1x128xi32, #tpu.memory_space<vmem>> -> memref<128xi32, #tpu.memory_space<vmem>>
      %dma_wait3A_64 = arith.constant 0 : i32
      %dma_wait3A_65 = arith.constant 0 : i32
      %dma_wait3A_66 = tpu.memref_slice %arg13[%dma_wait3A_64, %dma_wait3A_65] : memref<10240x64xf32, #tpu.memory_space<vmem_shared>> -> memref<10240x64xf32, #tpu.memory_space<vmem_shared>>
      tpu.wait_indirect_dma semaphore(%arg20 : memref<!tpu.dma_semaphore, #tpu.memory_space<semaphore_mem>>) src(%arg11 : memref<128x64xf32, #tpu.memory_space<vmem>>) dst(%dma_wait3A_66 : memref<10240x64xf32, #tpu.memory_space<vmem_shared>>)
      %dma_wait3A_67 = arith.constant 0 : i32
      %dma_wait3A_68 = arith.constant 0 : i32
      %dma_wait3A_69 = tpu.memref_slice %arg8[%dma_wait3A_67, %dma_wait3A_68] : memref<160x128xi32, #tpu.memory_space<vmem>> -> memref<1x128xi32, #tpu.memory_space<vmem>>
      %dma_wait3A_70 = tpu.memref_squeeze %dma_wait3A_69 : memref<1x128xi32, #tpu.memory_space<vmem>> -> memref<128xi32, #tpu.memory_space<vmem>>
      %dma_wait3A_71 = arith.constant 0 : i32
      %dma_wait3A_72 = arith.constant 0 : i32
      %dma_wait3A_73 = tpu.memref_slice %arg13[%dma_wait3A_71, %dma_wait3A_72] : memref<10240x64xf32, #tpu.memory_space<vmem_shared>> -> memref<10240x64xf32, #tpu.memory_space<vmem_shared>>
      tpu.wait_indirect_dma semaphore(%arg21 : memref<!tpu.dma_semaphore, #tpu.memory_space<semaphore_mem>>) src(%arg12 : memref<128x64xf32, #tpu.memory_space<vmem>>) dst(%dma_wait3A_73 : memref<10240x64xf32, #tpu.memory_space<vmem_shared>>)
    } else {
    }
    %barrier3A = arith.constant 0 : index
    tpu.barrier barrier_id(%barrier3A)
    %mul3A = arith.constant 640 : i32
    %mul3A_7 = arith.muli %arg1, %mul3A : i32
    %mul3A_8 = arith.constant 640 : i32
    %mul3A_9 = arith.muli %arg1, %mul3A_8 : i32
    "tpu.region"() ({
      %run_scoped3A = tpu.sem_alloc : memref<!tpu.dma_semaphore, #tpu.memory_space<semaphore_mem>>
      %dma_start3A = arith.constant 0 : i32
      %dma_start3A_10 = tpu.memref_slice %arg6[%arg0, %mul3A_9, %dma_start3A] : memref<2x10240x64xf32, #tpu.memory_space<hbm>> -> memref<1x640x64xf32, #tpu.memory_space<hbm>>
      %dma_start3A_11 = tpu.memref_squeeze %dma_start3A_10 : memref<1x640x64xf32, #tpu.memory_space<hbm>> -> memref<640x64xf32, #tpu.memory_space<hbm>>
      %dma_start3A_12 = arith.constant 0 : i32
      %dma_start3A_13 = tpu.memref_slice %arg13[%mul3A_7, %dma_start3A_12] : memref<10240x64xf32, #tpu.memory_space<vmem_shared>> -> memref<640x64xf32, #tpu.memory_space<vmem_shared>>
      tpu.enqueue_dma source(%dma_start3A_13 : memref<640x64xf32, #tpu.memory_space<vmem_shared>>) target(%dma_start3A_11 : memref<640x64xf32, #tpu.memory_space<hbm>>) target_semaphore(%run_scoped3A : memref<!tpu.dma_semaphore, #tpu.memory_space<semaphore_mem>>)
      %dma_wait3A = arith.constant 0 : i32
      %dma_wait3A_14 = tpu.memref_slice %arg6[%arg0, %mul3A_9, %dma_wait3A] : memref<2x10240x64xf32, #tpu.memory_space<hbm>> -> memref<1x640x64xf32, #tpu.memory_space<hbm>>
      %dma_wait3A_15 = tpu.memref_squeeze %dma_wait3A_14 : memref<1x640x64xf32, #tpu.memory_space<hbm>> -> memref<640x64xf32, #tpu.memory_space<hbm>>
      %dma_wait3A_16 = arith.constant 0 : i32
      %dma_wait3A_17 = tpu.memref_slice %arg13[%mul3A_7, %dma_wait3A_16] : memref<10240x64xf32, #tpu.memory_space<vmem_shared>> -> memref<640x64xf32, #tpu.memory_space<vmem_shared>>
      tpu.wait_dma2 semaphore(%run_scoped3A : memref<!tpu.dma_semaphore, #tpu.memory_space<semaphore_mem>>) src(%dma_wait3A_17 : memref<640x64xf32, #tpu.memory_space<vmem_shared>>) dst(%dma_wait3A_15 : memref<640x64xf32, #tpu.memory_space<hbm>>)
      tpu.yield
    }) : () -> ()
    return
  }
}

#map = affine_map<(d0, d1) -> (0, 0)>
#map1 = affine_map<(d0, d1) -> (0, 0, 0)>
module attributes {stable_mosaic.version = 14 : i64} {
  func.func @body(%arg0: i32, %arg1: i32, %arg2: memref<10240x64xf32, #tpu.memory_space<hbm>>, %arg3: memref<10240x64xf32, #tpu.memory_space<hbm>>, %arg4: memref<16x160x128xi32, #tpu.memory_space<hbm>>, %arg5: memref<16x160x128xi32, #tpu.memory_space<hbm>>, %arg6: memref<2x10240x64xf32, #tpu.memory_space<hbm>>, %arg7: memref<160x128xi32, #tpu.memory_space<vmem>>, %arg8: memref<160x128xi32, #tpu.memory_space<vmem>>, %arg9: memref<128x64xf32, #tpu.memory_space<vmem>>, %arg10: memref<128x64xf32, #tpu.memory_space<vmem>>, %arg11: memref<128x64xf32, #tpu.memory_space<vmem>>, %arg12: memref<128x64xf32, #tpu.memory_space<vmem>>, %arg13: memref<10240x64xf32, #tpu.memory_space<vmem_shared>>, %arg14: memref<!tpu.dma_semaphore, #tpu.memory_space<semaphore_mem>>, %arg15: memref<!tpu.dma_semaphore, #tpu.memory_space<semaphore_mem>>, %arg16: memref<!tpu.dma_semaphore, #tpu.memory_space<semaphore_mem>>, %arg17: memref<!tpu.dma_semaphore, #tpu.memory_space<semaphore_mem>>, %arg18: memref<!tpu.dma_semaphore, #tpu.memory_space<semaphore_mem>>, %arg19: memref<!tpu.dma_semaphore, #tpu.memory_space<semaphore_mem>>, %arg20: memref<!tpu.dma_semaphore, #tpu.memory_space<semaphore_mem>>, %arg21: memref<!tpu.dma_semaphore, #tpu.memory_space<semaphore_mem>>) attributes {dimension_semantics = [#tpu.dimension_semantics<core_parallel>, #tpu.dimension_semantics<subcore_parallel>], iteration_bounds = array<i64: 2, 16>, scalar_prefetch = 0 : i64, scratch_operands = 15 : i64, tpu.core_type = #tpu.core_type<sc_vector_subcore>, window_params = [{transform_indices = #map}, {transform_indices = #map}, {transform_indices = #map1}, {transform_indices = #map1}, {transform_indices = #map1}]} {
    "tpu.region"() ({
      %run_scoped3A = tpu.sem_alloc : memref<!tpu.dma_semaphore, #tpu.memory_space<semaphore_mem>>
      %dma_start3A = arith.constant 0 : i32
      %dma_start3A_10 = arith.constant 0 : i32
      %dma_start3A_11 = tpu.memref_slice %arg4[%arg1, %dma_start3A, %dma_start3A_10] : memref<16x160x128xi32, #tpu.memory_space<hbm>> -> memref<1x160x128xi32, #tpu.memory_space<hbm>>
      %dma_start3A_12 = tpu.memref_squeeze %dma_start3A_11 : memref<1x160x128xi32, #tpu.memory_space<hbm>> -> memref<160x128xi32, #tpu.memory_space<hbm>>
      %dma_start3A_13 = arith.constant 0 : i32
      %dma_start3A_14 = arith.constant 0 : i32
      %dma_start3A_15 = tpu.memref_slice %arg4[%arg1, %dma_start3A_13, %dma_start3A_14] : memref<16x160x128xi32, #tpu.memory_space<hbm>> -> memref<1x160x128xi32, #tpu.memory_space<hbm>>
      %dma_start3A_16 = tpu.memref_squeeze %dma_start3A_15 : memref<1x160x128xi32, #tpu.memory_space<hbm>> -> memref<160x128xi32, #tpu.memory_space<hbm>>
      tpu.enqueue_dma source(%dma_start3A_16 : memref<160x128xi32, #tpu.memory_space<hbm>>) target(%arg7 : memref<160x128xi32, #tpu.memory_space<vmem>>) target_semaphore(%run_scoped3A : memref<!tpu.dma_semaphore, #tpu.memory_space<semaphore_mem>>)
      %dma_wait3A = arith.constant 0 : i32
      %dma_wait3A_17 = arith.constant 0 : i32
      %dma_wait3A_18 = tpu.memref_slice %arg4[%arg1, %dma_wait3A, %dma_wait3A_17] : memref<16x160x128xi32, #tpu.memory_space<hbm>> -> memref<1x160x128xi32, #tpu.memory_space<hbm>>
      %dma_wait3A_19 = tpu.memref_squeeze %dma_wait3A_18 : memref<1x160x128xi32, #tpu.memory_space<hbm>> -> memref<160x128xi32, #tpu.memory_space<hbm>>
      %dma_wait3A_20 = arith.constant 0 : i32
      %dma_wait3A_21 = arith.constant 0 : i32
      %dma_wait3A_22 = tpu.memref_slice %arg4[%arg1, %dma_wait3A_20, %dma_wait3A_21] : memref<16x160x128xi32, #tpu.memory_space<hbm>> -> memref<1x160x128xi32, #tpu.memory_space<hbm>>
      %dma_wait3A_23 = tpu.memref_squeeze %dma_wait3A_22 : memref<1x160x128xi32, #tpu.memory_space<hbm>> -> memref<160x128xi32, #tpu.memory_space<hbm>>
      tpu.wait_dma2 semaphore(%run_scoped3A : memref<!tpu.dma_semaphore, #tpu.memory_space<semaphore_mem>>) src(%dma_wait3A_23 : memref<160x128xi32, #tpu.memory_space<hbm>>) dst(%arg7 : memref<160x128xi32, #tpu.memory_space<vmem>>)
      tpu.yield
    }) : () -> ()
    "tpu.region"() ({
      %run_scoped3A = tpu.sem_alloc : memref<!tpu.dma_semaphore, #tpu.memory_space<semaphore_mem>>
      %dma_start3A = arith.constant 0 : i32
      %dma_start3A_10 = arith.constant 0 : i32
      %dma_start3A_11 = tpu.memref_slice %arg5[%arg1, %dma_start3A, %dma_start3A_10] : memref<16x160x128xi32, #tpu.memory_space<hbm>> -> memref<1x160x128xi32, #tpu.memory_space<hbm>>
      %dma_start3A_12 = tpu.memref_squeeze %dma_start3A_11 : memref<1x160x128xi32, #tpu.memory_space<hbm>> -> memref<160x128xi32, #tpu.memory_space<hbm>>
      %dma_start3A_13 = arith.constant 0 : i32
      %dma_start3A_14 = arith.constant 0 : i32
      %dma_start3A_15 = tpu.memref_slice %arg5[%arg1, %dma_start3A_13, %dma_start3A_14] : memref<16x160x128xi32, #tpu.memory_space<hbm>> -> memref<1x160x128xi32, #tpu.memory_space<hbm>>
      %dma_start3A_16 = tpu.memref_squeeze %dma_start3A_15 : memref<1x160x128xi32, #tpu.memory_space<hbm>> -> memref<160x128xi32, #tpu.memory_space<hbm>>
      tpu.enqueue_dma source(%dma_start3A_16 : memref<160x128xi32, #tpu.memory_space<hbm>>) target(%arg8 : memref<160x128xi32, #tpu.memory_space<vmem>>) target_semaphore(%run_scoped3A : memref<!tpu.dma_semaphore, #tpu.memory_space<semaphore_mem>>)
      %dma_wait3A = arith.constant 0 : i32
      %dma_wait3A_17 = arith.constant 0 : i32
      %dma_wait3A_18 = tpu.memref_slice %arg5[%arg1, %dma_wait3A, %dma_wait3A_17] : memref<16x160x128xi32, #tpu.memory_space<hbm>> -> memref<1x160x128xi32, #tpu.memory_space<hbm>>
      %dma_wait3A_19 = tpu.memref_squeeze %dma_wait3A_18 : memref<1x160x128xi32, #tpu.memory_space<hbm>> -> memref<160x128xi32, #tpu.memory_space<hbm>>
      %dma_wait3A_20 = arith.constant 0 : i32
      %dma_wait3A_21 = arith.constant 0 : i32
      %dma_wait3A_22 = tpu.memref_slice %arg5[%arg1, %dma_wait3A_20, %dma_wait3A_21] : memref<16x160x128xi32, #tpu.memory_space<hbm>> -> memref<1x160x128xi32, #tpu.memory_space<hbm>>
      %dma_wait3A_23 = tpu.memref_squeeze %dma_wait3A_22 : memref<1x160x128xi32, #tpu.memory_space<hbm>> -> memref<160x128xi32, #tpu.memory_space<hbm>>
      tpu.wait_dma2 semaphore(%run_scoped3A : memref<!tpu.dma_semaphore, #tpu.memory_space<semaphore_mem>>) src(%dma_wait3A_23 : memref<160x128xi32, #tpu.memory_space<hbm>>) dst(%arg8 : memref<160x128xi32, #tpu.memory_space<vmem>>)
      tpu.yield
    }) : () -> ()
    %eq3A = arith.constant 0 : i32
    %eq3A_0 = arith.cmpi eq, %arg0, %eq3A : i32
    %convert_element_type3A = arith.extui %eq3A_0 : i1 to i32
    %cond3A = arith.constant 0 : i32
    %cond3A_1 = arith.cmpi ne, %convert_element_type3A, %cond3A : i32
    scf.if %cond3A_1 {
      %mul3A_10 = arith.constant 640 : i32
      %mul3A_11 = arith.muli %arg1, %mul3A_10 : i32
      %mul3A_12 = arith.constant 640 : i32
      %mul3A_13 = arith.muli %arg1, %mul3A_12 : i32
      "tpu.region"() ({
        %run_scoped3A = tpu.sem_alloc : memref<!tpu.dma_semaphore, #tpu.memory_space<semaphore_mem>>
        %dma_start3A_74 = arith.constant 0 : i32
        %dma_start3A_75 = tpu.memref_slice %arg13[%mul3A_13, %dma_start3A_74] : memref<10240x64xf32, #tpu.memory_space<vmem_shared>> -> memref<640x64xf32, #tpu.memory_space<vmem_shared>>
        %dma_start3A_76 = arith.constant 0 : i32
        %dma_start3A_77 = tpu.memref_slice %arg2[%mul3A_11, %dma_start3A_76] : memref<10240x64xf32, #tpu.memory_space<hbm>> -> memref<640x64xf32, #tpu.memory_space<hbm>>
        tpu.enqueue_dma source(%dma_start3A_77 : memref<640x64xf32, #tpu.memory_space<hbm>>) target(%dma_start3A_75 : memref<640x64xf32, #tpu.memory_space<vmem_shared>>) target_semaphore(%run_scoped3A : memref<!tpu.dma_semaphore, #tpu.memory_space<semaphore_mem>>)
        %dma_wait3A_78 = arith.constant 0 : i32
        %dma_wait3A_79 = tpu.memref_slice %arg13[%mul3A_13, %dma_wait3A_78] : memref<10240x64xf32, #tpu.memory_space<vmem_shared>> -> memref<640x64xf32, #tpu.memory_space<vmem_shared>>
        %dma_wait3A_80 = arith.constant 0 : i32
        %dma_wait3A_81 = tpu.memref_slice %arg2[%mul3A_11, %dma_wait3A_80] : memref<10240x64xf32, #tpu.memory_space<hbm>> -> memref<640x64xf32, #tpu.memory_space<hbm>>
        tpu.wait_dma2 semaphore(%run_scoped3A : memref<!tpu.dma_semaphore, #tpu.memory_space<semaphore_mem>>) src(%dma_wait3A_81 : memref<640x64xf32, #tpu.memory_space<hbm>>) dst(%dma_wait3A_79 : memref<640x64xf32, #tpu.memory_space<vmem_shared>>)
        tpu.yield
      }) : () -> ()
      %barrier3A_14 = arith.constant 0 : index
      tpu.barrier barrier_id(%barrier3A_14)
      %dma_start3A = arith.constant 0 : i32
      %dma_start3A_15 = arith.constant 0 : i32
      %dma_start3A_16 = tpu.memref_slice %arg7[%dma_start3A, %dma_start3A_15] : memref<160x128xi32, #tpu.memory_space<vmem>> -> memref<1x128xi32, #tpu.memory_space<vmem>>
      %dma_start3A_17 = tpu.memref_squeeze %dma_start3A_16 : memref<1x128xi32, #tpu.memory_space<vmem>> -> memref<128xi32, #tpu.memory_space<vmem>>
      %dma_start3A_18 = arith.constant 0 : i32
      %dma_start3A_19 = arith.constant 0 : i32
      %dma_start3A_20 = tpu.memref_slice %arg2[%dma_start3A_18, %dma_start3A_19] : memref<10240x64xf32, #tpu.memory_space<hbm>> -> memref<10240x64xf32, #tpu.memory_space<hbm>>
      tpu.enqueue_indirect_dma source(%dma_start3A_20 : memref<10240x64xf32, #tpu.memory_space<hbm>>) target(%arg9 : memref<128x64xf32, #tpu.memory_space<vmem>>) offsets(%dma_start3A_17 : memref<128xi32, #tpu.memory_space<vmem>>) semaphore(%arg14 : memref<!tpu.dma_semaphore, #tpu.memory_space<semaphore_mem>>)
      %dma_start3A_21 = arith.constant 1 : i32
      %dma_start3A_22 = arith.constant 0 : i32
      %dma_start3A_23 = tpu.memref_slice %arg7[%dma_start3A_21, %dma_start3A_22] : memref<160x128xi32, #tpu.memory_space<vmem>> -> memref<1x128xi32, #tpu.memory_space<vmem>>
      %dma_start3A_24 = tpu.memref_squeeze %dma_start3A_23 : memref<1x128xi32, #tpu.memory_space<vmem>> -> memref<128xi32, #tpu.memory_space<vmem>>
      %dma_start3A_25 = arith.constant 0 : i32
      %dma_start3A_26 = arith.constant 0 : i32
      %dma_start3A_27 = tpu.memref_slice %arg2[%dma_start3A_25, %dma_start3A_26] : memref<10240x64xf32, #tpu.memory_space<hbm>> -> memref<10240x64xf32, #tpu.memory_space<hbm>>
      tpu.enqueue_indirect_dma source(%dma_start3A_27 : memref<10240x64xf32, #tpu.memory_space<hbm>>) target(%arg10 : memref<128x64xf32, #tpu.memory_space<vmem>>) offsets(%dma_start3A_24 : memref<128xi32, #tpu.memory_space<vmem>>) semaphore(%arg15 : memref<!tpu.dma_semaphore, #tpu.memory_space<semaphore_mem>>)
      %dma_start3A_28 = arith.constant 2 : i32
      %dma_start3A_29 = arith.constant 0 : i32
      %dma_start3A_30 = tpu.memref_slice %arg7[%dma_start3A_28, %dma_start3A_29] : memref<160x128xi32, #tpu.memory_space<vmem>> -> memref<1x128xi32, #tpu.memory_space<vmem>>
      %dma_start3A_31 = tpu.memref_squeeze %dma_start3A_30 : memref<1x128xi32, #tpu.memory_space<vmem>> -> memref<128xi32, #tpu.memory_space<vmem>>
      %dma_start3A_32 = arith.constant 0 : i32
      %dma_start3A_33 = arith.constant 0 : i32
      %dma_start3A_34 = tpu.memref_slice %arg2[%dma_start3A_32, %dma_start3A_33] : memref<10240x64xf32, #tpu.memory_space<hbm>> -> memref<10240x64xf32, #tpu.memory_space<hbm>>
      tpu.enqueue_indirect_dma source(%dma_start3A_34 : memref<10240x64xf32, #tpu.memory_space<hbm>>) target(%arg11 : memref<128x64xf32, #tpu.memory_space<vmem>>) offsets(%dma_start3A_31 : memref<128xi32, #tpu.memory_space<vmem>>) semaphore(%arg16 : memref<!tpu.dma_semaphore, #tpu.memory_space<semaphore_mem>>)
      %dma_start3A_35 = arith.constant 3 : i32
      %dma_start3A_36 = arith.constant 0 : i32
      %dma_start3A_37 = tpu.memref_slice %arg7[%dma_start3A_35, %dma_start3A_36] : memref<160x128xi32, #tpu.memory_space<vmem>> -> memref<1x128xi32, #tpu.memory_space<vmem>>
      %dma_start3A_38 = tpu.memref_squeeze %dma_start3A_37 : memref<1x128xi32, #tpu.memory_space<vmem>> -> memref<128xi32, #tpu.memory_space<vmem>>
      %dma_start3A_39 = arith.constant 0 : i32
      %dma_start3A_40 = arith.constant 0 : i32
      %dma_start3A_41 = tpu.memref_slice %arg2[%dma_start3A_39, %dma_start3A_40] : memref<10240x64xf32, #tpu.memory_space<hbm>> -> memref<10240x64xf32, #tpu.memory_space<hbm>>
      tpu.enqueue_indirect_dma source(%dma_start3A_41 : memref<10240x64xf32, #tpu.memory_space<hbm>>) target(%arg12 : memref<128x64xf32, #tpu.memory_space<vmem>>) offsets(%dma_start3A_38 : memref<128xi32, #tpu.memory_space<vmem>>) semaphore(%arg17 : memref<!tpu.dma_semaphore, #tpu.memory_space<semaphore_mem>>)
      %scan3A = arith.constant 0 : i32
      %scan3A_42 = arith.constant 0 : i32
      %scan3A_43 = arith.constant 40 : i32
      %scan3A_44 = arith.addi %scan3A_42, %scan3A_43 : i32
      %scan3A_45 = arith.constant 1 : i32
      scf.for %scan3A_74 = %scan3A_42 to %scan3A_44 step %scan3A_45  : i32 {
        %mul3A_75 = arith.constant 4 : i32
        %mul3A_76 = arith.muli %scan3A_74, %mul3A_75 : i32
        %add3A = arith.constant 0 : i32
        %add3A_77 = arith.addi %mul3A_76, %add3A : i32
        %dma_wait3A_78 = arith.constant 0 : i32
        %dma_wait3A_79 = tpu.memref_slice %arg7[%add3A_77, %dma_wait3A_78] : memref<160x128xi32, #tpu.memory_space<vmem>> -> memref<1x128xi32, #tpu.memory_space<vmem>>
        %dma_wait3A_80 = tpu.memref_squeeze %dma_wait3A_79 : memref<1x128xi32, #tpu.memory_space<vmem>> -> memref<128xi32, #tpu.memory_space<vmem>>
        %dma_wait3A_81 = arith.constant 0 : i32
        %dma_wait3A_82 = arith.constant 0 : i32
        %dma_wait3A_83 = tpu.memref_slice %arg2[%dma_wait3A_81, %dma_wait3A_82] : memref<10240x64xf32, #tpu.memory_space<hbm>> -> memref<10240x64xf32, #tpu.memory_space<hbm>>
        tpu.wait_indirect_dma semaphore(%arg14 : memref<!tpu.dma_semaphore, #tpu.memory_space<semaphore_mem>>) src(%dma_wait3A_83 : memref<10240x64xf32, #tpu.memory_space<hbm>>) dst(%arg9 : memref<128x64xf32, #tpu.memory_space<vmem>>)
        %dma_start3A_84 = arith.constant 0 : i32
        %dma_start3A_85 = tpu.memref_slice %arg8[%add3A_77, %dma_start3A_84] : memref<160x128xi32, #tpu.memory_space<vmem>> -> memref<1x128xi32, #tpu.memory_space<vmem>>
        %dma_start3A_86 = tpu.memref_squeeze %dma_start3A_85 : memref<1x128xi32, #tpu.memory_space<vmem>> -> memref<128xi32, #tpu.memory_space<vmem>>
        %dma_start3A_87 = arith.constant 0 : i32
        %dma_start3A_88 = arith.constant 0 : i32
        %dma_start3A_89 = tpu.memref_slice %arg13[%dma_start3A_87, %dma_start3A_88] : memref<10240x64xf32, #tpu.memory_space<vmem_shared>> -> memref<10240x64xf32, #tpu.memory_space<vmem_shared>>
        tpu.enqueue_indirect_dma source(%arg9 : memref<128x64xf32, #tpu.memory_space<vmem>>) target(%dma_start3A_89 : memref<10240x64xf32, #tpu.memory_space<vmem_shared>>) offsets(%dma_start3A_86 : memref<128xi32, #tpu.memory_space<vmem>>) semaphore(%arg18 : memref<!tpu.dma_semaphore, #tpu.memory_space<semaphore_mem>>) {add = true}
        %add3A_90 = arith.constant 1 : i32
        %add3A_91 = arith.addi %mul3A_76, %add3A_90 : i32
        %dma_wait3A_92 = arith.constant 0 : i32
        %dma_wait3A_93 = tpu.memref_slice %arg7[%add3A_91, %dma_wait3A_92] : memref<160x128xi32, #tpu.memory_space<vmem>> -> memref<1x128xi32, #tpu.memory_space<vmem>>
        %dma_wait3A_94 = tpu.memref_squeeze %dma_wait3A_93 : memref<1x128xi32, #tpu.memory_space<vmem>> -> memref<128xi32, #tpu.memory_space<vmem>>
        %dma_wait3A_95 = arith.constant 0 : i32
        %dma_wait3A_96 = arith.constant 0 : i32
        %dma_wait3A_97 = tpu.memref_slice %arg2[%dma_wait3A_95, %dma_wait3A_96] : memref<10240x64xf32, #tpu.memory_space<hbm>> -> memref<10240x64xf32, #tpu.memory_space<hbm>>
        tpu.wait_indirect_dma semaphore(%arg15 : memref<!tpu.dma_semaphore, #tpu.memory_space<semaphore_mem>>) src(%dma_wait3A_97 : memref<10240x64xf32, #tpu.memory_space<hbm>>) dst(%arg10 : memref<128x64xf32, #tpu.memory_space<vmem>>)
        %dma_start3A_98 = arith.constant 0 : i32
        %dma_start3A_99 = tpu.memref_slice %arg8[%add3A_91, %dma_start3A_98] : memref<160x128xi32, #tpu.memory_space<vmem>> -> memref<1x128xi32, #tpu.memory_space<vmem>>
        %dma_start3A_100 = tpu.memref_squeeze %dma_start3A_99 : memref<1x128xi32, #tpu.memory_space<vmem>> -> memref<128xi32, #tpu.memory_space<vmem>>
        %dma_start3A_101 = arith.constant 0 : i32
        %dma_start3A_102 = arith.constant 0 : i32
        %dma_start3A_103 = tpu.memref_slice %arg13[%dma_start3A_101, %dma_start3A_102] : memref<10240x64xf32, #tpu.memory_space<vmem_shared>> -> memref<10240x64xf32, #tpu.memory_space<vmem_shared>>
        tpu.enqueue_indirect_dma source(%arg10 : memref<128x64xf32, #tpu.memory_space<vmem>>) target(%dma_start3A_103 : memref<10240x64xf32, #tpu.memory_space<vmem_shared>>) offsets(%dma_start3A_100 : memref<128xi32, #tpu.memory_space<vmem>>) semaphore(%arg19 : memref<!tpu.dma_semaphore, #tpu.memory_space<semaphore_mem>>) {add = true}
        %add3A_104 = arith.constant 2 : i32
        %add3A_105 = arith.addi %mul3A_76, %add3A_104 : i32
        %dma_wait3A_106 = arith.constant 0 : i32
        %dma_wait3A_107 = tpu.memref_slice %arg7[%add3A_105, %dma_wait3A_106] : memref<160x128xi32, #tpu.memory_space<vmem>> -> memref<1x128xi32, #tpu.memory_space<vmem>>
        %dma_wait3A_108 = tpu.memref_squeeze %dma_wait3A_107 : memref<1x128xi32, #tpu.memory_space<vmem>> -> memref<128xi32, #tpu.memory_space<vmem>>
        %dma_wait3A_109 = arith.constant 0 : i32
        %dma_wait3A_110 = arith.constant 0 : i32
        %dma_wait3A_111 = tpu.memref_slice %arg2[%dma_wait3A_109, %dma_wait3A_110] : memref<10240x64xf32, #tpu.memory_space<hbm>> -> memref<10240x64xf32, #tpu.memory_space<hbm>>
        tpu.wait_indirect_dma semaphore(%arg16 : memref<!tpu.dma_semaphore, #tpu.memory_space<semaphore_mem>>) src(%dma_wait3A_111 : memref<10240x64xf32, #tpu.memory_space<hbm>>) dst(%arg11 : memref<128x64xf32, #tpu.memory_space<vmem>>)
        %dma_start3A_112 = arith.constant 0 : i32
        %dma_start3A_113 = tpu.memref_slice %arg8[%add3A_105, %dma_start3A_112] : memref<160x128xi32, #tpu.memory_space<vmem>> -> memref<1x128xi32, #tpu.memory_space<vmem>>
        %dma_start3A_114 = tpu.memref_squeeze %dma_start3A_113 : memref<1x128xi32, #tpu.memory_space<vmem>> -> memref<128xi32, #tpu.memory_space<vmem>>
        %dma_start3A_115 = arith.constant 0 : i32
        %dma_start3A_116 = arith.constant 0 : i32
        %dma_start3A_117 = tpu.memref_slice %arg13[%dma_start3A_115, %dma_start3A_116] : memref<10240x64xf32, #tpu.memory_space<vmem_shared>> -> memref<10240x64xf32, #tpu.memory_space<vmem_shared>>
        tpu.enqueue_indirect_dma source(%arg11 : memref<128x64xf32, #tpu.memory_space<vmem>>) target(%dma_start3A_117 : memref<10240x64xf32, #tpu.memory_space<vmem_shared>>) offsets(%dma_start3A_114 : memref<128xi32, #tpu.memory_space<vmem>>) semaphore(%arg20 : memref<!tpu.dma_semaphore, #tpu.memory_space<semaphore_mem>>) {add = true}
        %add3A_118 = arith.constant 3 : i32
        %add3A_119 = arith.addi %mul3A_76, %add3A_118 : i32
        %dma_wait3A_120 = arith.constant 0 : i32
        %dma_wait3A_121 = tpu.memref_slice %arg7[%add3A_119, %dma_wait3A_120] : memref<160x128xi32, #tpu.memory_space<vmem>> -> memref<1x128xi32, #tpu.memory_space<vmem>>
        %dma_wait3A_122 = tpu.memref_squeeze %dma_wait3A_121 : memref<1x128xi32, #tpu.memory_space<vmem>> -> memref<128xi32, #tpu.memory_space<vmem>>
        %dma_wait3A_123 = arith.constant 0 : i32
        %dma_wait3A_124 = arith.constant 0 : i32
        %dma_wait3A_125 = tpu.memref_slice %arg2[%dma_wait3A_123, %dma_wait3A_124] : memref<10240x64xf32, #tpu.memory_space<hbm>> -> memref<10240x64xf32, #tpu.memory_space<hbm>>
        tpu.wait_indirect_dma semaphore(%arg17 : memref<!tpu.dma_semaphore, #tpu.memory_space<semaphore_mem>>) src(%dma_wait3A_125 : memref<10240x64xf32, #tpu.memory_space<hbm>>) dst(%arg12 : memref<128x64xf32, #tpu.memory_space<vmem>>)
        %dma_start3A_126 = arith.constant 0 : i32
        %dma_start3A_127 = tpu.memref_slice %arg8[%add3A_119, %dma_start3A_126] : memref<160x128xi32, #tpu.memory_space<vmem>> -> memref<1x128xi32, #tpu.memory_space<vmem>>
        %dma_start3A_128 = tpu.memref_squeeze %dma_start3A_127 : memref<1x128xi32, #tpu.memory_space<vmem>> -> memref<128xi32, #tpu.memory_space<vmem>>
        %dma_start3A_129 = arith.constant 0 : i32
        %dma_start3A_130 = arith.constant 0 : i32
        %dma_start3A_131 = tpu.memref_slice %arg13[%dma_start3A_129, %dma_start3A_130] : memref<10240x64xf32, #tpu.memory_space<vmem_shared>> -> memref<10240x64xf32, #tpu.memory_space<vmem_shared>>
        tpu.enqueue_indirect_dma source(%arg12 : memref<128x64xf32, #tpu.memory_space<vmem>>) target(%dma_start3A_131 : memref<10240x64xf32, #tpu.memory_space<vmem_shared>>) offsets(%dma_start3A_128 : memref<128xi32, #tpu.memory_space<vmem>>) semaphore(%arg21 : memref<!tpu.dma_semaphore, #tpu.memory_space<semaphore_mem>>) {add = true}
        %add3A_132 = arith.constant 4 : i32
        %add3A_133 = arith.addi %mul3A_76, %add3A_132 : i32
        %add3A_134 = arith.constant 0 : i32
        %add3A_135 = arith.addi %add3A_133, %add3A_134 : i32
        %lt3A = arith.constant 160 : i32
        %lt3A_136 = arith.cmpi slt, %add3A_135, %lt3A : i32
        %convert_element_type3A_137 = arith.extui %lt3A_136 : i1 to i32
        %cond3A_138 = arith.constant 0 : i32
        %cond3A_139 = arith.cmpi ne, %convert_element_type3A_137, %cond3A_138 : i32
        scf.if %cond3A_139 {
          %add3A_167 = arith.constant 0 : i32
          %add3A_168 = arith.addi %mul3A_76, %add3A_167 : i32
          %dma_wait3A_169 = arith.constant 0 : i32
          %dma_wait3A_170 = tpu.memref_slice %arg8[%add3A_168, %dma_wait3A_169] : memref<160x128xi32, #tpu.memory_space<vmem>> -> memref<1x128xi32, #tpu.memory_space<vmem>>
          %dma_wait3A_171 = tpu.memref_squeeze %dma_wait3A_170 : memref<1x128xi32, #tpu.memory_space<vmem>> -> memref<128xi32, #tpu.memory_space<vmem>>
          %dma_wait3A_172 = arith.constant 0 : i32
          %dma_wait3A_173 = arith.constant 0 : i32
          %dma_wait3A_174 = tpu.memref_slice %arg13[%dma_wait3A_172, %dma_wait3A_173] : memref<10240x64xf32, #tpu.memory_space<vmem_shared>> -> memref<10240x64xf32, #tpu.memory_space<vmem_shared>>
          tpu.wait_indirect_dma semaphore(%arg18 : memref<!tpu.dma_semaphore, #tpu.memory_space<semaphore_mem>>) src(%arg9 : memref<128x64xf32, #tpu.memory_space<vmem>>) dst(%dma_wait3A_174 : memref<10240x64xf32, #tpu.memory_space<vmem_shared>>)
          %dma_start3A_175 = arith.constant 0 : i32
          %dma_start3A_176 = tpu.memref_slice %arg7[%add3A_135, %dma_start3A_175] : memref<160x128xi32, #tpu.memory_space<vmem>> -> memref<1x128xi32, #tpu.memory_space<vmem>>
          %dma_start3A_177 = tpu.memref_squeeze %dma_start3A_176 : memref<1x128xi32, #tpu.memory_space<vmem>> -> memref<128xi32, #tpu.memory_space<vmem>>
          %dma_start3A_178 = arith.constant 0 : i32
          %dma_start3A_179 = arith.constant 0 : i32
          %dma_start3A_180 = tpu.memref_slice %arg2[%dma_start3A_178, %dma_start3A_179] : memref<10240x64xf32, #tpu.memory_space<hbm>> -> memref<10240x64xf32, #tpu.memory_space<hbm>>
          tpu.enqueue_indirect_dma source(%dma_start3A_180 : memref<10240x64xf32, #tpu.memory_space<hbm>>) target(%arg9 : memref<128x64xf32, #tpu.memory_space<vmem>>) offsets(%dma_start3A_177 : memref<128xi32, #tpu.memory_space<vmem>>) semaphore(%arg14 : memref<!tpu.dma_semaphore, #tpu.memory_space<semaphore_mem>>)
        } else {
        }
        %add3A_140 = arith.constant 4 : i32
        %add3A_141 = arith.addi %mul3A_76, %add3A_140 : i32
        %add3A_142 = arith.constant 1 : i32
        %add3A_143 = arith.addi %add3A_141, %add3A_142 : i32
        %lt3A_144 = arith.constant 160 : i32
        %lt3A_145 = arith.cmpi slt, %add3A_143, %lt3A_144 : i32
        %convert_element_type3A_146 = arith.extui %lt3A_145 : i1 to i32
        %cond3A_147 = arith.constant 0 : i32
        %cond3A_148 = arith.cmpi ne, %convert_element_type3A_146, %cond3A_147 : i32
        scf.if %cond3A_148 {
          %add3A_167 = arith.constant 1 : i32
          %add3A_168 = arith.addi %mul3A_76, %add3A_167 : i32
          %dma_wait3A_169 = arith.constant 0 : i32
          %dma_wait3A_170 = tpu.memref_slice %arg8[%add3A_168, %dma_wait3A_169] : memref<160x128xi32, #tpu.memory_space<vmem>> -> memref<1x128xi32, #tpu.memory_space<vmem>>
          %dma_wait3A_171 = tpu.memref_squeeze %dma_wait3A_170 : memref<1x128xi32, #tpu.memory_space<vmem>> -> memref<128xi32, #tpu.memory_space<vmem>>
          %dma_wait3A_172 = arith.constant 0 : i32
          %dma_wait3A_173 = arith.constant 0 : i32
          %dma_wait3A_174 = tpu.memref_slice %arg13[%dma_wait3A_172, %dma_wait3A_173] : memref<10240x64xf32, #tpu.memory_space<vmem_shared>> -> memref<10240x64xf32, #tpu.memory_space<vmem_shared>>
          tpu.wait_indirect_dma semaphore(%arg19 : memref<!tpu.dma_semaphore, #tpu.memory_space<semaphore_mem>>) src(%arg10 : memref<128x64xf32, #tpu.memory_space<vmem>>) dst(%dma_wait3A_174 : memref<10240x64xf32, #tpu.memory_space<vmem_shared>>)
          %dma_start3A_175 = arith.constant 0 : i32
          %dma_start3A_176 = tpu.memref_slice %arg7[%add3A_143, %dma_start3A_175] : memref<160x128xi32, #tpu.memory_space<vmem>> -> memref<1x128xi32, #tpu.memory_space<vmem>>
          %dma_start3A_177 = tpu.memref_squeeze %dma_start3A_176 : memref<1x128xi32, #tpu.memory_space<vmem>> -> memref<128xi32, #tpu.memory_space<vmem>>
          %dma_start3A_178 = arith.constant 0 : i32
          %dma_start3A_179 = arith.constant 0 : i32
          %dma_start3A_180 = tpu.memref_slice %arg2[%dma_start3A_178, %dma_start3A_179] : memref<10240x64xf32, #tpu.memory_space<hbm>> -> memref<10240x64xf32, #tpu.memory_space<hbm>>
          tpu.enqueue_indirect_dma source(%dma_start3A_180 : memref<10240x64xf32, #tpu.memory_space<hbm>>) target(%arg10 : memref<128x64xf32, #tpu.memory_space<vmem>>) offsets(%dma_start3A_177 : memref<128xi32, #tpu.memory_space<vmem>>) semaphore(%arg15 : memref<!tpu.dma_semaphore, #tpu.memory_space<semaphore_mem>>)
        } else {
        }
        %add3A_149 = arith.constant 4 : i32
        %add3A_150 = arith.addi %mul3A_76, %add3A_149 : i32
        %add3A_151 = arith.constant 2 : i32
        %add3A_152 = arith.addi %add3A_150, %add3A_151 : i32
        %lt3A_153 = arith.constant 160 : i32
        %lt3A_154 = arith.cmpi slt, %add3A_152, %lt3A_153 : i32
        %convert_element_type3A_155 = arith.extui %lt3A_154 : i1 to i32
        %cond3A_156 = arith.constant 0 : i32
        %cond3A_157 = arith.cmpi ne, %convert_element_type3A_155, %cond3A_156 : i32
        scf.if %cond3A_157 {
          %add3A_167 = arith.constant 2 : i32
          %add3A_168 = arith.addi %mul3A_76, %add3A_167 : i32
          %dma_wait3A_169 = arith.constant 0 : i32
          %dma_wait3A_170 = tpu.memref_slice %arg8[%add3A_168, %dma_wait3A_169] : memref<160x128xi32, #tpu.memory_space<vmem>> -> memref<1x128xi32, #tpu.memory_space<vmem>>
          %dma_wait3A_171 = tpu.memref_squeeze %dma_wait3A_170 : memref<1x128xi32, #tpu.memory_space<vmem>> -> memref<128xi32, #tpu.memory_space<vmem>>
          %dma_wait3A_172 = arith.constant 0 : i32
          %dma_wait3A_173 = arith.constant 0 : i32
          %dma_wait3A_174 = tpu.memref_slice %arg13[%dma_wait3A_172, %dma_wait3A_173] : memref<10240x64xf32, #tpu.memory_space<vmem_shared>> -> memref<10240x64xf32, #tpu.memory_space<vmem_shared>>
          tpu.wait_indirect_dma semaphore(%arg20 : memref<!tpu.dma_semaphore, #tpu.memory_space<semaphore_mem>>) src(%arg11 : memref<128x64xf32, #tpu.memory_space<vmem>>) dst(%dma_wait3A_174 : memref<10240x64xf32, #tpu.memory_space<vmem_shared>>)
          %dma_start3A_175 = arith.constant 0 : i32
          %dma_start3A_176 = tpu.memref_slice %arg7[%add3A_152, %dma_start3A_175] : memref<160x128xi32, #tpu.memory_space<vmem>> -> memref<1x128xi32, #tpu.memory_space<vmem>>
          %dma_start3A_177 = tpu.memref_squeeze %dma_start3A_176 : memref<1x128xi32, #tpu.memory_space<vmem>> -> memref<128xi32, #tpu.memory_space<vmem>>
          %dma_start3A_178 = arith.constant 0 : i32
          %dma_start3A_179 = arith.constant 0 : i32
          %dma_start3A_180 = tpu.memref_slice %arg2[%dma_start3A_178, %dma_start3A_179] : memref<10240x64xf32, #tpu.memory_space<hbm>> -> memref<10240x64xf32, #tpu.memory_space<hbm>>
          tpu.enqueue_indirect_dma source(%dma_start3A_180 : memref<10240x64xf32, #tpu.memory_space<hbm>>) target(%arg11 : memref<128x64xf32, #tpu.memory_space<vmem>>) offsets(%dma_start3A_177 : memref<128xi32, #tpu.memory_space<vmem>>) semaphore(%arg16 : memref<!tpu.dma_semaphore, #tpu.memory_space<semaphore_mem>>)
        } else {
        }
        %add3A_158 = arith.constant 4 : i32
        %add3A_159 = arith.addi %mul3A_76, %add3A_158 : i32
        %add3A_160 = arith.constant 3 : i32
        %add3A_161 = arith.addi %add3A_159, %add3A_160 : i32
        %lt3A_162 = arith.constant 160 : i32
        %lt3A_163 = arith.cmpi slt, %add3A_161, %lt3A_162 : i32
        %convert_element_type3A_164 = arith.extui %lt3A_163 : i1 to i32
        %cond3A_165 = arith.constant 0 : i32
        %cond3A_166 = arith.cmpi ne, %convert_element_type3A_164, %cond3A_165 : i32
        scf.if %cond3A_166 {
          %add3A_167 = arith.constant 3 : i32
          %add3A_168 = arith.addi %mul3A_76, %add3A_167 : i32
          %dma_wait3A_169 = arith.constant 0 : i32
          %dma_wait3A_170 = tpu.memref_slice %arg8[%add3A_168, %dma_wait3A_169] : memref<160x128xi32, #tpu.memory_space<vmem>> -> memref<1x128xi32, #tpu.memory_space<vmem>>
          %dma_wait3A_171 = tpu.memref_squeeze %dma_wait3A_170 : memref<1x128xi32, #tpu.memory_space<vmem>> -> memref<128xi32, #tpu.memory_space<vmem>>
          %dma_wait3A_172 = arith.constant 0 : i32
          %dma_wait3A_173 = arith.constant 0 : i32
          %dma_wait3A_174 = tpu.memref_slice %arg13[%dma_wait3A_172, %dma_wait3A_173] : memref<10240x64xf32, #tpu.memory_space<vmem_shared>> -> memref<10240x64xf32, #tpu.memory_space<vmem_shared>>
          tpu.wait_indirect_dma semaphore(%arg21 : memref<!tpu.dma_semaphore, #tpu.memory_space<semaphore_mem>>) src(%arg12 : memref<128x64xf32, #tpu.memory_space<vmem>>) dst(%dma_wait3A_174 : memref<10240x64xf32, #tpu.memory_space<vmem_shared>>)
          %dma_start3A_175 = arith.constant 0 : i32
          %dma_start3A_176 = tpu.memref_slice %arg7[%add3A_161, %dma_start3A_175] : memref<160x128xi32, #tpu.memory_space<vmem>> -> memref<1x128xi32, #tpu.memory_space<vmem>>
          %dma_start3A_177 = tpu.memref_squeeze %dma_start3A_176 : memref<1x128xi32, #tpu.memory_space<vmem>> -> memref<128xi32, #tpu.memory_space<vmem>>
          %dma_start3A_178 = arith.constant 0 : i32
          %dma_start3A_179 = arith.constant 0 : i32
          %dma_start3A_180 = tpu.memref_slice %arg2[%dma_start3A_178, %dma_start3A_179] : memref<10240x64xf32, #tpu.memory_space<hbm>> -> memref<10240x64xf32, #tpu.memory_space<hbm>>
          tpu.enqueue_indirect_dma source(%dma_start3A_180 : memref<10240x64xf32, #tpu.memory_space<hbm>>) target(%arg12 : memref<128x64xf32, #tpu.memory_space<vmem>>) offsets(%dma_start3A_177 : memref<128xi32, #tpu.memory_space<vmem>>) semaphore(%arg17 : memref<!tpu.dma_semaphore, #tpu.memory_space<semaphore_mem>>)
        } else {
        }
      }
      %scan3A_46 = arith.constant 40 : i32
      %dma_wait3A = arith.constant 0 : i32
      %dma_wait3A_47 = arith.constant 0 : i32
      %dma_wait3A_48 = tpu.memref_slice %arg8[%dma_wait3A, %dma_wait3A_47] : memref<160x128xi32, #tpu.memory_space<vmem>> -> memref<1x128xi32, #tpu.memory_space<vmem>>
      %dma_wait3A_49 = tpu.memref_squeeze %dma_wait3A_48 : memref<1x128xi32, #tpu.memory_space<vmem>> -> memref<128xi32, #tpu.memory_space<vmem>>
      %dma_wait3A_50 = arith.constant 0 : i32
      %dma_wait3A_51 = arith.constant 0 : i32
      %dma_wait3A_52 = tpu.memref_slice %arg13[%dma_wait3A_50, %dma_wait3A_51] : memref<10240x64xf32, #tpu.memory_space<vmem_shared>> -> memref<10240x64xf32, #tpu.memory_space<vmem_shared>>
      tpu.wait_indirect_dma semaphore(%arg18 : memref<!tpu.dma_semaphore, #tpu.memory_space<semaphore_mem>>) src(%arg9 : memref<128x64xf32, #tpu.memory_space<vmem>>) dst(%dma_wait3A_52 : memref<10240x64xf32, #tpu.memory_space<vmem_shared>>)
      %dma_wait3A_53 = arith.constant 0 : i32
      %dma_wait3A_54 = arith.constant 0 : i32
      %dma_wait3A_55 = tpu.memref_slice %arg8[%dma_wait3A_53, %dma_wait3A_54] : memref<160x128xi32, #tpu.memory_space<vmem>> -> memref<1x128xi32, #tpu.memory_space<vmem>>
      %dma_wait3A_56 = tpu.memref_squeeze %dma_wait3A_55 : memref<1x128xi32, #tpu.memory_space<vmem>> -> memref<128xi32, #tpu.memory_space<vmem>>
      %dma_wait3A_57 = arith.constant 0 : i32
      %dma_wait3A_58 = arith.constant 0 : i32
      %dma_wait3A_59 = tpu.memref_slice %arg13[%dma_wait3A_57, %dma_wait3A_58] : memref<10240x64xf32, #tpu.memory_space<vmem_shared>> -> memref<10240x64xf32, #tpu.memory_space<vmem_shared>>
      tpu.wait_indirect_dma semaphore(%arg19 : memref<!tpu.dma_semaphore, #tpu.memory_space<semaphore_mem>>) src(%arg10 : memref<128x64xf32, #tpu.memory_space<vmem>>) dst(%dma_wait3A_59 : memref<10240x64xf32, #tpu.memory_space<vmem_shared>>)
      %dma_wait3A_60 = arith.constant 0 : i32
      %dma_wait3A_61 = arith.constant 0 : i32
      %dma_wait3A_62 = tpu.memref_slice %arg8[%dma_wait3A_60, %dma_wait3A_61] : memref<160x128xi32, #tpu.memory_space<vmem>> -> memref<1x128xi32, #tpu.memory_space<vmem>>
      %dma_wait3A_63 = tpu.memref_squeeze %dma_wait3A_62 : memref<1x128xi32, #tpu.memory_space<vmem>> -> memref<128xi32, #tpu.memory_space<vmem>>
      %dma_wait3A_64 = arith.constant 0 : i32
      %dma_wait3A_65 = arith.constant 0 : i32
      %dma_wait3A_66 = tpu.memref_slice %arg13[%dma_wait3A_64, %dma_wait3A_65] : memref<10240x64xf32, #tpu.memory_space<vmem_shared>> -> memref<10240x64xf32, #tpu.memory_space<vmem_shared>>
      tpu.wait_indirect_dma semaphore(%arg20 : memref<!tpu.dma_semaphore, #tpu.memory_space<semaphore_mem>>) src(%arg11 : memref<128x64xf32, #tpu.memory_space<vmem>>) dst(%dma_wait3A_66 : memref<10240x64xf32, #tpu.memory_space<vmem_shared>>)
      %dma_wait3A_67 = arith.constant 0 : i32
      %dma_wait3A_68 = arith.constant 0 : i32
      %dma_wait3A_69 = tpu.memref_slice %arg8[%dma_wait3A_67, %dma_wait3A_68] : memref<160x128xi32, #tpu.memory_space<vmem>> -> memref<1x128xi32, #tpu.memory_space<vmem>>
      %dma_wait3A_70 = tpu.memref_squeeze %dma_wait3A_69 : memref<1x128xi32, #tpu.memory_space<vmem>> -> memref<128xi32, #tpu.memory_space<vmem>>
      %dma_wait3A_71 = arith.constant 0 : i32
      %dma_wait3A_72 = arith.constant 0 : i32
      %dma_wait3A_73 = tpu.memref_slice %arg13[%dma_wait3A_71, %dma_wait3A_72] : memref<10240x64xf32, #tpu.memory_space<vmem_shared>> -> memref<10240x64xf32, #tpu.memory_space<vmem_shared>>
      tpu.wait_indirect_dma semaphore(%arg21 : memref<!tpu.dma_semaphore, #tpu.memory_space<semaphore_mem>>) src(%arg12 : memref<128x64xf32, #tpu.memory_space<vmem>>) dst(%dma_wait3A_73 : memref<10240x64xf32, #tpu.memory_space<vmem_shared>>)
    } else {
    }
    %eq3A_2 = arith.constant 1 : i32
    %eq3A_3 = arith.cmpi eq, %arg0, %eq3A_2 : i32
    %convert_element_type3A_4 = arith.extui %eq3A_3 : i1 to i32
    %cond3A_5 = arith.constant 0 : i32
    %cond3A_6 = arith.cmpi ne, %convert_element_type3A_4, %cond3A_5 : i32
    scf.if %cond3A_6 {
      %mul3A_10 = arith.constant 640 : i32
      %mul3A_11 = arith.muli %arg1, %mul3A_10 : i32
      %mul3A_12 = arith.constant 640 : i32
      %mul3A_13 = arith.muli %arg1, %mul3A_12 : i32
      "tpu.region"() ({
        %run_scoped3A = tpu.sem_alloc : memref<!tpu.dma_semaphore, #tpu.memory_space<semaphore_mem>>
        %dma_start3A_74 = arith.constant 0 : i32
        %dma_start3A_75 = tpu.memref_slice %arg13[%mul3A_13, %dma_start3A_74] : memref<10240x64xf32, #tpu.memory_space<vmem_shared>> -> memref<640x64xf32, #tpu.memory_space<vmem_shared>>
        %dma_start3A_76 = arith.constant 0 : i32
        %dma_start3A_77 = tpu.memref_slice %arg3[%mul3A_11, %dma_start3A_76] : memref<10240x64xf32, #tpu.memory_space<hbm>> -> memref<640x64xf32, #tpu.memory_space<hbm>>
        tpu.enqueue_dma source(%dma_start3A_77 : memref<640x64xf32, #tpu.memory_space<hbm>>) target(%dma_start3A_75 : memref<640x64xf32, #tpu.memory_space<vmem_shared>>) target_semaphore(%run_scoped3A : memref<!tpu.dma_semaphore, #tpu.memory_space<semaphore_mem>>)
        %dma_wait3A_78 = arith.constant 0 : i32
        %dma_wait3A_79 = tpu.memref_slice %arg13[%mul3A_13, %dma_wait3A_78] : memref<10240x64xf32, #tpu.memory_space<vmem_shared>> -> memref<640x64xf32, #tpu.memory_space<vmem_shared>>
        %dma_wait3A_80 = arith.constant 0 : i32
        %dma_wait3A_81 = tpu.memref_slice %arg3[%mul3A_11, %dma_wait3A_80] : memref<10240x64xf32, #tpu.memory_space<hbm>> -> memref<640x64xf32, #tpu.memory_space<hbm>>
        tpu.wait_dma2 semaphore(%run_scoped3A : memref<!tpu.dma_semaphore, #tpu.memory_space<semaphore_mem>>) src(%dma_wait3A_81 : memref<640x64xf32, #tpu.memory_space<hbm>>) dst(%dma_wait3A_79 : memref<640x64xf32, #tpu.memory_space<vmem_shared>>)
        tpu.yield
      }) : () -> ()
      %barrier3A_14 = arith.constant 0 : index
      tpu.barrier barrier_id(%barrier3A_14)
      %dma_start3A = arith.constant 0 : i32
      %dma_start3A_15 = arith.constant 0 : i32
      %dma_start3A_16 = tpu.memref_slice %arg7[%dma_start3A, %dma_start3A_15] : memref<160x128xi32, #tpu.memory_space<vmem>> -> memref<1x128xi32, #tpu.memory_space<vmem>>
      %dma_start3A_17 = tpu.memref_squeeze %dma_start3A_16 : memref<1x128xi32, #tpu.memory_space<vmem>> -> memref<128xi32, #tpu.memory_space<vmem>>
      %dma_start3A_18 = arith.constant 0 : i32
      %dma_start3A_19 = arith.constant 0 : i32
      %dma_start3A_20 = tpu.memref_slice %arg3[%dma_start3A_18, %dma_start3A_19] : memref<10240x64xf32, #tpu.memory_space<hbm>> -> memref<10240x64xf32, #tpu.memory_space<hbm>>
      tpu.enqueue_indirect_dma source(%dma_start3A_20 : memref<10240x64xf32, #tpu.memory_space<hbm>>) target(%arg9 : memref<128x64xf32, #tpu.memory_space<vmem>>) offsets(%dma_start3A_17 : memref<128xi32, #tpu.memory_space<vmem>>) semaphore(%arg14 : memref<!tpu.dma_semaphore, #tpu.memory_space<semaphore_mem>>)
      %dma_start3A_21 = arith.constant 1 : i32
      %dma_start3A_22 = arith.constant 0 : i32
      %dma_start3A_23 = tpu.memref_slice %arg7[%dma_start3A_21, %dma_start3A_22] : memref<160x128xi32, #tpu.memory_space<vmem>> -> memref<1x128xi32, #tpu.memory_space<vmem>>
      %dma_start3A_24 = tpu.memref_squeeze %dma_start3A_23 : memref<1x128xi32, #tpu.memory_space<vmem>> -> memref<128xi32, #tpu.memory_space<vmem>>
      %dma_start3A_25 = arith.constant 0 : i32
      %dma_start3A_26 = arith.constant 0 : i32
      %dma_start3A_27 = tpu.memref_slice %arg3[%dma_start3A_25, %dma_start3A_26] : memref<10240x64xf32, #tpu.memory_space<hbm>> -> memref<10240x64xf32, #tpu.memory_space<hbm>>
      tpu.enqueue_indirect_dma source(%dma_start3A_27 : memref<10240x64xf32, #tpu.memory_space<hbm>>) target(%arg10 : memref<128x64xf32, #tpu.memory_space<vmem>>) offsets(%dma_start3A_24 : memref<128xi32, #tpu.memory_space<vmem>>) semaphore(%arg15 : memref<!tpu.dma_semaphore, #tpu.memory_space<semaphore_mem>>)
      %dma_start3A_28 = arith.constant 2 : i32
      %dma_start3A_29 = arith.constant 0 : i32
      %dma_start3A_30 = tpu.memref_slice %arg7[%dma_start3A_28, %dma_start3A_29] : memref<160x128xi32, #tpu.memory_space<vmem>> -> memref<1x128xi32, #tpu.memory_space<vmem>>
      %dma_start3A_31 = tpu.memref_squeeze %dma_start3A_30 : memref<1x128xi32, #tpu.memory_space<vmem>> -> memref<128xi32, #tpu.memory_space<vmem>>
      %dma_start3A_32 = arith.constant 0 : i32
      %dma_start3A_33 = arith.constant 0 : i32
      %dma_start3A_34 = tpu.memref_slice %arg3[%dma_start3A_32, %dma_start3A_33] : memref<10240x64xf32, #tpu.memory_space<hbm>> -> memref<10240x64xf32, #tpu.memory_space<hbm>>
      tpu.enqueue_indirect_dma source(%dma_start3A_34 : memref<10240x64xf32, #tpu.memory_space<hbm>>) target(%arg11 : memref<128x64xf32, #tpu.memory_space<vmem>>) offsets(%dma_start3A_31 : memref<128xi32, #tpu.memory_space<vmem>>) semaphore(%arg16 : memref<!tpu.dma_semaphore, #tpu.memory_space<semaphore_mem>>)
      %dma_start3A_35 = arith.constant 3 : i32
      %dma_start3A_36 = arith.constant 0 : i32
      %dma_start3A_37 = tpu.memref_slice %arg7[%dma_start3A_35, %dma_start3A_36] : memref<160x128xi32, #tpu.memory_space<vmem>> -> memref<1x128xi32, #tpu.memory_space<vmem>>
      %dma_start3A_38 = tpu.memref_squeeze %dma_start3A_37 : memref<1x128xi32, #tpu.memory_space<vmem>> -> memref<128xi32, #tpu.memory_space<vmem>>
      %dma_start3A_39 = arith.constant 0 : i32
      %dma_start3A_40 = arith.constant 0 : i32
      %dma_start3A_41 = tpu.memref_slice %arg3[%dma_start3A_39, %dma_start3A_40] : memref<10240x64xf32, #tpu.memory_space<hbm>> -> memref<10240x64xf32, #tpu.memory_space<hbm>>
      tpu.enqueue_indirect_dma source(%dma_start3A_41 : memref<10240x64xf32, #tpu.memory_space<hbm>>) target(%arg12 : memref<128x64xf32, #tpu.memory_space<vmem>>) offsets(%dma_start3A_38 : memref<128xi32, #tpu.memory_space<vmem>>) semaphore(%arg17 : memref<!tpu.dma_semaphore, #tpu.memory_space<semaphore_mem>>)
      %scan3A = arith.constant 0 : i32
      %scan3A_42 = arith.constant 0 : i32
      %scan3A_43 = arith.constant 40 : i32
      %scan3A_44 = arith.addi %scan3A_42, %scan3A_43 : i32
      %scan3A_45 = arith.constant 1 : i32
      scf.for %scan3A_74 = %scan3A_42 to %scan3A_44 step %scan3A_45  : i32 {
        %mul3A_75 = arith.constant 4 : i32
        %mul3A_76 = arith.muli %scan3A_74, %mul3A_75 : i32
        %add3A = arith.constant 0 : i32
        %add3A_77 = arith.addi %mul3A_76, %add3A : i32
        %dma_wait3A_78 = arith.constant 0 : i32
        %dma_wait3A_79 = tpu.memref_slice %arg7[%add3A_77, %dma_wait3A_78] : memref<160x128xi32, #tpu.memory_space<vmem>> -> memref<1x128xi32, #tpu.memory_space<vmem>>
        %dma_wait3A_80 = tpu.memref_squeeze %dma_wait3A_79 : memref<1x128xi32, #tpu.memory_space<vmem>> -> memref<128xi32, #tpu.memory_space<vmem>>
        %dma_wait3A_81 = arith.constant 0 : i32
        %dma_wait3A_82 = arith.constant 0 : i32
        %dma_wait3A_83 = tpu.memref_slice %arg3[%dma_wait3A_81, %dma_wait3A_82] : memref<10240x64xf32, #tpu.memory_space<hbm>> -> memref<10240x64xf32, #tpu.memory_space<hbm>>
        tpu.wait_indirect_dma semaphore(%arg14 : memref<!tpu.dma_semaphore, #tpu.memory_space<semaphore_mem>>) src(%dma_wait3A_83 : memref<10240x64xf32, #tpu.memory_space<hbm>>) dst(%arg9 : memref<128x64xf32, #tpu.memory_space<vmem>>)
        %dma_start3A_84 = arith.constant 0 : i32
        %dma_start3A_85 = tpu.memref_slice %arg8[%add3A_77, %dma_start3A_84] : memref<160x128xi32, #tpu.memory_space<vmem>> -> memref<1x128xi32, #tpu.memory_space<vmem>>
        %dma_start3A_86 = tpu.memref_squeeze %dma_start3A_85 : memref<1x128xi32, #tpu.memory_space<vmem>> -> memref<128xi32, #tpu.memory_space<vmem>>
        %dma_start3A_87 = arith.constant 0 : i32
        %dma_start3A_88 = arith.constant 0 : i32
        %dma_start3A_89 = tpu.memref_slice %arg13[%dma_start3A_87, %dma_start3A_88] : memref<10240x64xf32, #tpu.memory_space<vmem_shared>> -> memref<10240x64xf32, #tpu.memory_space<vmem_shared>>
        tpu.enqueue_indirect_dma source(%arg9 : memref<128x64xf32, #tpu.memory_space<vmem>>) target(%dma_start3A_89 : memref<10240x64xf32, #tpu.memory_space<vmem_shared>>) offsets(%dma_start3A_86 : memref<128xi32, #tpu.memory_space<vmem>>) semaphore(%arg18 : memref<!tpu.dma_semaphore, #tpu.memory_space<semaphore_mem>>) {add = true}
        %add3A_90 = arith.constant 1 : i32
        %add3A_91 = arith.addi %mul3A_76, %add3A_90 : i32
        %dma_wait3A_92 = arith.constant 0 : i32
        %dma_wait3A_93 = tpu.memref_slice %arg7[%add3A_91, %dma_wait3A_92] : memref<160x128xi32, #tpu.memory_space<vmem>> -> memref<1x128xi32, #tpu.memory_space<vmem>>
        %dma_wait3A_94 = tpu.memref_squeeze %dma_wait3A_93 : memref<1x128xi32, #tpu.memory_space<vmem>> -> memref<128xi32, #tpu.memory_space<vmem>>
        %dma_wait3A_95 = arith.constant 0 : i32
        %dma_wait3A_96 = arith.constant 0 : i32
        %dma_wait3A_97 = tpu.memref_slice %arg3[%dma_wait3A_95, %dma_wait3A_96] : memref<10240x64xf32, #tpu.memory_space<hbm>> -> memref<10240x64xf32, #tpu.memory_space<hbm>>
        tpu.wait_indirect_dma semaphore(%arg15 : memref<!tpu.dma_semaphore, #tpu.memory_space<semaphore_mem>>) src(%dma_wait3A_97 : memref<10240x64xf32, #tpu.memory_space<hbm>>) dst(%arg10 : memref<128x64xf32, #tpu.memory_space<vmem>>)
        %dma_start3A_98 = arith.constant 0 : i32
        %dma_start3A_99 = tpu.memref_slice %arg8[%add3A_91, %dma_start3A_98] : memref<160x128xi32, #tpu.memory_space<vmem>> -> memref<1x128xi32, #tpu.memory_space<vmem>>
        %dma_start3A_100 = tpu.memref_squeeze %dma_start3A_99 : memref<1x128xi32, #tpu.memory_space<vmem>> -> memref<128xi32, #tpu.memory_space<vmem>>
        %dma_start3A_101 = arith.constant 0 : i32
        %dma_start3A_102 = arith.constant 0 : i32
        %dma_start3A_103 = tpu.memref_slice %arg13[%dma_start3A_101, %dma_start3A_102] : memref<10240x64xf32, #tpu.memory_space<vmem_shared>> -> memref<10240x64xf32, #tpu.memory_space<vmem_shared>>
        tpu.enqueue_indirect_dma source(%arg10 : memref<128x64xf32, #tpu.memory_space<vmem>>) target(%dma_start3A_103 : memref<10240x64xf32, #tpu.memory_space<vmem_shared>>) offsets(%dma_start3A_100 : memref<128xi32, #tpu.memory_space<vmem>>) semaphore(%arg19 : memref<!tpu.dma_semaphore, #tpu.memory_space<semaphore_mem>>) {add = true}
        %add3A_104 = arith.constant 2 : i32
        %add3A_105 = arith.addi %mul3A_76, %add3A_104 : i32
        %dma_wait3A_106 = arith.constant 0 : i32
        %dma_wait3A_107 = tpu.memref_slice %arg7[%add3A_105, %dma_wait3A_106] : memref<160x128xi32, #tpu.memory_space<vmem>> -> memref<1x128xi32, #tpu.memory_space<vmem>>
        %dma_wait3A_108 = tpu.memref_squeeze %dma_wait3A_107 : memref<1x128xi32, #tpu.memory_space<vmem>> -> memref<128xi32, #tpu.memory_space<vmem>>
        %dma_wait3A_109 = arith.constant 0 : i32
        %dma_wait3A_110 = arith.constant 0 : i32
        %dma_wait3A_111 = tpu.memref_slice %arg3[%dma_wait3A_109, %dma_wait3A_110] : memref<10240x64xf32, #tpu.memory_space<hbm>> -> memref<10240x64xf32, #tpu.memory_space<hbm>>
        tpu.wait_indirect_dma semaphore(%arg16 : memref<!tpu.dma_semaphore, #tpu.memory_space<semaphore_mem>>) src(%dma_wait3A_111 : memref<10240x64xf32, #tpu.memory_space<hbm>>) dst(%arg11 : memref<128x64xf32, #tpu.memory_space<vmem>>)
        %dma_start3A_112 = arith.constant 0 : i32
        %dma_start3A_113 = tpu.memref_slice %arg8[%add3A_105, %dma_start3A_112] : memref<160x128xi32, #tpu.memory_space<vmem>> -> memref<1x128xi32, #tpu.memory_space<vmem>>
        %dma_start3A_114 = tpu.memref_squeeze %dma_start3A_113 : memref<1x128xi32, #tpu.memory_space<vmem>> -> memref<128xi32, #tpu.memory_space<vmem>>
        %dma_start3A_115 = arith.constant 0 : i32
        %dma_start3A_116 = arith.constant 0 : i32
        %dma_start3A_117 = tpu.memref_slice %arg13[%dma_start3A_115, %dma_start3A_116] : memref<10240x64xf32, #tpu.memory_space<vmem_shared>> -> memref<10240x64xf32, #tpu.memory_space<vmem_shared>>
        tpu.enqueue_indirect_dma source(%arg11 : memref<128x64xf32, #tpu.memory_space<vmem>>) target(%dma_start3A_117 : memref<10240x64xf32, #tpu.memory_space<vmem_shared>>) offsets(%dma_start3A_114 : memref<128xi32, #tpu.memory_space<vmem>>) semaphore(%arg20 : memref<!tpu.dma_semaphore, #tpu.memory_space<semaphore_mem>>) {add = true}
        %add3A_118 = arith.constant 3 : i32
        %add3A_119 = arith.addi %mul3A_76, %add3A_118 : i32
        %dma_wait3A_120 = arith.constant 0 : i32
        %dma_wait3A_121 = tpu.memref_slice %arg7[%add3A_119, %dma_wait3A_120] : memref<160x128xi32, #tpu.memory_space<vmem>> -> memref<1x128xi32, #tpu.memory_space<vmem>>
        %dma_wait3A_122 = tpu.memref_squeeze %dma_wait3A_121 : memref<1x128xi32, #tpu.memory_space<vmem>> -> memref<128xi32, #tpu.memory_space<vmem>>
        %dma_wait3A_123 = arith.constant 0 : i32
        %dma_wait3A_124 = arith.constant 0 : i32
        %dma_wait3A_125 = tpu.memref_slice %arg3[%dma_wait3A_123, %dma_wait3A_124] : memref<10240x64xf32, #tpu.memory_space<hbm>> -> memref<10240x64xf32, #tpu.memory_space<hbm>>
        tpu.wait_indirect_dma semaphore(%arg17 : memref<!tpu.dma_semaphore, #tpu.memory_space<semaphore_mem>>) src(%dma_wait3A_125 : memref<10240x64xf32, #tpu.memory_space<hbm>>) dst(%arg12 : memref<128x64xf32, #tpu.memory_space<vmem>>)
        %dma_start3A_126 = arith.constant 0 : i32
        %dma_start3A_127 = tpu.memref_slice %arg8[%add3A_119, %dma_start3A_126] : memref<160x128xi32, #tpu.memory_space<vmem>> -> memref<1x128xi32, #tpu.memory_space<vmem>>
        %dma_start3A_128 = tpu.memref_squeeze %dma_start3A_127 : memref<1x128xi32, #tpu.memory_space<vmem>> -> memref<128xi32, #tpu.memory_space<vmem>>
        %dma_start3A_129 = arith.constant 0 : i32
        %dma_start3A_130 = arith.constant 0 : i32
        %dma_start3A_131 = tpu.memref_slice %arg13[%dma_start3A_129, %dma_start3A_130] : memref<10240x64xf32, #tpu.memory_space<vmem_shared>> -> memref<10240x64xf32, #tpu.memory_space<vmem_shared>>
        tpu.enqueue_indirect_dma source(%arg12 : memref<128x64xf32, #tpu.memory_space<vmem>>) target(%dma_start3A_131 : memref<10240x64xf32, #tpu.memory_space<vmem_shared>>) offsets(%dma_start3A_128 : memref<128xi32, #tpu.memory_space<vmem>>) semaphore(%arg21 : memref<!tpu.dma_semaphore, #tpu.memory_space<semaphore_mem>>) {add = true}
        %add3A_132 = arith.constant 4 : i32
        %add3A_133 = arith.addi %mul3A_76, %add3A_132 : i32
        %add3A_134 = arith.constant 0 : i32
        %add3A_135 = arith.addi %add3A_133, %add3A_134 : i32
        %lt3A = arith.constant 160 : i32
        %lt3A_136 = arith.cmpi slt, %add3A_135, %lt3A : i32
        %convert_element_type3A_137 = arith.extui %lt3A_136 : i1 to i32
        %cond3A_138 = arith.constant 0 : i32
        %cond3A_139 = arith.cmpi ne, %convert_element_type3A_137, %cond3A_138 : i32
        scf.if %cond3A_139 {
          %add3A_167 = arith.constant 0 : i32
          %add3A_168 = arith.addi %mul3A_76, %add3A_167 : i32
          %dma_wait3A_169 = arith.constant 0 : i32
          %dma_wait3A_170 = tpu.memref_slice %arg8[%add3A_168, %dma_wait3A_169] : memref<160x128xi32, #tpu.memory_space<vmem>> -> memref<1x128xi32, #tpu.memory_space<vmem>>
          %dma_wait3A_171 = tpu.memref_squeeze %dma_wait3A_170 : memref<1x128xi32, #tpu.memory_space<vmem>> -> memref<128xi32, #tpu.memory_space<vmem>>
          %dma_wait3A_172 = arith.constant 0 : i32
          %dma_wait3A_173 = arith.constant 0 : i32
          %dma_wait3A_174 = tpu.memref_slice %arg13[%dma_wait3A_172, %dma_wait3A_173] : memref<10240x64xf32, #tpu.memory_space<vmem_shared>> -> memref<10240x64xf32, #tpu.memory_space<vmem_shared>>
          tpu.wait_indirect_dma semaphore(%arg18 : memref<!tpu.dma_semaphore, #tpu.memory_space<semaphore_mem>>) src(%arg9 : memref<128x64xf32, #tpu.memory_space<vmem>>) dst(%dma_wait3A_174 : memref<10240x64xf32, #tpu.memory_space<vmem_shared>>)
          %dma_start3A_175 = arith.constant 0 : i32
          %dma_start3A_176 = tpu.memref_slice %arg7[%add3A_135, %dma_start3A_175] : memref<160x128xi32, #tpu.memory_space<vmem>> -> memref<1x128xi32, #tpu.memory_space<vmem>>
          %dma_start3A_177 = tpu.memref_squeeze %dma_start3A_176 : memref<1x128xi32, #tpu.memory_space<vmem>> -> memref<128xi32, #tpu.memory_space<vmem>>
          %dma_start3A_178 = arith.constant 0 : i32
          %dma_start3A_179 = arith.constant 0 : i32
          %dma_start3A_180 = tpu.memref_slice %arg3[%dma_start3A_178, %dma_start3A_179] : memref<10240x64xf32, #tpu.memory_space<hbm>> -> memref<10240x64xf32, #tpu.memory_space<hbm>>
          tpu.enqueue_indirect_dma source(%dma_start3A_180 : memref<10240x64xf32, #tpu.memory_space<hbm>>) target(%arg9 : memref<128x64xf32, #tpu.memory_space<vmem>>) offsets(%dma_start3A_177 : memref<128xi32, #tpu.memory_space<vmem>>) semaphore(%arg14 : memref<!tpu.dma_semaphore, #tpu.memory_space<semaphore_mem>>)
        } else {
        }
        %add3A_140 = arith.constant 4 : i32
        %add3A_141 = arith.addi %mul3A_76, %add3A_140 : i32
        %add3A_142 = arith.constant 1 : i32
        %add3A_143 = arith.addi %add3A_141, %add3A_142 : i32
        %lt3A_144 = arith.constant 160 : i32
        %lt3A_145 = arith.cmpi slt, %add3A_143, %lt3A_144 : i32
        %convert_element_type3A_146 = arith.extui %lt3A_145 : i1 to i32
        %cond3A_147 = arith.constant 0 : i32
        %cond3A_148 = arith.cmpi ne, %convert_element_type3A_146, %cond3A_147 : i32
        scf.if %cond3A_148 {
          %add3A_167 = arith.constant 1 : i32
          %add3A_168 = arith.addi %mul3A_76, %add3A_167 : i32
          %dma_wait3A_169 = arith.constant 0 : i32
          %dma_wait3A_170 = tpu.memref_slice %arg8[%add3A_168, %dma_wait3A_169] : memref<160x128xi32, #tpu.memory_space<vmem>> -> memref<1x128xi32, #tpu.memory_space<vmem>>
          %dma_wait3A_171 = tpu.memref_squeeze %dma_wait3A_170 : memref<1x128xi32, #tpu.memory_space<vmem>> -> memref<128xi32, #tpu.memory_space<vmem>>
          %dma_wait3A_172 = arith.constant 0 : i32
          %dma_wait3A_173 = arith.constant 0 : i32
          %dma_wait3A_174 = tpu.memref_slice %arg13[%dma_wait3A_172, %dma_wait3A_173] : memref<10240x64xf32, #tpu.memory_space<vmem_shared>> -> memref<10240x64xf32, #tpu.memory_space<vmem_shared>>
          tpu.wait_indirect_dma semaphore(%arg19 : memref<!tpu.dma_semaphore, #tpu.memory_space<semaphore_mem>>) src(%arg10 : memref<128x64xf32, #tpu.memory_space<vmem>>) dst(%dma_wait3A_174 : memref<10240x64xf32, #tpu.memory_space<vmem_shared>>)
          %dma_start3A_175 = arith.constant 0 : i32
          %dma_start3A_176 = tpu.memref_slice %arg7[%add3A_143, %dma_start3A_175] : memref<160x128xi32, #tpu.memory_space<vmem>> -> memref<1x128xi32, #tpu.memory_space<vmem>>
          %dma_start3A_177 = tpu.memref_squeeze %dma_start3A_176 : memref<1x128xi32, #tpu.memory_space<vmem>> -> memref<128xi32, #tpu.memory_space<vmem>>
          %dma_start3A_178 = arith.constant 0 : i32
          %dma_start3A_179 = arith.constant 0 : i32
          %dma_start3A_180 = tpu.memref_slice %arg3[%dma_start3A_178, %dma_start3A_179] : memref<10240x64xf32, #tpu.memory_space<hbm>> -> memref<10240x64xf32, #tpu.memory_space<hbm>>
          tpu.enqueue_indirect_dma source(%dma_start3A_180 : memref<10240x64xf32, #tpu.memory_space<hbm>>) target(%arg10 : memref<128x64xf32, #tpu.memory_space<vmem>>) offsets(%dma_start3A_177 : memref<128xi32, #tpu.memory_space<vmem>>) semaphore(%arg15 : memref<!tpu.dma_semaphore, #tpu.memory_space<semaphore_mem>>)
        } else {
        }
        %add3A_149 = arith.constant 4 : i32
        %add3A_150 = arith.addi %mul3A_76, %add3A_149 : i32
        %add3A_151 = arith.constant 2 : i32
        %add3A_152 = arith.addi %add3A_150, %add3A_151 : i32
        %lt3A_153 = arith.constant 160 : i32
        %lt3A_154 = arith.cmpi slt, %add3A_152, %lt3A_153 : i32
        %convert_element_type3A_155 = arith.extui %lt3A_154 : i1 to i32
        %cond3A_156 = arith.constant 0 : i32
        %cond3A_157 = arith.cmpi ne, %convert_element_type3A_155, %cond3A_156 : i32
        scf.if %cond3A_157 {
          %add3A_167 = arith.constant 2 : i32
          %add3A_168 = arith.addi %mul3A_76, %add3A_167 : i32
          %dma_wait3A_169 = arith.constant 0 : i32
          %dma_wait3A_170 = tpu.memref_slice %arg8[%add3A_168, %dma_wait3A_169] : memref<160x128xi32, #tpu.memory_space<vmem>> -> memref<1x128xi32, #tpu.memory_space<vmem>>
          %dma_wait3A_171 = tpu.memref_squeeze %dma_wait3A_170 : memref<1x128xi32, #tpu.memory_space<vmem>> -> memref<128xi32, #tpu.memory_space<vmem>>
          %dma_wait3A_172 = arith.constant 0 : i32
          %dma_wait3A_173 = arith.constant 0 : i32
          %dma_wait3A_174 = tpu.memref_slice %arg13[%dma_wait3A_172, %dma_wait3A_173] : memref<10240x64xf32, #tpu.memory_space<vmem_shared>> -> memref<10240x64xf32, #tpu.memory_space<vmem_shared>>
          tpu.wait_indirect_dma semaphore(%arg20 : memref<!tpu.dma_semaphore, #tpu.memory_space<semaphore_mem>>) src(%arg11 : memref<128x64xf32, #tpu.memory_space<vmem>>) dst(%dma_wait3A_174 : memref<10240x64xf32, #tpu.memory_space<vmem_shared>>)
          %dma_start3A_175 = arith.constant 0 : i32
          %dma_start3A_176 = tpu.memref_slice %arg7[%add3A_152, %dma_start3A_175] : memref<160x128xi32, #tpu.memory_space<vmem>> -> memref<1x128xi32, #tpu.memory_space<vmem>>
          %dma_start3A_177 = tpu.memref_squeeze %dma_start3A_176 : memref<1x128xi32, #tpu.memory_space<vmem>> -> memref<128xi32, #tpu.memory_space<vmem>>
          %dma_start3A_178 = arith.constant 0 : i32
          %dma_start3A_179 = arith.constant 0 : i32
          %dma_start3A_180 = tpu.memref_slice %arg3[%dma_start3A_178, %dma_start3A_179] : memref<10240x64xf32, #tpu.memory_space<hbm>> -> memref<10240x64xf32, #tpu.memory_space<hbm>>
          tpu.enqueue_indirect_dma source(%dma_start3A_180 : memref<10240x64xf32, #tpu.memory_space<hbm>>) target(%arg11 : memref<128x64xf32, #tpu.memory_space<vmem>>) offsets(%dma_start3A_177 : memref<128xi32, #tpu.memory_space<vmem>>) semaphore(%arg16 : memref<!tpu.dma_semaphore, #tpu.memory_space<semaphore_mem>>)
        } else {
        }
        %add3A_158 = arith.constant 4 : i32
        %add3A_159 = arith.addi %mul3A_76, %add3A_158 : i32
        %add3A_160 = arith.constant 3 : i32
        %add3A_161 = arith.addi %add3A_159, %add3A_160 : i32
        %lt3A_162 = arith.constant 160 : i32
        %lt3A_163 = arith.cmpi slt, %add3A_161, %lt3A_162 : i32
        %convert_element_type3A_164 = arith.extui %lt3A_163 : i1 to i32
        %cond3A_165 = arith.constant 0 : i32
        %cond3A_166 = arith.cmpi ne, %convert_element_type3A_164, %cond3A_165 : i32
        scf.if %cond3A_166 {
          %add3A_167 = arith.constant 3 : i32
          %add3A_168 = arith.addi %mul3A_76, %add3A_167 : i32
          %dma_wait3A_169 = arith.constant 0 : i32
          %dma_wait3A_170 = tpu.memref_slice %arg8[%add3A_168, %dma_wait3A_169] : memref<160x128xi32, #tpu.memory_space<vmem>> -> memref<1x128xi32, #tpu.memory_space<vmem>>
          %dma_wait3A_171 = tpu.memref_squeeze %dma_wait3A_170 : memref<1x128xi32, #tpu.memory_space<vmem>> -> memref<128xi32, #tpu.memory_space<vmem>>
          %dma_wait3A_172 = arith.constant 0 : i32
          %dma_wait3A_173 = arith.constant 0 : i32
          %dma_wait3A_174 = tpu.memref_slice %arg13[%dma_wait3A_172, %dma_wait3A_173] : memref<10240x64xf32, #tpu.memory_space<vmem_shared>> -> memref<10240x64xf32, #tpu.memory_space<vmem_shared>>
          tpu.wait_indirect_dma semaphore(%arg21 : memref<!tpu.dma_semaphore, #tpu.memory_space<semaphore_mem>>) src(%arg12 : memref<128x64xf32, #tpu.memory_space<vmem>>) dst(%dma_wait3A_174 : memref<10240x64xf32, #tpu.memory_space<vmem_shared>>)
          %dma_start3A_175 = arith.constant 0 : i32
          %dma_start3A_176 = tpu.memref_slice %arg7[%add3A_161, %dma_start3A_175] : memref<160x128xi32, #tpu.memory_space<vmem>> -> memref<1x128xi32, #tpu.memory_space<vmem>>
          %dma_start3A_177 = tpu.memref_squeeze %dma_start3A_176 : memref<1x128xi32, #tpu.memory_space<vmem>> -> memref<128xi32, #tpu.memory_space<vmem>>
          %dma_start3A_178 = arith.constant 0 : i32
          %dma_start3A_179 = arith.constant 0 : i32
          %dma_start3A_180 = tpu.memref_slice %arg3[%dma_start3A_178, %dma_start3A_179] : memref<10240x64xf32, #tpu.memory_space<hbm>> -> memref<10240x64xf32, #tpu.memory_space<hbm>>
          tpu.enqueue_indirect_dma source(%dma_start3A_180 : memref<10240x64xf32, #tpu.memory_space<hbm>>) target(%arg12 : memref<128x64xf32, #tpu.memory_space<vmem>>) offsets(%dma_start3A_177 : memref<128xi32, #tpu.memory_space<vmem>>) semaphore(%arg17 : memref<!tpu.dma_semaphore, #tpu.memory_space<semaphore_mem>>)
        } else {
        }
      }
      %scan3A_46 = arith.constant 40 : i32
      %dma_wait3A = arith.constant 0 : i32
      %dma_wait3A_47 = arith.constant 0 : i32
      %dma_wait3A_48 = tpu.memref_slice %arg8[%dma_wait3A, %dma_wait3A_47] : memref<160x128xi32, #tpu.memory_space<vmem>> -> memref<1x128xi32, #tpu.memory_space<vmem>>
      %dma_wait3A_49 = tpu.memref_squeeze %dma_wait3A_48 : memref<1x128xi32, #tpu.memory_space<vmem>> -> memref<128xi32, #tpu.memory_space<vmem>>
      %dma_wait3A_50 = arith.constant 0 : i32
      %dma_wait3A_51 = arith.constant 0 : i32
      %dma_wait3A_52 = tpu.memref_slice %arg13[%dma_wait3A_50, %dma_wait3A_51] : memref<10240x64xf32, #tpu.memory_space<vmem_shared>> -> memref<10240x64xf32, #tpu.memory_space<vmem_shared>>
      tpu.wait_indirect_dma semaphore(%arg18 : memref<!tpu.dma_semaphore, #tpu.memory_space<semaphore_mem>>) src(%arg9 : memref<128x64xf32, #tpu.memory_space<vmem>>) dst(%dma_wait3A_52 : memref<10240x64xf32, #tpu.memory_space<vmem_shared>>)
      %dma_wait3A_53 = arith.constant 0 : i32
      %dma_wait3A_54 = arith.constant 0 : i32
      %dma_wait3A_55 = tpu.memref_slice %arg8[%dma_wait3A_53, %dma_wait3A_54] : memref<160x128xi32, #tpu.memory_space<vmem>> -> memref<1x128xi32, #tpu.memory_space<vmem>>
      %dma_wait3A_56 = tpu.memref_squeeze %dma_wait3A_55 : memref<1x128xi32, #tpu.memory_space<vmem>> -> memref<128xi32, #tpu.memory_space<vmem>>
      %dma_wait3A_57 = arith.constant 0 : i32
      %dma_wait3A_58 = arith.constant 0 : i32
      %dma_wait3A_59 = tpu.memref_slice %arg13[%dma_wait3A_57, %dma_wait3A_58] : memref<10240x64xf32, #tpu.memory_space<vmem_shared>> -> memref<10240x64xf32, #tpu.memory_space<vmem_shared>>
      tpu.wait_indirect_dma semaphore(%arg19 : memref<!tpu.dma_semaphore, #tpu.memory_space<semaphore_mem>>) src(%arg10 : memref<128x64xf32, #tpu.memory_space<vmem>>) dst(%dma_wait3A_59 : memref<10240x64xf32, #tpu.memory_space<vmem_shared>>)
      %dma_wait3A_60 = arith.constant 0 : i32
      %dma_wait3A_61 = arith.constant 0 : i32
      %dma_wait3A_62 = tpu.memref_slice %arg8[%dma_wait3A_60, %dma_wait3A_61] : memref<160x128xi32, #tpu.memory_space<vmem>> -> memref<1x128xi32, #tpu.memory_space<vmem>>
      %dma_wait3A_63 = tpu.memref_squeeze %dma_wait3A_62 : memref<1x128xi32, #tpu.memory_space<vmem>> -> memref<128xi32, #tpu.memory_space<vmem>>
      %dma_wait3A_64 = arith.constant 0 : i32
      %dma_wait3A_65 = arith.constant 0 : i32
      %dma_wait3A_66 = tpu.memref_slice %arg13[%dma_wait3A_64, %dma_wait3A_65] : memref<10240x64xf32, #tpu.memory_space<vmem_shared>> -> memref<10240x64xf32, #tpu.memory_space<vmem_shared>>
      tpu.wait_indirect_dma semaphore(%arg20 : memref<!tpu.dma_semaphore, #tpu.memory_space<semaphore_mem>>) src(%arg11 : memref<128x64xf32, #tpu.memory_space<vmem>>) dst(%dma_wait3A_66 : memref<10240x64xf32, #tpu.memory_space<vmem_shared>>)
      %dma_wait3A_67 = arith.constant 0 : i32
      %dma_wait3A_68 = arith.constant 0 : i32
      %dma_wait3A_69 = tpu.memref_slice %arg8[%dma_wait3A_67, %dma_wait3A_68] : memref<160x128xi32, #tpu.memory_space<vmem>> -> memref<1x128xi32, #tpu.memory_space<vmem>>
      %dma_wait3A_70 = tpu.memref_squeeze %dma_wait3A_69 : memref<1x128xi32, #tpu.memory_space<vmem>> -> memref<128xi32, #tpu.memory_space<vmem>>
      %dma_wait3A_71 = arith.constant 0 : i32
      %dma_wait3A_72 = arith.constant 0 : i32
      %dma_wait3A_73 = tpu.memref_slice %arg13[%dma_wait3A_71, %dma_wait3A_72] : memref<10240x64xf32, #tpu.memory_space<vmem_shared>> -> memref<10240x64xf32, #tpu.memory_space<vmem_shared>>
      tpu.wait_indirect_dma semaphore(%arg21 : memref<!tpu.dma_semaphore, #tpu.memory_space<semaphore_mem>>) src(%arg12 : memref<128x64xf32, #tpu.memory_space<vmem>>) dst(%dma_wait3A_73 : memref<10240x64xf32, #tpu.memory_space<vmem_shared>>)
    } else {
    }
    %barrier3A = arith.constant 0 : index
    tpu.barrier barrier_id(%barrier3A)
    %mul3A = arith.constant 640 : i32
    %mul3A_7 = arith.muli %arg1, %mul3A : i32
    %mul3A_8 = arith.constant 640 : i32
    %mul3A_9 = arith.muli %arg1, %mul3A_8 : i32
    "tpu.region"() ({
      %run_scoped3A = tpu.sem_alloc : memref<!tpu.dma_semaphore, #tpu.memory_space<semaphore_mem>>
      %dma_start3A = arith.constant 0 : i32
      %dma_start3A_10 = tpu.memref_slice %arg6[%arg0, %mul3A_9, %dma_start3A] : memref<2x10240x64xf32, #tpu.memory_space<hbm>> -> memref<1x640x64xf32, #tpu.memory_space<hbm>>
      %dma_start3A_11 = tpu.memref_squeeze %dma_start3A_10 : memref<1x640x64xf32, #tpu.memory_space<hbm>> -> memref<640x64xf32, #tpu.memory_space<hbm>>
      %dma_start3A_12 = arith.constant 0 : i32
      %dma_start3A_13 = tpu.memref_slice %arg13[%mul3A_7, %dma_start3A_12] : memref<10240x64xf32, #tpu.memory_space<vmem_shared>> -> memref<640x64xf32, #tpu.memory_space<vmem_shared>>
      tpu.enqueue_dma source(%dma_start3A_13 : memref<640x64xf32, #tpu.memory_space<vmem_shared>>) target(%dma_start3A_11 : memref<640x64xf32, #tpu.memory_space<hbm>>) target_semaphore(%run_scoped3A : memref<!tpu.dma_semaphore, #tpu.memory_space<semaphore_mem>>)
      %dma_wait3A = arith.constant 0 : i32
      %dma_wait3A_14 = tpu.memref_slice %arg6[%arg0, %mul3A_9, %dma_wait3A] : memref<2x10240x64xf32, #tpu.memory_space<hbm>> -> memref<1x640x64xf32, #tpu.memory_space<hbm>>
      %dma_wait3A_15 = tpu.memref_squeeze %dma_wait3A_14 : memref<1x640x64xf32, #tpu.memory_space<hbm>> -> memref<640x64xf32, #tpu.memory_space<hbm>>
      %dma_wait3A_16 = arith.constant 0 : i32
      %dma_wait3A_17 = tpu.memref_slice %arg13[%mul3A_7, %dma_wait3A_16] : memref<10240x64xf32, #tpu.memory_space<vmem_shared>> -> memref<640x64xf32, #tpu.memory_space<vmem_shared>>
      tpu.wait_dma2 semaphore(%run_scoped3A : memref<!tpu.dma_semaphore, #tpu.memory_space<semaphore_mem>>) src(%dma_wait3A_17 : memref<640x64xf32, #tpu.memory_space<vmem_shared>>) dst(%dma_wait3A_15 : memref<640x64xf32, #tpu.memory_space<hbm>>)
      tpu.yield
    }) : () -> ()
    return
  }
}

#map = affine_map<(d0, d1) -> (0, 0)>
#map1 = affine_map<(d0, d1) -> (0, 0, 0)>
module attributes {stable_mosaic.version = 14 : i64} {
  func.func @body(%arg0: i32, %arg1: i32, %arg2: memref<10240x64xf32, #tpu.memory_space<hbm>>, %arg3: memref<10240x64xf32, #tpu.memory_space<hbm>>, %arg4: memref<16x160x128xi32, #tpu.memory_space<hbm>>, %arg5: memref<16x160x128xi32, #tpu.memory_space<hbm>>, %arg6: memref<2x10240x64xf32, #tpu.memory_space<hbm>>, %arg7: memref<160x128xi32, #tpu.memory_space<vmem>>, %arg8: memref<160x128xi32, #tpu.memory_space<vmem>>, %arg9: memref<128x64xf32, #tpu.memory_space<vmem>>, %arg10: memref<128x64xf32, #tpu.memory_space<vmem>>, %arg11: memref<128x64xf32, #tpu.memory_space<vmem>>, %arg12: memref<128x64xf32, #tpu.memory_space<vmem>>, %arg13: memref<10240x64xf32, #tpu.memory_space<vmem_shared>>, %arg14: memref<!tpu.dma_semaphore, #tpu.memory_space<semaphore_mem>>, %arg15: memref<!tpu.dma_semaphore, #tpu.memory_space<semaphore_mem>>, %arg16: memref<!tpu.dma_semaphore, #tpu.memory_space<semaphore_mem>>, %arg17: memref<!tpu.dma_semaphore, #tpu.memory_space<semaphore_mem>>, %arg18: memref<!tpu.dma_semaphore, #tpu.memory_space<semaphore_mem>>, %arg19: memref<!tpu.dma_semaphore, #tpu.memory_space<semaphore_mem>>, %arg20: memref<!tpu.dma_semaphore, #tpu.memory_space<semaphore_mem>>, %arg21: memref<!tpu.dma_semaphore, #tpu.memory_space<semaphore_mem>>) attributes {dimension_semantics = [#tpu.dimension_semantics<core_parallel>, #tpu.dimension_semantics<subcore_parallel>], iteration_bounds = array<i64: 2, 16>, scalar_prefetch = 0 : i64, scratch_operands = 15 : i64, tpu.core_type = #tpu.core_type<sc_vector_subcore>, window_params = [{transform_indices = #map}, {transform_indices = #map}, {transform_indices = #map1}, {transform_indices = #map1}, {transform_indices = #map1}]} {
    "tpu.region"() ({
      %run_scoped3A = tpu.sem_alloc : memref<!tpu.dma_semaphore, #tpu.memory_space<semaphore_mem>>
      %dma_start3A = arith.constant 0 : i32
      %dma_start3A_10 = arith.constant 0 : i32
      %dma_start3A_11 = tpu.memref_slice %arg4[%arg1, %dma_start3A, %dma_start3A_10] : memref<16x160x128xi32, #tpu.memory_space<hbm>> -> memref<1x160x128xi32, #tpu.memory_space<hbm>>
      %dma_start3A_12 = tpu.memref_squeeze %dma_start3A_11 : memref<1x160x128xi32, #tpu.memory_space<hbm>> -> memref<160x128xi32, #tpu.memory_space<hbm>>
      %dma_start3A_13 = arith.constant 0 : i32
      %dma_start3A_14 = arith.constant 0 : i32
      %dma_start3A_15 = tpu.memref_slice %arg4[%arg1, %dma_start3A_13, %dma_start3A_14] : memref<16x160x128xi32, #tpu.memory_space<hbm>> -> memref<1x160x128xi32, #tpu.memory_space<hbm>>
      %dma_start3A_16 = tpu.memref_squeeze %dma_start3A_15 : memref<1x160x128xi32, #tpu.memory_space<hbm>> -> memref<160x128xi32, #tpu.memory_space<hbm>>
      tpu.enqueue_dma source(%dma_start3A_16 : memref<160x128xi32, #tpu.memory_space<hbm>>) target(%arg7 : memref<160x128xi32, #tpu.memory_space<vmem>>) target_semaphore(%run_scoped3A : memref<!tpu.dma_semaphore, #tpu.memory_space<semaphore_mem>>)
      %dma_wait3A = arith.constant 0 : i32
      %dma_wait3A_17 = arith.constant 0 : i32
      %dma_wait3A_18 = tpu.memref_slice %arg4[%arg1, %dma_wait3A, %dma_wait3A_17] : memref<16x160x128xi32, #tpu.memory_space<hbm>> -> memref<1x160x128xi32, #tpu.memory_space<hbm>>
      %dma_wait3A_19 = tpu.memref_squeeze %dma_wait3A_18 : memref<1x160x128xi32, #tpu.memory_space<hbm>> -> memref<160x128xi32, #tpu.memory_space<hbm>>
      %dma_wait3A_20 = arith.constant 0 : i32
      %dma_wait3A_21 = arith.constant 0 : i32
      %dma_wait3A_22 = tpu.memref_slice %arg4[%arg1, %dma_wait3A_20, %dma_wait3A_21] : memref<16x160x128xi32, #tpu.memory_space<hbm>> -> memref<1x160x128xi32, #tpu.memory_space<hbm>>
      %dma_wait3A_23 = tpu.memref_squeeze %dma_wait3A_22 : memref<1x160x128xi32, #tpu.memory_space<hbm>> -> memref<160x128xi32, #tpu.memory_space<hbm>>
      tpu.wait_dma2 semaphore(%run_scoped3A : memref<!tpu.dma_semaphore, #tpu.memory_space<semaphore_mem>>) src(%dma_wait3A_23 : memref<160x128xi32, #tpu.memory_space<hbm>>) dst(%arg7 : memref<160x128xi32, #tpu.memory_space<vmem>>)
      tpu.yield
    }) : () -> ()
    "tpu.region"() ({
      %run_scoped3A = tpu.sem_alloc : memref<!tpu.dma_semaphore, #tpu.memory_space<semaphore_mem>>
      %dma_start3A = arith.constant 0 : i32
      %dma_start3A_10 = arith.constant 0 : i32
      %dma_start3A_11 = tpu.memref_slice %arg5[%arg1, %dma_start3A, %dma_start3A_10] : memref<16x160x128xi32, #tpu.memory_space<hbm>> -> memref<1x160x128xi32, #tpu.memory_space<hbm>>
      %dma_start3A_12 = tpu.memref_squeeze %dma_start3A_11 : memref<1x160x128xi32, #tpu.memory_space<hbm>> -> memref<160x128xi32, #tpu.memory_space<hbm>>
      %dma_start3A_13 = arith.constant 0 : i32
      %dma_start3A_14 = arith.constant 0 : i32
      %dma_start3A_15 = tpu.memref_slice %arg5[%arg1, %dma_start3A_13, %dma_start3A_14] : memref<16x160x128xi32, #tpu.memory_space<hbm>> -> memref<1x160x128xi32, #tpu.memory_space<hbm>>
      %dma_start3A_16 = tpu.memref_squeeze %dma_start3A_15 : memref<1x160x128xi32, #tpu.memory_space<hbm>> -> memref<160x128xi32, #tpu.memory_space<hbm>>
      tpu.enqueue_dma source(%dma_start3A_16 : memref<160x128xi32, #tpu.memory_space<hbm>>) target(%arg8 : memref<160x128xi32, #tpu.memory_space<vmem>>) target_semaphore(%run_scoped3A : memref<!tpu.dma_semaphore, #tpu.memory_space<semaphore_mem>>)
      %dma_wait3A = arith.constant 0 : i32
      %dma_wait3A_17 = arith.constant 0 : i32
      %dma_wait3A_18 = tpu.memref_slice %arg5[%arg1, %dma_wait3A, %dma_wait3A_17] : memref<16x160x128xi32, #tpu.memory_space<hbm>> -> memref<1x160x128xi32, #tpu.memory_space<hbm>>
      %dma_wait3A_19 = tpu.memref_squeeze %dma_wait3A_18 : memref<1x160x128xi32, #tpu.memory_space<hbm>> -> memref<160x128xi32, #tpu.memory_space<hbm>>
      %dma_wait3A_20 = arith.constant 0 : i32
      %dma_wait3A_21 = arith.constant 0 : i32
      %dma_wait3A_22 = tpu.memref_slice %arg5[%arg1, %dma_wait3A_20, %dma_wait3A_21] : memref<16x160x128xi32, #tpu.memory_space<hbm>> -> memref<1x160x128xi32, #tpu.memory_space<hbm>>
      %dma_wait3A_23 = tpu.memref_squeeze %dma_wait3A_22 : memref<1x160x128xi32, #tpu.memory_space<hbm>> -> memref<160x128xi32, #tpu.memory_space<hbm>>
      tpu.wait_dma2 semaphore(%run_scoped3A : memref<!tpu.dma_semaphore, #tpu.memory_space<semaphore_mem>>) src(%dma_wait3A_23 : memref<160x128xi32, #tpu.memory_space<hbm>>) dst(%arg8 : memref<160x128xi32, #tpu.memory_space<vmem>>)
      tpu.yield
    }) : () -> ()
    %eq3A = arith.constant 0 : i32
    %eq3A_0 = arith.cmpi eq, %arg0, %eq3A : i32
    %convert_element_type3A = arith.extui %eq3A_0 : i1 to i32
    %cond3A = arith.constant 0 : i32
    %cond3A_1 = arith.cmpi ne, %convert_element_type3A, %cond3A : i32
    scf.if %cond3A_1 {
      %mul3A_10 = arith.constant 640 : i32
      %mul3A_11 = arith.muli %arg1, %mul3A_10 : i32
      %mul3A_12 = arith.constant 640 : i32
      %mul3A_13 = arith.muli %arg1, %mul3A_12 : i32
      "tpu.region"() ({
        %run_scoped3A = tpu.sem_alloc : memref<!tpu.dma_semaphore, #tpu.memory_space<semaphore_mem>>
        %dma_start3A_74 = arith.constant 0 : i32
        %dma_start3A_75 = tpu.memref_slice %arg13[%mul3A_13, %dma_start3A_74] : memref<10240x64xf32, #tpu.memory_space<vmem_shared>> -> memref<640x64xf32, #tpu.memory_space<vmem_shared>>
        %dma_start3A_76 = arith.constant 0 : i32
        %dma_start3A_77 = tpu.memref_slice %arg2[%mul3A_11, %dma_start3A_76] : memref<10240x64xf32, #tpu.memory_space<hbm>> -> memref<640x64xf32, #tpu.memory_space<hbm>>
        tpu.enqueue_dma source(%dma_start3A_77 : memref<640x64xf32, #tpu.memory_space<hbm>>) target(%dma_start3A_75 : memref<640x64xf32, #tpu.memory_space<vmem_shared>>) target_semaphore(%run_scoped3A : memref<!tpu.dma_semaphore, #tpu.memory_space<semaphore_mem>>)
        %dma_wait3A_78 = arith.constant 0 : i32
        %dma_wait3A_79 = tpu.memref_slice %arg13[%mul3A_13, %dma_wait3A_78] : memref<10240x64xf32, #tpu.memory_space<vmem_shared>> -> memref<640x64xf32, #tpu.memory_space<vmem_shared>>
        %dma_wait3A_80 = arith.constant 0 : i32
        %dma_wait3A_81 = tpu.memref_slice %arg2[%mul3A_11, %dma_wait3A_80] : memref<10240x64xf32, #tpu.memory_space<hbm>> -> memref<640x64xf32, #tpu.memory_space<hbm>>
        tpu.wait_dma2 semaphore(%run_scoped3A : memref<!tpu.dma_semaphore, #tpu.memory_space<semaphore_mem>>) src(%dma_wait3A_81 : memref<640x64xf32, #tpu.memory_space<hbm>>) dst(%dma_wait3A_79 : memref<640x64xf32, #tpu.memory_space<vmem_shared>>)
        tpu.yield
      }) : () -> ()
      %barrier3A_14 = arith.constant 0 : index
      tpu.barrier barrier_id(%barrier3A_14)
      %dma_start3A = arith.constant 0 : i32
      %dma_start3A_15 = arith.constant 0 : i32
      %dma_start3A_16 = tpu.memref_slice %arg7[%dma_start3A, %dma_start3A_15] : memref<160x128xi32, #tpu.memory_space<vmem>> -> memref<1x128xi32, #tpu.memory_space<vmem>>
      %dma_start3A_17 = tpu.memref_squeeze %dma_start3A_16 : memref<1x128xi32, #tpu.memory_space<vmem>> -> memref<128xi32, #tpu.memory_space<vmem>>
      %dma_start3A_18 = arith.constant 0 : i32
      %dma_start3A_19 = arith.constant 0 : i32
      %dma_start3A_20 = tpu.memref_slice %arg2[%dma_start3A_18, %dma_start3A_19] : memref<10240x64xf32, #tpu.memory_space<hbm>> -> memref<10240x64xf32, #tpu.memory_space<hbm>>
      tpu.enqueue_indirect_dma source(%dma_start3A_20 : memref<10240x64xf32, #tpu.memory_space<hbm>>) target(%arg9 : memref<128x64xf32, #tpu.memory_space<vmem>>) offsets(%dma_start3A_17 : memref<128xi32, #tpu.memory_space<vmem>>) semaphore(%arg14 : memref<!tpu.dma_semaphore, #tpu.memory_space<semaphore_mem>>)
      %dma_start3A_21 = arith.constant 1 : i32
      %dma_start3A_22 = arith.constant 0 : i32
      %dma_start3A_23 = tpu.memref_slice %arg7[%dma_start3A_21, %dma_start3A_22] : memref<160x128xi32, #tpu.memory_space<vmem>> -> memref<1x128xi32, #tpu.memory_space<vmem>>
      %dma_start3A_24 = tpu.memref_squeeze %dma_start3A_23 : memref<1x128xi32, #tpu.memory_space<vmem>> -> memref<128xi32, #tpu.memory_space<vmem>>
      %dma_start3A_25 = arith.constant 0 : i32
      %dma_start3A_26 = arith.constant 0 : i32
      %dma_start3A_27 = tpu.memref_slice %arg2[%dma_start3A_25, %dma_start3A_26] : memref<10240x64xf32, #tpu.memory_space<hbm>> -> memref<10240x64xf32, #tpu.memory_space<hbm>>
      tpu.enqueue_indirect_dma source(%dma_start3A_27 : memref<10240x64xf32, #tpu.memory_space<hbm>>) target(%arg10 : memref<128x64xf32, #tpu.memory_space<vmem>>) offsets(%dma_start3A_24 : memref<128xi32, #tpu.memory_space<vmem>>) semaphore(%arg15 : memref<!tpu.dma_semaphore, #tpu.memory_space<semaphore_mem>>)
      %dma_start3A_28 = arith.constant 2 : i32
      %dma_start3A_29 = arith.constant 0 : i32
      %dma_start3A_30 = tpu.memref_slice %arg7[%dma_start3A_28, %dma_start3A_29] : memref<160x128xi32, #tpu.memory_space<vmem>> -> memref<1x128xi32, #tpu.memory_space<vmem>>
      %dma_start3A_31 = tpu.memref_squeeze %dma_start3A_30 : memref<1x128xi32, #tpu.memory_space<vmem>> -> memref<128xi32, #tpu.memory_space<vmem>>
      %dma_start3A_32 = arith.constant 0 : i32
      %dma_start3A_33 = arith.constant 0 : i32
      %dma_start3A_34 = tpu.memref_slice %arg2[%dma_start3A_32, %dma_start3A_33] : memref<10240x64xf32, #tpu.memory_space<hbm>> -> memref<10240x64xf32, #tpu.memory_space<hbm>>
      tpu.enqueue_indirect_dma source(%dma_start3A_34 : memref<10240x64xf32, #tpu.memory_space<hbm>>) target(%arg11 : memref<128x64xf32, #tpu.memory_space<vmem>>) offsets(%dma_start3A_31 : memref<128xi32, #tpu.memory_space<vmem>>) semaphore(%arg16 : memref<!tpu.dma_semaphore, #tpu.memory_space<semaphore_mem>>)
      %dma_start3A_35 = arith.constant 3 : i32
      %dma_start3A_36 = arith.constant 0 : i32
      %dma_start3A_37 = tpu.memref_slice %arg7[%dma_start3A_35, %dma_start3A_36] : memref<160x128xi32, #tpu.memory_space<vmem>> -> memref<1x128xi32, #tpu.memory_space<vmem>>
      %dma_start3A_38 = tpu.memref_squeeze %dma_start3A_37 : memref<1x128xi32, #tpu.memory_space<vmem>> -> memref<128xi32, #tpu.memory_space<vmem>>
      %dma_start3A_39 = arith.constant 0 : i32
      %dma_start3A_40 = arith.constant 0 : i32
      %dma_start3A_41 = tpu.memref_slice %arg2[%dma_start3A_39, %dma_start3A_40] : memref<10240x64xf32, #tpu.memory_space<hbm>> -> memref<10240x64xf32, #tpu.memory_space<hbm>>
      tpu.enqueue_indirect_dma source(%dma_start3A_41 : memref<10240x64xf32, #tpu.memory_space<hbm>>) target(%arg12 : memref<128x64xf32, #tpu.memory_space<vmem>>) offsets(%dma_start3A_38 : memref<128xi32, #tpu.memory_space<vmem>>) semaphore(%arg17 : memref<!tpu.dma_semaphore, #tpu.memory_space<semaphore_mem>>)
      %scan3A = arith.constant 0 : i32
      %scan3A_42 = arith.constant 0 : i32
      %scan3A_43 = arith.constant 40 : i32
      %scan3A_44 = arith.addi %scan3A_42, %scan3A_43 : i32
      %scan3A_45 = arith.constant 1 : i32
      scf.for %scan3A_74 = %scan3A_42 to %scan3A_44 step %scan3A_45  : i32 {
        %mul3A_75 = arith.constant 4 : i32
        %mul3A_76 = arith.muli %scan3A_74, %mul3A_75 : i32
        %add3A = arith.constant 0 : i32
        %add3A_77 = arith.addi %mul3A_76, %add3A : i32
        %dma_wait3A_78 = arith.constant 0 : i32
        %dma_wait3A_79 = tpu.memref_slice %arg7[%add3A_77, %dma_wait3A_78] : memref<160x128xi32, #tpu.memory_space<vmem>> -> memref<1x128xi32, #tpu.memory_space<vmem>>
        %dma_wait3A_80 = tpu.memref_squeeze %dma_wait3A_79 : memref<1x128xi32, #tpu.memory_space<vmem>> -> memref<128xi32, #tpu.memory_space<vmem>>
        %dma_wait3A_81 = arith.constant 0 : i32
        %dma_wait3A_82 = arith.constant 0 : i32
        %dma_wait3A_83 = tpu.memref_slice %arg2[%dma_wait3A_81, %dma_wait3A_82] : memref<10240x64xf32, #tpu.memory_space<hbm>> -> memref<10240x64xf32, #tpu.memory_space<hbm>>
        tpu.wait_indirect_dma semaphore(%arg14 : memref<!tpu.dma_semaphore, #tpu.memory_space<semaphore_mem>>) src(%dma_wait3A_83 : memref<10240x64xf32, #tpu.memory_space<hbm>>) dst(%arg9 : memref<128x64xf32, #tpu.memory_space<vmem>>)
        %dma_start3A_84 = arith.constant 0 : i32
        %dma_start3A_85 = tpu.memref_slice %arg8[%add3A_77, %dma_start3A_84] : memref<160x128xi32, #tpu.memory_space<vmem>> -> memref<1x128xi32, #tpu.memory_space<vmem>>
        %dma_start3A_86 = tpu.memref_squeeze %dma_start3A_85 : memref<1x128xi32, #tpu.memory_space<vmem>> -> memref<128xi32, #tpu.memory_space<vmem>>
        %dma_start3A_87 = arith.constant 0 : i32
        %dma_start3A_88 = arith.constant 0 : i32
        %dma_start3A_89 = tpu.memref_slice %arg13[%dma_start3A_87, %dma_start3A_88] : memref<10240x64xf32, #tpu.memory_space<vmem_shared>> -> memref<10240x64xf32, #tpu.memory_space<vmem_shared>>
        tpu.enqueue_indirect_dma source(%arg9 : memref<128x64xf32, #tpu.memory_space<vmem>>) target(%dma_start3A_89 : memref<10240x64xf32, #tpu.memory_space<vmem_shared>>) offsets(%dma_start3A_86 : memref<128xi32, #tpu.memory_space<vmem>>) semaphore(%arg18 : memref<!tpu.dma_semaphore, #tpu.memory_space<semaphore_mem>>) {add = true}
        %add3A_90 = arith.constant 1 : i32
        %add3A_91 = arith.addi %mul3A_76, %add3A_90 : i32
        %dma_wait3A_92 = arith.constant 0 : i32
        %dma_wait3A_93 = tpu.memref_slice %arg7[%add3A_91, %dma_wait3A_92] : memref<160x128xi32, #tpu.memory_space<vmem>> -> memref<1x128xi32, #tpu.memory_space<vmem>>
        %dma_wait3A_94 = tpu.memref_squeeze %dma_wait3A_93 : memref<1x128xi32, #tpu.memory_space<vmem>> -> memref<128xi32, #tpu.memory_space<vmem>>
        %dma_wait3A_95 = arith.constant 0 : i32
        %dma_wait3A_96 = arith.constant 0 : i32
        %dma_wait3A_97 = tpu.memref_slice %arg2[%dma_wait3A_95, %dma_wait3A_96] : memref<10240x64xf32, #tpu.memory_space<hbm>> -> memref<10240x64xf32, #tpu.memory_space<hbm>>
        tpu.wait_indirect_dma semaphore(%arg15 : memref<!tpu.dma_semaphore, #tpu.memory_space<semaphore_mem>>) src(%dma_wait3A_97 : memref<10240x64xf32, #tpu.memory_space<hbm>>) dst(%arg10 : memref<128x64xf32, #tpu.memory_space<vmem>>)
        %dma_start3A_98 = arith.constant 0 : i32
        %dma_start3A_99 = tpu.memref_slice %arg8[%add3A_91, %dma_start3A_98] : memref<160x128xi32, #tpu.memory_space<vmem>> -> memref<1x128xi32, #tpu.memory_space<vmem>>
        %dma_start3A_100 = tpu.memref_squeeze %dma_start3A_99 : memref<1x128xi32, #tpu.memory_space<vmem>> -> memref<128xi32, #tpu.memory_space<vmem>>
        %dma_start3A_101 = arith.constant 0 : i32
        %dma_start3A_102 = arith.constant 0 : i32
        %dma_start3A_103 = tpu.memref_slice %arg13[%dma_start3A_101, %dma_start3A_102] : memref<10240x64xf32, #tpu.memory_space<vmem_shared>> -> memref<10240x64xf32, #tpu.memory_space<vmem_shared>>
        tpu.enqueue_indirect_dma source(%arg10 : memref<128x64xf32, #tpu.memory_space<vmem>>) target(%dma_start3A_103 : memref<10240x64xf32, #tpu.memory_space<vmem_shared>>) offsets(%dma_start3A_100 : memref<128xi32, #tpu.memory_space<vmem>>) semaphore(%arg19 : memref<!tpu.dma_semaphore, #tpu.memory_space<semaphore_mem>>) {add = true}
        %add3A_104 = arith.constant 2 : i32
        %add3A_105 = arith.addi %mul3A_76, %add3A_104 : i32
        %dma_wait3A_106 = arith.constant 0 : i32
        %dma_wait3A_107 = tpu.memref_slice %arg7[%add3A_105, %dma_wait3A_106] : memref<160x128xi32, #tpu.memory_space<vmem>> -> memref<1x128xi32, #tpu.memory_space<vmem>>
        %dma_wait3A_108 = tpu.memref_squeeze %dma_wait3A_107 : memref<1x128xi32, #tpu.memory_space<vmem>> -> memref<128xi32, #tpu.memory_space<vmem>>
        %dma_wait3A_109 = arith.constant 0 : i32
        %dma_wait3A_110 = arith.constant 0 : i32
        %dma_wait3A_111 = tpu.memref_slice %arg2[%dma_wait3A_109, %dma_wait3A_110] : memref<10240x64xf32, #tpu.memory_space<hbm>> -> memref<10240x64xf32, #tpu.memory_space<hbm>>
        tpu.wait_indirect_dma semaphore(%arg16 : memref<!tpu.dma_semaphore, #tpu.memory_space<semaphore_mem>>) src(%dma_wait3A_111 : memref<10240x64xf32, #tpu.memory_space<hbm>>) dst(%arg11 : memref<128x64xf32, #tpu.memory_space<vmem>>)
        %dma_start3A_112 = arith.constant 0 : i32
        %dma_start3A_113 = tpu.memref_slice %arg8[%add3A_105, %dma_start3A_112] : memref<160x128xi32, #tpu.memory_space<vmem>> -> memref<1x128xi32, #tpu.memory_space<vmem>>
        %dma_start3A_114 = tpu.memref_squeeze %dma_start3A_113 : memref<1x128xi32, #tpu.memory_space<vmem>> -> memref<128xi32, #tpu.memory_space<vmem>>
        %dma_start3A_115 = arith.constant 0 : i32
        %dma_start3A_116 = arith.constant 0 : i32
        %dma_start3A_117 = tpu.memref_slice %arg13[%dma_start3A_115, %dma_start3A_116] : memref<10240x64xf32, #tpu.memory_space<vmem_shared>> -> memref<10240x64xf32, #tpu.memory_space<vmem_shared>>
        tpu.enqueue_indirect_dma source(%arg11 : memref<128x64xf32, #tpu.memory_space<vmem>>) target(%dma_start3A_117 : memref<10240x64xf32, #tpu.memory_space<vmem_shared>>) offsets(%dma_start3A_114 : memref<128xi32, #tpu.memory_space<vmem>>) semaphore(%arg20 : memref<!tpu.dma_semaphore, #tpu.memory_space<semaphore_mem>>) {add = true}
        %add3A_118 = arith.constant 3 : i32
        %add3A_119 = arith.addi %mul3A_76, %add3A_118 : i32
        %dma_wait3A_120 = arith.constant 0 : i32
        %dma_wait3A_121 = tpu.memref_slice %arg7[%add3A_119, %dma_wait3A_120] : memref<160x128xi32, #tpu.memory_space<vmem>> -> memref<1x128xi32, #tpu.memory_space<vmem>>
        %dma_wait3A_122 = tpu.memref_squeeze %dma_wait3A_121 : memref<1x128xi32, #tpu.memory_space<vmem>> -> memref<128xi32, #tpu.memory_space<vmem>>
        %dma_wait3A_123 = arith.constant 0 : i32
        %dma_wait3A_124 = arith.constant 0 : i32
        %dma_wait3A_125 = tpu.memref_slice %arg2[%dma_wait3A_123, %dma_wait3A_124] : memref<10240x64xf32, #tpu.memory_space<hbm>> -> memref<10240x64xf32, #tpu.memory_space<hbm>>
        tpu.wait_indirect_dma semaphore(%arg17 : memref<!tpu.dma_semaphore, #tpu.memory_space<semaphore_mem>>) src(%dma_wait3A_125 : memref<10240x64xf32, #tpu.memory_space<hbm>>) dst(%arg12 : memref<128x64xf32, #tpu.memory_space<vmem>>)
        %dma_start3A_126 = arith.constant 0 : i32
        %dma_start3A_127 = tpu.memref_slice %arg8[%add3A_119, %dma_start3A_126] : memref<160x128xi32, #tpu.memory_space<vmem>> -> memref<1x128xi32, #tpu.memory_space<vmem>>
        %dma_start3A_128 = tpu.memref_squeeze %dma_start3A_127 : memref<1x128xi32, #tpu.memory_space<vmem>> -> memref<128xi32, #tpu.memory_space<vmem>>
        %dma_start3A_129 = arith.constant 0 : i32
        %dma_start3A_130 = arith.constant 0 : i32
        %dma_start3A_131 = tpu.memref_slice %arg13[%dma_start3A_129, %dma_start3A_130] : memref<10240x64xf32, #tpu.memory_space<vmem_shared>> -> memref<10240x64xf32, #tpu.memory_space<vmem_shared>>
        tpu.enqueue_indirect_dma source(%arg12 : memref<128x64xf32, #tpu.memory_space<vmem>>) target(%dma_start3A_131 : memref<10240x64xf32, #tpu.memory_space<vmem_shared>>) offsets(%dma_start3A_128 : memref<128xi32, #tpu.memory_space<vmem>>) semaphore(%arg21 : memref<!tpu.dma_semaphore, #tpu.memory_space<semaphore_mem>>) {add = true}
        %add3A_132 = arith.constant 4 : i32
        %add3A_133 = arith.addi %mul3A_76, %add3A_132 : i32
        %add3A_134 = arith.constant 0 : i32
        %add3A_135 = arith.addi %add3A_133, %add3A_134 : i32
        %lt3A = arith.constant 160 : i32
        %lt3A_136 = arith.cmpi slt, %add3A_135, %lt3A : i32
        %convert_element_type3A_137 = arith.extui %lt3A_136 : i1 to i32
        %cond3A_138 = arith.constant 0 : i32
        %cond3A_139 = arith.cmpi ne, %convert_element_type3A_137, %cond3A_138 : i32
        scf.if %cond3A_139 {
          %add3A_167 = arith.constant 0 : i32
          %add3A_168 = arith.addi %mul3A_76, %add3A_167 : i32
          %dma_wait3A_169 = arith.constant 0 : i32
          %dma_wait3A_170 = tpu.memref_slice %arg8[%add3A_168, %dma_wait3A_169] : memref<160x128xi32, #tpu.memory_space<vmem>> -> memref<1x128xi32, #tpu.memory_space<vmem>>
          %dma_wait3A_171 = tpu.memref_squeeze %dma_wait3A_170 : memref<1x128xi32, #tpu.memory_space<vmem>> -> memref<128xi32, #tpu.memory_space<vmem>>
          %dma_wait3A_172 = arith.constant 0 : i32
          %dma_wait3A_173 = arith.constant 0 : i32
          %dma_wait3A_174 = tpu.memref_slice %arg13[%dma_wait3A_172, %dma_wait3A_173] : memref<10240x64xf32, #tpu.memory_space<vmem_shared>> -> memref<10240x64xf32, #tpu.memory_space<vmem_shared>>
          tpu.wait_indirect_dma semaphore(%arg18 : memref<!tpu.dma_semaphore, #tpu.memory_space<semaphore_mem>>) src(%arg9 : memref<128x64xf32, #tpu.memory_space<vmem>>) dst(%dma_wait3A_174 : memref<10240x64xf32, #tpu.memory_space<vmem_shared>>)
          %dma_start3A_175 = arith.constant 0 : i32
          %dma_start3A_176 = tpu.memref_slice %arg7[%add3A_135, %dma_start3A_175] : memref<160x128xi32, #tpu.memory_space<vmem>> -> memref<1x128xi32, #tpu.memory_space<vmem>>
          %dma_start3A_177 = tpu.memref_squeeze %dma_start3A_176 : memref<1x128xi32, #tpu.memory_space<vmem>> -> memref<128xi32, #tpu.memory_space<vmem>>
          %dma_start3A_178 = arith.constant 0 : i32
          %dma_start3A_179 = arith.constant 0 : i32
          %dma_start3A_180 = tpu.memref_slice %arg2[%dma_start3A_178, %dma_start3A_179] : memref<10240x64xf32, #tpu.memory_space<hbm>> -> memref<10240x64xf32, #tpu.memory_space<hbm>>
          tpu.enqueue_indirect_dma source(%dma_start3A_180 : memref<10240x64xf32, #tpu.memory_space<hbm>>) target(%arg9 : memref<128x64xf32, #tpu.memory_space<vmem>>) offsets(%dma_start3A_177 : memref<128xi32, #tpu.memory_space<vmem>>) semaphore(%arg14 : memref<!tpu.dma_semaphore, #tpu.memory_space<semaphore_mem>>)
        } else {
        }
        %add3A_140 = arith.constant 4 : i32
        %add3A_141 = arith.addi %mul3A_76, %add3A_140 : i32
        %add3A_142 = arith.constant 1 : i32
        %add3A_143 = arith.addi %add3A_141, %add3A_142 : i32
        %lt3A_144 = arith.constant 160 : i32
        %lt3A_145 = arith.cmpi slt, %add3A_143, %lt3A_144 : i32
        %convert_element_type3A_146 = arith.extui %lt3A_145 : i1 to i32
        %cond3A_147 = arith.constant 0 : i32
        %cond3A_148 = arith.cmpi ne, %convert_element_type3A_146, %cond3A_147 : i32
        scf.if %cond3A_148 {
          %add3A_167 = arith.constant 1 : i32
          %add3A_168 = arith.addi %mul3A_76, %add3A_167 : i32
          %dma_wait3A_169 = arith.constant 0 : i32
          %dma_wait3A_170 = tpu.memref_slice %arg8[%add3A_168, %dma_wait3A_169] : memref<160x128xi32, #tpu.memory_space<vmem>> -> memref<1x128xi32, #tpu.memory_space<vmem>>
          %dma_wait3A_171 = tpu.memref_squeeze %dma_wait3A_170 : memref<1x128xi32, #tpu.memory_space<vmem>> -> memref<128xi32, #tpu.memory_space<vmem>>
          %dma_wait3A_172 = arith.constant 0 : i32
          %dma_wait3A_173 = arith.constant 0 : i32
          %dma_wait3A_174 = tpu.memref_slice %arg13[%dma_wait3A_172, %dma_wait3A_173] : memref<10240x64xf32, #tpu.memory_space<vmem_shared>> -> memref<10240x64xf32, #tpu.memory_space<vmem_shared>>
          tpu.wait_indirect_dma semaphore(%arg19 : memref<!tpu.dma_semaphore, #tpu.memory_space<semaphore_mem>>) src(%arg10 : memref<128x64xf32, #tpu.memory_space<vmem>>) dst(%dma_wait3A_174 : memref<10240x64xf32, #tpu.memory_space<vmem_shared>>)
          %dma_start3A_175 = arith.constant 0 : i32
          %dma_start3A_176 = tpu.memref_slice %arg7[%add3A_143, %dma_start3A_175] : memref<160x128xi32, #tpu.memory_space<vmem>> -> memref<1x128xi32, #tpu.memory_space<vmem>>
          %dma_start3A_177 = tpu.memref_squeeze %dma_start3A_176 : memref<1x128xi32, #tpu.memory_space<vmem>> -> memref<128xi32, #tpu.memory_space<vmem>>
          %dma_start3A_178 = arith.constant 0 : i32
          %dma_start3A_179 = arith.constant 0 : i32
          %dma_start3A_180 = tpu.memref_slice %arg2[%dma_start3A_178, %dma_start3A_179] : memref<10240x64xf32, #tpu.memory_space<hbm>> -> memref<10240x64xf32, #tpu.memory_space<hbm>>
          tpu.enqueue_indirect_dma source(%dma_start3A_180 : memref<10240x64xf32, #tpu.memory_space<hbm>>) target(%arg10 : memref<128x64xf32, #tpu.memory_space<vmem>>) offsets(%dma_start3A_177 : memref<128xi32, #tpu.memory_space<vmem>>) semaphore(%arg15 : memref<!tpu.dma_semaphore, #tpu.memory_space<semaphore_mem>>)
        } else {
        }
        %add3A_149 = arith.constant 4 : i32
        %add3A_150 = arith.addi %mul3A_76, %add3A_149 : i32
        %add3A_151 = arith.constant 2 : i32
        %add3A_152 = arith.addi %add3A_150, %add3A_151 : i32
        %lt3A_153 = arith.constant 160 : i32
        %lt3A_154 = arith.cmpi slt, %add3A_152, %lt3A_153 : i32
        %convert_element_type3A_155 = arith.extui %lt3A_154 : i1 to i32
        %cond3A_156 = arith.constant 0 : i32
        %cond3A_157 = arith.cmpi ne, %convert_element_type3A_155, %cond3A_156 : i32
        scf.if %cond3A_157 {
          %add3A_167 = arith.constant 2 : i32
          %add3A_168 = arith.addi %mul3A_76, %add3A_167 : i32
          %dma_wait3A_169 = arith.constant 0 : i32
          %dma_wait3A_170 = tpu.memref_slice %arg8[%add3A_168, %dma_wait3A_169] : memref<160x128xi32, #tpu.memory_space<vmem>> -> memref<1x128xi32, #tpu.memory_space<vmem>>
          %dma_wait3A_171 = tpu.memref_squeeze %dma_wait3A_170 : memref<1x128xi32, #tpu.memory_space<vmem>> -> memref<128xi32, #tpu.memory_space<vmem>>
          %dma_wait3A_172 = arith.constant 0 : i32
          %dma_wait3A_173 = arith.constant 0 : i32
          %dma_wait3A_174 = tpu.memref_slice %arg13[%dma_wait3A_172, %dma_wait3A_173] : memref<10240x64xf32, #tpu.memory_space<vmem_shared>> -> memref<10240x64xf32, #tpu.memory_space<vmem_shared>>
          tpu.wait_indirect_dma semaphore(%arg20 : memref<!tpu.dma_semaphore, #tpu.memory_space<semaphore_mem>>) src(%arg11 : memref<128x64xf32, #tpu.memory_space<vmem>>) dst(%dma_wait3A_174 : memref<10240x64xf32, #tpu.memory_space<vmem_shared>>)
          %dma_start3A_175 = arith.constant 0 : i32
          %dma_start3A_176 = tpu.memref_slice %arg7[%add3A_152, %dma_start3A_175] : memref<160x128xi32, #tpu.memory_space<vmem>> -> memref<1x128xi32, #tpu.memory_space<vmem>>
          %dma_start3A_177 = tpu.memref_squeeze %dma_start3A_176 : memref<1x128xi32, #tpu.memory_space<vmem>> -> memref<128xi32, #tpu.memory_space<vmem>>
          %dma_start3A_178 = arith.constant 0 : i32
          %dma_start3A_179 = arith.constant 0 : i32
          %dma_start3A_180 = tpu.memref_slice %arg2[%dma_start3A_178, %dma_start3A_179] : memref<10240x64xf32, #tpu.memory_space<hbm>> -> memref<10240x64xf32, #tpu.memory_space<hbm>>
          tpu.enqueue_indirect_dma source(%dma_start3A_180 : memref<10240x64xf32, #tpu.memory_space<hbm>>) target(%arg11 : memref<128x64xf32, #tpu.memory_space<vmem>>) offsets(%dma_start3A_177 : memref<128xi32, #tpu.memory_space<vmem>>) semaphore(%arg16 : memref<!tpu.dma_semaphore, #tpu.memory_space<semaphore_mem>>)
        } else {
        }
        %add3A_158 = arith.constant 4 : i32
        %add3A_159 = arith.addi %mul3A_76, %add3A_158 : i32
        %add3A_160 = arith.constant 3 : i32
        %add3A_161 = arith.addi %add3A_159, %add3A_160 : i32
        %lt3A_162 = arith.constant 160 : i32
        %lt3A_163 = arith.cmpi slt, %add3A_161, %lt3A_162 : i32
        %convert_element_type3A_164 = arith.extui %lt3A_163 : i1 to i32
        %cond3A_165 = arith.constant 0 : i32
        %cond3A_166 = arith.cmpi ne, %convert_element_type3A_164, %cond3A_165 : i32
        scf.if %cond3A_166 {
          %add3A_167 = arith.constant 3 : i32
          %add3A_168 = arith.addi %mul3A_76, %add3A_167 : i32
          %dma_wait3A_169 = arith.constant 0 : i32
          %dma_wait3A_170 = tpu.memref_slice %arg8[%add3A_168, %dma_wait3A_169] : memref<160x128xi32, #tpu.memory_space<vmem>> -> memref<1x128xi32, #tpu.memory_space<vmem>>
          %dma_wait3A_171 = tpu.memref_squeeze %dma_wait3A_170 : memref<1x128xi32, #tpu.memory_space<vmem>> -> memref<128xi32, #tpu.memory_space<vmem>>
          %dma_wait3A_172 = arith.constant 0 : i32
          %dma_wait3A_173 = arith.constant 0 : i32
          %dma_wait3A_174 = tpu.memref_slice %arg13[%dma_wait3A_172, %dma_wait3A_173] : memref<10240x64xf32, #tpu.memory_space<vmem_shared>> -> memref<10240x64xf32, #tpu.memory_space<vmem_shared>>
          tpu.wait_indirect_dma semaphore(%arg21 : memref<!tpu.dma_semaphore, #tpu.memory_space<semaphore_mem>>) src(%arg12 : memref<128x64xf32, #tpu.memory_space<vmem>>) dst(%dma_wait3A_174 : memref<10240x64xf32, #tpu.memory_space<vmem_shared>>)
          %dma_start3A_175 = arith.constant 0 : i32
          %dma_start3A_176 = tpu.memref_slice %arg7[%add3A_161, %dma_start3A_175] : memref<160x128xi32, #tpu.memory_space<vmem>> -> memref<1x128xi32, #tpu.memory_space<vmem>>
          %dma_start3A_177 = tpu.memref_squeeze %dma_start3A_176 : memref<1x128xi32, #tpu.memory_space<vmem>> -> memref<128xi32, #tpu.memory_space<vmem>>
          %dma_start3A_178 = arith.constant 0 : i32
          %dma_start3A_179 = arith.constant 0 : i32
          %dma_start3A_180 = tpu.memref_slice %arg2[%dma_start3A_178, %dma_start3A_179] : memref<10240x64xf32, #tpu.memory_space<hbm>> -> memref<10240x64xf32, #tpu.memory_space<hbm>>
          tpu.enqueue_indirect_dma source(%dma_start3A_180 : memref<10240x64xf32, #tpu.memory_space<hbm>>) target(%arg12 : memref<128x64xf32, #tpu.memory_space<vmem>>) offsets(%dma_start3A_177 : memref<128xi32, #tpu.memory_space<vmem>>) semaphore(%arg17 : memref<!tpu.dma_semaphore, #tpu.memory_space<semaphore_mem>>)
        } else {
        }
      }
      %scan3A_46 = arith.constant 40 : i32
      %dma_wait3A = arith.constant 0 : i32
      %dma_wait3A_47 = arith.constant 0 : i32
      %dma_wait3A_48 = tpu.memref_slice %arg8[%dma_wait3A, %dma_wait3A_47] : memref<160x128xi32, #tpu.memory_space<vmem>> -> memref<1x128xi32, #tpu.memory_space<vmem>>
      %dma_wait3A_49 = tpu.memref_squeeze %dma_wait3A_48 : memref<1x128xi32, #tpu.memory_space<vmem>> -> memref<128xi32, #tpu.memory_space<vmem>>
      %dma_wait3A_50 = arith.constant 0 : i32
      %dma_wait3A_51 = arith.constant 0 : i32
      %dma_wait3A_52 = tpu.memref_slice %arg13[%dma_wait3A_50, %dma_wait3A_51] : memref<10240x64xf32, #tpu.memory_space<vmem_shared>> -> memref<10240x64xf32, #tpu.memory_space<vmem_shared>>
      tpu.wait_indirect_dma semaphore(%arg18 : memref<!tpu.dma_semaphore, #tpu.memory_space<semaphore_mem>>) src(%arg9 : memref<128x64xf32, #tpu.memory_space<vmem>>) dst(%dma_wait3A_52 : memref<10240x64xf32, #tpu.memory_space<vmem_shared>>)
      %dma_wait3A_53 = arith.constant 0 : i32
      %dma_wait3A_54 = arith.constant 0 : i32
      %dma_wait3A_55 = tpu.memref_slice %arg8[%dma_wait3A_53, %dma_wait3A_54] : memref<160x128xi32, #tpu.memory_space<vmem>> -> memref<1x128xi32, #tpu.memory_space<vmem>>
      %dma_wait3A_56 = tpu.memref_squeeze %dma_wait3A_55 : memref<1x128xi32, #tpu.memory_space<vmem>> -> memref<128xi32, #tpu.memory_space<vmem>>
      %dma_wait3A_57 = arith.constant 0 : i32
      %dma_wait3A_58 = arith.constant 0 : i32
      %dma_wait3A_59 = tpu.memref_slice %arg13[%dma_wait3A_57, %dma_wait3A_58] : memref<10240x64xf32, #tpu.memory_space<vmem_shared>> -> memref<10240x64xf32, #tpu.memory_space<vmem_shared>>
      tpu.wait_indirect_dma semaphore(%arg19 : memref<!tpu.dma_semaphore, #tpu.memory_space<semaphore_mem>>) src(%arg10 : memref<128x64xf32, #tpu.memory_space<vmem>>) dst(%dma_wait3A_59 : memref<10240x64xf32, #tpu.memory_space<vmem_shared>>)
      %dma_wait3A_60 = arith.constant 0 : i32
      %dma_wait3A_61 = arith.constant 0 : i32
      %dma_wait3A_62 = tpu.memref_slice %arg8[%dma_wait3A_60, %dma_wait3A_61] : memref<160x128xi32, #tpu.memory_space<vmem>> -> memref<1x128xi32, #tpu.memory_space<vmem>>
      %dma_wait3A_63 = tpu.memref_squeeze %dma_wait3A_62 : memref<1x128xi32, #tpu.memory_space<vmem>> -> memref<128xi32, #tpu.memory_space<vmem>>
      %dma_wait3A_64 = arith.constant 0 : i32
      %dma_wait3A_65 = arith.constant 0 : i32
      %dma_wait3A_66 = tpu.memref_slice %arg13[%dma_wait3A_64, %dma_wait3A_65] : memref<10240x64xf32, #tpu.memory_space<vmem_shared>> -> memref<10240x64xf32, #tpu.memory_space<vmem_shared>>
      tpu.wait_indirect_dma semaphore(%arg20 : memref<!tpu.dma_semaphore, #tpu.memory_space<semaphore_mem>>) src(%arg11 : memref<128x64xf32, #tpu.memory_space<vmem>>) dst(%dma_wait3A_66 : memref<10240x64xf32, #tpu.memory_space<vmem_shared>>)
      %dma_wait3A_67 = arith.constant 0 : i32
      %dma_wait3A_68 = arith.constant 0 : i32
      %dma_wait3A_69 = tpu.memref_slice %arg8[%dma_wait3A_67, %dma_wait3A_68] : memref<160x128xi32, #tpu.memory_space<vmem>> -> memref<1x128xi32, #tpu.memory_space<vmem>>
      %dma_wait3A_70 = tpu.memref_squeeze %dma_wait3A_69 : memref<1x128xi32, #tpu.memory_space<vmem>> -> memref<128xi32, #tpu.memory_space<vmem>>
      %dma_wait3A_71 = arith.constant 0 : i32
      %dma_wait3A_72 = arith.constant 0 : i32
      %dma_wait3A_73 = tpu.memref_slice %arg13[%dma_wait3A_71, %dma_wait3A_72] : memref<10240x64xf32, #tpu.memory_space<vmem_shared>> -> memref<10240x64xf32, #tpu.memory_space<vmem_shared>>
      tpu.wait_indirect_dma semaphore(%arg21 : memref<!tpu.dma_semaphore, #tpu.memory_space<semaphore_mem>>) src(%arg12 : memref<128x64xf32, #tpu.memory_space<vmem>>) dst(%dma_wait3A_73 : memref<10240x64xf32, #tpu.memory_space<vmem_shared>>)
    } else {
    }
    %eq3A_2 = arith.constant 1 : i32
    %eq3A_3 = arith.cmpi eq, %arg0, %eq3A_2 : i32
    %convert_element_type3A_4 = arith.extui %eq3A_3 : i1 to i32
    %cond3A_5 = arith.constant 0 : i32
    %cond3A_6 = arith.cmpi ne, %convert_element_type3A_4, %cond3A_5 : i32
    scf.if %cond3A_6 {
      %mul3A_10 = arith.constant 640 : i32
      %mul3A_11 = arith.muli %arg1, %mul3A_10 : i32
      %mul3A_12 = arith.constant 640 : i32
      %mul3A_13 = arith.muli %arg1, %mul3A_12 : i32
      "tpu.region"() ({
        %run_scoped3A = tpu.sem_alloc : memref<!tpu.dma_semaphore, #tpu.memory_space<semaphore_mem>>
        %dma_start3A_74 = arith.constant 0 : i32
        %dma_start3A_75 = tpu.memref_slice %arg13[%mul3A_13, %dma_start3A_74] : memref<10240x64xf32, #tpu.memory_space<vmem_shared>> -> memref<640x64xf32, #tpu.memory_space<vmem_shared>>
        %dma_start3A_76 = arith.constant 0 : i32
        %dma_start3A_77 = tpu.memref_slice %arg3[%mul3A_11, %dma_start3A_76] : memref<10240x64xf32, #tpu.memory_space<hbm>> -> memref<640x64xf32, #tpu.memory_space<hbm>>
        tpu.enqueue_dma source(%dma_start3A_77 : memref<640x64xf32, #tpu.memory_space<hbm>>) target(%dma_start3A_75 : memref<640x64xf32, #tpu.memory_space<vmem_shared>>) target_semaphore(%run_scoped3A : memref<!tpu.dma_semaphore, #tpu.memory_space<semaphore_mem>>)
        %dma_wait3A_78 = arith.constant 0 : i32
        %dma_wait3A_79 = tpu.memref_slice %arg13[%mul3A_13, %dma_wait3A_78] : memref<10240x64xf32, #tpu.memory_space<vmem_shared>> -> memref<640x64xf32, #tpu.memory_space<vmem_shared>>
        %dma_wait3A_80 = arith.constant 0 : i32
        %dma_wait3A_81 = tpu.memref_slice %arg3[%mul3A_11, %dma_wait3A_80] : memref<10240x64xf32, #tpu.memory_space<hbm>> -> memref<640x64xf32, #tpu.memory_space<hbm>>
        tpu.wait_dma2 semaphore(%run_scoped3A : memref<!tpu.dma_semaphore, #tpu.memory_space<semaphore_mem>>) src(%dma_wait3A_81 : memref<640x64xf32, #tpu.memory_space<hbm>>) dst(%dma_wait3A_79 : memref<640x64xf32, #tpu.memory_space<vmem_shared>>)
        tpu.yield
      }) : () -> ()
      %barrier3A_14 = arith.constant 0 : index
      tpu.barrier barrier_id(%barrier3A_14)
      %dma_start3A = arith.constant 0 : i32
      %dma_start3A_15 = arith.constant 0 : i32
      %dma_start3A_16 = tpu.memref_slice %arg7[%dma_start3A, %dma_start3A_15] : memref<160x128xi32, #tpu.memory_space<vmem>> -> memref<1x128xi32, #tpu.memory_space<vmem>>
      %dma_start3A_17 = tpu.memref_squeeze %dma_start3A_16 : memref<1x128xi32, #tpu.memory_space<vmem>> -> memref<128xi32, #tpu.memory_space<vmem>>
      %dma_start3A_18 = arith.constant 0 : i32
      %dma_start3A_19 = arith.constant 0 : i32
      %dma_start3A_20 = tpu.memref_slice %arg3[%dma_start3A_18, %dma_start3A_19] : memref<10240x64xf32, #tpu.memory_space<hbm>> -> memref<10240x64xf32, #tpu.memory_space<hbm>>
      tpu.enqueue_indirect_dma source(%dma_start3A_20 : memref<10240x64xf32, #tpu.memory_space<hbm>>) target(%arg9 : memref<128x64xf32, #tpu.memory_space<vmem>>) offsets(%dma_start3A_17 : memref<128xi32, #tpu.memory_space<vmem>>) semaphore(%arg14 : memref<!tpu.dma_semaphore, #tpu.memory_space<semaphore_mem>>)
      %dma_start3A_21 = arith.constant 1 : i32
      %dma_start3A_22 = arith.constant 0 : i32
      %dma_start3A_23 = tpu.memref_slice %arg7[%dma_start3A_21, %dma_start3A_22] : memref<160x128xi32, #tpu.memory_space<vmem>> -> memref<1x128xi32, #tpu.memory_space<vmem>>
      %dma_start3A_24 = tpu.memref_squeeze %dma_start3A_23 : memref<1x128xi32, #tpu.memory_space<vmem>> -> memref<128xi32, #tpu.memory_space<vmem>>
      %dma_start3A_25 = arith.constant 0 : i32
      %dma_start3A_26 = arith.constant 0 : i32
      %dma_start3A_27 = tpu.memref_slice %arg3[%dma_start3A_25, %dma_start3A_26] : memref<10240x64xf32, #tpu.memory_space<hbm>> -> memref<10240x64xf32, #tpu.memory_space<hbm>>
      tpu.enqueue_indirect_dma source(%dma_start3A_27 : memref<10240x64xf32, #tpu.memory_space<hbm>>) target(%arg10 : memref<128x64xf32, #tpu.memory_space<vmem>>) offsets(%dma_start3A_24 : memref<128xi32, #tpu.memory_space<vmem>>) semaphore(%arg15 : memref<!tpu.dma_semaphore, #tpu.memory_space<semaphore_mem>>)
      %dma_start3A_28 = arith.constant 2 : i32
      %dma_start3A_29 = arith.constant 0 : i32
      %dma_start3A_30 = tpu.memref_slice %arg7[%dma_start3A_28, %dma_start3A_29] : memref<160x128xi32, #tpu.memory_space<vmem>> -> memref<1x128xi32, #tpu.memory_space<vmem>>
      %dma_start3A_31 = tpu.memref_squeeze %dma_start3A_30 : memref<1x128xi32, #tpu.memory_space<vmem>> -> memref<128xi32, #tpu.memory_space<vmem>>
      %dma_start3A_32 = arith.constant 0 : i32
      %dma_start3A_33 = arith.constant 0 : i32
      %dma_start3A_34 = tpu.memref_slice %arg3[%dma_start3A_32, %dma_start3A_33] : memref<10240x64xf32, #tpu.memory_space<hbm>> -> memref<10240x64xf32, #tpu.memory_space<hbm>>
      tpu.enqueue_indirect_dma source(%dma_start3A_34 : memref<10240x64xf32, #tpu.memory_space<hbm>>) target(%arg11 : memref<128x64xf32, #tpu.memory_space<vmem>>) offsets(%dma_start3A_31 : memref<128xi32, #tpu.memory_space<vmem>>) semaphore(%arg16 : memref<!tpu.dma_semaphore, #tpu.memory_space<semaphore_mem>>)
      %dma_start3A_35 = arith.constant 3 : i32
      %dma_start3A_36 = arith.constant 0 : i32
      %dma_start3A_37 = tpu.memref_slice %arg7[%dma_start3A_35, %dma_start3A_36] : memref<160x128xi32, #tpu.memory_space<vmem>> -> memref<1x128xi32, #tpu.memory_space<vmem>>
      %dma_start3A_38 = tpu.memref_squeeze %dma_start3A_37 : memref<1x128xi32, #tpu.memory_space<vmem>> -> memref<128xi32, #tpu.memory_space<vmem>>
      %dma_start3A_39 = arith.constant 0 : i32
      %dma_start3A_40 = arith.constant 0 : i32
      %dma_start3A_41 = tpu.memref_slice %arg3[%dma_start3A_39, %dma_start3A_40] : memref<10240x64xf32, #tpu.memory_space<hbm>> -> memref<10240x64xf32, #tpu.memory_space<hbm>>
      tpu.enqueue_indirect_dma source(%dma_start3A_41 : memref<10240x64xf32, #tpu.memory_space<hbm>>) target(%arg12 : memref<128x64xf32, #tpu.memory_space<vmem>>) offsets(%dma_start3A_38 : memref<128xi32, #tpu.memory_space<vmem>>) semaphore(%arg17 : memref<!tpu.dma_semaphore, #tpu.memory_space<semaphore_mem>>)
      %scan3A = arith.constant 0 : i32
      %scan3A_42 = arith.constant 0 : i32
      %scan3A_43 = arith.constant 40 : i32
      %scan3A_44 = arith.addi %scan3A_42, %scan3A_43 : i32
      %scan3A_45 = arith.constant 1 : i32
      scf.for %scan3A_74 = %scan3A_42 to %scan3A_44 step %scan3A_45  : i32 {
        %mul3A_75 = arith.constant 4 : i32
        %mul3A_76 = arith.muli %scan3A_74, %mul3A_75 : i32
        %add3A = arith.constant 0 : i32
        %add3A_77 = arith.addi %mul3A_76, %add3A : i32
        %dma_wait3A_78 = arith.constant 0 : i32
        %dma_wait3A_79 = tpu.memref_slice %arg7[%add3A_77, %dma_wait3A_78] : memref<160x128xi32, #tpu.memory_space<vmem>> -> memref<1x128xi32, #tpu.memory_space<vmem>>
        %dma_wait3A_80 = tpu.memref_squeeze %dma_wait3A_79 : memref<1x128xi32, #tpu.memory_space<vmem>> -> memref<128xi32, #tpu.memory_space<vmem>>
        %dma_wait3A_81 = arith.constant 0 : i32
        %dma_wait3A_82 = arith.constant 0 : i32
        %dma_wait3A_83 = tpu.memref_slice %arg3[%dma_wait3A_81, %dma_wait3A_82] : memref<10240x64xf32, #tpu.memory_space<hbm>> -> memref<10240x64xf32, #tpu.memory_space<hbm>>
        tpu.wait_indirect_dma semaphore(%arg14 : memref<!tpu.dma_semaphore, #tpu.memory_space<semaphore_mem>>) src(%dma_wait3A_83 : memref<10240x64xf32, #tpu.memory_space<hbm>>) dst(%arg9 : memref<128x64xf32, #tpu.memory_space<vmem>>)
        %dma_start3A_84 = arith.constant 0 : i32
        %dma_start3A_85 = tpu.memref_slice %arg8[%add3A_77, %dma_start3A_84] : memref<160x128xi32, #tpu.memory_space<vmem>> -> memref<1x128xi32, #tpu.memory_space<vmem>>
        %dma_start3A_86 = tpu.memref_squeeze %dma_start3A_85 : memref<1x128xi32, #tpu.memory_space<vmem>> -> memref<128xi32, #tpu.memory_space<vmem>>
        %dma_start3A_87 = arith.constant 0 : i32
        %dma_start3A_88 = arith.constant 0 : i32
        %dma_start3A_89 = tpu.memref_slice %arg13[%dma_start3A_87, %dma_start3A_88] : memref<10240x64xf32, #tpu.memory_space<vmem_shared>> -> memref<10240x64xf32, #tpu.memory_space<vmem_shared>>
        tpu.enqueue_indirect_dma source(%arg9 : memref<128x64xf32, #tpu.memory_space<vmem>>) target(%dma_start3A_89 : memref<10240x64xf32, #tpu.memory_space<vmem_shared>>) offsets(%dma_start3A_86 : memref<128xi32, #tpu.memory_space<vmem>>) semaphore(%arg18 : memref<!tpu.dma_semaphore, #tpu.memory_space<semaphore_mem>>) {add = true}
        %add3A_90 = arith.constant 1 : i32
        %add3A_91 = arith.addi %mul3A_76, %add3A_90 : i32
        %dma_wait3A_92 = arith.constant 0 : i32
        %dma_wait3A_93 = tpu.memref_slice %arg7[%add3A_91, %dma_wait3A_92] : memref<160x128xi32, #tpu.memory_space<vmem>> -> memref<1x128xi32, #tpu.memory_space<vmem>>
        %dma_wait3A_94 = tpu.memref_squeeze %dma_wait3A_93 : memref<1x128xi32, #tpu.memory_space<vmem>> -> memref<128xi32, #tpu.memory_space<vmem>>
        %dma_wait3A_95 = arith.constant 0 : i32
        %dma_wait3A_96 = arith.constant 0 : i32
        %dma_wait3A_97 = tpu.memref_slice %arg3[%dma_wait3A_95, %dma_wait3A_96] : memref<10240x64xf32, #tpu.memory_space<hbm>> -> memref<10240x64xf32, #tpu.memory_space<hbm>>
        tpu.wait_indirect_dma semaphore(%arg15 : memref<!tpu.dma_semaphore, #tpu.memory_space<semaphore_mem>>) src(%dma_wait3A_97 : memref<10240x64xf32, #tpu.memory_space<hbm>>) dst(%arg10 : memref<128x64xf32, #tpu.memory_space<vmem>>)
        %dma_start3A_98 = arith.constant 0 : i32
        %dma_start3A_99 = tpu.memref_slice %arg8[%add3A_91, %dma_start3A_98] : memref<160x128xi32, #tpu.memory_space<vmem>> -> memref<1x128xi32, #tpu.memory_space<vmem>>
        %dma_start3A_100 = tpu.memref_squeeze %dma_start3A_99 : memref<1x128xi32, #tpu.memory_space<vmem>> -> memref<128xi32, #tpu.memory_space<vmem>>
        %dma_start3A_101 = arith.constant 0 : i32
        %dma_start3A_102 = arith.constant 0 : i32
        %dma_start3A_103 = tpu.memref_slice %arg13[%dma_start3A_101, %dma_start3A_102] : memref<10240x64xf32, #tpu.memory_space<vmem_shared>> -> memref<10240x64xf32, #tpu.memory_space<vmem_shared>>
        tpu.enqueue_indirect_dma source(%arg10 : memref<128x64xf32, #tpu.memory_space<vmem>>) target(%dma_start3A_103 : memref<10240x64xf32, #tpu.memory_space<vmem_shared>>) offsets(%dma_start3A_100 : memref<128xi32, #tpu.memory_space<vmem>>) semaphore(%arg19 : memref<!tpu.dma_semaphore, #tpu.memory_space<semaphore_mem>>) {add = true}
        %add3A_104 = arith.constant 2 : i32
        %add3A_105 = arith.addi %mul3A_76, %add3A_104 : i32
        %dma_wait3A_106 = arith.constant 0 : i32
        %dma_wait3A_107 = tpu.memref_slice %arg7[%add3A_105, %dma_wait3A_106] : memref<160x128xi32, #tpu.memory_space<vmem>> -> memref<1x128xi32, #tpu.memory_space<vmem>>
        %dma_wait3A_108 = tpu.memref_squeeze %dma_wait3A_107 : memref<1x128xi32, #tpu.memory_space<vmem>> -> memref<128xi32, #tpu.memory_space<vmem>>
        %dma_wait3A_109 = arith.constant 0 : i32
        %dma_wait3A_110 = arith.constant 0 : i32
        %dma_wait3A_111 = tpu.memref_slice %arg3[%dma_wait3A_109, %dma_wait3A_110] : memref<10240x64xf32, #tpu.memory_space<hbm>> -> memref<10240x64xf32, #tpu.memory_space<hbm>>
        tpu.wait_indirect_dma semaphore(%arg16 : memref<!tpu.dma_semaphore, #tpu.memory_space<semaphore_mem>>) src(%dma_wait3A_111 : memref<10240x64xf32, #tpu.memory_space<hbm>>) dst(%arg11 : memref<128x64xf32, #tpu.memory_space<vmem>>)
        %dma_start3A_112 = arith.constant 0 : i32
        %dma_start3A_113 = tpu.memref_slice %arg8[%add3A_105, %dma_start3A_112] : memref<160x128xi32, #tpu.memory_space<vmem>> -> memref<1x128xi32, #tpu.memory_space<vmem>>
        %dma_start3A_114 = tpu.memref_squeeze %dma_start3A_113 : memref<1x128xi32, #tpu.memory_space<vmem>> -> memref<128xi32, #tpu.memory_space<vmem>>
        %dma_start3A_115 = arith.constant 0 : i32
        %dma_start3A_116 = arith.constant 0 : i32
        %dma_start3A_117 = tpu.memref_slice %arg13[%dma_start3A_115, %dma_start3A_116] : memref<10240x64xf32, #tpu.memory_space<vmem_shared>> -> memref<10240x64xf32, #tpu.memory_space<vmem_shared>>
        tpu.enqueue_indirect_dma source(%arg11 : memref<128x64xf32, #tpu.memory_space<vmem>>) target(%dma_start3A_117 : memref<10240x64xf32, #tpu.memory_space<vmem_shared>>) offsets(%dma_start3A_114 : memref<128xi32, #tpu.memory_space<vmem>>) semaphore(%arg20 : memref<!tpu.dma_semaphore, #tpu.memory_space<semaphore_mem>>) {add = true}
        %add3A_118 = arith.constant 3 : i32
        %add3A_119 = arith.addi %mul3A_76, %add3A_118 : i32
        %dma_wait3A_120 = arith.constant 0 : i32
        %dma_wait3A_121 = tpu.memref_slice %arg7[%add3A_119, %dma_wait3A_120] : memref<160x128xi32, #tpu.memory_space<vmem>> -> memref<1x128xi32, #tpu.memory_space<vmem>>
        %dma_wait3A_122 = tpu.memref_squeeze %dma_wait3A_121 : memref<1x128xi32, #tpu.memory_space<vmem>> -> memref<128xi32, #tpu.memory_space<vmem>>
        %dma_wait3A_123 = arith.constant 0 : i32
        %dma_wait3A_124 = arith.constant 0 : i32
        %dma_wait3A_125 = tpu.memref_slice %arg3[%dma_wait3A_123, %dma_wait3A_124] : memref<10240x64xf32, #tpu.memory_space<hbm>> -> memref<10240x64xf32, #tpu.memory_space<hbm>>
        tpu.wait_indirect_dma semaphore(%arg17 : memref<!tpu.dma_semaphore, #tpu.memory_space<semaphore_mem>>) src(%dma_wait3A_125 : memref<10240x64xf32, #tpu.memory_space<hbm>>) dst(%arg12 : memref<128x64xf32, #tpu.memory_space<vmem>>)
        %dma_start3A_126 = arith.constant 0 : i32
        %dma_start3A_127 = tpu.memref_slice %arg8[%add3A_119, %dma_start3A_126] : memref<160x128xi32, #tpu.memory_space<vmem>> -> memref<1x128xi32, #tpu.memory_space<vmem>>
        %dma_start3A_128 = tpu.memref_squeeze %dma_start3A_127 : memref<1x128xi32, #tpu.memory_space<vmem>> -> memref<128xi32, #tpu.memory_space<vmem>>
        %dma_start3A_129 = arith.constant 0 : i32
        %dma_start3A_130 = arith.constant 0 : i32
        %dma_start3A_131 = tpu.memref_slice %arg13[%dma_start3A_129, %dma_start3A_130] : memref<10240x64xf32, #tpu.memory_space<vmem_shared>> -> memref<10240x64xf32, #tpu.memory_space<vmem_shared>>
        tpu.enqueue_indirect_dma source(%arg12 : memref<128x64xf32, #tpu.memory_space<vmem>>) target(%dma_start3A_131 : memref<10240x64xf32, #tpu.memory_space<vmem_shared>>) offsets(%dma_start3A_128 : memref<128xi32, #tpu.memory_space<vmem>>) semaphore(%arg21 : memref<!tpu.dma_semaphore, #tpu.memory_space<semaphore_mem>>) {add = true}
        %add3A_132 = arith.constant 4 : i32
        %add3A_133 = arith.addi %mul3A_76, %add3A_132 : i32
        %add3A_134 = arith.constant 0 : i32
        %add3A_135 = arith.addi %add3A_133, %add3A_134 : i32
        %lt3A = arith.constant 160 : i32
        %lt3A_136 = arith.cmpi slt, %add3A_135, %lt3A : i32
        %convert_element_type3A_137 = arith.extui %lt3A_136 : i1 to i32
        %cond3A_138 = arith.constant 0 : i32
        %cond3A_139 = arith.cmpi ne, %convert_element_type3A_137, %cond3A_138 : i32
        scf.if %cond3A_139 {
          %add3A_167 = arith.constant 0 : i32
          %add3A_168 = arith.addi %mul3A_76, %add3A_167 : i32
          %dma_wait3A_169 = arith.constant 0 : i32
          %dma_wait3A_170 = tpu.memref_slice %arg8[%add3A_168, %dma_wait3A_169] : memref<160x128xi32, #tpu.memory_space<vmem>> -> memref<1x128xi32, #tpu.memory_space<vmem>>
          %dma_wait3A_171 = tpu.memref_squeeze %dma_wait3A_170 : memref<1x128xi32, #tpu.memory_space<vmem>> -> memref<128xi32, #tpu.memory_space<vmem>>
          %dma_wait3A_172 = arith.constant 0 : i32
          %dma_wait3A_173 = arith.constant 0 : i32
          %dma_wait3A_174 = tpu.memref_slice %arg13[%dma_wait3A_172, %dma_wait3A_173] : memref<10240x64xf32, #tpu.memory_space<vmem_shared>> -> memref<10240x64xf32, #tpu.memory_space<vmem_shared>>
          tpu.wait_indirect_dma semaphore(%arg18 : memref<!tpu.dma_semaphore, #tpu.memory_space<semaphore_mem>>) src(%arg9 : memref<128x64xf32, #tpu.memory_space<vmem>>) dst(%dma_wait3A_174 : memref<10240x64xf32, #tpu.memory_space<vmem_shared>>)
          %dma_start3A_175 = arith.constant 0 : i32
          %dma_start3A_176 = tpu.memref_slice %arg7[%add3A_135, %dma_start3A_175] : memref<160x128xi32, #tpu.memory_space<vmem>> -> memref<1x128xi32, #tpu.memory_space<vmem>>
          %dma_start3A_177 = tpu.memref_squeeze %dma_start3A_176 : memref<1x128xi32, #tpu.memory_space<vmem>> -> memref<128xi32, #tpu.memory_space<vmem>>
          %dma_start3A_178 = arith.constant 0 : i32
          %dma_start3A_179 = arith.constant 0 : i32
          %dma_start3A_180 = tpu.memref_slice %arg3[%dma_start3A_178, %dma_start3A_179] : memref<10240x64xf32, #tpu.memory_space<hbm>> -> memref<10240x64xf32, #tpu.memory_space<hbm>>
          tpu.enqueue_indirect_dma source(%dma_start3A_180 : memref<10240x64xf32, #tpu.memory_space<hbm>>) target(%arg9 : memref<128x64xf32, #tpu.memory_space<vmem>>) offsets(%dma_start3A_177 : memref<128xi32, #tpu.memory_space<vmem>>) semaphore(%arg14 : memref<!tpu.dma_semaphore, #tpu.memory_space<semaphore_mem>>)
        } else {
        }
        %add3A_140 = arith.constant 4 : i32
        %add3A_141 = arith.addi %mul3A_76, %add3A_140 : i32
        %add3A_142 = arith.constant 1 : i32
        %add3A_143 = arith.addi %add3A_141, %add3A_142 : i32
        %lt3A_144 = arith.constant 160 : i32
        %lt3A_145 = arith.cmpi slt, %add3A_143, %lt3A_144 : i32
        %convert_element_type3A_146 = arith.extui %lt3A_145 : i1 to i32
        %cond3A_147 = arith.constant 0 : i32
        %cond3A_148 = arith.cmpi ne, %convert_element_type3A_146, %cond3A_147 : i32
        scf.if %cond3A_148 {
          %add3A_167 = arith.constant 1 : i32
          %add3A_168 = arith.addi %mul3A_76, %add3A_167 : i32
          %dma_wait3A_169 = arith.constant 0 : i32
          %dma_wait3A_170 = tpu.memref_slice %arg8[%add3A_168, %dma_wait3A_169] : memref<160x128xi32, #tpu.memory_space<vmem>> -> memref<1x128xi32, #tpu.memory_space<vmem>>
          %dma_wait3A_171 = tpu.memref_squeeze %dma_wait3A_170 : memref<1x128xi32, #tpu.memory_space<vmem>> -> memref<128xi32, #tpu.memory_space<vmem>>
          %dma_wait3A_172 = arith.constant 0 : i32
          %dma_wait3A_173 = arith.constant 0 : i32
          %dma_wait3A_174 = tpu.memref_slice %arg13[%dma_wait3A_172, %dma_wait3A_173] : memref<10240x64xf32, #tpu.memory_space<vmem_shared>> -> memref<10240x64xf32, #tpu.memory_space<vmem_shared>>
          tpu.wait_indirect_dma semaphore(%arg19 : memref<!tpu.dma_semaphore, #tpu.memory_space<semaphore_mem>>) src(%arg10 : memref<128x64xf32, #tpu.memory_space<vmem>>) dst(%dma_wait3A_174 : memref<10240x64xf32, #tpu.memory_space<vmem_shared>>)
          %dma_start3A_175 = arith.constant 0 : i32
          %dma_start3A_176 = tpu.memref_slice %arg7[%add3A_143, %dma_start3A_175] : memref<160x128xi32, #tpu.memory_space<vmem>> -> memref<1x128xi32, #tpu.memory_space<vmem>>
          %dma_start3A_177 = tpu.memref_squeeze %dma_start3A_176 : memref<1x128xi32, #tpu.memory_space<vmem>> -> memref<128xi32, #tpu.memory_space<vmem>>
          %dma_start3A_178 = arith.constant 0 : i32
          %dma_start3A_179 = arith.constant 0 : i32
          %dma_start3A_180 = tpu.memref_slice %arg3[%dma_start3A_178, %dma_start3A_179] : memref<10240x64xf32, #tpu.memory_space<hbm>> -> memref<10240x64xf32, #tpu.memory_space<hbm>>
          tpu.enqueue_indirect_dma source(%dma_start3A_180 : memref<10240x64xf32, #tpu.memory_space<hbm>>) target(%arg10 : memref<128x64xf32, #tpu.memory_space<vmem>>) offsets(%dma_start3A_177 : memref<128xi32, #tpu.memory_space<vmem>>) semaphore(%arg15 : memref<!tpu.dma_semaphore, #tpu.memory_space<semaphore_mem>>)
        } else {
        }
        %add3A_149 = arith.constant 4 : i32
        %add3A_150 = arith.addi %mul3A_76, %add3A_149 : i32
        %add3A_151 = arith.constant 2 : i32
        %add3A_152 = arith.addi %add3A_150, %add3A_151 : i32
        %lt3A_153 = arith.constant 160 : i32
        %lt3A_154 = arith.cmpi slt, %add3A_152, %lt3A_153 : i32
        %convert_element_type3A_155 = arith.extui %lt3A_154 : i1 to i32
        %cond3A_156 = arith.constant 0 : i32
        %cond3A_157 = arith.cmpi ne, %convert_element_type3A_155, %cond3A_156 : i32
        scf.if %cond3A_157 {
          %add3A_167 = arith.constant 2 : i32
          %add3A_168 = arith.addi %mul3A_76, %add3A_167 : i32
          %dma_wait3A_169 = arith.constant 0 : i32
          %dma_wait3A_170 = tpu.memref_slice %arg8[%add3A_168, %dma_wait3A_169] : memref<160x128xi32, #tpu.memory_space<vmem>> -> memref<1x128xi32, #tpu.memory_space<vmem>>
          %dma_wait3A_171 = tpu.memref_squeeze %dma_wait3A_170 : memref<1x128xi32, #tpu.memory_space<vmem>> -> memref<128xi32, #tpu.memory_space<vmem>>
          %dma_wait3A_172 = arith.constant 0 : i32
          %dma_wait3A_173 = arith.constant 0 : i32
          %dma_wait3A_174 = tpu.memref_slice %arg13[%dma_wait3A_172, %dma_wait3A_173] : memref<10240x64xf32, #tpu.memory_space<vmem_shared>> -> memref<10240x64xf32, #tpu.memory_space<vmem_shared>>
          tpu.wait_indirect_dma semaphore(%arg20 : memref<!tpu.dma_semaphore, #tpu.memory_space<semaphore_mem>>) src(%arg11 : memref<128x64xf32, #tpu.memory_space<vmem>>) dst(%dma_wait3A_174 : memref<10240x64xf32, #tpu.memory_space<vmem_shared>>)
          %dma_start3A_175 = arith.constant 0 : i32
          %dma_start3A_176 = tpu.memref_slice %arg7[%add3A_152, %dma_start3A_175] : memref<160x128xi32, #tpu.memory_space<vmem>> -> memref<1x128xi32, #tpu.memory_space<vmem>>
          %dma_start3A_177 = tpu.memref_squeeze %dma_start3A_176 : memref<1x128xi32, #tpu.memory_space<vmem>> -> memref<128xi32, #tpu.memory_space<vmem>>
          %dma_start3A_178 = arith.constant 0 : i32
          %dma_start3A_179 = arith.constant 0 : i32
          %dma_start3A_180 = tpu.memref_slice %arg3[%dma_start3A_178, %dma_start3A_179] : memref<10240x64xf32, #tpu.memory_space<hbm>> -> memref<10240x64xf32, #tpu.memory_space<hbm>>
          tpu.enqueue_indirect_dma source(%dma_start3A_180 : memref<10240x64xf32, #tpu.memory_space<hbm>>) target(%arg11 : memref<128x64xf32, #tpu.memory_space<vmem>>) offsets(%dma_start3A_177 : memref<128xi32, #tpu.memory_space<vmem>>) semaphore(%arg16 : memref<!tpu.dma_semaphore, #tpu.memory_space<semaphore_mem>>)
        } else {
        }
        %add3A_158 = arith.constant 4 : i32
        %add3A_159 = arith.addi %mul3A_76, %add3A_158 : i32
        %add3A_160 = arith.constant 3 : i32
        %add3A_161 = arith.addi %add3A_159, %add3A_160 : i32
        %lt3A_162 = arith.constant 160 : i32
        %lt3A_163 = arith.cmpi slt, %add3A_161, %lt3A_162 : i32
        %convert_element_type3A_164 = arith.extui %lt3A_163 : i1 to i32
        %cond3A_165 = arith.constant 0 : i32
        %cond3A_166 = arith.cmpi ne, %convert_element_type3A_164, %cond3A_165 : i32
        scf.if %cond3A_166 {
          %add3A_167 = arith.constant 3 : i32
          %add3A_168 = arith.addi %mul3A_76, %add3A_167 : i32
          %dma_wait3A_169 = arith.constant 0 : i32
          %dma_wait3A_170 = tpu.memref_slice %arg8[%add3A_168, %dma_wait3A_169] : memref<160x128xi32, #tpu.memory_space<vmem>> -> memref<1x128xi32, #tpu.memory_space<vmem>>
          %dma_wait3A_171 = tpu.memref_squeeze %dma_wait3A_170 : memref<1x128xi32, #tpu.memory_space<vmem>> -> memref<128xi32, #tpu.memory_space<vmem>>
          %dma_wait3A_172 = arith.constant 0 : i32
          %dma_wait3A_173 = arith.constant 0 : i32
          %dma_wait3A_174 = tpu.memref_slice %arg13[%dma_wait3A_172, %dma_wait3A_173] : memref<10240x64xf32, #tpu.memory_space<vmem_shared>> -> memref<10240x64xf32, #tpu.memory_space<vmem_shared>>
          tpu.wait_indirect_dma semaphore(%arg21 : memref<!tpu.dma_semaphore, #tpu.memory_space<semaphore_mem>>) src(%arg12 : memref<128x64xf32, #tpu.memory_space<vmem>>) dst(%dma_wait3A_174 : memref<10240x64xf32, #tpu.memory_space<vmem_shared>>)
          %dma_start3A_175 = arith.constant 0 : i32
          %dma_start3A_176 = tpu.memref_slice %arg7[%add3A_161, %dma_start3A_175] : memref<160x128xi32, #tpu.memory_space<vmem>> -> memref<1x128xi32, #tpu.memory_space<vmem>>
          %dma_start3A_177 = tpu.memref_squeeze %dma_start3A_176 : memref<1x128xi32, #tpu.memory_space<vmem>> -> memref<128xi32, #tpu.memory_space<vmem>>
          %dma_start3A_178 = arith.constant 0 : i32
          %dma_start3A_179 = arith.constant 0 : i32
          %dma_start3A_180 = tpu.memref_slice %arg3[%dma_start3A_178, %dma_start3A_179] : memref<10240x64xf32, #tpu.memory_space<hbm>> -> memref<10240x64xf32, #tpu.memory_space<hbm>>
          tpu.enqueue_indirect_dma source(%dma_start3A_180 : memref<10240x64xf32, #tpu.memory_space<hbm>>) target(%arg12 : memref<128x64xf32, #tpu.memory_space<vmem>>) offsets(%dma_start3A_177 : memref<128xi32, #tpu.memory_space<vmem>>) semaphore(%arg17 : memref<!tpu.dma_semaphore, #tpu.memory_space<semaphore_mem>>)
        } else {
        }
      }
      %scan3A_46 = arith.constant 40 : i32
      %dma_wait3A = arith.constant 0 : i32
      %dma_wait3A_47 = arith.constant 0 : i32
      %dma_wait3A_48 = tpu.memref_slice %arg8[%dma_wait3A, %dma_wait3A_47] : memref<160x128xi32, #tpu.memory_space<vmem>> -> memref<1x128xi32, #tpu.memory_space<vmem>>
      %dma_wait3A_49 = tpu.memref_squeeze %dma_wait3A_48 : memref<1x128xi32, #tpu.memory_space<vmem>> -> memref<128xi32, #tpu.memory_space<vmem>>
      %dma_wait3A_50 = arith.constant 0 : i32
      %dma_wait3A_51 = arith.constant 0 : i32
      %dma_wait3A_52 = tpu.memref_slice %arg13[%dma_wait3A_50, %dma_wait3A_51] : memref<10240x64xf32, #tpu.memory_space<vmem_shared>> -> memref<10240x64xf32, #tpu.memory_space<vmem_shared>>
      tpu.wait_indirect_dma semaphore(%arg18 : memref<!tpu.dma_semaphore, #tpu.memory_space<semaphore_mem>>) src(%arg9 : memref<128x64xf32, #tpu.memory_space<vmem>>) dst(%dma_wait3A_52 : memref<10240x64xf32, #tpu.memory_space<vmem_shared>>)
      %dma_wait3A_53 = arith.constant 0 : i32
      %dma_wait3A_54 = arith.constant 0 : i32
      %dma_wait3A_55 = tpu.memref_slice %arg8[%dma_wait3A_53, %dma_wait3A_54] : memref<160x128xi32, #tpu.memory_space<vmem>> -> memref<1x128xi32, #tpu.memory_space<vmem>>
      %dma_wait3A_56 = tpu.memref_squeeze %dma_wait3A_55 : memref<1x128xi32, #tpu.memory_space<vmem>> -> memref<128xi32, #tpu.memory_space<vmem>>
      %dma_wait3A_57 = arith.constant 0 : i32
      %dma_wait3A_58 = arith.constant 0 : i32
      %dma_wait3A_59 = tpu.memref_slice %arg13[%dma_wait3A_57, %dma_wait3A_58] : memref<10240x64xf32, #tpu.memory_space<vmem_shared>> -> memref<10240x64xf32, #tpu.memory_space<vmem_shared>>
      tpu.wait_indirect_dma semaphore(%arg19 : memref<!tpu.dma_semaphore, #tpu.memory_space<semaphore_mem>>) src(%arg10 : memref<128x64xf32, #tpu.memory_space<vmem>>) dst(%dma_wait3A_59 : memref<10240x64xf32, #tpu.memory_space<vmem_shared>>)
      %dma_wait3A_60 = arith.constant 0 : i32
      %dma_wait3A_61 = arith.constant 0 : i32
      %dma_wait3A_62 = tpu.memref_slice %arg8[%dma_wait3A_60, %dma_wait3A_61] : memref<160x128xi32, #tpu.memory_space<vmem>> -> memref<1x128xi32, #tpu.memory_space<vmem>>
      %dma_wait3A_63 = tpu.memref_squeeze %dma_wait3A_62 : memref<1x128xi32, #tpu.memory_space<vmem>> -> memref<128xi32, #tpu.memory_space<vmem>>
      %dma_wait3A_64 = arith.constant 0 : i32
      %dma_wait3A_65 = arith.constant 0 : i32
      %dma_wait3A_66 = tpu.memref_slice %arg13[%dma_wait3A_64, %dma_wait3A_65] : memref<10240x64xf32, #tpu.memory_space<vmem_shared>> -> memref<10240x64xf32, #tpu.memory_space<vmem_shared>>
      tpu.wait_indirect_dma semaphore(%arg20 : memref<!tpu.dma_semaphore, #tpu.memory_space<semaphore_mem>>) src(%arg11 : memref<128x64xf32, #tpu.memory_space<vmem>>) dst(%dma_wait3A_66 : memref<10240x64xf32, #tpu.memory_space<vmem_shared>>)
      %dma_wait3A_67 = arith.constant 0 : i32
      %dma_wait3A_68 = arith.constant 0 : i32
      %dma_wait3A_69 = tpu.memref_slice %arg8[%dma_wait3A_67, %dma_wait3A_68] : memref<160x128xi32, #tpu.memory_space<vmem>> -> memref<1x128xi32, #tpu.memory_space<vmem>>
      %dma_wait3A_70 = tpu.memref_squeeze %dma_wait3A_69 : memref<1x128xi32, #tpu.memory_space<vmem>> -> memref<128xi32, #tpu.memory_space<vmem>>
      %dma_wait3A_71 = arith.constant 0 : i32
      %dma_wait3A_72 = arith.constant 0 : i32
      %dma_wait3A_73 = tpu.memref_slice %arg13[%dma_wait3A_71, %dma_wait3A_72] : memref<10240x64xf32, #tpu.memory_space<vmem_shared>> -> memref<10240x64xf32, #tpu.memory_space<vmem_shared>>
      tpu.wait_indirect_dma semaphore(%arg21 : memref<!tpu.dma_semaphore, #tpu.memory_space<semaphore_mem>>) src(%arg12 : memref<128x64xf32, #tpu.memory_space<vmem>>) dst(%dma_wait3A_73 : memref<10240x64xf32, #tpu.memory_space<vmem_shared>>)
    } else {
    }
    %barrier3A = arith.constant 0 : index
    tpu.barrier barrier_id(%barrier3A)
    %mul3A = arith.constant 640 : i32
    %mul3A_7 = arith.muli %arg1, %mul3A : i32
    %mul3A_8 = arith.constant 640 : i32
    %mul3A_9 = arith.muli %arg1, %mul3A_8 : i32
    "tpu.region"() ({
      %run_scoped3A = tpu.sem_alloc : memref<!tpu.dma_semaphore, #tpu.memory_space<semaphore_mem>>
      %dma_start3A = arith.constant 0 : i32
      %dma_start3A_10 = tpu.memref_slice %arg6[%arg0, %mul3A_9, %dma_start3A] : memref<2x10240x64xf32, #tpu.memory_space<hbm>> -> memref<1x640x64xf32, #tpu.memory_space<hbm>>
      %dma_start3A_11 = tpu.memref_squeeze %dma_start3A_10 : memref<1x640x64xf32, #tpu.memory_space<hbm>> -> memref<640x64xf32, #tpu.memory_space<hbm>>
      %dma_start3A_12 = arith.constant 0 : i32
      %dma_start3A_13 = tpu.memref_slice %arg13[%mul3A_7, %dma_start3A_12] : memref<10240x64xf32, #tpu.memory_space<vmem_shared>> -> memref<640x64xf32, #tpu.memory_space<vmem_shared>>
      tpu.enqueue_dma source(%dma_start3A_13 : memref<640x64xf32, #tpu.memory_space<vmem_shared>>) target(%dma_start3A_11 : memref<640x64xf32, #tpu.memory_space<hbm>>) target_semaphore(%run_scoped3A : memref<!tpu.dma_semaphore, #tpu.memory_space<semaphore_mem>>)
      %dma_wait3A = arith.constant 0 : i32
      %dma_wait3A_14 = tpu.memref_slice %arg6[%arg0, %mul3A_9, %dma_wait3A] : memref<2x10240x64xf32, #tpu.memory_space<hbm>> -> memref<1x640x64xf32, #tpu.memory_space<hbm>>
      %dma_wait3A_15 = tpu.memref_squeeze %dma_wait3A_14 : memref<1x640x64xf32, #tpu.memory_space<hbm>> -> memref<640x64xf32, #tpu.memory_space<hbm>>
      %dma_wait3A_16 = arith.constant 0 : i32
      %dma_wait3A_17 = tpu.memref_slice %arg13[%mul3A_7, %dma_wait3A_16] : memref<10240x64xf32, #tpu.memory_space<vmem_shared>> -> memref<640x64xf32, #tpu.memory_space<vmem_shared>>
      tpu.wait_dma2 semaphore(%run_scoped3A : memref<!tpu.dma_semaphore, #tpu.memory_space<semaphore_mem>>) src(%dma_wait3A_17 : memref<640x64xf32, #tpu.memory_space<vmem_shared>>) dst(%dma_wait3A_15 : memref<640x64xf32, #tpu.memory_space<hbm>>)
      tpu.yield
    }) : () -> ()
    return
  }
}

#map = affine_map<(d0, d1) -> (0, 0)>
#map1 = affine_map<(d0, d1) -> (0, 0, 0)>
module attributes {stable_mosaic.version = 14 : i64} {
  func.func @body(%arg0: i32, %arg1: i32, %arg2: memref<10240x64xf32, #tpu.memory_space<hbm>>, %arg3: memref<10240x64xf32, #tpu.memory_space<hbm>>, %arg4: memref<16x160x128xi32, #tpu.memory_space<hbm>>, %arg5: memref<16x160x128xi32, #tpu.memory_space<hbm>>, %arg6: memref<2x10240x64xf32, #tpu.memory_space<hbm>>, %arg7: memref<160x128xi32, #tpu.memory_space<vmem>>, %arg8: memref<160x128xi32, #tpu.memory_space<vmem>>, %arg9: memref<128x64xf32, #tpu.memory_space<vmem>>, %arg10: memref<128x64xf32, #tpu.memory_space<vmem>>, %arg11: memref<128x64xf32, #tpu.memory_space<vmem>>, %arg12: memref<128x64xf32, #tpu.memory_space<vmem>>, %arg13: memref<10240x64xf32, #tpu.memory_space<vmem_shared>>, %arg14: memref<!tpu.dma_semaphore, #tpu.memory_space<semaphore_mem>>, %arg15: memref<!tpu.dma_semaphore, #tpu.memory_space<semaphore_mem>>, %arg16: memref<!tpu.dma_semaphore, #tpu.memory_space<semaphore_mem>>, %arg17: memref<!tpu.dma_semaphore, #tpu.memory_space<semaphore_mem>>, %arg18: memref<!tpu.dma_semaphore, #tpu.memory_space<semaphore_mem>>, %arg19: memref<!tpu.dma_semaphore, #tpu.memory_space<semaphore_mem>>, %arg20: memref<!tpu.dma_semaphore, #tpu.memory_space<semaphore_mem>>, %arg21: memref<!tpu.dma_semaphore, #tpu.memory_space<semaphore_mem>>) attributes {dimension_semantics = [#tpu.dimension_semantics<core_parallel>, #tpu.dimension_semantics<subcore_parallel>], iteration_bounds = array<i64: 2, 16>, scalar_prefetch = 0 : i64, scratch_operands = 15 : i64, tpu.core_type = #tpu.core_type<sc_vector_subcore>, window_params = [{transform_indices = #map}, {transform_indices = #map}, {transform_indices = #map1}, {transform_indices = #map1}, {transform_indices = #map1}]} {
    "tpu.region"() ({
      %run_scoped3A = tpu.sem_alloc : memref<!tpu.dma_semaphore, #tpu.memory_space<semaphore_mem>>
      %dma_start3A = arith.constant 0 : i32
      %dma_start3A_10 = arith.constant 0 : i32
      %dma_start3A_11 = tpu.memref_slice %arg4[%arg1, %dma_start3A, %dma_start3A_10] : memref<16x160x128xi32, #tpu.memory_space<hbm>> -> memref<1x160x128xi32, #tpu.memory_space<hbm>>
      %dma_start3A_12 = tpu.memref_squeeze %dma_start3A_11 : memref<1x160x128xi32, #tpu.memory_space<hbm>> -> memref<160x128xi32, #tpu.memory_space<hbm>>
      %dma_start3A_13 = arith.constant 0 : i32
      %dma_start3A_14 = arith.constant 0 : i32
      %dma_start3A_15 = tpu.memref_slice %arg4[%arg1, %dma_start3A_13, %dma_start3A_14] : memref<16x160x128xi32, #tpu.memory_space<hbm>> -> memref<1x160x128xi32, #tpu.memory_space<hbm>>
      %dma_start3A_16 = tpu.memref_squeeze %dma_start3A_15 : memref<1x160x128xi32, #tpu.memory_space<hbm>> -> memref<160x128xi32, #tpu.memory_space<hbm>>
      tpu.enqueue_dma source(%dma_start3A_16 : memref<160x128xi32, #tpu.memory_space<hbm>>) target(%arg7 : memref<160x128xi32, #tpu.memory_space<vmem>>) target_semaphore(%run_scoped3A : memref<!tpu.dma_semaphore, #tpu.memory_space<semaphore_mem>>)
      %dma_wait3A = arith.constant 0 : i32
      %dma_wait3A_17 = arith.constant 0 : i32
      %dma_wait3A_18 = tpu.memref_slice %arg4[%arg1, %dma_wait3A, %dma_wait3A_17] : memref<16x160x128xi32, #tpu.memory_space<hbm>> -> memref<1x160x128xi32, #tpu.memory_space<hbm>>
      %dma_wait3A_19 = tpu.memref_squeeze %dma_wait3A_18 : memref<1x160x128xi32, #tpu.memory_space<hbm>> -> memref<160x128xi32, #tpu.memory_space<hbm>>
      %dma_wait3A_20 = arith.constant 0 : i32
      %dma_wait3A_21 = arith.constant 0 : i32
      %dma_wait3A_22 = tpu.memref_slice %arg4[%arg1, %dma_wait3A_20, %dma_wait3A_21] : memref<16x160x128xi32, #tpu.memory_space<hbm>> -> memref<1x160x128xi32, #tpu.memory_space<hbm>>
      %dma_wait3A_23 = tpu.memref_squeeze %dma_wait3A_22 : memref<1x160x128xi32, #tpu.memory_space<hbm>> -> memref<160x128xi32, #tpu.memory_space<hbm>>
      tpu.wait_dma2 semaphore(%run_scoped3A : memref<!tpu.dma_semaphore, #tpu.memory_space<semaphore_mem>>) src(%dma_wait3A_23 : memref<160x128xi32, #tpu.memory_space<hbm>>) dst(%arg7 : memref<160x128xi32, #tpu.memory_space<vmem>>)
      tpu.yield
    }) : () -> ()
    "tpu.region"() ({
      %run_scoped3A = tpu.sem_alloc : memref<!tpu.dma_semaphore, #tpu.memory_space<semaphore_mem>>
      %dma_start3A = arith.constant 0 : i32
      %dma_start3A_10 = arith.constant 0 : i32
      %dma_start3A_11 = tpu.memref_slice %arg5[%arg1, %dma_start3A, %dma_start3A_10] : memref<16x160x128xi32, #tpu.memory_space<hbm>> -> memref<1x160x128xi32, #tpu.memory_space<hbm>>
      %dma_start3A_12 = tpu.memref_squeeze %dma_start3A_11 : memref<1x160x128xi32, #tpu.memory_space<hbm>> -> memref<160x128xi32, #tpu.memory_space<hbm>>
      %dma_start3A_13 = arith.constant 0 : i32
      %dma_start3A_14 = arith.constant 0 : i32
      %dma_start3A_15 = tpu.memref_slice %arg5[%arg1, %dma_start3A_13, %dma_start3A_14] : memref<16x160x128xi32, #tpu.memory_space<hbm>> -> memref<1x160x128xi32, #tpu.memory_space<hbm>>
      %dma_start3A_16 = tpu.memref_squeeze %dma_start3A_15 : memref<1x160x128xi32, #tpu.memory_space<hbm>> -> memref<160x128xi32, #tpu.memory_space<hbm>>
      tpu.enqueue_dma source(%dma_start3A_16 : memref<160x128xi32, #tpu.memory_space<hbm>>) target(%arg8 : memref<160x128xi32, #tpu.memory_space<vmem>>) target_semaphore(%run_scoped3A : memref<!tpu.dma_semaphore, #tpu.memory_space<semaphore_mem>>)
      %dma_wait3A = arith.constant 0 : i32
      %dma_wait3A_17 = arith.constant 0 : i32
      %dma_wait3A_18 = tpu.memref_slice %arg5[%arg1, %dma_wait3A, %dma_wait3A_17] : memref<16x160x128xi32, #tpu.memory_space<hbm>> -> memref<1x160x128xi32, #tpu.memory_space<hbm>>
      %dma_wait3A_19 = tpu.memref_squeeze %dma_wait3A_18 : memref<1x160x128xi32, #tpu.memory_space<hbm>> -> memref<160x128xi32, #tpu.memory_space<hbm>>
      %dma_wait3A_20 = arith.constant 0 : i32
      %dma_wait3A_21 = arith.constant 0 : i32
      %dma_wait3A_22 = tpu.memref_slice %arg5[%arg1, %dma_wait3A_20, %dma_wait3A_21] : memref<16x160x128xi32, #tpu.memory_space<hbm>> -> memref<1x160x128xi32, #tpu.memory_space<hbm>>
      %dma_wait3A_23 = tpu.memref_squeeze %dma_wait3A_22 : memref<1x160x128xi32, #tpu.memory_space<hbm>> -> memref<160x128xi32, #tpu.memory_space<hbm>>
      tpu.wait_dma2 semaphore(%run_scoped3A : memref<!tpu.dma_semaphore, #tpu.memory_space<semaphore_mem>>) src(%dma_wait3A_23 : memref<160x128xi32, #tpu.memory_space<hbm>>) dst(%arg8 : memref<160x128xi32, #tpu.memory_space<vmem>>)
      tpu.yield
    }) : () -> ()
    %eq3A = arith.constant 0 : i32
    %eq3A_0 = arith.cmpi eq, %arg0, %eq3A : i32
    %convert_element_type3A = arith.extui %eq3A_0 : i1 to i32
    %cond3A = arith.constant 0 : i32
    %cond3A_1 = arith.cmpi ne, %convert_element_type3A, %cond3A : i32
    scf.if %cond3A_1 {
      %mul3A_10 = arith.constant 640 : i32
      %mul3A_11 = arith.muli %arg1, %mul3A_10 : i32
      %mul3A_12 = arith.constant 640 : i32
      %mul3A_13 = arith.muli %arg1, %mul3A_12 : i32
      "tpu.region"() ({
        %run_scoped3A = tpu.sem_alloc : memref<!tpu.dma_semaphore, #tpu.memory_space<semaphore_mem>>
        %dma_start3A_74 = arith.constant 0 : i32
        %dma_start3A_75 = tpu.memref_slice %arg13[%mul3A_13, %dma_start3A_74] : memref<10240x64xf32, #tpu.memory_space<vmem_shared>> -> memref<640x64xf32, #tpu.memory_space<vmem_shared>>
        %dma_start3A_76 = arith.constant 0 : i32
        %dma_start3A_77 = tpu.memref_slice %arg2[%mul3A_11, %dma_start3A_76] : memref<10240x64xf32, #tpu.memory_space<hbm>> -> memref<640x64xf32, #tpu.memory_space<hbm>>
        tpu.enqueue_dma source(%dma_start3A_77 : memref<640x64xf32, #tpu.memory_space<hbm>>) target(%dma_start3A_75 : memref<640x64xf32, #tpu.memory_space<vmem_shared>>) target_semaphore(%run_scoped3A : memref<!tpu.dma_semaphore, #tpu.memory_space<semaphore_mem>>)
        %dma_wait3A_78 = arith.constant 0 : i32
        %dma_wait3A_79 = tpu.memref_slice %arg13[%mul3A_13, %dma_wait3A_78] : memref<10240x64xf32, #tpu.memory_space<vmem_shared>> -> memref<640x64xf32, #tpu.memory_space<vmem_shared>>
        %dma_wait3A_80 = arith.constant 0 : i32
        %dma_wait3A_81 = tpu.memref_slice %arg2[%mul3A_11, %dma_wait3A_80] : memref<10240x64xf32, #tpu.memory_space<hbm>> -> memref<640x64xf32, #tpu.memory_space<hbm>>
        tpu.wait_dma2 semaphore(%run_scoped3A : memref<!tpu.dma_semaphore, #tpu.memory_space<semaphore_mem>>) src(%dma_wait3A_81 : memref<640x64xf32, #tpu.memory_space<hbm>>) dst(%dma_wait3A_79 : memref<640x64xf32, #tpu.memory_space<vmem_shared>>)
        tpu.yield
      }) : () -> ()
      %barrier3A_14 = arith.constant 0 : index
      tpu.barrier barrier_id(%barrier3A_14)
      %dma_start3A = arith.constant 0 : i32
      %dma_start3A_15 = arith.constant 0 : i32
      %dma_start3A_16 = tpu.memref_slice %arg7[%dma_start3A, %dma_start3A_15] : memref<160x128xi32, #tpu.memory_space<vmem>> -> memref<1x128xi32, #tpu.memory_space<vmem>>
      %dma_start3A_17 = tpu.memref_squeeze %dma_start3A_16 : memref<1x128xi32, #tpu.memory_space<vmem>> -> memref<128xi32, #tpu.memory_space<vmem>>
      %dma_start3A_18 = arith.constant 0 : i32
      %dma_start3A_19 = arith.constant 0 : i32
      %dma_start3A_20 = tpu.memref_slice %arg2[%dma_start3A_18, %dma_start3A_19] : memref<10240x64xf32, #tpu.memory_space<hbm>> -> memref<10240x64xf32, #tpu.memory_space<hbm>>
      tpu.enqueue_indirect_dma source(%dma_start3A_20 : memref<10240x64xf32, #tpu.memory_space<hbm>>) target(%arg9 : memref<128x64xf32, #tpu.memory_space<vmem>>) offsets(%dma_start3A_17 : memref<128xi32, #tpu.memory_space<vmem>>) semaphore(%arg14 : memref<!tpu.dma_semaphore, #tpu.memory_space<semaphore_mem>>)
      %dma_start3A_21 = arith.constant 1 : i32
      %dma_start3A_22 = arith.constant 0 : i32
      %dma_start3A_23 = tpu.memref_slice %arg7[%dma_start3A_21, %dma_start3A_22] : memref<160x128xi32, #tpu.memory_space<vmem>> -> memref<1x128xi32, #tpu.memory_space<vmem>>
      %dma_start3A_24 = tpu.memref_squeeze %dma_start3A_23 : memref<1x128xi32, #tpu.memory_space<vmem>> -> memref<128xi32, #tpu.memory_space<vmem>>
      %dma_start3A_25 = arith.constant 0 : i32
      %dma_start3A_26 = arith.constant 0 : i32
      %dma_start3A_27 = tpu.memref_slice %arg2[%dma_start3A_25, %dma_start3A_26] : memref<10240x64xf32, #tpu.memory_space<hbm>> -> memref<10240x64xf32, #tpu.memory_space<hbm>>
      tpu.enqueue_indirect_dma source(%dma_start3A_27 : memref<10240x64xf32, #tpu.memory_space<hbm>>) target(%arg10 : memref<128x64xf32, #tpu.memory_space<vmem>>) offsets(%dma_start3A_24 : memref<128xi32, #tpu.memory_space<vmem>>) semaphore(%arg15 : memref<!tpu.dma_semaphore, #tpu.memory_space<semaphore_mem>>)
      %dma_start3A_28 = arith.constant 2 : i32
      %dma_start3A_29 = arith.constant 0 : i32
      %dma_start3A_30 = tpu.memref_slice %arg7[%dma_start3A_28, %dma_start3A_29] : memref<160x128xi32, #tpu.memory_space<vmem>> -> memref<1x128xi32, #tpu.memory_space<vmem>>
      %dma_start3A_31 = tpu.memref_squeeze %dma_start3A_30 : memref<1x128xi32, #tpu.memory_space<vmem>> -> memref<128xi32, #tpu.memory_space<vmem>>
      %dma_start3A_32 = arith.constant 0 : i32
      %dma_start3A_33 = arith.constant 0 : i32
      %dma_start3A_34 = tpu.memref_slice %arg2[%dma_start3A_32, %dma_start3A_33] : memref<10240x64xf32, #tpu.memory_space<hbm>> -> memref<10240x64xf32, #tpu.memory_space<hbm>>
      tpu.enqueue_indirect_dma source(%dma_start3A_34 : memref<10240x64xf32, #tpu.memory_space<hbm>>) target(%arg11 : memref<128x64xf32, #tpu.memory_space<vmem>>) offsets(%dma_start3A_31 : memref<128xi32, #tpu.memory_space<vmem>>) semaphore(%arg16 : memref<!tpu.dma_semaphore, #tpu.memory_space<semaphore_mem>>)
      %dma_start3A_35 = arith.constant 3 : i32
      %dma_start3A_36 = arith.constant 0 : i32
      %dma_start3A_37 = tpu.memref_slice %arg7[%dma_start3A_35, %dma_start3A_36] : memref<160x128xi32, #tpu.memory_space<vmem>> -> memref<1x128xi32, #tpu.memory_space<vmem>>
      %dma_start3A_38 = tpu.memref_squeeze %dma_start3A_37 : memref<1x128xi32, #tpu.memory_space<vmem>> -> memref<128xi32, #tpu.memory_space<vmem>>
      %dma_start3A_39 = arith.constant 0 : i32
      %dma_start3A_40 = arith.constant 0 : i32
      %dma_start3A_41 = tpu.memref_slice %arg2[%dma_start3A_39, %dma_start3A_40] : memref<10240x64xf32, #tpu.memory_space<hbm>> -> memref<10240x64xf32, #tpu.memory_space<hbm>>
      tpu.enqueue_indirect_dma source(%dma_start3A_41 : memref<10240x64xf32, #tpu.memory_space<hbm>>) target(%arg12 : memref<128x64xf32, #tpu.memory_space<vmem>>) offsets(%dma_start3A_38 : memref<128xi32, #tpu.memory_space<vmem>>) semaphore(%arg17 : memref<!tpu.dma_semaphore, #tpu.memory_space<semaphore_mem>>)
      %scan3A = arith.constant 0 : i32
      %scan3A_42 = arith.constant 0 : i32
      %scan3A_43 = arith.constant 40 : i32
      %scan3A_44 = arith.addi %scan3A_42, %scan3A_43 : i32
      %scan3A_45 = arith.constant 1 : i32
      scf.for %scan3A_74 = %scan3A_42 to %scan3A_44 step %scan3A_45  : i32 {
        %mul3A_75 = arith.constant 4 : i32
        %mul3A_76 = arith.muli %scan3A_74, %mul3A_75 : i32
        %add3A = arith.constant 0 : i32
        %add3A_77 = arith.addi %mul3A_76, %add3A : i32
        %dma_wait3A_78 = arith.constant 0 : i32
        %dma_wait3A_79 = tpu.memref_slice %arg7[%add3A_77, %dma_wait3A_78] : memref<160x128xi32, #tpu.memory_space<vmem>> -> memref<1x128xi32, #tpu.memory_space<vmem>>
        %dma_wait3A_80 = tpu.memref_squeeze %dma_wait3A_79 : memref<1x128xi32, #tpu.memory_space<vmem>> -> memref<128xi32, #tpu.memory_space<vmem>>
        %dma_wait3A_81 = arith.constant 0 : i32
        %dma_wait3A_82 = arith.constant 0 : i32
        %dma_wait3A_83 = tpu.memref_slice %arg2[%dma_wait3A_81, %dma_wait3A_82] : memref<10240x64xf32, #tpu.memory_space<hbm>> -> memref<10240x64xf32, #tpu.memory_space<hbm>>
        tpu.wait_indirect_dma semaphore(%arg14 : memref<!tpu.dma_semaphore, #tpu.memory_space<semaphore_mem>>) src(%dma_wait3A_83 : memref<10240x64xf32, #tpu.memory_space<hbm>>) dst(%arg9 : memref<128x64xf32, #tpu.memory_space<vmem>>)
        %dma_start3A_84 = arith.constant 0 : i32
        %dma_start3A_85 = tpu.memref_slice %arg8[%add3A_77, %dma_start3A_84] : memref<160x128xi32, #tpu.memory_space<vmem>> -> memref<1x128xi32, #tpu.memory_space<vmem>>
        %dma_start3A_86 = tpu.memref_squeeze %dma_start3A_85 : memref<1x128xi32, #tpu.memory_space<vmem>> -> memref<128xi32, #tpu.memory_space<vmem>>
        %dma_start3A_87 = arith.constant 0 : i32
        %dma_start3A_88 = arith.constant 0 : i32
        %dma_start3A_89 = tpu.memref_slice %arg13[%dma_start3A_87, %dma_start3A_88] : memref<10240x64xf32, #tpu.memory_space<vmem_shared>> -> memref<10240x64xf32, #tpu.memory_space<vmem_shared>>
        tpu.enqueue_indirect_dma source(%arg9 : memref<128x64xf32, #tpu.memory_space<vmem>>) target(%dma_start3A_89 : memref<10240x64xf32, #tpu.memory_space<vmem_shared>>) offsets(%dma_start3A_86 : memref<128xi32, #tpu.memory_space<vmem>>) semaphore(%arg18 : memref<!tpu.dma_semaphore, #tpu.memory_space<semaphore_mem>>) {add = true}
        %add3A_90 = arith.constant 1 : i32
        %add3A_91 = arith.addi %mul3A_76, %add3A_90 : i32
        %dma_wait3A_92 = arith.constant 0 : i32
        %dma_wait3A_93 = tpu.memref_slice %arg7[%add3A_91, %dma_wait3A_92] : memref<160x128xi32, #tpu.memory_space<vmem>> -> memref<1x128xi32, #tpu.memory_space<vmem>>
        %dma_wait3A_94 = tpu.memref_squeeze %dma_wait3A_93 : memref<1x128xi32, #tpu.memory_space<vmem>> -> memref<128xi32, #tpu.memory_space<vmem>>
        %dma_wait3A_95 = arith.constant 0 : i32
        %dma_wait3A_96 = arith.constant 0 : i32
        %dma_wait3A_97 = tpu.memref_slice %arg2[%dma_wait3A_95, %dma_wait3A_96] : memref<10240x64xf32, #tpu.memory_space<hbm>> -> memref<10240x64xf32, #tpu.memory_space<hbm>>
        tpu.wait_indirect_dma semaphore(%arg15 : memref<!tpu.dma_semaphore, #tpu.memory_space<semaphore_mem>>) src(%dma_wait3A_97 : memref<10240x64xf32, #tpu.memory_space<hbm>>) dst(%arg10 : memref<128x64xf32, #tpu.memory_space<vmem>>)
        %dma_start3A_98 = arith.constant 0 : i32
        %dma_start3A_99 = tpu.memref_slice %arg8[%add3A_91, %dma_start3A_98] : memref<160x128xi32, #tpu.memory_space<vmem>> -> memref<1x128xi32, #tpu.memory_space<vmem>>
        %dma_start3A_100 = tpu.memref_squeeze %dma_start3A_99 : memref<1x128xi32, #tpu.memory_space<vmem>> -> memref<128xi32, #tpu.memory_space<vmem>>
        %dma_start3A_101 = arith.constant 0 : i32
        %dma_start3A_102 = arith.constant 0 : i32
        %dma_start3A_103 = tpu.memref_slice %arg13[%dma_start3A_101, %dma_start3A_102] : memref<10240x64xf32, #tpu.memory_space<vmem_shared>> -> memref<10240x64xf32, #tpu.memory_space<vmem_shared>>
        tpu.enqueue_indirect_dma source(%arg10 : memref<128x64xf32, #tpu.memory_space<vmem>>) target(%dma_start3A_103 : memref<10240x64xf32, #tpu.memory_space<vmem_shared>>) offsets(%dma_start3A_100 : memref<128xi32, #tpu.memory_space<vmem>>) semaphore(%arg19 : memref<!tpu.dma_semaphore, #tpu.memory_space<semaphore_mem>>) {add = true}
        %add3A_104 = arith.constant 2 : i32
        %add3A_105 = arith.addi %mul3A_76, %add3A_104 : i32
        %dma_wait3A_106 = arith.constant 0 : i32
        %dma_wait3A_107 = tpu.memref_slice %arg7[%add3A_105, %dma_wait3A_106] : memref<160x128xi32, #tpu.memory_space<vmem>> -> memref<1x128xi32, #tpu.memory_space<vmem>>
        %dma_wait3A_108 = tpu.memref_squeeze %dma_wait3A_107 : memref<1x128xi32, #tpu.memory_space<vmem>> -> memref<128xi32, #tpu.memory_space<vmem>>
        %dma_wait3A_109 = arith.constant 0 : i32
        %dma_wait3A_110 = arith.constant 0 : i32
        %dma_wait3A_111 = tpu.memref_slice %arg2[%dma_wait3A_109, %dma_wait3A_110] : memref<10240x64xf32, #tpu.memory_space<hbm>> -> memref<10240x64xf32, #tpu.memory_space<hbm>>
        tpu.wait_indirect_dma semaphore(%arg16 : memref<!tpu.dma_semaphore, #tpu.memory_space<semaphore_mem>>) src(%dma_wait3A_111 : memref<10240x64xf32, #tpu.memory_space<hbm>>) dst(%arg11 : memref<128x64xf32, #tpu.memory_space<vmem>>)
        %dma_start3A_112 = arith.constant 0 : i32
        %dma_start3A_113 = tpu.memref_slice %arg8[%add3A_105, %dma_start3A_112] : memref<160x128xi32, #tpu.memory_space<vmem>> -> memref<1x128xi32, #tpu.memory_space<vmem>>
        %dma_start3A_114 = tpu.memref_squeeze %dma_start3A_113 : memref<1x128xi32, #tpu.memory_space<vmem>> -> memref<128xi32, #tpu.memory_space<vmem>>
        %dma_start3A_115 = arith.constant 0 : i32
        %dma_start3A_116 = arith.constant 0 : i32
        %dma_start3A_117 = tpu.memref_slice %arg13[%dma_start3A_115, %dma_start3A_116] : memref<10240x64xf32, #tpu.memory_space<vmem_shared>> -> memref<10240x64xf32, #tpu.memory_space<vmem_shared>>
        tpu.enqueue_indirect_dma source(%arg11 : memref<128x64xf32, #tpu.memory_space<vmem>>) target(%dma_start3A_117 : memref<10240x64xf32, #tpu.memory_space<vmem_shared>>) offsets(%dma_start3A_114 : memref<128xi32, #tpu.memory_space<vmem>>) semaphore(%arg20 : memref<!tpu.dma_semaphore, #tpu.memory_space<semaphore_mem>>) {add = true}
        %add3A_118 = arith.constant 3 : i32
        %add3A_119 = arith.addi %mul3A_76, %add3A_118 : i32
        %dma_wait3A_120 = arith.constant 0 : i32
        %dma_wait3A_121 = tpu.memref_slice %arg7[%add3A_119, %dma_wait3A_120] : memref<160x128xi32, #tpu.memory_space<vmem>> -> memref<1x128xi32, #tpu.memory_space<vmem>>
        %dma_wait3A_122 = tpu.memref_squeeze %dma_wait3A_121 : memref<1x128xi32, #tpu.memory_space<vmem>> -> memref<128xi32, #tpu.memory_space<vmem>>
        %dma_wait3A_123 = arith.constant 0 : i32
        %dma_wait3A_124 = arith.constant 0 : i32
        %dma_wait3A_125 = tpu.memref_slice %arg2[%dma_wait3A_123, %dma_wait3A_124] : memref<10240x64xf32, #tpu.memory_space<hbm>> -> memref<10240x64xf32, #tpu.memory_space<hbm>>
        tpu.wait_indirect_dma semaphore(%arg17 : memref<!tpu.dma_semaphore, #tpu.memory_space<semaphore_mem>>) src(%dma_wait3A_125 : memref<10240x64xf32, #tpu.memory_space<hbm>>) dst(%arg12 : memref<128x64xf32, #tpu.memory_space<vmem>>)
        %dma_start3A_126 = arith.constant 0 : i32
        %dma_start3A_127 = tpu.memref_slice %arg8[%add3A_119, %dma_start3A_126] : memref<160x128xi32, #tpu.memory_space<vmem>> -> memref<1x128xi32, #tpu.memory_space<vmem>>
        %dma_start3A_128 = tpu.memref_squeeze %dma_start3A_127 : memref<1x128xi32, #tpu.memory_space<vmem>> -> memref<128xi32, #tpu.memory_space<vmem>>
        %dma_start3A_129 = arith.constant 0 : i32
        %dma_start3A_130 = arith.constant 0 : i32
        %dma_start3A_131 = tpu.memref_slice %arg13[%dma_start3A_129, %dma_start3A_130] : memref<10240x64xf32, #tpu.memory_space<vmem_shared>> -> memref<10240x64xf32, #tpu.memory_space<vmem_shared>>
        tpu.enqueue_indirect_dma source(%arg12 : memref<128x64xf32, #tpu.memory_space<vmem>>) target(%dma_start3A_131 : memref<10240x64xf32, #tpu.memory_space<vmem_shared>>) offsets(%dma_start3A_128 : memref<128xi32, #tpu.memory_space<vmem>>) semaphore(%arg21 : memref<!tpu.dma_semaphore, #tpu.memory_space<semaphore_mem>>) {add = true}
        %add3A_132 = arith.constant 4 : i32
        %add3A_133 = arith.addi %mul3A_76, %add3A_132 : i32
        %add3A_134 = arith.constant 0 : i32
        %add3A_135 = arith.addi %add3A_133, %add3A_134 : i32
        %lt3A = arith.constant 160 : i32
        %lt3A_136 = arith.cmpi slt, %add3A_135, %lt3A : i32
        %convert_element_type3A_137 = arith.extui %lt3A_136 : i1 to i32
        %cond3A_138 = arith.constant 0 : i32
        %cond3A_139 = arith.cmpi ne, %convert_element_type3A_137, %cond3A_138 : i32
        scf.if %cond3A_139 {
          %add3A_167 = arith.constant 0 : i32
          %add3A_168 = arith.addi %mul3A_76, %add3A_167 : i32
          %dma_wait3A_169 = arith.constant 0 : i32
          %dma_wait3A_170 = tpu.memref_slice %arg8[%add3A_168, %dma_wait3A_169] : memref<160x128xi32, #tpu.memory_space<vmem>> -> memref<1x128xi32, #tpu.memory_space<vmem>>
          %dma_wait3A_171 = tpu.memref_squeeze %dma_wait3A_170 : memref<1x128xi32, #tpu.memory_space<vmem>> -> memref<128xi32, #tpu.memory_space<vmem>>
          %dma_wait3A_172 = arith.constant 0 : i32
          %dma_wait3A_173 = arith.constant 0 : i32
          %dma_wait3A_174 = tpu.memref_slice %arg13[%dma_wait3A_172, %dma_wait3A_173] : memref<10240x64xf32, #tpu.memory_space<vmem_shared>> -> memref<10240x64xf32, #tpu.memory_space<vmem_shared>>
          tpu.wait_indirect_dma semaphore(%arg18 : memref<!tpu.dma_semaphore, #tpu.memory_space<semaphore_mem>>) src(%arg9 : memref<128x64xf32, #tpu.memory_space<vmem>>) dst(%dma_wait3A_174 : memref<10240x64xf32, #tpu.memory_space<vmem_shared>>)
          %dma_start3A_175 = arith.constant 0 : i32
          %dma_start3A_176 = tpu.memref_slice %arg7[%add3A_135, %dma_start3A_175] : memref<160x128xi32, #tpu.memory_space<vmem>> -> memref<1x128xi32, #tpu.memory_space<vmem>>
          %dma_start3A_177 = tpu.memref_squeeze %dma_start3A_176 : memref<1x128xi32, #tpu.memory_space<vmem>> -> memref<128xi32, #tpu.memory_space<vmem>>
          %dma_start3A_178 = arith.constant 0 : i32
          %dma_start3A_179 = arith.constant 0 : i32
          %dma_start3A_180 = tpu.memref_slice %arg2[%dma_start3A_178, %dma_start3A_179] : memref<10240x64xf32, #tpu.memory_space<hbm>> -> memref<10240x64xf32, #tpu.memory_space<hbm>>
          tpu.enqueue_indirect_dma source(%dma_start3A_180 : memref<10240x64xf32, #tpu.memory_space<hbm>>) target(%arg9 : memref<128x64xf32, #tpu.memory_space<vmem>>) offsets(%dma_start3A_177 : memref<128xi32, #tpu.memory_space<vmem>>) semaphore(%arg14 : memref<!tpu.dma_semaphore, #tpu.memory_space<semaphore_mem>>)
        } else {
        }
        %add3A_140 = arith.constant 4 : i32
        %add3A_141 = arith.addi %mul3A_76, %add3A_140 : i32
        %add3A_142 = arith.constant 1 : i32
        %add3A_143 = arith.addi %add3A_141, %add3A_142 : i32
        %lt3A_144 = arith.constant 160 : i32
        %lt3A_145 = arith.cmpi slt, %add3A_143, %lt3A_144 : i32
        %convert_element_type3A_146 = arith.extui %lt3A_145 : i1 to i32
        %cond3A_147 = arith.constant 0 : i32
        %cond3A_148 = arith.cmpi ne, %convert_element_type3A_146, %cond3A_147 : i32
        scf.if %cond3A_148 {
          %add3A_167 = arith.constant 1 : i32
          %add3A_168 = arith.addi %mul3A_76, %add3A_167 : i32
          %dma_wait3A_169 = arith.constant 0 : i32
          %dma_wait3A_170 = tpu.memref_slice %arg8[%add3A_168, %dma_wait3A_169] : memref<160x128xi32, #tpu.memory_space<vmem>> -> memref<1x128xi32, #tpu.memory_space<vmem>>
          %dma_wait3A_171 = tpu.memref_squeeze %dma_wait3A_170 : memref<1x128xi32, #tpu.memory_space<vmem>> -> memref<128xi32, #tpu.memory_space<vmem>>
          %dma_wait3A_172 = arith.constant 0 : i32
          %dma_wait3A_173 = arith.constant 0 : i32
          %dma_wait3A_174 = tpu.memref_slice %arg13[%dma_wait3A_172, %dma_wait3A_173] : memref<10240x64xf32, #tpu.memory_space<vmem_shared>> -> memref<10240x64xf32, #tpu.memory_space<vmem_shared>>
          tpu.wait_indirect_dma semaphore(%arg19 : memref<!tpu.dma_semaphore, #tpu.memory_space<semaphore_mem>>) src(%arg10 : memref<128x64xf32, #tpu.memory_space<vmem>>) dst(%dma_wait3A_174 : memref<10240x64xf32, #tpu.memory_space<vmem_shared>>)
          %dma_start3A_175 = arith.constant 0 : i32
          %dma_start3A_176 = tpu.memref_slice %arg7[%add3A_143, %dma_start3A_175] : memref<160x128xi32, #tpu.memory_space<vmem>> -> memref<1x128xi32, #tpu.memory_space<vmem>>
          %dma_start3A_177 = tpu.memref_squeeze %dma_start3A_176 : memref<1x128xi32, #tpu.memory_space<vmem>> -> memref<128xi32, #tpu.memory_space<vmem>>
          %dma_start3A_178 = arith.constant 0 : i32
          %dma_start3A_179 = arith.constant 0 : i32
          %dma_start3A_180 = tpu.memref_slice %arg2[%dma_start3A_178, %dma_start3A_179] : memref<10240x64xf32, #tpu.memory_space<hbm>> -> memref<10240x64xf32, #tpu.memory_space<hbm>>
          tpu.enqueue_indirect_dma source(%dma_start3A_180 : memref<10240x64xf32, #tpu.memory_space<hbm>>) target(%arg10 : memref<128x64xf32, #tpu.memory_space<vmem>>) offsets(%dma_start3A_177 : memref<128xi32, #tpu.memory_space<vmem>>) semaphore(%arg15 : memref<!tpu.dma_semaphore, #tpu.memory_space<semaphore_mem>>)
        } else {
        }
        %add3A_149 = arith.constant 4 : i32
        %add3A_150 = arith.addi %mul3A_76, %add3A_149 : i32
        %add3A_151 = arith.constant 2 : i32
        %add3A_152 = arith.addi %add3A_150, %add3A_151 : i32
        %lt3A_153 = arith.constant 160 : i32
        %lt3A_154 = arith.cmpi slt, %add3A_152, %lt3A_153 : i32
        %convert_element_type3A_155 = arith.extui %lt3A_154 : i1 to i32
        %cond3A_156 = arith.constant 0 : i32
        %cond3A_157 = arith.cmpi ne, %convert_element_type3A_155, %cond3A_156 : i32
        scf.if %cond3A_157 {
          %add3A_167 = arith.constant 2 : i32
          %add3A_168 = arith.addi %mul3A_76, %add3A_167 : i32
          %dma_wait3A_169 = arith.constant 0 : i32
          %dma_wait3A_170 = tpu.memref_slice %arg8[%add3A_168, %dma_wait3A_169] : memref<160x128xi32, #tpu.memory_space<vmem>> -> memref<1x128xi32, #tpu.memory_space<vmem>>
          %dma_wait3A_171 = tpu.memref_squeeze %dma_wait3A_170 : memref<1x128xi32, #tpu.memory_space<vmem>> -> memref<128xi32, #tpu.memory_space<vmem>>
          %dma_wait3A_172 = arith.constant 0 : i32
          %dma_wait3A_173 = arith.constant 0 : i32
          %dma_wait3A_174 = tpu.memref_slice %arg13[%dma_wait3A_172, %dma_wait3A_173] : memref<10240x64xf32, #tpu.memory_space<vmem_shared>> -> memref<10240x64xf32, #tpu.memory_space<vmem_shared>>
          tpu.wait_indirect_dma semaphore(%arg20 : memref<!tpu.dma_semaphore, #tpu.memory_space<semaphore_mem>>) src(%arg11 : memref<128x64xf32, #tpu.memory_space<vmem>>) dst(%dma_wait3A_174 : memref<10240x64xf32, #tpu.memory_space<vmem_shared>>)
          %dma_start3A_175 = arith.constant 0 : i32
          %dma_start3A_176 = tpu.memref_slice %arg7[%add3A_152, %dma_start3A_175] : memref<160x128xi32, #tpu.memory_space<vmem>> -> memref<1x128xi32, #tpu.memory_space<vmem>>
          %dma_start3A_177 = tpu.memref_squeeze %dma_start3A_176 : memref<1x128xi32, #tpu.memory_space<vmem>> -> memref<128xi32, #tpu.memory_space<vmem>>
          %dma_start3A_178 = arith.constant 0 : i32
          %dma_start3A_179 = arith.constant 0 : i32
          %dma_start3A_180 = tpu.memref_slice %arg2[%dma_start3A_178, %dma_start3A_179] : memref<10240x64xf32, #tpu.memory_space<hbm>> -> memref<10240x64xf32, #tpu.memory_space<hbm>>
          tpu.enqueue_indirect_dma source(%dma_start3A_180 : memref<10240x64xf32, #tpu.memory_space<hbm>>) target(%arg11 : memref<128x64xf32, #tpu.memory_space<vmem>>) offsets(%dma_start3A_177 : memref<128xi32, #tpu.memory_space<vmem>>) semaphore(%arg16 : memref<!tpu.dma_semaphore, #tpu.memory_space<semaphore_mem>>)
        } else {
        }
        %add3A_158 = arith.constant 4 : i32
        %add3A_159 = arith.addi %mul3A_76, %add3A_158 : i32
        %add3A_160 = arith.constant 3 : i32
        %add3A_161 = arith.addi %add3A_159, %add3A_160 : i32
        %lt3A_162 = arith.constant 160 : i32
        %lt3A_163 = arith.cmpi slt, %add3A_161, %lt3A_162 : i32
        %convert_element_type3A_164 = arith.extui %lt3A_163 : i1 to i32
        %cond3A_165 = arith.constant 0 : i32
        %cond3A_166 = arith.cmpi ne, %convert_element_type3A_164, %cond3A_165 : i32
        scf.if %cond3A_166 {
          %add3A_167 = arith.constant 3 : i32
          %add3A_168 = arith.addi %mul3A_76, %add3A_167 : i32
          %dma_wait3A_169 = arith.constant 0 : i32
          %dma_wait3A_170 = tpu.memref_slice %arg8[%add3A_168, %dma_wait3A_169] : memref<160x128xi32, #tpu.memory_space<vmem>> -> memref<1x128xi32, #tpu.memory_space<vmem>>
          %dma_wait3A_171 = tpu.memref_squeeze %dma_wait3A_170 : memref<1x128xi32, #tpu.memory_space<vmem>> -> memref<128xi32, #tpu.memory_space<vmem>>
          %dma_wait3A_172 = arith.constant 0 : i32
          %dma_wait3A_173 = arith.constant 0 : i32
          %dma_wait3A_174 = tpu.memref_slice %arg13[%dma_wait3A_172, %dma_wait3A_173] : memref<10240x64xf32, #tpu.memory_space<vmem_shared>> -> memref<10240x64xf32, #tpu.memory_space<vmem_shared>>
          tpu.wait_indirect_dma semaphore(%arg21 : memref<!tpu.dma_semaphore, #tpu.memory_space<semaphore_mem>>) src(%arg12 : memref<128x64xf32, #tpu.memory_space<vmem>>) dst(%dma_wait3A_174 : memref<10240x64xf32, #tpu.memory_space<vmem_shared>>)
          %dma_start3A_175 = arith.constant 0 : i32
          %dma_start3A_176 = tpu.memref_slice %arg7[%add3A_161, %dma_start3A_175] : memref<160x128xi32, #tpu.memory_space<vmem>> -> memref<1x128xi32, #tpu.memory_space<vmem>>
          %dma_start3A_177 = tpu.memref_squeeze %dma_start3A_176 : memref<1x128xi32, #tpu.memory_space<vmem>> -> memref<128xi32, #tpu.memory_space<vmem>>
          %dma_start3A_178 = arith.constant 0 : i32
          %dma_start3A_179 = arith.constant 0 : i32
          %dma_start3A_180 = tpu.memref_slice %arg2[%dma_start3A_178, %dma_start3A_179] : memref<10240x64xf32, #tpu.memory_space<hbm>> -> memref<10240x64xf32, #tpu.memory_space<hbm>>
          tpu.enqueue_indirect_dma source(%dma_start3A_180 : memref<10240x64xf32, #tpu.memory_space<hbm>>) target(%arg12 : memref<128x64xf32, #tpu.memory_space<vmem>>) offsets(%dma_start3A_177 : memref<128xi32, #tpu.memory_space<vmem>>) semaphore(%arg17 : memref<!tpu.dma_semaphore, #tpu.memory_space<semaphore_mem>>)
        } else {
        }
      }
      %scan3A_46 = arith.constant 40 : i32
      %dma_wait3A = arith.constant 0 : i32
      %dma_wait3A_47 = arith.constant 0 : i32
      %dma_wait3A_48 = tpu.memref_slice %arg8[%dma_wait3A, %dma_wait3A_47] : memref<160x128xi32, #tpu.memory_space<vmem>> -> memref<1x128xi32, #tpu.memory_space<vmem>>
      %dma_wait3A_49 = tpu.memref_squeeze %dma_wait3A_48 : memref<1x128xi32, #tpu.memory_space<vmem>> -> memref<128xi32, #tpu.memory_space<vmem>>
      %dma_wait3A_50 = arith.constant 0 : i32
      %dma_wait3A_51 = arith.constant 0 : i32
      %dma_wait3A_52 = tpu.memref_slice %arg13[%dma_wait3A_50, %dma_wait3A_51] : memref<10240x64xf32, #tpu.memory_space<vmem_shared>> -> memref<10240x64xf32, #tpu.memory_space<vmem_shared>>
      tpu.wait_indirect_dma semaphore(%arg18 : memref<!tpu.dma_semaphore, #tpu.memory_space<semaphore_mem>>) src(%arg9 : memref<128x64xf32, #tpu.memory_space<vmem>>) dst(%dma_wait3A_52 : memref<10240x64xf32, #tpu.memory_space<vmem_shared>>)
      %dma_wait3A_53 = arith.constant 0 : i32
      %dma_wait3A_54 = arith.constant 0 : i32
      %dma_wait3A_55 = tpu.memref_slice %arg8[%dma_wait3A_53, %dma_wait3A_54] : memref<160x128xi32, #tpu.memory_space<vmem>> -> memref<1x128xi32, #tpu.memory_space<vmem>>
      %dma_wait3A_56 = tpu.memref_squeeze %dma_wait3A_55 : memref<1x128xi32, #tpu.memory_space<vmem>> -> memref<128xi32, #tpu.memory_space<vmem>>
      %dma_wait3A_57 = arith.constant 0 : i32
      %dma_wait3A_58 = arith.constant 0 : i32
      %dma_wait3A_59 = tpu.memref_slice %arg13[%dma_wait3A_57, %dma_wait3A_58] : memref<10240x64xf32, #tpu.memory_space<vmem_shared>> -> memref<10240x64xf32, #tpu.memory_space<vmem_shared>>
      tpu.wait_indirect_dma semaphore(%arg19 : memref<!tpu.dma_semaphore, #tpu.memory_space<semaphore_mem>>) src(%arg10 : memref<128x64xf32, #tpu.memory_space<vmem>>) dst(%dma_wait3A_59 : memref<10240x64xf32, #tpu.memory_space<vmem_shared>>)
      %dma_wait3A_60 = arith.constant 0 : i32
      %dma_wait3A_61 = arith.constant 0 : i32
      %dma_wait3A_62 = tpu.memref_slice %arg8[%dma_wait3A_60, %dma_wait3A_61] : memref<160x128xi32, #tpu.memory_space<vmem>> -> memref<1x128xi32, #tpu.memory_space<vmem>>
      %dma_wait3A_63 = tpu.memref_squeeze %dma_wait3A_62 : memref<1x128xi32, #tpu.memory_space<vmem>> -> memref<128xi32, #tpu.memory_space<vmem>>
      %dma_wait3A_64 = arith.constant 0 : i32
      %dma_wait3A_65 = arith.constant 0 : i32
      %dma_wait3A_66 = tpu.memref_slice %arg13[%dma_wait3A_64, %dma_wait3A_65] : memref<10240x64xf32, #tpu.memory_space<vmem_shared>> -> memref<10240x64xf32, #tpu.memory_space<vmem_shared>>
      tpu.wait_indirect_dma semaphore(%arg20 : memref<!tpu.dma_semaphore, #tpu.memory_space<semaphore_mem>>) src(%arg11 : memref<128x64xf32, #tpu.memory_space<vmem>>) dst(%dma_wait3A_66 : memref<10240x64xf32, #tpu.memory_space<vmem_shared>>)
      %dma_wait3A_67 = arith.constant 0 : i32
      %dma_wait3A_68 = arith.constant 0 : i32
      %dma_wait3A_69 = tpu.memref_slice %arg8[%dma_wait3A_67, %dma_wait3A_68] : memref<160x128xi32, #tpu.memory_space<vmem>> -> memref<1x128xi32, #tpu.memory_space<vmem>>
      %dma_wait3A_70 = tpu.memref_squeeze %dma_wait3A_69 : memref<1x128xi32, #tpu.memory_space<vmem>> -> memref<128xi32, #tpu.memory_space<vmem>>
      %dma_wait3A_71 = arith.constant 0 : i32
      %dma_wait3A_72 = arith.constant 0 : i32
      %dma_wait3A_73 = tpu.memref_slice %arg13[%dma_wait3A_71, %dma_wait3A_72] : memref<10240x64xf32, #tpu.memory_space<vmem_shared>> -> memref<10240x64xf32, #tpu.memory_space<vmem_shared>>
      tpu.wait_indirect_dma semaphore(%arg21 : memref<!tpu.dma_semaphore, #tpu.memory_space<semaphore_mem>>) src(%arg12 : memref<128x64xf32, #tpu.memory_space<vmem>>) dst(%dma_wait3A_73 : memref<10240x64xf32, #tpu.memory_space<vmem_shared>>)
    } else {
    }
    %eq3A_2 = arith.constant 1 : i32
    %eq3A_3 = arith.cmpi eq, %arg0, %eq3A_2 : i32
    %convert_element_type3A_4 = arith.extui %eq3A_3 : i1 to i32
    %cond3A_5 = arith.constant 0 : i32
    %cond3A_6 = arith.cmpi ne, %convert_element_type3A_4, %cond3A_5 : i32
    scf.if %cond3A_6 {
      %mul3A_10 = arith.constant 640 : i32
      %mul3A_11 = arith.muli %arg1, %mul3A_10 : i32
      %mul3A_12 = arith.constant 640 : i32
      %mul3A_13 = arith.muli %arg1, %mul3A_12 : i32
      "tpu.region"() ({
        %run_scoped3A = tpu.sem_alloc : memref<!tpu.dma_semaphore, #tpu.memory_space<semaphore_mem>>
        %dma_start3A_74 = arith.constant 0 : i32
        %dma_start3A_75 = tpu.memref_slice %arg13[%mul3A_13, %dma_start3A_74] : memref<10240x64xf32, #tpu.memory_space<vmem_shared>> -> memref<640x64xf32, #tpu.memory_space<vmem_shared>>
        %dma_start3A_76 = arith.constant 0 : i32
        %dma_start3A_77 = tpu.memref_slice %arg3[%mul3A_11, %dma_start3A_76] : memref<10240x64xf32, #tpu.memory_space<hbm>> -> memref<640x64xf32, #tpu.memory_space<hbm>>
        tpu.enqueue_dma source(%dma_start3A_77 : memref<640x64xf32, #tpu.memory_space<hbm>>) target(%dma_start3A_75 : memref<640x64xf32, #tpu.memory_space<vmem_shared>>) target_semaphore(%run_scoped3A : memref<!tpu.dma_semaphore, #tpu.memory_space<semaphore_mem>>)
        %dma_wait3A_78 = arith.constant 0 : i32
        %dma_wait3A_79 = tpu.memref_slice %arg13[%mul3A_13, %dma_wait3A_78] : memref<10240x64xf32, #tpu.memory_space<vmem_shared>> -> memref<640x64xf32, #tpu.memory_space<vmem_shared>>
        %dma_wait3A_80 = arith.constant 0 : i32
        %dma_wait3A_81 = tpu.memref_slice %arg3[%mul3A_11, %dma_wait3A_80] : memref<10240x64xf32, #tpu.memory_space<hbm>> -> memref<640x64xf32, #tpu.memory_space<hbm>>
        tpu.wait_dma2 semaphore(%run_scoped3A : memref<!tpu.dma_semaphore, #tpu.memory_space<semaphore_mem>>) src(%dma_wait3A_81 : memref<640x64xf32, #tpu.memory_space<hbm>>) dst(%dma_wait3A_79 : memref<640x64xf32, #tpu.memory_space<vmem_shared>>)
        tpu.yield
      }) : () -> ()
      %barrier3A_14 = arith.constant 0 : index
      tpu.barrier barrier_id(%barrier3A_14)
      %dma_start3A = arith.constant 0 : i32
      %dma_start3A_15 = arith.constant 0 : i32
      %dma_start3A_16 = tpu.memref_slice %arg7[%dma_start3A, %dma_start3A_15] : memref<160x128xi32, #tpu.memory_space<vmem>> -> memref<1x128xi32, #tpu.memory_space<vmem>>
      %dma_start3A_17 = tpu.memref_squeeze %dma_start3A_16 : memref<1x128xi32, #tpu.memory_space<vmem>> -> memref<128xi32, #tpu.memory_space<vmem>>
      %dma_start3A_18 = arith.constant 0 : i32
      %dma_start3A_19 = arith.constant 0 : i32
      %dma_start3A_20 = tpu.memref_slice %arg3[%dma_start3A_18, %dma_start3A_19] : memref<10240x64xf32, #tpu.memory_space<hbm>> -> memref<10240x64xf32, #tpu.memory_space<hbm>>
      tpu.enqueue_indirect_dma source(%dma_start3A_20 : memref<10240x64xf32, #tpu.memory_space<hbm>>) target(%arg9 : memref<128x64xf32, #tpu.memory_space<vmem>>) offsets(%dma_start3A_17 : memref<128xi32, #tpu.memory_space<vmem>>) semaphore(%arg14 : memref<!tpu.dma_semaphore, #tpu.memory_space<semaphore_mem>>)
      %dma_start3A_21 = arith.constant 1 : i32
      %dma_start3A_22 = arith.constant 0 : i32
      %dma_start3A_23 = tpu.memref_slice %arg7[%dma_start3A_21, %dma_start3A_22] : memref<160x128xi32, #tpu.memory_space<vmem>> -> memref<1x128xi32, #tpu.memory_space<vmem>>
      %dma_start3A_24 = tpu.memref_squeeze %dma_start3A_23 : memref<1x128xi32, #tpu.memory_space<vmem>> -> memref<128xi32, #tpu.memory_space<vmem>>
      %dma_start3A_25 = arith.constant 0 : i32
      %dma_start3A_26 = arith.constant 0 : i32
      %dma_start3A_27 = tpu.memref_slice %arg3[%dma_start3A_25, %dma_start3A_26] : memref<10240x64xf32, #tpu.memory_space<hbm>> -> memref<10240x64xf32, #tpu.memory_space<hbm>>
      tpu.enqueue_indirect_dma source(%dma_start3A_27 : memref<10240x64xf32, #tpu.memory_space<hbm>>) target(%arg10 : memref<128x64xf32, #tpu.memory_space<vmem>>) offsets(%dma_start3A_24 : memref<128xi32, #tpu.memory_space<vmem>>) semaphore(%arg15 : memref<!tpu.dma_semaphore, #tpu.memory_space<semaphore_mem>>)
      %dma_start3A_28 = arith.constant 2 : i32
      %dma_start3A_29 = arith.constant 0 : i32
      %dma_start3A_30 = tpu.memref_slice %arg7[%dma_start3A_28, %dma_start3A_29] : memref<160x128xi32, #tpu.memory_space<vmem>> -> memref<1x128xi32, #tpu.memory_space<vmem>>
      %dma_start3A_31 = tpu.memref_squeeze %dma_start3A_30 : memref<1x128xi32, #tpu.memory_space<vmem>> -> memref<128xi32, #tpu.memory_space<vmem>>
      %dma_start3A_32 = arith.constant 0 : i32
      %dma_start3A_33 = arith.constant 0 : i32
      %dma_start3A_34 = tpu.memref_slice %arg3[%dma_start3A_32, %dma_start3A_33] : memref<10240x64xf32, #tpu.memory_space<hbm>> -> memref<10240x64xf32, #tpu.memory_space<hbm>>
      tpu.enqueue_indirect_dma source(%dma_start3A_34 : memref<10240x64xf32, #tpu.memory_space<hbm>>) target(%arg11 : memref<128x64xf32, #tpu.memory_space<vmem>>) offsets(%dma_start3A_31 : memref<128xi32, #tpu.memory_space<vmem>>) semaphore(%arg16 : memref<!tpu.dma_semaphore, #tpu.memory_space<semaphore_mem>>)
      %dma_start3A_35 = arith.constant 3 : i32
      %dma_start3A_36 = arith.constant 0 : i32
      %dma_start3A_37 = tpu.memref_slice %arg7[%dma_start3A_35, %dma_start3A_36] : memref<160x128xi32, #tpu.memory_space<vmem>> -> memref<1x128xi32, #tpu.memory_space<vmem>>
      %dma_start3A_38 = tpu.memref_squeeze %dma_start3A_37 : memref<1x128xi32, #tpu.memory_space<vmem>> -> memref<128xi32, #tpu.memory_space<vmem>>
      %dma_start3A_39 = arith.constant 0 : i32
      %dma_start3A_40 = arith.constant 0 : i32
      %dma_start3A_41 = tpu.memref_slice %arg3[%dma_start3A_39, %dma_start3A_40] : memref<10240x64xf32, #tpu.memory_space<hbm>> -> memref<10240x64xf32, #tpu.memory_space<hbm>>
      tpu.enqueue_indirect_dma source(%dma_start3A_41 : memref<10240x64xf32, #tpu.memory_space<hbm>>) target(%arg12 : memref<128x64xf32, #tpu.memory_space<vmem>>) offsets(%dma_start3A_38 : memref<128xi32, #tpu.memory_space<vmem>>) semaphore(%arg17 : memref<!tpu.dma_semaphore, #tpu.memory_space<semaphore_mem>>)
      %scan3A = arith.constant 0 : i32
      %scan3A_42 = arith.constant 0 : i32
      %scan3A_43 = arith.constant 40 : i32
      %scan3A_44 = arith.addi %scan3A_42, %scan3A_43 : i32
      %scan3A_45 = arith.constant 1 : i32
      scf.for %scan3A_74 = %scan3A_42 to %scan3A_44 step %scan3A_45  : i32 {
        %mul3A_75 = arith.constant 4 : i32
        %mul3A_76 = arith.muli %scan3A_74, %mul3A_75 : i32
        %add3A = arith.constant 0 : i32
        %add3A_77 = arith.addi %mul3A_76, %add3A : i32
        %dma_wait3A_78 = arith.constant 0 : i32
        %dma_wait3A_79 = tpu.memref_slice %arg7[%add3A_77, %dma_wait3A_78] : memref<160x128xi32, #tpu.memory_space<vmem>> -> memref<1x128xi32, #tpu.memory_space<vmem>>
        %dma_wait3A_80 = tpu.memref_squeeze %dma_wait3A_79 : memref<1x128xi32, #tpu.memory_space<vmem>> -> memref<128xi32, #tpu.memory_space<vmem>>
        %dma_wait3A_81 = arith.constant 0 : i32
        %dma_wait3A_82 = arith.constant 0 : i32
        %dma_wait3A_83 = tpu.memref_slice %arg3[%dma_wait3A_81, %dma_wait3A_82] : memref<10240x64xf32, #tpu.memory_space<hbm>> -> memref<10240x64xf32, #tpu.memory_space<hbm>>
        tpu.wait_indirect_dma semaphore(%arg14 : memref<!tpu.dma_semaphore, #tpu.memory_space<semaphore_mem>>) src(%dma_wait3A_83 : memref<10240x64xf32, #tpu.memory_space<hbm>>) dst(%arg9 : memref<128x64xf32, #tpu.memory_space<vmem>>)
        %dma_start3A_84 = arith.constant 0 : i32
        %dma_start3A_85 = tpu.memref_slice %arg8[%add3A_77, %dma_start3A_84] : memref<160x128xi32, #tpu.memory_space<vmem>> -> memref<1x128xi32, #tpu.memory_space<vmem>>
        %dma_start3A_86 = tpu.memref_squeeze %dma_start3A_85 : memref<1x128xi32, #tpu.memory_space<vmem>> -> memref<128xi32, #tpu.memory_space<vmem>>
        %dma_start3A_87 = arith.constant 0 : i32
        %dma_start3A_88 = arith.constant 0 : i32
        %dma_start3A_89 = tpu.memref_slice %arg13[%dma_start3A_87, %dma_start3A_88] : memref<10240x64xf32, #tpu.memory_space<vmem_shared>> -> memref<10240x64xf32, #tpu.memory_space<vmem_shared>>
        tpu.enqueue_indirect_dma source(%arg9 : memref<128x64xf32, #tpu.memory_space<vmem>>) target(%dma_start3A_89 : memref<10240x64xf32, #tpu.memory_space<vmem_shared>>) offsets(%dma_start3A_86 : memref<128xi32, #tpu.memory_space<vmem>>) semaphore(%arg18 : memref<!tpu.dma_semaphore, #tpu.memory_space<semaphore_mem>>) {add = true}
        %add3A_90 = arith.constant 1 : i32
        %add3A_91 = arith.addi %mul3A_76, %add3A_90 : i32
        %dma_wait3A_92 = arith.constant 0 : i32
        %dma_wait3A_93 = tpu.memref_slice %arg7[%add3A_91, %dma_wait3A_92] : memref<160x128xi32, #tpu.memory_space<vmem>> -> memref<1x128xi32, #tpu.memory_space<vmem>>
        %dma_wait3A_94 = tpu.memref_squeeze %dma_wait3A_93 : memref<1x128xi32, #tpu.memory_space<vmem>> -> memref<128xi32, #tpu.memory_space<vmem>>
        %dma_wait3A_95 = arith.constant 0 : i32
        %dma_wait3A_96 = arith.constant 0 : i32
        %dma_wait3A_97 = tpu.memref_slice %arg3[%dma_wait3A_95, %dma_wait3A_96] : memref<10240x64xf32, #tpu.memory_space<hbm>> -> memref<10240x64xf32, #tpu.memory_space<hbm>>
        tpu.wait_indirect_dma semaphore(%arg15 : memref<!tpu.dma_semaphore, #tpu.memory_space<semaphore_mem>>) src(%dma_wait3A_97 : memref<10240x64xf32, #tpu.memory_space<hbm>>) dst(%arg10 : memref<128x64xf32, #tpu.memory_space<vmem>>)
        %dma_start3A_98 = arith.constant 0 : i32
        %dma_start3A_99 = tpu.memref_slice %arg8[%add3A_91, %dma_start3A_98] : memref<160x128xi32, #tpu.memory_space<vmem>> -> memref<1x128xi32, #tpu.memory_space<vmem>>
        %dma_start3A_100 = tpu.memref_squeeze %dma_start3A_99 : memref<1x128xi32, #tpu.memory_space<vmem>> -> memref<128xi32, #tpu.memory_space<vmem>>
        %dma_start3A_101 = arith.constant 0 : i32
        %dma_start3A_102 = arith.constant 0 : i32
        %dma_start3A_103 = tpu.memref_slice %arg13[%dma_start3A_101, %dma_start3A_102] : memref<10240x64xf32, #tpu.memory_space<vmem_shared>> -> memref<10240x64xf32, #tpu.memory_space<vmem_shared>>
        tpu.enqueue_indirect_dma source(%arg10 : memref<128x64xf32, #tpu.memory_space<vmem>>) target(%dma_start3A_103 : memref<10240x64xf32, #tpu.memory_space<vmem_shared>>) offsets(%dma_start3A_100 : memref<128xi32, #tpu.memory_space<vmem>>) semaphore(%arg19 : memref<!tpu.dma_semaphore, #tpu.memory_space<semaphore_mem>>) {add = true}
        %add3A_104 = arith.constant 2 : i32
        %add3A_105 = arith.addi %mul3A_76, %add3A_104 : i32
        %dma_wait3A_106 = arith.constant 0 : i32
        %dma_wait3A_107 = tpu.memref_slice %arg7[%add3A_105, %dma_wait3A_106] : memref<160x128xi32, #tpu.memory_space<vmem>> -> memref<1x128xi32, #tpu.memory_space<vmem>>
        %dma_wait3A_108 = tpu.memref_squeeze %dma_wait3A_107 : memref<1x128xi32, #tpu.memory_space<vmem>> -> memref<128xi32, #tpu.memory_space<vmem>>
        %dma_wait3A_109 = arith.constant 0 : i32
        %dma_wait3A_110 = arith.constant 0 : i32
        %dma_wait3A_111 = tpu.memref_slice %arg3[%dma_wait3A_109, %dma_wait3A_110] : memref<10240x64xf32, #tpu.memory_space<hbm>> -> memref<10240x64xf32, #tpu.memory_space<hbm>>
        tpu.wait_indirect_dma semaphore(%arg16 : memref<!tpu.dma_semaphore, #tpu.memory_space<semaphore_mem>>) src(%dma_wait3A_111 : memref<10240x64xf32, #tpu.memory_space<hbm>>) dst(%arg11 : memref<128x64xf32, #tpu.memory_space<vmem>>)
        %dma_start3A_112 = arith.constant 0 : i32
        %dma_start3A_113 = tpu.memref_slice %arg8[%add3A_105, %dma_start3A_112] : memref<160x128xi32, #tpu.memory_space<vmem>> -> memref<1x128xi32, #tpu.memory_space<vmem>>
        %dma_start3A_114 = tpu.memref_squeeze %dma_start3A_113 : memref<1x128xi32, #tpu.memory_space<vmem>> -> memref<128xi32, #tpu.memory_space<vmem>>
        %dma_start3A_115 = arith.constant 0 : i32
        %dma_start3A_116 = arith.constant 0 : i32
        %dma_start3A_117 = tpu.memref_slice %arg13[%dma_start3A_115, %dma_start3A_116] : memref<10240x64xf32, #tpu.memory_space<vmem_shared>> -> memref<10240x64xf32, #tpu.memory_space<vmem_shared>>
        tpu.enqueue_indirect_dma source(%arg11 : memref<128x64xf32, #tpu.memory_space<vmem>>) target(%dma_start3A_117 : memref<10240x64xf32, #tpu.memory_space<vmem_shared>>) offsets(%dma_start3A_114 : memref<128xi32, #tpu.memory_space<vmem>>) semaphore(%arg20 : memref<!tpu.dma_semaphore, #tpu.memory_space<semaphore_mem>>) {add = true}
        %add3A_118 = arith.constant 3 : i32
        %add3A_119 = arith.addi %mul3A_76, %add3A_118 : i32
        %dma_wait3A_120 = arith.constant 0 : i32
        %dma_wait3A_121 = tpu.memref_slice %arg7[%add3A_119, %dma_wait3A_120] : memref<160x128xi32, #tpu.memory_space<vmem>> -> memref<1x128xi32, #tpu.memory_space<vmem>>
        %dma_wait3A_122 = tpu.memref_squeeze %dma_wait3A_121 : memref<1x128xi32, #tpu.memory_space<vmem>> -> memref<128xi32, #tpu.memory_space<vmem>>
        %dma_wait3A_123 = arith.constant 0 : i32
        %dma_wait3A_124 = arith.constant 0 : i32
        %dma_wait3A_125 = tpu.memref_slice %arg3[%dma_wait3A_123, %dma_wait3A_124] : memref<10240x64xf32, #tpu.memory_space<hbm>> -> memref<10240x64xf32, #tpu.memory_space<hbm>>
        tpu.wait_indirect_dma semaphore(%arg17 : memref<!tpu.dma_semaphore, #tpu.memory_space<semaphore_mem>>) src(%dma_wait3A_125 : memref<10240x64xf32, #tpu.memory_space<hbm>>) dst(%arg12 : memref<128x64xf32, #tpu.memory_space<vmem>>)
        %dma_start3A_126 = arith.constant 0 : i32
        %dma_start3A_127 = tpu.memref_slice %arg8[%add3A_119, %dma_start3A_126] : memref<160x128xi32, #tpu.memory_space<vmem>> -> memref<1x128xi32, #tpu.memory_space<vmem>>
        %dma_start3A_128 = tpu.memref_squeeze %dma_start3A_127 : memref<1x128xi32, #tpu.memory_space<vmem>> -> memref<128xi32, #tpu.memory_space<vmem>>
        %dma_start3A_129 = arith.constant 0 : i32
        %dma_start3A_130 = arith.constant 0 : i32
        %dma_start3A_131 = tpu.memref_slice %arg13[%dma_start3A_129, %dma_start3A_130] : memref<10240x64xf32, #tpu.memory_space<vmem_shared>> -> memref<10240x64xf32, #tpu.memory_space<vmem_shared>>
        tpu.enqueue_indirect_dma source(%arg12 : memref<128x64xf32, #tpu.memory_space<vmem>>) target(%dma_start3A_131 : memref<10240x64xf32, #tpu.memory_space<vmem_shared>>) offsets(%dma_start3A_128 : memref<128xi32, #tpu.memory_space<vmem>>) semaphore(%arg21 : memref<!tpu.dma_semaphore, #tpu.memory_space<semaphore_mem>>) {add = true}
        %add3A_132 = arith.constant 4 : i32
        %add3A_133 = arith.addi %mul3A_76, %add3A_132 : i32
        %add3A_134 = arith.constant 0 : i32
        %add3A_135 = arith.addi %add3A_133, %add3A_134 : i32
        %lt3A = arith.constant 160 : i32
        %lt3A_136 = arith.cmpi slt, %add3A_135, %lt3A : i32
        %convert_element_type3A_137 = arith.extui %lt3A_136 : i1 to i32
        %cond3A_138 = arith.constant 0 : i32
        %cond3A_139 = arith.cmpi ne, %convert_element_type3A_137, %cond3A_138 : i32
        scf.if %cond3A_139 {
          %add3A_167 = arith.constant 0 : i32
          %add3A_168 = arith.addi %mul3A_76, %add3A_167 : i32
          %dma_wait3A_169 = arith.constant 0 : i32
          %dma_wait3A_170 = tpu.memref_slice %arg8[%add3A_168, %dma_wait3A_169] : memref<160x128xi32, #tpu.memory_space<vmem>> -> memref<1x128xi32, #tpu.memory_space<vmem>>
          %dma_wait3A_171 = tpu.memref_squeeze %dma_wait3A_170 : memref<1x128xi32, #tpu.memory_space<vmem>> -> memref<128xi32, #tpu.memory_space<vmem>>
          %dma_wait3A_172 = arith.constant 0 : i32
          %dma_wait3A_173 = arith.constant 0 : i32
          %dma_wait3A_174 = tpu.memref_slice %arg13[%dma_wait3A_172, %dma_wait3A_173] : memref<10240x64xf32, #tpu.memory_space<vmem_shared>> -> memref<10240x64xf32, #tpu.memory_space<vmem_shared>>
          tpu.wait_indirect_dma semaphore(%arg18 : memref<!tpu.dma_semaphore, #tpu.memory_space<semaphore_mem>>) src(%arg9 : memref<128x64xf32, #tpu.memory_space<vmem>>) dst(%dma_wait3A_174 : memref<10240x64xf32, #tpu.memory_space<vmem_shared>>)
          %dma_start3A_175 = arith.constant 0 : i32
          %dma_start3A_176 = tpu.memref_slice %arg7[%add3A_135, %dma_start3A_175] : memref<160x128xi32, #tpu.memory_space<vmem>> -> memref<1x128xi32, #tpu.memory_space<vmem>>
          %dma_start3A_177 = tpu.memref_squeeze %dma_start3A_176 : memref<1x128xi32, #tpu.memory_space<vmem>> -> memref<128xi32, #tpu.memory_space<vmem>>
          %dma_start3A_178 = arith.constant 0 : i32
          %dma_start3A_179 = arith.constant 0 : i32
          %dma_start3A_180 = tpu.memref_slice %arg3[%dma_start3A_178, %dma_start3A_179] : memref<10240x64xf32, #tpu.memory_space<hbm>> -> memref<10240x64xf32, #tpu.memory_space<hbm>>
          tpu.enqueue_indirect_dma source(%dma_start3A_180 : memref<10240x64xf32, #tpu.memory_space<hbm>>) target(%arg9 : memref<128x64xf32, #tpu.memory_space<vmem>>) offsets(%dma_start3A_177 : memref<128xi32, #tpu.memory_space<vmem>>) semaphore(%arg14 : memref<!tpu.dma_semaphore, #tpu.memory_space<semaphore_mem>>)
        } else {
        }
        %add3A_140 = arith.constant 4 : i32
        %add3A_141 = arith.addi %mul3A_76, %add3A_140 : i32
        %add3A_142 = arith.constant 1 : i32
        %add3A_143 = arith.addi %add3A_141, %add3A_142 : i32
        %lt3A_144 = arith.constant 160 : i32
        %lt3A_145 = arith.cmpi slt, %add3A_143, %lt3A_144 : i32
        %convert_element_type3A_146 = arith.extui %lt3A_145 : i1 to i32
        %cond3A_147 = arith.constant 0 : i32
        %cond3A_148 = arith.cmpi ne, %convert_element_type3A_146, %cond3A_147 : i32
        scf.if %cond3A_148 {
          %add3A_167 = arith.constant 1 : i32
          %add3A_168 = arith.addi %mul3A_76, %add3A_167 : i32
          %dma_wait3A_169 = arith.constant 0 : i32
          %dma_wait3A_170 = tpu.memref_slice %arg8[%add3A_168, %dma_wait3A_169] : memref<160x128xi32, #tpu.memory_space<vmem>> -> memref<1x128xi32, #tpu.memory_space<vmem>>
          %dma_wait3A_171 = tpu.memref_squeeze %dma_wait3A_170 : memref<1x128xi32, #tpu.memory_space<vmem>> -> memref<128xi32, #tpu.memory_space<vmem>>
          %dma_wait3A_172 = arith.constant 0 : i32
          %dma_wait3A_173 = arith.constant 0 : i32
          %dma_wait3A_174 = tpu.memref_slice %arg13[%dma_wait3A_172, %dma_wait3A_173] : memref<10240x64xf32, #tpu.memory_space<vmem_shared>> -> memref<10240x64xf32, #tpu.memory_space<vmem_shared>>
          tpu.wait_indirect_dma semaphore(%arg19 : memref<!tpu.dma_semaphore, #tpu.memory_space<semaphore_mem>>) src(%arg10 : memref<128x64xf32, #tpu.memory_space<vmem>>) dst(%dma_wait3A_174 : memref<10240x64xf32, #tpu.memory_space<vmem_shared>>)
          %dma_start3A_175 = arith.constant 0 : i32
          %dma_start3A_176 = tpu.memref_slice %arg7[%add3A_143, %dma_start3A_175] : memref<160x128xi32, #tpu.memory_space<vmem>> -> memref<1x128xi32, #tpu.memory_space<vmem>>
          %dma_start3A_177 = tpu.memref_squeeze %dma_start3A_176 : memref<1x128xi32, #tpu.memory_space<vmem>> -> memref<128xi32, #tpu.memory_space<vmem>>
          %dma_start3A_178 = arith.constant 0 : i32
          %dma_start3A_179 = arith.constant 0 : i32
          %dma_start3A_180 = tpu.memref_slice %arg3[%dma_start3A_178, %dma_start3A_179] : memref<10240x64xf32, #tpu.memory_space<hbm>> -> memref<10240x64xf32, #tpu.memory_space<hbm>>
          tpu.enqueue_indirect_dma source(%dma_start3A_180 : memref<10240x64xf32, #tpu.memory_space<hbm>>) target(%arg10 : memref<128x64xf32, #tpu.memory_space<vmem>>) offsets(%dma_start3A_177 : memref<128xi32, #tpu.memory_space<vmem>>) semaphore(%arg15 : memref<!tpu.dma_semaphore, #tpu.memory_space<semaphore_mem>>)
        } else {
        }
        %add3A_149 = arith.constant 4 : i32
        %add3A_150 = arith.addi %mul3A_76, %add3A_149 : i32
        %add3A_151 = arith.constant 2 : i32
        %add3A_152 = arith.addi %add3A_150, %add3A_151 : i32
        %lt3A_153 = arith.constant 160 : i32
        %lt3A_154 = arith.cmpi slt, %add3A_152, %lt3A_153 : i32
        %convert_element_type3A_155 = arith.extui %lt3A_154 : i1 to i32
        %cond3A_156 = arith.constant 0 : i32
        %cond3A_157 = arith.cmpi ne, %convert_element_type3A_155, %cond3A_156 : i32
        scf.if %cond3A_157 {
          %add3A_167 = arith.constant 2 : i32
          %add3A_168 = arith.addi %mul3A_76, %add3A_167 : i32
          %dma_wait3A_169 = arith.constant 0 : i32
          %dma_wait3A_170 = tpu.memref_slice %arg8[%add3A_168, %dma_wait3A_169] : memref<160x128xi32, #tpu.memory_space<vmem>> -> memref<1x128xi32, #tpu.memory_space<vmem>>
          %dma_wait3A_171 = tpu.memref_squeeze %dma_wait3A_170 : memref<1x128xi32, #tpu.memory_space<vmem>> -> memref<128xi32, #tpu.memory_space<vmem>>
          %dma_wait3A_172 = arith.constant 0 : i32
          %dma_wait3A_173 = arith.constant 0 : i32
          %dma_wait3A_174 = tpu.memref_slice %arg13[%dma_wait3A_172, %dma_wait3A_173] : memref<10240x64xf32, #tpu.memory_space<vmem_shared>> -> memref<10240x64xf32, #tpu.memory_space<vmem_shared>>
          tpu.wait_indirect_dma semaphore(%arg20 : memref<!tpu.dma_semaphore, #tpu.memory_space<semaphore_mem>>) src(%arg11 : memref<128x64xf32, #tpu.memory_space<vmem>>) dst(%dma_wait3A_174 : memref<10240x64xf32, #tpu.memory_space<vmem_shared>>)
          %dma_start3A_175 = arith.constant 0 : i32
          %dma_start3A_176 = tpu.memref_slice %arg7[%add3A_152, %dma_start3A_175] : memref<160x128xi32, #tpu.memory_space<vmem>> -> memref<1x128xi32, #tpu.memory_space<vmem>>
          %dma_start3A_177 = tpu.memref_squeeze %dma_start3A_176 : memref<1x128xi32, #tpu.memory_space<vmem>> -> memref<128xi32, #tpu.memory_space<vmem>>
          %dma_start3A_178 = arith.constant 0 : i32
          %dma_start3A_179 = arith.constant 0 : i32
          %dma_start3A_180 = tpu.memref_slice %arg3[%dma_start3A_178, %dma_start3A_179] : memref<10240x64xf32, #tpu.memory_space<hbm>> -> memref<10240x64xf32, #tpu.memory_space<hbm>>
          tpu.enqueue_indirect_dma source(%dma_start3A_180 : memref<10240x64xf32, #tpu.memory_space<hbm>>) target(%arg11 : memref<128x64xf32, #tpu.memory_space<vmem>>) offsets(%dma_start3A_177 : memref<128xi32, #tpu.memory_space<vmem>>) semaphore(%arg16 : memref<!tpu.dma_semaphore, #tpu.memory_space<semaphore_mem>>)
        } else {
        }
        %add3A_158 = arith.constant 4 : i32
        %add3A_159 = arith.addi %mul3A_76, %add3A_158 : i32
        %add3A_160 = arith.constant 3 : i32
        %add3A_161 = arith.addi %add3A_159, %add3A_160 : i32
        %lt3A_162 = arith.constant 160 : i32
        %lt3A_163 = arith.cmpi slt, %add3A_161, %lt3A_162 : i32
        %convert_element_type3A_164 = arith.extui %lt3A_163 : i1 to i32
        %cond3A_165 = arith.constant 0 : i32
        %cond3A_166 = arith.cmpi ne, %convert_element_type3A_164, %cond3A_165 : i32
        scf.if %cond3A_166 {
          %add3A_167 = arith.constant 3 : i32
          %add3A_168 = arith.addi %mul3A_76, %add3A_167 : i32
          %dma_wait3A_169 = arith.constant 0 : i32
          %dma_wait3A_170 = tpu.memref_slice %arg8[%add3A_168, %dma_wait3A_169] : memref<160x128xi32, #tpu.memory_space<vmem>> -> memref<1x128xi32, #tpu.memory_space<vmem>>
          %dma_wait3A_171 = tpu.memref_squeeze %dma_wait3A_170 : memref<1x128xi32, #tpu.memory_space<vmem>> -> memref<128xi32, #tpu.memory_space<vmem>>
          %dma_wait3A_172 = arith.constant 0 : i32
          %dma_wait3A_173 = arith.constant 0 : i32
          %dma_wait3A_174 = tpu.memref_slice %arg13[%dma_wait3A_172, %dma_wait3A_173] : memref<10240x64xf32, #tpu.memory_space<vmem_shared>> -> memref<10240x64xf32, #tpu.memory_space<vmem_shared>>
          tpu.wait_indirect_dma semaphore(%arg21 : memref<!tpu.dma_semaphore, #tpu.memory_space<semaphore_mem>>) src(%arg12 : memref<128x64xf32, #tpu.memory_space<vmem>>) dst(%dma_wait3A_174 : memref<10240x64xf32, #tpu.memory_space<vmem_shared>>)
          %dma_start3A_175 = arith.constant 0 : i32
          %dma_start3A_176 = tpu.memref_slice %arg7[%add3A_161, %dma_start3A_175] : memref<160x128xi32, #tpu.memory_space<vmem>> -> memref<1x128xi32, #tpu.memory_space<vmem>>
          %dma_start3A_177 = tpu.memref_squeeze %dma_start3A_176 : memref<1x128xi32, #tpu.memory_space<vmem>> -> memref<128xi32, #tpu.memory_space<vmem>>
          %dma_start3A_178 = arith.constant 0 : i32
          %dma_start3A_179 = arith.constant 0 : i32
          %dma_start3A_180 = tpu.memref_slice %arg3[%dma_start3A_178, %dma_start3A_179] : memref<10240x64xf32, #tpu.memory_space<hbm>> -> memref<10240x64xf32, #tpu.memory_space<hbm>>
          tpu.enqueue_indirect_dma source(%dma_start3A_180 : memref<10240x64xf32, #tpu.memory_space<hbm>>) target(%arg12 : memref<128x64xf32, #tpu.memory_space<vmem>>) offsets(%dma_start3A_177 : memref<128xi32, #tpu.memory_space<vmem>>) semaphore(%arg17 : memref<!tpu.dma_semaphore, #tpu.memory_space<semaphore_mem>>)
        } else {
        }
      }
      %scan3A_46 = arith.constant 40 : i32
      %dma_wait3A = arith.constant 0 : i32
      %dma_wait3A_47 = arith.constant 0 : i32
      %dma_wait3A_48 = tpu.memref_slice %arg8[%dma_wait3A, %dma_wait3A_47] : memref<160x128xi32, #tpu.memory_space<vmem>> -> memref<1x128xi32, #tpu.memory_space<vmem>>
      %dma_wait3A_49 = tpu.memref_squeeze %dma_wait3A_48 : memref<1x128xi32, #tpu.memory_space<vmem>> -> memref<128xi32, #tpu.memory_space<vmem>>
      %dma_wait3A_50 = arith.constant 0 : i32
      %dma_wait3A_51 = arith.constant 0 : i32
      %dma_wait3A_52 = tpu.memref_slice %arg13[%dma_wait3A_50, %dma_wait3A_51] : memref<10240x64xf32, #tpu.memory_space<vmem_shared>> -> memref<10240x64xf32, #tpu.memory_space<vmem_shared>>
      tpu.wait_indirect_dma semaphore(%arg18 : memref<!tpu.dma_semaphore, #tpu.memory_space<semaphore_mem>>) src(%arg9 : memref<128x64xf32, #tpu.memory_space<vmem>>) dst(%dma_wait3A_52 : memref<10240x64xf32, #tpu.memory_space<vmem_shared>>)
      %dma_wait3A_53 = arith.constant 0 : i32
      %dma_wait3A_54 = arith.constant 0 : i32
      %dma_wait3A_55 = tpu.memref_slice %arg8[%dma_wait3A_53, %dma_wait3A_54] : memref<160x128xi32, #tpu.memory_space<vmem>> -> memref<1x128xi32, #tpu.memory_space<vmem>>
      %dma_wait3A_56 = tpu.memref_squeeze %dma_wait3A_55 : memref<1x128xi32, #tpu.memory_space<vmem>> -> memref<128xi32, #tpu.memory_space<vmem>>
      %dma_wait3A_57 = arith.constant 0 : i32
      %dma_wait3A_58 = arith.constant 0 : i32
      %dma_wait3A_59 = tpu.memref_slice %arg13[%dma_wait3A_57, %dma_wait3A_58] : memref<10240x64xf32, #tpu.memory_space<vmem_shared>> -> memref<10240x64xf32, #tpu.memory_space<vmem_shared>>
      tpu.wait_indirect_dma semaphore(%arg19 : memref<!tpu.dma_semaphore, #tpu.memory_space<semaphore_mem>>) src(%arg10 : memref<128x64xf32, #tpu.memory_space<vmem>>) dst(%dma_wait3A_59 : memref<10240x64xf32, #tpu.memory_space<vmem_shared>>)
      %dma_wait3A_60 = arith.constant 0 : i32
      %dma_wait3A_61 = arith.constant 0 : i32
      %dma_wait3A_62 = tpu.memref_slice %arg8[%dma_wait3A_60, %dma_wait3A_61] : memref<160x128xi32, #tpu.memory_space<vmem>> -> memref<1x128xi32, #tpu.memory_space<vmem>>
      %dma_wait3A_63 = tpu.memref_squeeze %dma_wait3A_62 : memref<1x128xi32, #tpu.memory_space<vmem>> -> memref<128xi32, #tpu.memory_space<vmem>>
      %dma_wait3A_64 = arith.constant 0 : i32
      %dma_wait3A_65 = arith.constant 0 : i32
      %dma_wait3A_66 = tpu.memref_slice %arg13[%dma_wait3A_64, %dma_wait3A_65] : memref<10240x64xf32, #tpu.memory_space<vmem_shared>> -> memref<10240x64xf32, #tpu.memory_space<vmem_shared>>
      tpu.wait_indirect_dma semaphore(%arg20 : memref<!tpu.dma_semaphore, #tpu.memory_space<semaphore_mem>>) src(%arg11 : memref<128x64xf32, #tpu.memory_space<vmem>>) dst(%dma_wait3A_66 : memref<10240x64xf32, #tpu.memory_space<vmem_shared>>)
      %dma_wait3A_67 = arith.constant 0 : i32
      %dma_wait3A_68 = arith.constant 0 : i32
      %dma_wait3A_69 = tpu.memref_slice %arg8[%dma_wait3A_67, %dma_wait3A_68] : memref<160x128xi32, #tpu.memory_space<vmem>> -> memref<1x128xi32, #tpu.memory_space<vmem>>
      %dma_wait3A_70 = tpu.memref_squeeze %dma_wait3A_69 : memref<1x128xi32, #tpu.memory_space<vmem>> -> memref<128xi32, #tpu.memory_space<vmem>>
      %dma_wait3A_71 = arith.constant 0 : i32
      %dma_wait3A_72 = arith.constant 0 : i32
      %dma_wait3A_73 = tpu.memref_slice %arg13[%dma_wait3A_71, %dma_wait3A_72] : memref<10240x64xf32, #tpu.memory_space<vmem_shared>> -> memref<10240x64xf32, #tpu.memory_space<vmem_shared>>
      tpu.wait_indirect_dma semaphore(%arg21 : memref<!tpu.dma_semaphore, #tpu.memory_space<semaphore_mem>>) src(%arg12 : memref<128x64xf32, #tpu.memory_space<vmem>>) dst(%dma_wait3A_73 : memref<10240x64xf32, #tpu.memory_space<vmem_shared>>)
    } else {
    }
    %barrier3A = arith.constant 0 : index
    tpu.barrier barrier_id(%barrier3A)
    %mul3A = arith.constant 640 : i32
    %mul3A_7 = arith.muli %arg1, %mul3A : i32
    %mul3A_8 = arith.constant 640 : i32
    %mul3A_9 = arith.muli %arg1, %mul3A_8 : i32
    "tpu.region"() ({
      %run_scoped3A = tpu.sem_alloc : memref<!tpu.dma_semaphore, #tpu.memory_space<semaphore_mem>>
      %dma_start3A = arith.constant 0 : i32
      %dma_start3A_10 = tpu.memref_slice %arg6[%arg0, %mul3A_9, %dma_start3A] : memref<2x10240x64xf32, #tpu.memory_space<hbm>> -> memref<1x640x64xf32, #tpu.memory_space<hbm>>
      %dma_start3A_11 = tpu.memref_squeeze %dma_start3A_10 : memref<1x640x64xf32, #tpu.memory_space<hbm>> -> memref<640x64xf32, #tpu.memory_space<hbm>>
      %dma_start3A_12 = arith.constant 0 : i32
      %dma_start3A_13 = tpu.memref_slice %arg13[%mul3A_7, %dma_start3A_12] : memref<10240x64xf32, #tpu.memory_space<vmem_shared>> -> memref<640x64xf32, #tpu.memory_space<vmem_shared>>
      tpu.enqueue_dma source(%dma_start3A_13 : memref<640x64xf32, #tpu.memory_space<vmem_shared>>) target(%dma_start3A_11 : memref<640x64xf32, #tpu.memory_space<hbm>>) target_semaphore(%run_scoped3A : memref<!tpu.dma_semaphore, #tpu.memory_space<semaphore_mem>>)
      %dma_wait3A = arith.constant 0 : i32
      %dma_wait3A_14 = tpu.memref_slice %arg6[%arg0, %mul3A_9, %dma_wait3A] : memref<2x10240x64xf32, #tpu.memory_space<hbm>> -> memref<1x640x64xf32, #tpu.memory_space<hbm>>
      %dma_wait3A_15 = tpu.memref_squeeze %dma_wait3A_14 : memref<1x640x64xf32, #tpu.memory_space<hbm>> -> memref<640x64xf32, #tpu.memory_space<hbm>>
      %dma_wait3A_16 = arith.constant 0 : i32
      %dma_wait3A_17 = tpu.memref_slice %arg13[%mul3A_7, %dma_wait3A_16] : memref<10240x64xf32, #tpu.memory_space<vmem_shared>> -> memref<640x64xf32, #tpu.memory_space<vmem_shared>>
      tpu.wait_dma2 semaphore(%run_scoped3A : memref<!tpu.dma_semaphore, #tpu.memory_space<semaphore_mem>>) src(%dma_wait3A_17 : memref<640x64xf32, #tpu.memory_space<vmem_shared>>) dst(%dma_wait3A_15 : memref<640x64xf32, #tpu.memory_space<hbm>>)
      tpu.yield
    }) : () -> ()
    return
  }
}

module attributes {stable_mosaic.version = 14 : i64} {
  func.func @body(%arg0: i32, %arg1: i32, %arg2: memref<2x512x64xf32, #tpu.memory_space<vmem>>, %arg3: memref<512x128xf32, #tpu.memory_space<vmem>>, %arg4: memref<512x128xf32, #tpu.memory_space<vmem>>, %arg5: memref<1x512xf32, #tpu.memory_space<vmem>>, %arg6: memref<1x512xf32, #tpu.memory_space<vmem>>, %arg7: memref<128x512xf32, #tpu.memory_space<vmem>>, %arg8: memref<1x128xf32, #tpu.memory_space<vmem>>, %arg9: memref<1x128xf32, #tpu.memory_space<vmem>>, %arg10: memref<1x128xf32, #tpu.memory_space<vmem>>, %arg11: memref<1x128xf32, #tpu.memory_space<vmem>>, %arg12: memref<512x64xf32, #tpu.memory_space<vmem>>, %arg13: memref<512x64xf32, #tpu.memory_space<vmem>>, %arg14: memref<64x128xf32, #tpu.memory_space<vmem>>, %arg15: memref<10240x128xf32, #tpu.memory_space<vmem>>, %arg16: memref<128x128xf32, #tpu.memory_space<vmem>>, %arg17: memref<8x128xf32, #tpu.memory_space<vmem>>, %arg18: memref<2x512xf32, #tpu.memory_space<vmem>>, %arg19: memref<64x256xf32, #tpu.memory_space<vmem>>, %arg20: memref<8x64xf32, #tpu.memory_space<vmem>>, %arg21: memref<64x128xf32, #tpu.memory_space<vmem>>, %arg22: memref<64x128xf32, #tpu.memory_space<vmem>>, %arg23: memref<64x128xf32, #tpu.memory_space<vmem>>) attributes {dimension_semantics = [#tpu.dimension_semantics<arbitrary>, #tpu.dimension_semantics<arbitrary>], iteration_bounds = array<i64: 3, 20>, scalar_prefetch = 0 : i64, scratch_operands = 9 : i64, tpu.core_type = #tpu.core_type<tc>, window_params = [{transform_indices = @transform_0, window_bounds = array<i64: 2, 512, 64>}, {transform_indices = @transform_1, window_bounds = array<i64: 512, 128>}, {pipeline_mode = #tpu.pipeline_mode<synchronous>, transform_indices = @transform_2, window_bounds = array<i64: 512, 128>}, {pipeline_mode = #tpu.pipeline_mode<synchronous>, transform_indices = @transform_3, window_bounds = array<i64: 1, 512>}, {pipeline_mode = #tpu.pipeline_mode<synchronous>, transform_indices = @transform_4, window_bounds = array<i64: 1, 512>}, {pipeline_mode = #tpu.pipeline_mode<synchronous>, transform_indices = @transform_5, window_bounds = array<i64: 128, 512>}, {pipeline_mode = #tpu.pipeline_mode<synchronous>, transform_indices = @transform_6, window_bounds = array<i64: 1, 128>}, {pipeline_mode = #tpu.pipeline_mode<synchronous>, transform_indices = @transform_7, window_bounds = array<i64: 1, 128>}, {pipeline_mode = #tpu.pipeline_mode<synchronous>, transform_indices = @transform_8, window_bounds = array<i64: 1, 128>}, {pipeline_mode = #tpu.pipeline_mode<synchronous>, transform_indices = @transform_9, window_bounds = array<i64: 1, 128>}, {transform_indices = @transform_10, window_bounds = array<i64: 512, 64>}, {transform_indices = @transform_11, window_bounds = array<i64: 512, 64>}, {pipeline_mode = #tpu.pipeline_mode<synchronous>, transform_indices = @transform_12, window_bounds = array<i64: 64, 128>}]} {
    %eq3A = arith.constant 0 : i32
    %eq3A_0 = arith.cmpi eq, %arg0, %eq3A : i32
    %convert_element_type3A = arith.extui %eq3A_0 : i1 to i32
    %cond3A = arith.constant 0 : i32
    %cond3A_1 = arith.cmpi ne, %convert_element_type3A, %cond3A : i32
    scf.if %cond3A_1 {
      %get3A = arith.constant 0 : index
      %get3A_12 = arith.constant 0 : index
      %get3A_13 = arith.constant 0 : index
      %get3A_14 = vector.load %arg2[%get3A, %get3A_12, %get3A_13] : memref<2x512x64xf32, #tpu.memory_space<vmem>>, vector<1x512x64xf32>
      %get3A_15 = vector.shape_cast %get3A_14 : vector<1x512x64xf32> to vector<512x64xf32>
      %get3A_16 = arith.constant 1 : index
      %get3A_17 = arith.constant 0 : index
      %get3A_18 = arith.constant 0 : index
      %get3A_19 = vector.load %arg2[%get3A_16, %get3A_17, %get3A_18] : memref<2x512x64xf32, #tpu.memory_space<vmem>>, vector<1x512x64xf32>
      %get3A_20 = vector.shape_cast %get3A_19 : vector<1x512x64xf32> to vector<512x64xf32>
      %concatenate3A = tpu.concatenate %get3A_15, %get3A_20 in 1 : vector<512x64xf32>, vector<512x64xf32> -> vector<512x128xf32>
      %iota3A = tpu.iota {dimensions = array<i32: 0>} : vector<512x1xi32>
      %mul3A = arith.constant 512 : i32
      %mul3A_21 = arith.muli %arg1, %mul3A : i32
      %add3A = vector.broadcast %mul3A_21 : i32 to vector<512x1xi32>
      %add3A_22 = arith.addi %iota3A, %add3A : vector<512x1xi32>
      %lt3A = arith.constant 10000 : i32
      %lt3A_23 = vector.broadcast %lt3A : i32 to vector<512x1xi32>
      %lt3A_24 = arith.cmpi slt, %add3A_22, %lt3A_23 : vector<512x1xi32>
      %jit3A = arith.constant 0.000000e+00 : f32
      %broadcast_in_dim3A = vector.shape_cast %lt3A_24 : vector<512x1xi1> to vector<512x1xi1>
      %broadcast_in_dim3A_25 = vector.broadcast %broadcast_in_dim3A : vector<512x1xi1> to vector<512x128xi1>
      %broadcast_in_dim3A_26 = vector.broadcast %jit3A : f32 to vector<512x128xf32>
      %select_n3A = arith.select %broadcast_in_dim3A_25, %concatenate3A, %broadcast_in_dim3A_26 : vector<512x128xi1>, vector<512x128xf32>
      %convert_element_type3A_27 = arith.truncf %select_n3A : vector<512x128xf32> to vector<512x128xbf16>
      %convert_element_type3A_28 = arith.extf %convert_element_type3A_27 : vector<512x128xbf16> to vector<512x128xf32>
      %dot_general3A = arith.constant dense<0.000000e+00> : vector<128x128xf32>
      %dot_general3A_29 = tpu.matmul %convert_element_type3A_28, %convert_element_type3A_28, %dot_general3A {dimension_numbers = #tpu.dot_dimension_numbers<[0], [0], [1], [1], [0, 1, 1, 1], [], []>, precision = #tpu.contract_precision<fp32>, transpose_lhs_hint = false} : vector<512x128xf32>, vector<512x128xf32>, vector<128x128xf32> -> vector<128x128xf32>
      %reduce_sum3A = arith.constant dense<0.000000e+00> : vector<128xf32>
      %reduce_sum3A_30 = vector.multi_reduction <add>, %convert_element_type3A_28, %reduce_sum3A [0] : vector<512x128xf32> to vector<128xf32>
      %broadcast_in_dim3A_31 = vector.shape_cast %reduce_sum3A_30 : vector<128xf32> to vector<1x128xf32>
      %broadcast_in_dim3A_32 = vector.shape_cast %broadcast_in_dim3A_31 : vector<1x128xf32> to vector<1x128xf32>
      %broadcast_in_dim3A_33 = vector.broadcast %broadcast_in_dim3A_32 : vector<1x128xf32> to vector<8x128xf32>
      %eq3A_34 = arith.constant 0 : i32
      %eq3A_35 = arith.cmpi eq, %arg1, %eq3A_34 : i32
      %convert_element_type3A_36 = arith.extui %eq3A_35 : i1 to i32
      %cond3A_37 = arith.constant 0 : i32
      %cond3A_38 = arith.cmpi ne, %convert_element_type3A_36, %cond3A_37 : i32
      scf.if %cond3A_38 {
        %swap3A = arith.constant 0 : index
        %swap3A_43 = arith.constant 0 : index
        %swap3A_44 = vector.load %arg16[%swap3A, %swap3A_43] : memref<128x128xf32, #tpu.memory_space<vmem>>, vector<128x128xf32>
        tpu.vector_store %arg16[%swap3A, %swap3A_43], %dot_general3A_29 {strides = array<i32>} : memref<128x128xf32, #tpu.memory_space<vmem>>, vector<128x128xf32>,
        %swap3A_45 = arith.constant 0 : index
        %swap3A_46 = arith.constant 0 : index
        %swap3A_47 = vector.load %arg17[%swap3A_45, %swap3A_46] : memref<8x128xf32, #tpu.memory_space<vmem>>, vector<8x128xf32>
        tpu.vector_store %arg17[%swap3A_45, %swap3A_46], %broadcast_in_dim3A_33 {strides = array<i32>} : memref<8x128xf32, #tpu.memory_space<vmem>>, vector<8x128xf32>,
      } else {
      }
      %ne3A = arith.constant 0 : i32
      %ne3A_39 = arith.cmpi ne, %arg1, %ne3A : i32
      %convert_element_type3A_40 = arith.extui %ne3A_39 : i1 to i32
      %cond3A_41 = arith.constant 0 : i32
      %cond3A_42 = arith.cmpi ne, %convert_element_type3A_40, %cond3A_41 : i32
      scf.if %cond3A_42 {
        %get3A_43 = arith.constant 0 : index
        %get3A_44 = arith.constant 0 : index
        %get3A_45 = vector.load %arg16[%get3A_43, %get3A_44] : memref<128x128xf32, #tpu.memory_space<vmem>>, vector<128x128xf32>
        %add3A_46 = arith.addf %get3A_45, %dot_general3A_29 : vector<128x128xf32>
        %swap3A = arith.constant 0 : index
        %swap3A_47 = arith.constant 0 : index
        %swap3A_48 = vector.load %arg16[%swap3A, %swap3A_47] : memref<128x128xf32, #tpu.memory_space<vmem>>, vector<128x128xf32>
        tpu.vector_store %arg16[%swap3A, %swap3A_47], %add3A_46 {strides = array<i32>} : memref<128x128xf32, #tpu.memory_space<vmem>>, vector<128x128xf32>,
        %get3A_49 = arith.constant 0 : index
        %get3A_50 = arith.constant 0 : index
        %get3A_51 = vector.load %arg17[%get3A_49, %get3A_50] : memref<8x128xf32, #tpu.memory_space<vmem>>, vector<8x128xf32>
        %add3A_52 = arith.addf %get3A_51, %broadcast_in_dim3A_33 : vector<8x128xf32>
        %swap3A_53 = arith.constant 0 : index
        %swap3A_54 = arith.constant 0 : index
        %swap3A_55 = vector.load %arg17[%swap3A_53, %swap3A_54] : memref<8x128xf32, #tpu.memory_space<vmem>>, vector<8x128xf32>
        tpu.vector_store %arg17[%swap3A_53, %swap3A_54], %add3A_52 {strides = array<i32>} : memref<8x128xf32, #tpu.memory_space<vmem>>, vector<8x128xf32>,
      } else {
      }
    } else {
    }
    %eq3A_2 = arith.constant 1 : i32
    %eq3A_3 = arith.cmpi eq, %arg0, %eq3A_2 : i32
    %convert_element_type3A_4 = arith.extui %eq3A_3 : i1 to i32
    %cond3A_5 = arith.constant 0 : i32
    %cond3A_6 = arith.cmpi ne, %convert_element_type3A_4, %cond3A_5 : i32
    scf.if %cond3A_6 {
      %eq3A_12 = arith.constant 0 : i32
      %eq3A_13 = arith.cmpi eq, %arg1, %eq3A_12 : i32
      %convert_element_type3A_14 = arith.extui %eq3A_13 : i1 to i32
      %cond3A_15 = arith.constant 0 : i32
      %cond3A_16 = arith.cmpi ne, %convert_element_type3A_14, %cond3A_15 : i32
      scf.if %cond3A_16 {
        %get3A_95 = arith.constant 0 : index
        %get3A_96 = arith.constant 0 : index
        %get3A_97 = vector.load %arg4[%get3A_95, %get3A_96] : memref<512x128xf32, #tpu.memory_space<vmem>>, vector<512x128xf32>
        %convert_element_type3A_98 = arith.truncf %get3A_97 : vector<512x128xf32> to vector<512x128xbf16>
        %convert_element_type3A_99 = arith.extf %convert_element_type3A_98 : vector<512x128xbf16> to vector<512x128xf32>
        %get3A_100 = arith.constant 0 : index
        %get3A_101 = arith.constant 0 : index
        %get3A_102 = vector.load %arg17[%get3A_100, %get3A_101] : memref<8x128xf32, #tpu.memory_space<vmem>>, vector<1x128xf32>
        %dot_general3A_103 = arith.constant dense<0.000000e+00> : vector<1x512xf32>
        %dot_general3A_104 = tpu.matmul %get3A_102, %convert_element_type3A_99, %dot_general3A_103 {dimension_numbers = #tpu.dot_dimension_numbers<[1], [1], [0], [0], [0, 0, 1, 0], [], []>, precision = #tpu.contract_precision<fp32>, transpose_lhs_hint = false} : vector<1x128xf32>, vector<512x128xf32>, vector<1x512xf32> -> vector<1x512xf32>
        %div3A = arith.constant 1.000000e+04 : f32
        %div3A_105 = vector.broadcast %div3A : f32 to vector<1x512xf32>
        %div3A_106 = arith.divf %dot_general3A_104, %div3A_105 : vector<1x512xf32>
        %get3A_107 = arith.constant 0 : index
        %get3A_108 = arith.constant 0 : index
        %get3A_109 = vector.load %arg16[%get3A_107, %get3A_108] : memref<128x128xf32, #tpu.memory_space<vmem>>, vector<128x128xf32>
        %dot_general3A_110 = arith.constant dense<0.000000e+00> : vector<512x128xf32>
        %dot_general3A_111 = tpu.matmul %convert_element_type3A_99, %get3A_109, %dot_general3A_110 {dimension_numbers = #tpu.dot_dimension_numbers<[1], [0], [0], [1], [0, 0, 1, 1], [], []>, precision = #tpu.contract_precision<fp32>, transpose_lhs_hint = false} : vector<512x128xf32>, vector<128x128xf32>, vector<512x128xf32> -> vector<512x128xf32>
        %mul3A_112 = arith.mulf %dot_general3A_111, %convert_element_type3A_99 : vector<512x128xf32>
        %reduce_sum3A_113 = arith.constant dense<0.000000e+00> : vector<512xf32>
        %reduce_sum3A_114 = vector.multi_reduction <add>, %mul3A_112, %reduce_sum3A_113 [1] : vector<512x128xf32> to vector<512xf32>
        %broadcast_in_dim3A_115 = vector.shape_cast %reduce_sum3A_114 : vector<512xf32> to vector<512x1xf32>
        %div3A_116 = arith.constant 1.000000e+04 : f32
        %div3A_117 = vector.broadcast %div3A_116 : f32 to vector<512x1xf32>
        %div3A_118 = arith.divf %broadcast_in_dim3A_115, %div3A_117 : vector<512x1xf32>
        %iota3A_119 = tpu.iota {dimensions = array<i32: 0>} : vector<512x512xi32>
        %iota3A_120 = tpu.iota {dimensions = array<i32: 1>} : vector<512x512xi32>
        %eq3A_121 = arith.cmpi eq, %iota3A_119, %iota3A_120 : vector<512x512xi32>
        %jit3A_122 = arith.constant 1.000000e+00 : f32
        %jit3A_123 = arith.constant 0.000000e+00 : f32
        %broadcast_in_dim3A_124 = vector.broadcast %jit3A_122 : f32 to vector<512x512xf32>
        %broadcast_in_dim3A_125 = vector.broadcast %jit3A_123 : f32 to vector<512x512xf32>
        %select_n3A_126 = arith.select %eq3A_121, %broadcast_in_dim3A_124, %broadcast_in_dim3A_125 : vector<512x512xi1>, vector<512x512xf32>
        %dot_general3A_127 = arith.constant dense<0.000000e+00> : vector<1x512xf32>
        %dot_general3A_128 = tpu.matmul %div3A_118, %select_n3A_126, %dot_general3A_127 {dimension_numbers = #tpu.dot_dimension_numbers<[0], [0], [1], [1], [0, 1, 1, 1], [], []>, precision = #tpu.contract_precision<fp32>, transpose_lhs_hint = false} : vector<512x1xf32>, vector<512x512xf32>, vector<1x512xf32> -> vector<1x512xf32>
        %mul3A_129 = arith.mulf %div3A_106, %div3A_106 : vector<1x512xf32>
        %sub3A_130 = arith.subf %dot_general3A_128, %mul3A_129 : vector<1x512xf32>
        %add3A_131 = arith.constant 9.99999974E-6 : f32
        %add3A_132 = vector.broadcast %add3A_131 : f32 to vector<1x512xf32>
        %add3A_133 = arith.addf %sub3A_130, %add3A_132 : vector<1x512xf32>
        %rsqrt3A = math.rsqrt %add3A_133 : vector<1x512xf32>
        %get3A_134 = arith.constant 0 : index
        %get3A_135 = arith.constant 0 : index
        %get3A_136 = vector.load %arg5[%get3A_134, %get3A_135] : memref<1x512xf32, #tpu.memory_space<vmem>>, vector<1x512xf32>
        %mul3A_137 = arith.mulf %get3A_136, %rsqrt3A : vector<1x512xf32>
        %swap3A_138 = arith.constant 0 : index
        %swap3A_139 = arith.constant 0 : index
        %swap3A_140 = vector.load %arg18[%swap3A_138, %swap3A_139] : memref<2x512xf32, #tpu.memory_space<vmem>>, vector<1x512xf32>
        tpu.vector_store %arg18[%swap3A_138, %swap3A_139], %mul3A_137 {strides = array<i32>} : memref<2x512xf32, #tpu.memory_space<vmem>>, vector<1x512xf32>,
        %get3A_141 = arith.constant 0 : index
        %get3A_142 = arith.constant 0 : index
        %get3A_143 = vector.load %arg6[%get3A_141, %get3A_142] : memref<1x512xf32, #tpu.memory_space<vmem>>, vector<1x512xf32>
        %mul3A_144 = arith.mulf %div3A_106, %mul3A_137 : vector<1x512xf32>
        %sub3A_145 = arith.subf %get3A_143, %mul3A_144 : vector<1x512xf32>
        %swap3A_146 = arith.constant 1 : index
        %swap3A_147 = arith.constant 0 : index
        %swap3A_148 = vector.load %arg18[%swap3A_146, %swap3A_147] : memref<2x512xf32, #tpu.memory_space<vmem>>, vector<1x512xf32>
        tpu.vector_store %arg18[%swap3A_146, %swap3A_147], %sub3A_145 {strides = array<i32>} : memref<2x512xf32, #tpu.memory_space<vmem>>, vector<1x512xf32>,
      } else {
      }
      %get3A = arith.constant 0 : index
      %get3A_17 = arith.constant 0 : index
      %get3A_18 = arith.constant 0 : index
      %get3A_19 = vector.load %arg2[%get3A, %get3A_17, %get3A_18] : memref<2x512x64xf32, #tpu.memory_space<vmem>>, vector<1x512x64xf32>
      %get3A_20 = vector.shape_cast %get3A_19 : vector<1x512x64xf32> to vector<512x64xf32>
      %get3A_21 = arith.constant 1 : index
      %get3A_22 = arith.constant 0 : index
      %get3A_23 = arith.constant 0 : index
      %get3A_24 = vector.load %arg2[%get3A_21, %get3A_22, %get3A_23] : memref<2x512x64xf32, #tpu.memory_space<vmem>>, vector<1x512x64xf32>
      %get3A_25 = vector.shape_cast %get3A_24 : vector<1x512x64xf32> to vector<512x64xf32>
      %concatenate3A = tpu.concatenate %get3A_20, %get3A_25 in 1 : vector<512x64xf32>, vector<512x64xf32> -> vector<512x128xf32>
      %convert_element_type3A_26 = arith.truncf %concatenate3A : vector<512x128xf32> to vector<512x128xbf16>
      %get3A_27 = arith.constant 0 : index
      %get3A_28 = arith.constant 0 : index
      %get3A_29 = vector.load %arg4[%get3A_27, %get3A_28] : memref<512x128xf32, #tpu.memory_space<vmem>>, vector<512x128xf32>
      %convert_element_type3A_30 = arith.truncf %get3A_29 : vector<512x128xf32> to vector<512x128xbf16>
      %dot_general3A = arith.constant dense<0.000000e+00> : vector<512x512xf32>
      %dot_general3A_31 = tpu.matmul %convert_element_type3A_26, %convert_element_type3A_30, %dot_general3A {dimension_numbers = #tpu.dot_dimension_numbers<[1], [1], [0], [0], [0, 0, 1, 0], [], []>, transpose_lhs_hint = false} : vector<512x128xbf16>, vector<512x128xbf16>, vector<512x512xf32> -> vector<512x512xf32>
      %get3A_32 = arith.constant 0 : index
      %get3A_33 = arith.constant 0 : index
      %get3A_34 = vector.load %arg18[%get3A_32, %get3A_33] : memref<2x512xf32, #tpu.memory_space<vmem>>, vector<1x512xf32>
      %mul3A = vector.broadcast %get3A_34 : vector<1x512xf32> to vector<512x512xf32>
      %mul3A_35 = arith.mulf %dot_general3A_31, %mul3A : vector<512x512xf32>
      %get3A_36 = arith.constant 1 : index
      %get3A_37 = arith.constant 0 : index
      %get3A_38 = vector.load %arg18[%get3A_36, %get3A_37] : memref<2x512xf32, #tpu.memory_space<vmem>>, vector<1x512xf32>
      %add3A = vector.broadcast %get3A_38 : vector<1x512xf32> to vector<512x512xf32>
      %add3A_39 = arith.addf %mul3A_35, %add3A : vector<512x512xf32>
      %gt3A = arith.constant 0.000000e+00 : f32
      %gt3A_40 = vector.broadcast %gt3A : f32 to vector<512x512xf32>
      %gt3A_41 = arith.cmpf ogt, %add3A_39, %gt3A_40 : vector<512x512xf32>
      %min3A = arith.constant 0.000000e+00 : f32
      %min3A_42 = vector.broadcast %min3A : f32 to vector<512x512xf32>
      %min3A_43 = arith.minimumf %add3A_39, %min3A_42 : vector<512x512xf32>
      %exp3A = math.exp %min3A_43 : vector<512x512xf32>
      %sub3A = arith.constant 1.000000e+00 : f32
      %sub3A_44 = vector.broadcast %sub3A : f32 to vector<512x512xf32>
      %sub3A_45 = arith.subf %exp3A, %sub3A_44 : vector<512x512xf32>
      %mul3A_46 = arith.constant 1.67326319 : f32
      %mul3A_47 = vector.broadcast %mul3A_46 : f32 to vector<512x512xf32>
      %mul3A_48 = arith.mulf %mul3A_47, %sub3A_45 : vector<512x512xf32>
      %select_n3A = arith.select %gt3A_41, %add3A_39, %mul3A_48 : vector<512x512xi1>, vector<512x512xf32>
      %mul3A_49 = arith.constant 1.05070102 : f32
      %mul3A_50 = vector.broadcast %mul3A_49 : f32 to vector<512x512xf32>
      %mul3A_51 = arith.mulf %mul3A_50, %select_n3A : vector<512x512xf32>
      %convert_element_type3A_52 = arith.truncf %mul3A_51 : vector<512x512xf32> to vector<512x512xbf16>
      %get3A_53 = arith.constant 0 : index
      %get3A_54 = arith.constant 0 : index
      %get3A_55 = vector.load %arg7[%get3A_53, %get3A_54] : memref<128x512xf32, #tpu.memory_space<vmem>>, vector<128x512xf32>
      %convert_element_type3A_56 = arith.truncf %get3A_55 : vector<128x512xf32> to vector<128x512xbf16>
      %dot_general3A_57 = arith.constant dense<0.000000e+00> : vector<512x128xf32>
      %dot_general3A_58 = tpu.matmul %convert_element_type3A_52, %convert_element_type3A_56, %dot_general3A_57 {dimension_numbers = #tpu.dot_dimension_numbers<[1], [1], [0], [0], [0, 0, 1, 0], [], []>, transpose_lhs_hint = false} : vector<512x512xbf16>, vector<128x512xbf16>, vector<512x128xf32> -> vector<512x128xf32>
      %get3A_59 = arith.constant 0 : index
      %get3A_60 = arith.constant 0 : index
      %get3A_61 = vector.load %arg8[%get3A_59, %get3A_60] : memref<1x128xf32, #tpu.memory_space<vmem>>, vector<1x128xf32>
      %add3A_62 = vector.broadcast %get3A_61 : vector<1x128xf32> to vector<512x128xf32>
      %add3A_63 = arith.addf %dot_general3A_58, %add3A_62 : vector<512x128xf32>
      %mul3A_64 = arith.constant 512 : i32
      %mul3A_65 = arith.muli %arg1, %mul3A_64 : i32
      %swap3A = arith.index_cast %mul3A_65 : i32 to index
      %swap3A_66 = arith.constant 0 : index
      %swap3A_67 = vector.load %arg15[%swap3A, %swap3A_66] : memref<10240x128xf32, #tpu.memory_space<vmem>>, vector<512x128xf32>
      tpu.vector_store %arg15[%swap3A, %swap3A_66], %add3A_63 {strides = array<i32>} : memref<10240x128xf32, #tpu.memory_space<vmem>>, vector<512x128xf32>,
      %get3A_68 = arith.constant 0 : index
      %get3A_69 = arith.constant 0 : index
      %get3A_70 = vector.load %arg3[%get3A_68, %get3A_69] : memref<512x128xf32, #tpu.memory_space<vmem>>, vector<512x1xf32>
      %iota3A = tpu.iota {dimensions = array<i32: 1>} : vector<1x64xi32>
      %convert_element_type3A_71 = arith.sitofp %iota3A : vector<1x64xi32> to vector<1x64xf32>
      %eq3A_72 = vector.broadcast %get3A_70 : vector<512x1xf32> to vector<512x64xf32>
      %eq3A_73 = vector.broadcast %convert_element_type3A_71 : vector<1x64xf32> to vector<512x64xf32>
      %eq3A_74 = arith.cmpf oeq, %eq3A_72, %eq3A_73 : vector<512x64xf32>
      %jit3A = arith.constant 1.000000e+00 : f32
      %jit3A_75 = arith.constant 0.000000e+00 : f32
      %broadcast_in_dim3A = vector.broadcast %jit3A : f32 to vector<512x64xf32>
      %broadcast_in_dim3A_76 = vector.broadcast %jit3A_75 : f32 to vector<512x64xf32>
      %select_n3A_77 = arith.select %eq3A_74, %broadcast_in_dim3A, %broadcast_in_dim3A_76 : vector<512x64xi1>, vector<512x64xf32>
      %mul3A_78 = arith.mulf %add3A_63, %add3A_63 : vector<512x128xf32>
      %concatenate3A_79 = tpu.concatenate %add3A_63, %mul3A_78 in 1 : vector<512x128xf32>, vector<512x128xf32> -> vector<512x256xf32>
      %dot_general3A_80 = arith.constant dense<0.000000e+00> : vector<64x256xf32>
      %dot_general3A_81 = tpu.matmul %select_n3A_77, %concatenate3A_79, %dot_general3A_80 {dimension_numbers = #tpu.dot_dimension_numbers<[0], [0], [1], [1], [0, 1, 1, 1], [], []>, precision = #tpu.contract_precision<fp32>, transpose_lhs_hint = false} : vector<512x64xf32>, vector<512x256xf32>, vector<64x256xf32> -> vector<64x256xf32>
      %reduce_sum3A = arith.constant dense<0.000000e+00> : vector<64xf32>
      %reduce_sum3A_82 = vector.multi_reduction <add>, %select_n3A_77, %reduce_sum3A [0] : vector<512x64xf32> to vector<64xf32>
      %broadcast_in_dim3A_83 = vector.shape_cast %reduce_sum3A_82 : vector<64xf32> to vector<1x64xf32>
      %broadcast_in_dim3A_84 = vector.shape_cast %broadcast_in_dim3A_83 : vector<1x64xf32> to vector<1x64xf32>
      %broadcast_in_dim3A_85 = vector.broadcast %broadcast_in_dim3A_84 : vector<1x64xf32> to vector<8x64xf32>
      %eq3A_86 = arith.constant 0 : i32
      %eq3A_87 = arith.cmpi eq, %arg1, %eq3A_86 : i32
      %convert_element_type3A_88 = arith.extui %eq3A_87 : i1 to i32
      %cond3A_89 = arith.constant 0 : i32
      %cond3A_90 = arith.cmpi ne, %convert_element_type3A_88, %cond3A_89 : i32
      scf.if %cond3A_90 {
        %swap3A_95 = arith.constant 0 : index
        %swap3A_96 = arith.constant 0 : index
        %swap3A_97 = vector.load %arg19[%swap3A_95, %swap3A_96] : memref<64x256xf32, #tpu.memory_space<vmem>>, vector<64x256xf32>
        tpu.vector_store %arg19[%swap3A_95, %swap3A_96], %dot_general3A_81 {strides = array<i32>} : memref<64x256xf32, #tpu.memory_space<vmem>>, vector<64x256xf32>,
        %swap3A_98 = arith.constant 0 : index
        %swap3A_99 = arith.constant 0 : index
        %swap3A_100 = vector.load %arg20[%swap3A_98, %swap3A_99] : memref<8x64xf32, #tpu.memory_space<vmem>>, vector<8x64xf32>
        tpu.vector_store %arg20[%swap3A_98, %swap3A_99], %broadcast_in_dim3A_85 {strides = array<i32>} : memref<8x64xf32, #tpu.memory_space<vmem>>, vector<8x64xf32>,
      } else {
      }
      %ne3A = arith.constant 0 : i32
      %ne3A_91 = arith.cmpi ne, %arg1, %ne3A : i32
      %convert_element_type3A_92 = arith.extui %ne3A_91 : i1 to i32
      %cond3A_93 = arith.constant 0 : i32
      %cond3A_94 = arith.cmpi ne, %convert_element_type3A_92, %cond3A_93 : i32
      scf.if %cond3A_94 {
        %get3A_95 = arith.constant 0 : index
        %get3A_96 = arith.constant 0 : index
        %get3A_97 = vector.load %arg19[%get3A_95, %get3A_96] : memref<64x256xf32, #tpu.memory_space<vmem>>, vector<64x256xf32>
        %add3A_98 = arith.addf %get3A_97, %dot_general3A_81 : vector<64x256xf32>
        %swap3A_99 = arith.constant 0 : index
        %swap3A_100 = arith.constant 0 : index
        %swap3A_101 = vector.load %arg19[%swap3A_99, %swap3A_100] : memref<64x256xf32, #tpu.memory_space<vmem>>, vector<64x256xf32>
        tpu.vector_store %arg19[%swap3A_99, %swap3A_100], %add3A_98 {strides = array<i32>} : memref<64x256xf32, #tpu.memory_space<vmem>>, vector<64x256xf32>,
        %get3A_102 = arith.constant 0 : index
        %get3A_103 = arith.constant 0 : index
        %get3A_104 = vector.load %arg20[%get3A_102, %get3A_103] : memref<8x64xf32, #tpu.memory_space<vmem>>, vector<8x64xf32>
        %add3A_105 = arith.addf %get3A_104, %broadcast_in_dim3A_85 : vector<8x64xf32>
        %swap3A_106 = arith.constant 0 : index
        %swap3A_107 = arith.constant 0 : index
        %swap3A_108 = vector.load %arg20[%swap3A_106, %swap3A_107] : memref<8x64xf32, #tpu.memory_space<vmem>>, vector<8x64xf32>
        tpu.vector_store %arg20[%swap3A_106, %swap3A_107], %add3A_105 {strides = array<i32>} : memref<8x64xf32, #tpu.memory_space<vmem>>, vector<8x64xf32>,
      } else {
      }
    } else {
    }
    %eq3A_7 = arith.constant 2 : i32
    %eq3A_8 = arith.cmpi eq, %arg0, %eq3A_7 : i32
    %convert_element_type3A_9 = arith.extui %eq3A_8 : i1 to i32
    %cond3A_10 = arith.constant 0 : i32
    %cond3A_11 = arith.cmpi ne, %convert_element_type3A_9, %cond3A_10 : i32
    scf.if %cond3A_11 {
      %eq3A_12 = arith.constant 0 : i32
      %eq3A_13 = arith.cmpi eq, %arg1, %eq3A_12 : i32
      %convert_element_type3A_14 = arith.extui %eq3A_13 : i1 to i32
      %cond3A_15 = arith.constant 0 : i32
      %cond3A_16 = arith.cmpi ne, %convert_element_type3A_14, %cond3A_15 : i32
      scf.if %cond3A_16 {
        %iota3A_85 = tpu.iota {dimensions = array<i32: 0>} : vector<64x64xi32>
        %iota3A_86 = tpu.iota {dimensions = array<i32: 1>} : vector<64x64xi32>
        %eq3A_87 = arith.cmpi eq, %iota3A_85, %iota3A_86 : vector<64x64xi32>
        %jit3A_88 = arith.constant 1.000000e+00 : f32
        %jit3A_89 = arith.constant 0.000000e+00 : f32
        %broadcast_in_dim3A_90 = vector.broadcast %jit3A_88 : f32 to vector<64x64xf32>
        %broadcast_in_dim3A_91 = vector.broadcast %jit3A_89 : f32 to vector<64x64xf32>
        %select_n3A_92 = arith.select %eq3A_87, %broadcast_in_dim3A_90, %broadcast_in_dim3A_91 : vector<64x64xi1>, vector<64x64xf32>
        %get3A_93 = arith.constant 0 : index
        %get3A_94 = arith.constant 0 : index
        %get3A_95 = vector.load %arg20[%get3A_93, %get3A_94] : memref<8x64xf32, #tpu.memory_space<vmem>>, vector<1x64xf32>
        %dot_general3A_96 = arith.constant dense<0.000000e+00> : vector<64x1xf32>
        %dot_general3A_97 = tpu.matmul %select_n3A_92, %get3A_95, %dot_general3A_96 {dimension_numbers = #tpu.dot_dimension_numbers<[1], [1], [0], [0], [0, 0, 1, 0], [], []>, precision = #tpu.contract_precision<fp32>, transpose_lhs_hint = false} : vector<64x64xf32>, vector<1x64xf32>, vector<64x1xf32> -> vector<64x1xf32>
        %max3A = arith.constant 1.000000e+00 : f32
        %max3A_98 = vector.broadcast %max3A : f32 to vector<64x1xf32>
        %max3A_99 = arith.maximumf %dot_general3A_97, %max3A_98 : vector<64x1xf32>
        %get3A_100 = arith.constant 0 : index
        %get3A_101 = arith.constant 0 : index
        %get3A_102 = vector.load %arg19[%get3A_100, %get3A_101] : memref<64x256xf32, #tpu.memory_space<vmem>>, vector<64x128xf32>
        %div3A_103 = vector.broadcast %max3A_99 : vector<64x1xf32> to vector<64x128xf32>
        %div3A_104 = arith.divf %get3A_102, %div3A_103 : vector<64x128xf32>
        %get3A_105 = arith.constant 0 : index
        %get3A_106 = arith.constant 0 : index
        %get3A_107 = vector.load %arg11[%get3A_105, %get3A_106] : memref<1x128xf32, #tpu.memory_space<vmem>>, vector<1x128xf32>
        %get3A_108 = arith.constant 0 : index
        %get3A_109 = arith.constant 128 : index
        %get3A_110 = vector.load %arg19[%get3A_108, %get3A_109] : memref<64x256xf32, #tpu.memory_space<vmem>>, vector<64x128xf32>
        %div3A_111 = vector.broadcast %max3A_99 : vector<64x1xf32> to vector<64x128xf32>
        %div3A_112 = arith.divf %get3A_110, %div3A_111 : vector<64x128xf32>
        %mul3A_113 = arith.constant 2.000000e+00 : f32
        %mul3A_114 = vector.broadcast %mul3A_113 : f32 to vector<1x128xf32>
        %mul3A_115 = arith.mulf %mul3A_114, %get3A_107 : vector<1x128xf32>
        %mul3A_116 = arith.mulf %get3A_107, %get3A_107 : vector<1x128xf32>
        %sub3A_117 = arith.subf %mul3A_115, %mul3A_116 : vector<1x128xf32>
        %mul3A_118 = vector.broadcast %sub3A_117 : vector<1x128xf32> to vector<64x128xf32>
        %mul3A_119 = arith.mulf %mul3A_118, %div3A_104 : vector<64x128xf32>
        %mul3A_120 = arith.mulf %mul3A_119, %div3A_104 : vector<64x128xf32>
        %sub3A_121 = arith.subf %div3A_112, %mul3A_120 : vector<64x128xf32>
        %swap3A_122 = arith.constant 0 : index
        %swap3A_123 = arith.constant 0 : index
        %swap3A_124 = vector.load %arg21[%swap3A_122, %swap3A_123] : memref<64x128xf32, #tpu.memory_space<vmem>>, vector<64x128xf32>
        tpu.vector_store %arg21[%swap3A_122, %swap3A_123], %div3A_104 {strides = array<i32>} : memref<64x128xf32, #tpu.memory_space<vmem>>, vector<64x128xf32>,
        %add3A_125 = arith.constant 9.99999974E-6 : f32
        %add3A_126 = vector.broadcast %add3A_125 : f32 to vector<64x128xf32>
        %add3A_127 = arith.addf %sub3A_121, %add3A_126 : vector<64x128xf32>
        %rsqrt3A = math.rsqrt %add3A_127 : vector<64x128xf32>
        %swap3A_128 = arith.constant 0 : index
        %swap3A_129 = arith.constant 0 : index
        %swap3A_130 = vector.load %arg22[%swap3A_128, %swap3A_129] : memref<64x128xf32, #tpu.memory_space<vmem>>, vector<64x128xf32>
        tpu.vector_store %arg22[%swap3A_128, %swap3A_129], %rsqrt3A {strides = array<i32>} : memref<64x128xf32, #tpu.memory_space<vmem>>, vector<64x128xf32>,
        %broadcast_in_dim3A_131 = vector.shape_cast %max3A_99 : vector<64x1xf32> to vector<64x1xf32>
        %broadcast_in_dim3A_132 = vector.broadcast %broadcast_in_dim3A_131 : vector<64x1xf32> to vector<64x128xf32>
        %swap3A_133 = arith.constant 0 : index
        %swap3A_134 = arith.constant 0 : index
        %swap3A_135 = vector.load %arg23[%swap3A_133, %swap3A_134] : memref<64x128xf32, #tpu.memory_space<vmem>>, vector<64x128xf32>
        tpu.vector_store %arg23[%swap3A_133, %swap3A_134], %broadcast_in_dim3A_132 {strides = array<i32>} : memref<64x128xf32, #tpu.memory_space<vmem>>, vector<64x128xf32>,
        %broadcast_in_dim3A_136 = arith.constant 0.000000e+00 : f32
        %broadcast_in_dim3A_137 = vector.broadcast %broadcast_in_dim3A_136 : f32 to vector<64x128xf32>
        %swap3A_138 = arith.constant 0 : index
        %swap3A_139 = arith.constant 0 : index
        %swap3A_140 = vector.load %arg14[%swap3A_138, %swap3A_139] : memref<64x128xf32, #tpu.memory_space<vmem>>, vector<64x128xf32>
        tpu.vector_store %arg14[%swap3A_138, %swap3A_139], %broadcast_in_dim3A_137 {strides = array<i32>} : memref<64x128xf32, #tpu.memory_space<vmem>>, vector<64x128xf32>,
      } else {
      }
      %mul3A = arith.constant 512 : i32
      %mul3A_17 = arith.muli %arg1, %mul3A : i32
      %get3A = arith.index_cast %mul3A_17 : i32 to index
      %get3A_18 = arith.constant 0 : index
      %get3A_19 = vector.load %arg15[%get3A, %get3A_18] : memref<10240x128xf32, #tpu.memory_space<vmem>>, vector<512x128xf32>
      %get3A_20 = arith.constant 0 : index
      %get3A_21 = arith.constant 0 : index
      %get3A_22 = vector.load %arg3[%get3A_20, %get3A_21] : memref<512x128xf32, #tpu.memory_space<vmem>>, vector<512x1xf32>
      %iota3A = tpu.iota {dimensions = array<i32: 1>} : vector<1x64xi32>
      %convert_element_type3A_23 = arith.sitofp %iota3A : vector<1x64xi32> to vector<1x64xf32>
      %eq3A_24 = vector.broadcast %get3A_22 : vector<512x1xf32> to vector<512x64xf32>
      %eq3A_25 = vector.broadcast %convert_element_type3A_23 : vector<1x64xf32> to vector<512x64xf32>
      %eq3A_26 = arith.cmpf oeq, %eq3A_24, %eq3A_25 : vector<512x64xf32>
      %jit3A = arith.constant 1.000000e+00 : f32
      %jit3A_27 = arith.constant 0.000000e+00 : f32
      %broadcast_in_dim3A = vector.broadcast %jit3A : f32 to vector<512x64xf32>
      %broadcast_in_dim3A_28 = vector.broadcast %jit3A_27 : f32 to vector<512x64xf32>
      %select_n3A = arith.select %eq3A_26, %broadcast_in_dim3A, %broadcast_in_dim3A_28 : vector<512x64xi1>, vector<512x64xf32>
      %get3A_29 = arith.constant 0 : index
      %get3A_30 = arith.constant 0 : index
      %get3A_31 = vector.load %arg21[%get3A_29, %get3A_30] : memref<64x128xf32, #tpu.memory_space<vmem>>, vector<64x128xf32>
      %dot_general3A = arith.constant dense<0.000000e+00> : vector<512x128xf32>
      %dot_general3A_32 = tpu.matmul %select_n3A, %get3A_31, %dot_general3A {dimension_numbers = #tpu.dot_dimension_numbers<[1], [0], [0], [1], [0, 0, 1, 1], [], []>, precision = #tpu.contract_precision<fp32>, transpose_lhs_hint = false} : vector<512x64xf32>, vector<64x128xf32>, vector<512x128xf32> -> vector<512x128xf32>
      %get3A_33 = arith.constant 0 : index
      %get3A_34 = arith.constant 0 : index
      %get3A_35 = vector.load %arg22[%get3A_33, %get3A_34] : memref<64x128xf32, #tpu.memory_space<vmem>>, vector<64x128xf32>
      %dot_general3A_36 = arith.constant dense<0.000000e+00> : vector<512x128xf32>
      %dot_general3A_37 = tpu.matmul %select_n3A, %get3A_35, %dot_general3A_36 {dimension_numbers = #tpu.dot_dimension_numbers<[1], [0], [0], [1], [0, 0, 1, 1], [], []>, precision = #tpu.contract_precision<fp32>, transpose_lhs_hint = false} : vector<512x64xf32>, vector<64x128xf32>, vector<512x128xf32> -> vector<512x128xf32>
      %get3A_38 = arith.constant 0 : index
      %get3A_39 = arith.constant 0 : index
      %get3A_40 = vector.load %arg11[%get3A_38, %get3A_39] : memref<1x128xf32, #tpu.memory_space<vmem>>, vector<1x128xf32>
      %mul3A_41 = vector.broadcast %get3A_40 : vector<1x128xf32> to vector<512x128xf32>
      %mul3A_42 = arith.mulf %mul3A_41, %dot_general3A_32 : vector<512x128xf32>
      %sub3A = arith.subf %get3A_19, %mul3A_42 : vector<512x128xf32>
      %mul3A_43 = arith.mulf %sub3A, %dot_general3A_37 : vector<512x128xf32>
      %get3A_44 = arith.constant 0 : index
      %get3A_45 = arith.constant 0 : index
      %get3A_46 = vector.load %arg9[%get3A_44, %get3A_45] : memref<1x128xf32, #tpu.memory_space<vmem>>, vector<1x128xf32>
      %mul3A_47 = vector.broadcast %get3A_46 : vector<1x128xf32> to vector<512x128xf32>
      %mul3A_48 = arith.mulf %mul3A_43, %mul3A_47 : vector<512x128xf32>
      %get3A_49 = arith.constant 0 : index
      %get3A_50 = arith.constant 0 : index
      %get3A_51 = vector.load %arg10[%get3A_49, %get3A_50] : memref<1x128xf32, #tpu.memory_space<vmem>>, vector<1x128xf32>
      %add3A = vector.broadcast %get3A_51 : vector<1x128xf32> to vector<512x128xf32>
      %add3A_52 = arith.addf %mul3A_48, %add3A : vector<512x128xf32>
      %gt3A = arith.constant 0.000000e+00 : f32
      %gt3A_53 = vector.broadcast %gt3A : f32 to vector<512x128xf32>
      %gt3A_54 = arith.cmpf ogt, %add3A_52, %gt3A_53 : vector<512x128xf32>
      %min3A = arith.constant 0.000000e+00 : f32
      %min3A_55 = vector.broadcast %min3A : f32 to vector<512x128xf32>
      %min3A_56 = arith.minimumf %add3A_52, %min3A_55 : vector<512x128xf32>
      %exp3A = math.exp %min3A_56 : vector<512x128xf32>
      %sub3A_57 = arith.constant 1.000000e+00 : f32
      %sub3A_58 = vector.broadcast %sub3A_57 : f32 to vector<512x128xf32>
      %sub3A_59 = arith.subf %exp3A, %sub3A_58 : vector<512x128xf32>
      %mul3A_60 = arith.constant 1.67326319 : f32
      %mul3A_61 = vector.broadcast %mul3A_60 : f32 to vector<512x128xf32>
      %mul3A_62 = arith.mulf %mul3A_61, %sub3A_59 : vector<512x128xf32>
      %select_n3A_63 = arith.select %gt3A_54, %add3A_52, %mul3A_62 : vector<512x128xi1>, vector<512x128xf32>
      %mul3A_64 = arith.constant 1.05070102 : f32
      %mul3A_65 = vector.broadcast %mul3A_64 : f32 to vector<512x128xf32>
      %mul3A_66 = arith.mulf %mul3A_65, %select_n3A_63 : vector<512x128xf32>
      %slice3A = vector.extract_strided_slice %mul3A_66 {offsets = [0, 0], sizes = [512, 64], strides = [1, 1]} : vector<512x128xf32> to vector<512x64xf32>
      %swap3A = arith.constant 0 : index
      %swap3A_67 = arith.constant 0 : index
      %swap3A_68 = vector.load %arg12[%swap3A, %swap3A_67] : memref<512x64xf32, #tpu.memory_space<vmem>>, vector<512x64xf32>
      tpu.vector_store %arg12[%swap3A, %swap3A_67], %slice3A {strides = array<i32>} : memref<512x64xf32, #tpu.memory_space<vmem>>, vector<512x64xf32>,
      %slice3A_69 = vector.extract_strided_slice %mul3A_66 {offsets = [0, 64], sizes = [512, 64], strides = [1, 1]} : vector<512x128xf32> to vector<512x64xf32>
      %swap3A_70 = arith.constant 0 : index
      %swap3A_71 = arith.constant 0 : index
      %swap3A_72 = vector.load %arg13[%swap3A_70, %swap3A_71] : memref<512x64xf32, #tpu.memory_space<vmem>>, vector<512x64xf32>
      tpu.vector_store %arg13[%swap3A_70, %swap3A_71], %slice3A_69 {strides = array<i32>} : memref<512x64xf32, #tpu.memory_space<vmem>>, vector<512x64xf32>,
      %get3A_73 = arith.constant 0 : index
      %get3A_74 = arith.constant 0 : index
      %get3A_75 = vector.load %arg14[%get3A_73, %get3A_74] : memref<64x128xf32, #tpu.memory_space<vmem>>, vector<64x128xf32>
      %dot_general3A_76 = arith.constant dense<0.000000e+00> : vector<64x128xf32>
      %dot_general3A_77 = tpu.matmul %select_n3A, %mul3A_66, %dot_general3A_76 {dimension_numbers = #tpu.dot_dimension_numbers<[0], [0], [1], [1], [0, 1, 1, 1], [], []>, precision = #tpu.contract_precision<fp32>, transpose_lhs_hint = false} : vector<512x64xf32>, vector<512x128xf32>, vector<64x128xf32> -> vector<64x128xf32>
      %get3A_78 = arith.constant 0 : index
      %get3A_79 = arith.constant 0 : index
      %get3A_80 = vector.load %arg23[%get3A_78, %get3A_79] : memref<64x128xf32, #tpu.memory_space<vmem>>, vector<64x128xf32>
      %div3A = arith.divf %dot_general3A_77, %get3A_80 : vector<64x128xf32>
      %add3A_81 = arith.addf %get3A_75, %div3A : vector<64x128xf32>
      %swap3A_82 = arith.constant 0 : index
      %swap3A_83 = arith.constant 0 : index
      %swap3A_84 = vector.load %arg14[%swap3A_82, %swap3A_83] : memref<64x128xf32, #tpu.memory_space<vmem>>, vector<64x128xf32>
      tpu.vector_store %arg14[%swap3A_82, %swap3A_83], %add3A_81 {strides = array<i32>} : memref<64x128xf32, #tpu.memory_space<vmem>>, vector<64x128xf32>,
    } else {
    }
    return
  }
  func.func @transform_0(%arg0: i32, %arg1: i32) -> (i32, i32, i32) {
    %lt3A = arith.constant 2 : i32
    %lt3A_0 = arith.cmpi slt, %arg0, %lt3A : i32
    %convert_element_type3A = arith.extui %lt3A_0 : i1 to i32
    %mul3A = arith.muli %arg1, %convert_element_type3A : i32
    %c0_i32 = arith.constant 0 : i32
    %c0_i32_1 = arith.constant 0 : i32
    %c0_i32_2 = arith.constant 0 : i32
    return %c0_i32, %mul3A, %c0_i32_1 : i32, i32, i32
  }
  func.func @transform_1(%arg0: i32, %arg1: i32) -> (i32, i32) {
    %gt3A = arith.constant 0 : i32
    %gt3A_0 = arith.cmpi sgt, %arg0, %gt3A : i32
    %convert_element_type3A = arith.extui %gt3A_0 : i1 to i32
    %mul3A = arith.muli %arg1, %convert_element_type3A : i32
    %c0_i32 = arith.constant 0 : i32
    %c0_i32_1 = arith.constant 0 : i32
    return %mul3A, %c0_i32 : i32, i32
  }
  func.func @transform_2(%arg0: i32, %arg1: i32) -> (i32, i32) {
    %c0_i32 = arith.constant 0 : i32
    %c0_i32_0 = arith.constant 0 : i32
    %c0_i32_1 = arith.constant 0 : i32
    return %c0_i32, %c0_i32_0 : i32, i32
  }
  func.func @transform_3(%arg0: i32, %arg1: i32) -> (i32, i32) {
    %c0_i32 = arith.constant 0 : i32
    %c0_i32_0 = arith.constant 0 : i32
    %c0_i32_1 = arith.constant 0 : i32
    return %c0_i32, %c0_i32_0 : i32, i32
  }
  func.func @transform_4(%arg0: i32, %arg1: i32) -> (i32, i32) {
    %c0_i32 = arith.constant 0 : i32
    %c0_i32_0 = arith.constant 0 : i32
    %c0_i32_1 = arith.constant 0 : i32
    return %c0_i32, %c0_i32_0 : i32, i32
  }
  func.func @transform_5(%arg0: i32, %arg1: i32) -> (i32, i32) {
    %c0_i32 = arith.constant 0 : i32
    %c0_i32_0 = arith.constant 0 : i32
    %c0_i32_1 = arith.constant 0 : i32
    return %c0_i32, %c0_i32_0 : i32, i32
  }
  func.func @transform_6(%arg0: i32, %arg1: i32) -> (i32, i32) {
    %c0_i32 = arith.constant 0 : i32
    %c0_i32_0 = arith.constant 0 : i32
    %c0_i32_1 = arith.constant 0 : i32
    return %c0_i32, %c0_i32_0 : i32, i32
  }
  func.func @transform_7(%arg0: i32, %arg1: i32) -> (i32, i32) {
    %c0_i32 = arith.constant 0 : i32
    %c0_i32_0 = arith.constant 0 : i32
    %c0_i32_1 = arith.constant 0 : i32
    return %c0_i32, %c0_i32_0 : i32, i32
  }
  func.func @transform_8(%arg0: i32, %arg1: i32) -> (i32, i32) {
    %c0_i32 = arith.constant 0 : i32
    %c0_i32_0 = arith.constant 0 : i32
    %c0_i32_1 = arith.constant 0 : i32
    return %c0_i32, %c0_i32_0 : i32, i32
  }
  func.func @transform_9(%arg0: i32, %arg1: i32) -> (i32, i32) {
    %c0_i32 = arith.constant 0 : i32
    %c0_i32_0 = arith.constant 0 : i32
    %c0_i32_1 = arith.constant 0 : i32
    return %c0_i32, %c0_i32_0 : i32, i32
  }
  func.func @transform_10(%arg0: i32, %arg1: i32) -> (i32, i32) {
    %c0_i32 = arith.constant 0 : i32
    %c0_i32_0 = arith.constant 0 : i32
    return %arg1, %c0_i32 : i32, i32
  }
  func.func @transform_11(%arg0: i32, %arg1: i32) -> (i32, i32) {
    %c0_i32 = arith.constant 0 : i32
    %c0_i32_0 = arith.constant 0 : i32
    return %arg1, %c0_i32 : i32, i32
  }
  func.func @transform_12(%arg0: i32, %arg1: i32) -> (i32, i32) {
    %c0_i32 = arith.constant 0 : i32
    %c0_i32_0 = arith.constant 0 : i32
    %c0_i32_1 = arith.constant 0 : i32
    return %c0_i32, %c0_i32_0 : i32, i32
  }
}

module attributes {stable_mosaic.version = 14 : i64} {
  func.func @body(%arg0: i32, %arg1: i32, %arg2: memref<2x512x64xf32, #tpu.memory_space<vmem>>, %arg3: memref<512x128xf32, #tpu.memory_space<vmem>>, %arg4: memref<512x128xf32, #tpu.memory_space<vmem>>, %arg5: memref<1x512xf32, #tpu.memory_space<vmem>>, %arg6: memref<1x512xf32, #tpu.memory_space<vmem>>, %arg7: memref<128x512xf32, #tpu.memory_space<vmem>>, %arg8: memref<1x128xf32, #tpu.memory_space<vmem>>, %arg9: memref<1x128xf32, #tpu.memory_space<vmem>>, %arg10: memref<1x128xf32, #tpu.memory_space<vmem>>, %arg11: memref<1x128xf32, #tpu.memory_space<vmem>>, %arg12: memref<512x64xf32, #tpu.memory_space<vmem>>, %arg13: memref<512x64xf32, #tpu.memory_space<vmem>>, %arg14: memref<64x128xf32, #tpu.memory_space<vmem>>, %arg15: memref<10240x128xf32, #tpu.memory_space<vmem>>, %arg16: memref<128x128xf32, #tpu.memory_space<vmem>>, %arg17: memref<8x128xf32, #tpu.memory_space<vmem>>, %arg18: memref<2x512xf32, #tpu.memory_space<vmem>>, %arg19: memref<64x256xf32, #tpu.memory_space<vmem>>, %arg20: memref<8x64xf32, #tpu.memory_space<vmem>>, %arg21: memref<64x128xf32, #tpu.memory_space<vmem>>, %arg22: memref<64x128xf32, #tpu.memory_space<vmem>>, %arg23: memref<64x128xf32, #tpu.memory_space<vmem>>) attributes {dimension_semantics = [#tpu.dimension_semantics<arbitrary>, #tpu.dimension_semantics<arbitrary>], iteration_bounds = array<i64: 3, 20>, scalar_prefetch = 0 : i64, scratch_operands = 9 : i64, tpu.core_type = #tpu.core_type<tc>, window_params = [{transform_indices = @transform_0, window_bounds = array<i64: 2, 512, 64>}, {transform_indices = @transform_1, window_bounds = array<i64: 512, 128>}, {pipeline_mode = #tpu.pipeline_mode<synchronous>, transform_indices = @transform_2, window_bounds = array<i64: 512, 128>}, {pipeline_mode = #tpu.pipeline_mode<synchronous>, transform_indices = @transform_3, window_bounds = array<i64: 1, 512>}, {pipeline_mode = #tpu.pipeline_mode<synchronous>, transform_indices = @transform_4, window_bounds = array<i64: 1, 512>}, {pipeline_mode = #tpu.pipeline_mode<synchronous>, transform_indices = @transform_5, window_bounds = array<i64: 128, 512>}, {pipeline_mode = #tpu.pipeline_mode<synchronous>, transform_indices = @transform_6, window_bounds = array<i64: 1, 128>}, {pipeline_mode = #tpu.pipeline_mode<synchronous>, transform_indices = @transform_7, window_bounds = array<i64: 1, 128>}, {pipeline_mode = #tpu.pipeline_mode<synchronous>, transform_indices = @transform_8, window_bounds = array<i64: 1, 128>}, {pipeline_mode = #tpu.pipeline_mode<synchronous>, transform_indices = @transform_9, window_bounds = array<i64: 1, 128>}, {transform_indices = @transform_10, window_bounds = array<i64: 512, 64>}, {transform_indices = @transform_11, window_bounds = array<i64: 512, 64>}, {pipeline_mode = #tpu.pipeline_mode<synchronous>, transform_indices = @transform_12, window_bounds = array<i64: 64, 128>}]} {
    %eq3A = arith.constant 0 : i32
    %eq3A_0 = arith.cmpi eq, %arg0, %eq3A : i32
    %convert_element_type3A = arith.extui %eq3A_0 : i1 to i32
    %cond3A = arith.constant 0 : i32
    %cond3A_1 = arith.cmpi ne, %convert_element_type3A, %cond3A : i32
    scf.if %cond3A_1 {
      %get3A = arith.constant 0 : index
      %get3A_12 = arith.constant 0 : index
      %get3A_13 = arith.constant 0 : index
      %get3A_14 = vector.load %arg2[%get3A, %get3A_12, %get3A_13] : memref<2x512x64xf32, #tpu.memory_space<vmem>>, vector<1x512x64xf32>
      %get3A_15 = vector.shape_cast %get3A_14 : vector<1x512x64xf32> to vector<512x64xf32>
      %get3A_16 = arith.constant 1 : index
      %get3A_17 = arith.constant 0 : index
      %get3A_18 = arith.constant 0 : index
      %get3A_19 = vector.load %arg2[%get3A_16, %get3A_17, %get3A_18] : memref<2x512x64xf32, #tpu.memory_space<vmem>>, vector<1x512x64xf32>
      %get3A_20 = vector.shape_cast %get3A_19 : vector<1x512x64xf32> to vector<512x64xf32>
      %concatenate3A = tpu.concatenate %get3A_15, %get3A_20 in 1 : vector<512x64xf32>, vector<512x64xf32> -> vector<512x128xf32>
      %iota3A = tpu.iota {dimensions = array<i32: 0>} : vector<512x1xi32>
      %mul3A = arith.constant 512 : i32
      %mul3A_21 = arith.muli %arg1, %mul3A : i32
      %add3A = vector.broadcast %mul3A_21 : i32 to vector<512x1xi32>
      %add3A_22 = arith.addi %iota3A, %add3A : vector<512x1xi32>
      %lt3A = arith.constant 10000 : i32
      %lt3A_23 = vector.broadcast %lt3A : i32 to vector<512x1xi32>
      %lt3A_24 = arith.cmpi slt, %add3A_22, %lt3A_23 : vector<512x1xi32>
      %jit3A = arith.constant 0.000000e+00 : f32
      %broadcast_in_dim3A = vector.shape_cast %lt3A_24 : vector<512x1xi1> to vector<512x1xi1>
      %broadcast_in_dim3A_25 = vector.broadcast %broadcast_in_dim3A : vector<512x1xi1> to vector<512x128xi1>
      %broadcast_in_dim3A_26 = vector.broadcast %jit3A : f32 to vector<512x128xf32>
      %select_n3A = arith.select %broadcast_in_dim3A_25, %concatenate3A, %broadcast_in_dim3A_26 : vector<512x128xi1>, vector<512x128xf32>
      %convert_element_type3A_27 = arith.truncf %select_n3A : vector<512x128xf32> to vector<512x128xbf16>
      %convert_element_type3A_28 = arith.extf %convert_element_type3A_27 : vector<512x128xbf16> to vector<512x128xf32>
      %dot_general3A = arith.constant dense<0.000000e+00> : vector<128x128xf32>
      %dot_general3A_29 = tpu.matmul %convert_element_type3A_28, %convert_element_type3A_28, %dot_general3A {dimension_numbers = #tpu.dot_dimension_numbers<[0], [0], [1], [1], [0, 1, 1, 1], [], []>, precision = #tpu.contract_precision<fp32>, transpose_lhs_hint = false} : vector<512x128xf32>, vector<512x128xf32>, vector<128x128xf32> -> vector<128x128xf32>
      %reduce_sum3A = arith.constant dense<0.000000e+00> : vector<128xf32>
      %reduce_sum3A_30 = vector.multi_reduction <add>, %convert_element_type3A_28, %reduce_sum3A [0] : vector<512x128xf32> to vector<128xf32>
      %broadcast_in_dim3A_31 = vector.shape_cast %reduce_sum3A_30 : vector<128xf32> to vector<1x128xf32>
      %broadcast_in_dim3A_32 = vector.shape_cast %broadcast_in_dim3A_31 : vector<1x128xf32> to vector<1x128xf32>
      %broadcast_in_dim3A_33 = vector.broadcast %broadcast_in_dim3A_32 : vector<1x128xf32> to vector<8x128xf32>
      %eq3A_34 = arith.constant 0 : i32
      %eq3A_35 = arith.cmpi eq, %arg1, %eq3A_34 : i32
      %convert_element_type3A_36 = arith.extui %eq3A_35 : i1 to i32
      %cond3A_37 = arith.constant 0 : i32
      %cond3A_38 = arith.cmpi ne, %convert_element_type3A_36, %cond3A_37 : i32
      scf.if %cond3A_38 {
        %swap3A = arith.constant 0 : index
        %swap3A_43 = arith.constant 0 : index
        %swap3A_44 = vector.load %arg16[%swap3A, %swap3A_43] : memref<128x128xf32, #tpu.memory_space<vmem>>, vector<128x128xf32>
        tpu.vector_store %arg16[%swap3A, %swap3A_43], %dot_general3A_29 {strides = array<i32>} : memref<128x128xf32, #tpu.memory_space<vmem>>, vector<128x128xf32>,
        %swap3A_45 = arith.constant 0 : index
        %swap3A_46 = arith.constant 0 : index
        %swap3A_47 = vector.load %arg17[%swap3A_45, %swap3A_46] : memref<8x128xf32, #tpu.memory_space<vmem>>, vector<8x128xf32>
        tpu.vector_store %arg17[%swap3A_45, %swap3A_46], %broadcast_in_dim3A_33 {strides = array<i32>} : memref<8x128xf32, #tpu.memory_space<vmem>>, vector<8x128xf32>,
      } else {
      }
      %ne3A = arith.constant 0 : i32
      %ne3A_39 = arith.cmpi ne, %arg1, %ne3A : i32
      %convert_element_type3A_40 = arith.extui %ne3A_39 : i1 to i32
      %cond3A_41 = arith.constant 0 : i32
      %cond3A_42 = arith.cmpi ne, %convert_element_type3A_40, %cond3A_41 : i32
      scf.if %cond3A_42 {
        %get3A_43 = arith.constant 0 : index
        %get3A_44 = arith.constant 0 : index
        %get3A_45 = vector.load %arg16[%get3A_43, %get3A_44] : memref<128x128xf32, #tpu.memory_space<vmem>>, vector<128x128xf32>
        %add3A_46 = arith.addf %get3A_45, %dot_general3A_29 : vector<128x128xf32>
        %swap3A = arith.constant 0 : index
        %swap3A_47 = arith.constant 0 : index
        %swap3A_48 = vector.load %arg16[%swap3A, %swap3A_47] : memref<128x128xf32, #tpu.memory_space<vmem>>, vector<128x128xf32>
        tpu.vector_store %arg16[%swap3A, %swap3A_47], %add3A_46 {strides = array<i32>} : memref<128x128xf32, #tpu.memory_space<vmem>>, vector<128x128xf32>,
        %get3A_49 = arith.constant 0 : index
        %get3A_50 = arith.constant 0 : index
        %get3A_51 = vector.load %arg17[%get3A_49, %get3A_50] : memref<8x128xf32, #tpu.memory_space<vmem>>, vector<8x128xf32>
        %add3A_52 = arith.addf %get3A_51, %broadcast_in_dim3A_33 : vector<8x128xf32>
        %swap3A_53 = arith.constant 0 : index
        %swap3A_54 = arith.constant 0 : index
        %swap3A_55 = vector.load %arg17[%swap3A_53, %swap3A_54] : memref<8x128xf32, #tpu.memory_space<vmem>>, vector<8x128xf32>
        tpu.vector_store %arg17[%swap3A_53, %swap3A_54], %add3A_52 {strides = array<i32>} : memref<8x128xf32, #tpu.memory_space<vmem>>, vector<8x128xf32>,
      } else {
      }
    } else {
    }
    %eq3A_2 = arith.constant 1 : i32
    %eq3A_3 = arith.cmpi eq, %arg0, %eq3A_2 : i32
    %convert_element_type3A_4 = arith.extui %eq3A_3 : i1 to i32
    %cond3A_5 = arith.constant 0 : i32
    %cond3A_6 = arith.cmpi ne, %convert_element_type3A_4, %cond3A_5 : i32
    scf.if %cond3A_6 {
      %eq3A_12 = arith.constant 0 : i32
      %eq3A_13 = arith.cmpi eq, %arg1, %eq3A_12 : i32
      %convert_element_type3A_14 = arith.extui %eq3A_13 : i1 to i32
      %cond3A_15 = arith.constant 0 : i32
      %cond3A_16 = arith.cmpi ne, %convert_element_type3A_14, %cond3A_15 : i32
      scf.if %cond3A_16 {
        %get3A_95 = arith.constant 0 : index
        %get3A_96 = arith.constant 0 : index
        %get3A_97 = vector.load %arg4[%get3A_95, %get3A_96] : memref<512x128xf32, #tpu.memory_space<vmem>>, vector<512x128xf32>
        %convert_element_type3A_98 = arith.truncf %get3A_97 : vector<512x128xf32> to vector<512x128xbf16>
        %convert_element_type3A_99 = arith.extf %convert_element_type3A_98 : vector<512x128xbf16> to vector<512x128xf32>
        %get3A_100 = arith.constant 0 : index
        %get3A_101 = arith.constant 0 : index
        %get3A_102 = vector.load %arg17[%get3A_100, %get3A_101] : memref<8x128xf32, #tpu.memory_space<vmem>>, vector<1x128xf32>
        %dot_general3A_103 = arith.constant dense<0.000000e+00> : vector<1x512xf32>
        %dot_general3A_104 = tpu.matmul %get3A_102, %convert_element_type3A_99, %dot_general3A_103 {dimension_numbers = #tpu.dot_dimension_numbers<[1], [1], [0], [0], [0, 0, 1, 0], [], []>, precision = #tpu.contract_precision<fp32>, transpose_lhs_hint = false} : vector<1x128xf32>, vector<512x128xf32>, vector<1x512xf32> -> vector<1x512xf32>
        %div3A = arith.constant 1.000000e+04 : f32
        %div3A_105 = vector.broadcast %div3A : f32 to vector<1x512xf32>
        %div3A_106 = arith.divf %dot_general3A_104, %div3A_105 : vector<1x512xf32>
        %get3A_107 = arith.constant 0 : index
        %get3A_108 = arith.constant 0 : index
        %get3A_109 = vector.load %arg16[%get3A_107, %get3A_108] : memref<128x128xf32, #tpu.memory_space<vmem>>, vector<128x128xf32>
        %dot_general3A_110 = arith.constant dense<0.000000e+00> : vector<512x128xf32>
        %dot_general3A_111 = tpu.matmul %convert_element_type3A_99, %get3A_109, %dot_general3A_110 {dimension_numbers = #tpu.dot_dimension_numbers<[1], [0], [0], [1], [0, 0, 1, 1], [], []>, precision = #tpu.contract_precision<fp32>, transpose_lhs_hint = false} : vector<512x128xf32>, vector<128x128xf32>, vector<512x128xf32> -> vector<512x128xf32>
        %mul3A_112 = arith.mulf %dot_general3A_111, %convert_element_type3A_99 : vector<512x128xf32>
        %reduce_sum3A_113 = arith.constant dense<0.000000e+00> : vector<512xf32>
        %reduce_sum3A_114 = vector.multi_reduction <add>, %mul3A_112, %reduce_sum3A_113 [1] : vector<512x128xf32> to vector<512xf32>
        %broadcast_in_dim3A_115 = vector.shape_cast %reduce_sum3A_114 : vector<512xf32> to vector<512x1xf32>
        %div3A_116 = arith.constant 1.000000e+04 : f32
        %div3A_117 = vector.broadcast %div3A_116 : f32 to vector<512x1xf32>
        %div3A_118 = arith.divf %broadcast_in_dim3A_115, %div3A_117 : vector<512x1xf32>
        %iota3A_119 = tpu.iota {dimensions = array<i32: 0>} : vector<512x512xi32>
        %iota3A_120 = tpu.iota {dimensions = array<i32: 1>} : vector<512x512xi32>
        %eq3A_121 = arith.cmpi eq, %iota3A_119, %iota3A_120 : vector<512x512xi32>
        %jit3A_122 = arith.constant 1.000000e+00 : f32
        %jit3A_123 = arith.constant 0.000000e+00 : f32
        %broadcast_in_dim3A_124 = vector.broadcast %jit3A_122 : f32 to vector<512x512xf32>
        %broadcast_in_dim3A_125 = vector.broadcast %jit3A_123 : f32 to vector<512x512xf32>
        %select_n3A_126 = arith.select %eq3A_121, %broadcast_in_dim3A_124, %broadcast_in_dim3A_125 : vector<512x512xi1>, vector<512x512xf32>
        %dot_general3A_127 = arith.constant dense<0.000000e+00> : vector<1x512xf32>
        %dot_general3A_128 = tpu.matmul %div3A_118, %select_n3A_126, %dot_general3A_127 {dimension_numbers = #tpu.dot_dimension_numbers<[0], [0], [1], [1], [0, 1, 1, 1], [], []>, precision = #tpu.contract_precision<fp32>, transpose_lhs_hint = false} : vector<512x1xf32>, vector<512x512xf32>, vector<1x512xf32> -> vector<1x512xf32>
        %mul3A_129 = arith.mulf %div3A_106, %div3A_106 : vector<1x512xf32>
        %sub3A_130 = arith.subf %dot_general3A_128, %mul3A_129 : vector<1x512xf32>
        %add3A_131 = arith.constant 9.99999974E-6 : f32
        %add3A_132 = vector.broadcast %add3A_131 : f32 to vector<1x512xf32>
        %add3A_133 = arith.addf %sub3A_130, %add3A_132 : vector<1x512xf32>
        %rsqrt3A = math.rsqrt %add3A_133 : vector<1x512xf32>
        %get3A_134 = arith.constant 0 : index
        %get3A_135 = arith.constant 0 : index
        %get3A_136 = vector.load %arg5[%get3A_134, %get3A_135] : memref<1x512xf32, #tpu.memory_space<vmem>>, vector<1x512xf32>
        %mul3A_137 = arith.mulf %get3A_136, %rsqrt3A : vector<1x512xf32>
        %swap3A_138 = arith.constant 0 : index
        %swap3A_139 = arith.constant 0 : index
        %swap3A_140 = vector.load %arg18[%swap3A_138, %swap3A_139] : memref<2x512xf32, #tpu.memory_space<vmem>>, vector<1x512xf32>
        tpu.vector_store %arg18[%swap3A_138, %swap3A_139], %mul3A_137 {strides = array<i32>} : memref<2x512xf32, #tpu.memory_space<vmem>>, vector<1x512xf32>,
        %get3A_141 = arith.constant 0 : index
        %get3A_142 = arith.constant 0 : index
        %get3A_143 = vector.load %arg6[%get3A_141, %get3A_142] : memref<1x512xf32, #tpu.memory_space<vmem>>, vector<1x512xf32>
        %mul3A_144 = arith.mulf %div3A_106, %mul3A_137 : vector<1x512xf32>
        %sub3A_145 = arith.subf %get3A_143, %mul3A_144 : vector<1x512xf32>
        %swap3A_146 = arith.constant 1 : index
        %swap3A_147 = arith.constant 0 : index
        %swap3A_148 = vector.load %arg18[%swap3A_146, %swap3A_147] : memref<2x512xf32, #tpu.memory_space<vmem>>, vector<1x512xf32>
        tpu.vector_store %arg18[%swap3A_146, %swap3A_147], %sub3A_145 {strides = array<i32>} : memref<2x512xf32, #tpu.memory_space<vmem>>, vector<1x512xf32>,
      } else {
      }
      %get3A = arith.constant 0 : index
      %get3A_17 = arith.constant 0 : index
      %get3A_18 = arith.constant 0 : index
      %get3A_19 = vector.load %arg2[%get3A, %get3A_17, %get3A_18] : memref<2x512x64xf32, #tpu.memory_space<vmem>>, vector<1x512x64xf32>
      %get3A_20 = vector.shape_cast %get3A_19 : vector<1x512x64xf32> to vector<512x64xf32>
      %get3A_21 = arith.constant 1 : index
      %get3A_22 = arith.constant 0 : index
      %get3A_23 = arith.constant 0 : index
      %get3A_24 = vector.load %arg2[%get3A_21, %get3A_22, %get3A_23] : memref<2x512x64xf32, #tpu.memory_space<vmem>>, vector<1x512x64xf32>
      %get3A_25 = vector.shape_cast %get3A_24 : vector<1x512x64xf32> to vector<512x64xf32>
      %concatenate3A = tpu.concatenate %get3A_20, %get3A_25 in 1 : vector<512x64xf32>, vector<512x64xf32> -> vector<512x128xf32>
      %convert_element_type3A_26 = arith.truncf %concatenate3A : vector<512x128xf32> to vector<512x128xbf16>
      %get3A_27 = arith.constant 0 : index
      %get3A_28 = arith.constant 0 : index
      %get3A_29 = vector.load %arg4[%get3A_27, %get3A_28] : memref<512x128xf32, #tpu.memory_space<vmem>>, vector<512x128xf32>
      %convert_element_type3A_30 = arith.truncf %get3A_29 : vector<512x128xf32> to vector<512x128xbf16>
      %dot_general3A = arith.constant dense<0.000000e+00> : vector<512x512xf32>
      %dot_general3A_31 = tpu.matmul %convert_element_type3A_26, %convert_element_type3A_30, %dot_general3A {dimension_numbers = #tpu.dot_dimension_numbers<[1], [1], [0], [0], [0, 0, 1, 0], [], []>, transpose_lhs_hint = false} : vector<512x128xbf16>, vector<512x128xbf16>, vector<512x512xf32> -> vector<512x512xf32>
      %get3A_32 = arith.constant 0 : index
      %get3A_33 = arith.constant 0 : index
      %get3A_34 = vector.load %arg18[%get3A_32, %get3A_33] : memref<2x512xf32, #tpu.memory_space<vmem>>, vector<1x512xf32>
      %mul3A = vector.broadcast %get3A_34 : vector<1x512xf32> to vector<512x512xf32>
      %mul3A_35 = arith.mulf %dot_general3A_31, %mul3A : vector<512x512xf32>
      %get3A_36 = arith.constant 1 : index
      %get3A_37 = arith.constant 0 : index
      %get3A_38 = vector.load %arg18[%get3A_36, %get3A_37] : memref<2x512xf32, #tpu.memory_space<vmem>>, vector<1x512xf32>
      %add3A = vector.broadcast %get3A_38 : vector<1x512xf32> to vector<512x512xf32>
      %add3A_39 = arith.addf %mul3A_35, %add3A : vector<512x512xf32>
      %gt3A = arith.constant 0.000000e+00 : f32
      %gt3A_40 = vector.broadcast %gt3A : f32 to vector<512x512xf32>
      %gt3A_41 = arith.cmpf ogt, %add3A_39, %gt3A_40 : vector<512x512xf32>
      %min3A = arith.constant 0.000000e+00 : f32
      %min3A_42 = vector.broadcast %min3A : f32 to vector<512x512xf32>
      %min3A_43 = arith.minimumf %add3A_39, %min3A_42 : vector<512x512xf32>
      %exp3A = math.exp %min3A_43 : vector<512x512xf32>
      %sub3A = arith.constant 1.000000e+00 : f32
      %sub3A_44 = vector.broadcast %sub3A : f32 to vector<512x512xf32>
      %sub3A_45 = arith.subf %exp3A, %sub3A_44 : vector<512x512xf32>
      %mul3A_46 = arith.constant 1.67326319 : f32
      %mul3A_47 = vector.broadcast %mul3A_46 : f32 to vector<512x512xf32>
      %mul3A_48 = arith.mulf %mul3A_47, %sub3A_45 : vector<512x512xf32>
      %select_n3A = arith.select %gt3A_41, %add3A_39, %mul3A_48 : vector<512x512xi1>, vector<512x512xf32>
      %mul3A_49 = arith.constant 1.05070102 : f32
      %mul3A_50 = vector.broadcast %mul3A_49 : f32 to vector<512x512xf32>
      %mul3A_51 = arith.mulf %mul3A_50, %select_n3A : vector<512x512xf32>
      %convert_element_type3A_52 = arith.truncf %mul3A_51 : vector<512x512xf32> to vector<512x512xbf16>
      %get3A_53 = arith.constant 0 : index
      %get3A_54 = arith.constant 0 : index
      %get3A_55 = vector.load %arg7[%get3A_53, %get3A_54] : memref<128x512xf32, #tpu.memory_space<vmem>>, vector<128x512xf32>
      %convert_element_type3A_56 = arith.truncf %get3A_55 : vector<128x512xf32> to vector<128x512xbf16>
      %dot_general3A_57 = arith.constant dense<0.000000e+00> : vector<512x128xf32>
      %dot_general3A_58 = tpu.matmul %convert_element_type3A_52, %convert_element_type3A_56, %dot_general3A_57 {dimension_numbers = #tpu.dot_dimension_numbers<[1], [1], [0], [0], [0, 0, 1, 0], [], []>, transpose_lhs_hint = false} : vector<512x512xbf16>, vector<128x512xbf16>, vector<512x128xf32> -> vector<512x128xf32>
      %get3A_59 = arith.constant 0 : index
      %get3A_60 = arith.constant 0 : index
      %get3A_61 = vector.load %arg8[%get3A_59, %get3A_60] : memref<1x128xf32, #tpu.memory_space<vmem>>, vector<1x128xf32>
      %add3A_62 = vector.broadcast %get3A_61 : vector<1x128xf32> to vector<512x128xf32>
      %add3A_63 = arith.addf %dot_general3A_58, %add3A_62 : vector<512x128xf32>
      %mul3A_64 = arith.constant 512 : i32
      %mul3A_65 = arith.muli %arg1, %mul3A_64 : i32
      %swap3A = arith.index_cast %mul3A_65 : i32 to index
      %swap3A_66 = arith.constant 0 : index
      %swap3A_67 = vector.load %arg15[%swap3A, %swap3A_66] : memref<10240x128xf32, #tpu.memory_space<vmem>>, vector<512x128xf32>
      tpu.vector_store %arg15[%swap3A, %swap3A_66], %add3A_63 {strides = array<i32>} : memref<10240x128xf32, #tpu.memory_space<vmem>>, vector<512x128xf32>,
      %get3A_68 = arith.constant 0 : index
      %get3A_69 = arith.constant 0 : index
      %get3A_70 = vector.load %arg3[%get3A_68, %get3A_69] : memref<512x128xf32, #tpu.memory_space<vmem>>, vector<512x1xf32>
      %iota3A = tpu.iota {dimensions = array<i32: 1>} : vector<1x64xi32>
      %convert_element_type3A_71 = arith.sitofp %iota3A : vector<1x64xi32> to vector<1x64xf32>
      %eq3A_72 = vector.broadcast %get3A_70 : vector<512x1xf32> to vector<512x64xf32>
      %eq3A_73 = vector.broadcast %convert_element_type3A_71 : vector<1x64xf32> to vector<512x64xf32>
      %eq3A_74 = arith.cmpf oeq, %eq3A_72, %eq3A_73 : vector<512x64xf32>
      %jit3A = arith.constant 1.000000e+00 : f32
      %jit3A_75 = arith.constant 0.000000e+00 : f32
      %broadcast_in_dim3A = vector.broadcast %jit3A : f32 to vector<512x64xf32>
      %broadcast_in_dim3A_76 = vector.broadcast %jit3A_75 : f32 to vector<512x64xf32>
      %select_n3A_77 = arith.select %eq3A_74, %broadcast_in_dim3A, %broadcast_in_dim3A_76 : vector<512x64xi1>, vector<512x64xf32>
      %mul3A_78 = arith.mulf %add3A_63, %add3A_63 : vector<512x128xf32>
      %concatenate3A_79 = tpu.concatenate %add3A_63, %mul3A_78 in 1 : vector<512x128xf32>, vector<512x128xf32> -> vector<512x256xf32>
      %dot_general3A_80 = arith.constant dense<0.000000e+00> : vector<64x256xf32>
      %dot_general3A_81 = tpu.matmul %select_n3A_77, %concatenate3A_79, %dot_general3A_80 {dimension_numbers = #tpu.dot_dimension_numbers<[0], [0], [1], [1], [0, 1, 1, 1], [], []>, precision = #tpu.contract_precision<fp32>, transpose_lhs_hint = false} : vector<512x64xf32>, vector<512x256xf32>, vector<64x256xf32> -> vector<64x256xf32>
      %reduce_sum3A = arith.constant dense<0.000000e+00> : vector<64xf32>
      %reduce_sum3A_82 = vector.multi_reduction <add>, %select_n3A_77, %reduce_sum3A [0] : vector<512x64xf32> to vector<64xf32>
      %broadcast_in_dim3A_83 = vector.shape_cast %reduce_sum3A_82 : vector<64xf32> to vector<1x64xf32>
      %broadcast_in_dim3A_84 = vector.shape_cast %broadcast_in_dim3A_83 : vector<1x64xf32> to vector<1x64xf32>
      %broadcast_in_dim3A_85 = vector.broadcast %broadcast_in_dim3A_84 : vector<1x64xf32> to vector<8x64xf32>
      %eq3A_86 = arith.constant 0 : i32
      %eq3A_87 = arith.cmpi eq, %arg1, %eq3A_86 : i32
      %convert_element_type3A_88 = arith.extui %eq3A_87 : i1 to i32
      %cond3A_89 = arith.constant 0 : i32
      %cond3A_90 = arith.cmpi ne, %convert_element_type3A_88, %cond3A_89 : i32
      scf.if %cond3A_90 {
        %swap3A_95 = arith.constant 0 : index
        %swap3A_96 = arith.constant 0 : index
        %swap3A_97 = vector.load %arg19[%swap3A_95, %swap3A_96] : memref<64x256xf32, #tpu.memory_space<vmem>>, vector<64x256xf32>
        tpu.vector_store %arg19[%swap3A_95, %swap3A_96], %dot_general3A_81 {strides = array<i32>} : memref<64x256xf32, #tpu.memory_space<vmem>>, vector<64x256xf32>,
        %swap3A_98 = arith.constant 0 : index
        %swap3A_99 = arith.constant 0 : index
        %swap3A_100 = vector.load %arg20[%swap3A_98, %swap3A_99] : memref<8x64xf32, #tpu.memory_space<vmem>>, vector<8x64xf32>
        tpu.vector_store %arg20[%swap3A_98, %swap3A_99], %broadcast_in_dim3A_85 {strides = array<i32>} : memref<8x64xf32, #tpu.memory_space<vmem>>, vector<8x64xf32>,
      } else {
      }
      %ne3A = arith.constant 0 : i32
      %ne3A_91 = arith.cmpi ne, %arg1, %ne3A : i32
      %convert_element_type3A_92 = arith.extui %ne3A_91 : i1 to i32
      %cond3A_93 = arith.constant 0 : i32
      %cond3A_94 = arith.cmpi ne, %convert_element_type3A_92, %cond3A_93 : i32
      scf.if %cond3A_94 {
        %get3A_95 = arith.constant 0 : index
        %get3A_96 = arith.constant 0 : index
        %get3A_97 = vector.load %arg19[%get3A_95, %get3A_96] : memref<64x256xf32, #tpu.memory_space<vmem>>, vector<64x256xf32>
        %add3A_98 = arith.addf %get3A_97, %dot_general3A_81 : vector<64x256xf32>
        %swap3A_99 = arith.constant 0 : index
        %swap3A_100 = arith.constant 0 : index
        %swap3A_101 = vector.load %arg19[%swap3A_99, %swap3A_100] : memref<64x256xf32, #tpu.memory_space<vmem>>, vector<64x256xf32>
        tpu.vector_store %arg19[%swap3A_99, %swap3A_100], %add3A_98 {strides = array<i32>} : memref<64x256xf32, #tpu.memory_space<vmem>>, vector<64x256xf32>,
        %get3A_102 = arith.constant 0 : index
        %get3A_103 = arith.constant 0 : index
        %get3A_104 = vector.load %arg20[%get3A_102, %get3A_103] : memref<8x64xf32, #tpu.memory_space<vmem>>, vector<8x64xf32>
        %add3A_105 = arith.addf %get3A_104, %broadcast_in_dim3A_85 : vector<8x64xf32>
        %swap3A_106 = arith.constant 0 : index
        %swap3A_107 = arith.constant 0 : index
        %swap3A_108 = vector.load %arg20[%swap3A_106, %swap3A_107] : memref<8x64xf32, #tpu.memory_space<vmem>>, vector<8x64xf32>
        tpu.vector_store %arg20[%swap3A_106, %swap3A_107], %add3A_105 {strides = array<i32>} : memref<8x64xf32, #tpu.memory_space<vmem>>, vector<8x64xf32>,
      } else {
      }
    } else {
    }
    %eq3A_7 = arith.constant 2 : i32
    %eq3A_8 = arith.cmpi eq, %arg0, %eq3A_7 : i32
    %convert_element_type3A_9 = arith.extui %eq3A_8 : i1 to i32
    %cond3A_10 = arith.constant 0 : i32
    %cond3A_11 = arith.cmpi ne, %convert_element_type3A_9, %cond3A_10 : i32
    scf.if %cond3A_11 {
      %eq3A_12 = arith.constant 0 : i32
      %eq3A_13 = arith.cmpi eq, %arg1, %eq3A_12 : i32
      %convert_element_type3A_14 = arith.extui %eq3A_13 : i1 to i32
      %cond3A_15 = arith.constant 0 : i32
      %cond3A_16 = arith.cmpi ne, %convert_element_type3A_14, %cond3A_15 : i32
      scf.if %cond3A_16 {
        %iota3A_85 = tpu.iota {dimensions = array<i32: 0>} : vector<64x64xi32>
        %iota3A_86 = tpu.iota {dimensions = array<i32: 1>} : vector<64x64xi32>
        %eq3A_87 = arith.cmpi eq, %iota3A_85, %iota3A_86 : vector<64x64xi32>
        %jit3A_88 = arith.constant 1.000000e+00 : f32
        %jit3A_89 = arith.constant 0.000000e+00 : f32
        %broadcast_in_dim3A_90 = vector.broadcast %jit3A_88 : f32 to vector<64x64xf32>
        %broadcast_in_dim3A_91 = vector.broadcast %jit3A_89 : f32 to vector<64x64xf32>
        %select_n3A_92 = arith.select %eq3A_87, %broadcast_in_dim3A_90, %broadcast_in_dim3A_91 : vector<64x64xi1>, vector<64x64xf32>
        %get3A_93 = arith.constant 0 : index
        %get3A_94 = arith.constant 0 : index
        %get3A_95 = vector.load %arg20[%get3A_93, %get3A_94] : memref<8x64xf32, #tpu.memory_space<vmem>>, vector<1x64xf32>
        %dot_general3A_96 = arith.constant dense<0.000000e+00> : vector<64x1xf32>
        %dot_general3A_97 = tpu.matmul %select_n3A_92, %get3A_95, %dot_general3A_96 {dimension_numbers = #tpu.dot_dimension_numbers<[1], [1], [0], [0], [0, 0, 1, 0], [], []>, precision = #tpu.contract_precision<fp32>, transpose_lhs_hint = false} : vector<64x64xf32>, vector<1x64xf32>, vector<64x1xf32> -> vector<64x1xf32>
        %max3A = arith.constant 1.000000e+00 : f32
        %max3A_98 = vector.broadcast %max3A : f32 to vector<64x1xf32>
        %max3A_99 = arith.maximumf %dot_general3A_97, %max3A_98 : vector<64x1xf32>
        %get3A_100 = arith.constant 0 : index
        %get3A_101 = arith.constant 0 : index
        %get3A_102 = vector.load %arg19[%get3A_100, %get3A_101] : memref<64x256xf32, #tpu.memory_space<vmem>>, vector<64x128xf32>
        %div3A_103 = vector.broadcast %max3A_99 : vector<64x1xf32> to vector<64x128xf32>
        %div3A_104 = arith.divf %get3A_102, %div3A_103 : vector<64x128xf32>
        %get3A_105 = arith.constant 0 : index
        %get3A_106 = arith.constant 0 : index
        %get3A_107 = vector.load %arg11[%get3A_105, %get3A_106] : memref<1x128xf32, #tpu.memory_space<vmem>>, vector<1x128xf32>
        %get3A_108 = arith.constant 0 : index
        %get3A_109 = arith.constant 128 : index
        %get3A_110 = vector.load %arg19[%get3A_108, %get3A_109] : memref<64x256xf32, #tpu.memory_space<vmem>>, vector<64x128xf32>
        %div3A_111 = vector.broadcast %max3A_99 : vector<64x1xf32> to vector<64x128xf32>
        %div3A_112 = arith.divf %get3A_110, %div3A_111 : vector<64x128xf32>
        %mul3A_113 = arith.constant 2.000000e+00 : f32
        %mul3A_114 = vector.broadcast %mul3A_113 : f32 to vector<1x128xf32>
        %mul3A_115 = arith.mulf %mul3A_114, %get3A_107 : vector<1x128xf32>
        %mul3A_116 = arith.mulf %get3A_107, %get3A_107 : vector<1x128xf32>
        %sub3A_117 = arith.subf %mul3A_115, %mul3A_116 : vector<1x128xf32>
        %mul3A_118 = vector.broadcast %sub3A_117 : vector<1x128xf32> to vector<64x128xf32>
        %mul3A_119 = arith.mulf %mul3A_118, %div3A_104 : vector<64x128xf32>
        %mul3A_120 = arith.mulf %mul3A_119, %div3A_104 : vector<64x128xf32>
        %sub3A_121 = arith.subf %div3A_112, %mul3A_120 : vector<64x128xf32>
        %swap3A_122 = arith.constant 0 : index
        %swap3A_123 = arith.constant 0 : index
        %swap3A_124 = vector.load %arg21[%swap3A_122, %swap3A_123] : memref<64x128xf32, #tpu.memory_space<vmem>>, vector<64x128xf32>
        tpu.vector_store %arg21[%swap3A_122, %swap3A_123], %div3A_104 {strides = array<i32>} : memref<64x128xf32, #tpu.memory_space<vmem>>, vector<64x128xf32>,
        %add3A_125 = arith.constant 9.99999974E-6 : f32
        %add3A_126 = vector.broadcast %add3A_125 : f32 to vector<64x128xf32>
        %add3A_127 = arith.addf %sub3A_121, %add3A_126 : vector<64x128xf32>
        %rsqrt3A = math.rsqrt %add3A_127 : vector<64x128xf32>
        %swap3A_128 = arith.constant 0 : index
        %swap3A_129 = arith.constant 0 : index
        %swap3A_130 = vector.load %arg22[%swap3A_128, %swap3A_129] : memref<64x128xf32, #tpu.memory_space<vmem>>, vector<64x128xf32>
        tpu.vector_store %arg22[%swap3A_128, %swap3A_129], %rsqrt3A {strides = array<i32>} : memref<64x128xf32, #tpu.memory_space<vmem>>, vector<64x128xf32>,
        %broadcast_in_dim3A_131 = vector.shape_cast %max3A_99 : vector<64x1xf32> to vector<64x1xf32>
        %broadcast_in_dim3A_132 = vector.broadcast %broadcast_in_dim3A_131 : vector<64x1xf32> to vector<64x128xf32>
        %swap3A_133 = arith.constant 0 : index
        %swap3A_134 = arith.constant 0 : index
        %swap3A_135 = vector.load %arg23[%swap3A_133, %swap3A_134] : memref<64x128xf32, #tpu.memory_space<vmem>>, vector<64x128xf32>
        tpu.vector_store %arg23[%swap3A_133, %swap3A_134], %broadcast_in_dim3A_132 {strides = array<i32>} : memref<64x128xf32, #tpu.memory_space<vmem>>, vector<64x128xf32>,
        %broadcast_in_dim3A_136 = arith.constant 0.000000e+00 : f32
        %broadcast_in_dim3A_137 = vector.broadcast %broadcast_in_dim3A_136 : f32 to vector<64x128xf32>
        %swap3A_138 = arith.constant 0 : index
        %swap3A_139 = arith.constant 0 : index
        %swap3A_140 = vector.load %arg14[%swap3A_138, %swap3A_139] : memref<64x128xf32, #tpu.memory_space<vmem>>, vector<64x128xf32>
        tpu.vector_store %arg14[%swap3A_138, %swap3A_139], %broadcast_in_dim3A_137 {strides = array<i32>} : memref<64x128xf32, #tpu.memory_space<vmem>>, vector<64x128xf32>,
      } else {
      }
      %mul3A = arith.constant 512 : i32
      %mul3A_17 = arith.muli %arg1, %mul3A : i32
      %get3A = arith.index_cast %mul3A_17 : i32 to index
      %get3A_18 = arith.constant 0 : index
      %get3A_19 = vector.load %arg15[%get3A, %get3A_18] : memref<10240x128xf32, #tpu.memory_space<vmem>>, vector<512x128xf32>
      %get3A_20 = arith.constant 0 : index
      %get3A_21 = arith.constant 0 : index
      %get3A_22 = vector.load %arg3[%get3A_20, %get3A_21] : memref<512x128xf32, #tpu.memory_space<vmem>>, vector<512x1xf32>
      %iota3A = tpu.iota {dimensions = array<i32: 1>} : vector<1x64xi32>
      %convert_element_type3A_23 = arith.sitofp %iota3A : vector<1x64xi32> to vector<1x64xf32>
      %eq3A_24 = vector.broadcast %get3A_22 : vector<512x1xf32> to vector<512x64xf32>
      %eq3A_25 = vector.broadcast %convert_element_type3A_23 : vector<1x64xf32> to vector<512x64xf32>
      %eq3A_26 = arith.cmpf oeq, %eq3A_24, %eq3A_25 : vector<512x64xf32>
      %jit3A = arith.constant 1.000000e+00 : f32
      %jit3A_27 = arith.constant 0.000000e+00 : f32
      %broadcast_in_dim3A = vector.broadcast %jit3A : f32 to vector<512x64xf32>
      %broadcast_in_dim3A_28 = vector.broadcast %jit3A_27 : f32 to vector<512x64xf32>
      %select_n3A = arith.select %eq3A_26, %broadcast_in_dim3A, %broadcast_in_dim3A_28 : vector<512x64xi1>, vector<512x64xf32>
      %get3A_29 = arith.constant 0 : index
      %get3A_30 = arith.constant 0 : index
      %get3A_31 = vector.load %arg21[%get3A_29, %get3A_30] : memref<64x128xf32, #tpu.memory_space<vmem>>, vector<64x128xf32>
      %dot_general3A = arith.constant dense<0.000000e+00> : vector<512x128xf32>
      %dot_general3A_32 = tpu.matmul %select_n3A, %get3A_31, %dot_general3A {dimension_numbers = #tpu.dot_dimension_numbers<[1], [0], [0], [1], [0, 0, 1, 1], [], []>, precision = #tpu.contract_precision<fp32>, transpose_lhs_hint = false} : vector<512x64xf32>, vector<64x128xf32>, vector<512x128xf32> -> vector<512x128xf32>
      %get3A_33 = arith.constant 0 : index
      %get3A_34 = arith.constant 0 : index
      %get3A_35 = vector.load %arg22[%get3A_33, %get3A_34] : memref<64x128xf32, #tpu.memory_space<vmem>>, vector<64x128xf32>
      %dot_general3A_36 = arith.constant dense<0.000000e+00> : vector<512x128xf32>
      %dot_general3A_37 = tpu.matmul %select_n3A, %get3A_35, %dot_general3A_36 {dimension_numbers = #tpu.dot_dimension_numbers<[1], [0], [0], [1], [0, 0, 1, 1], [], []>, precision = #tpu.contract_precision<fp32>, transpose_lhs_hint = false} : vector<512x64xf32>, vector<64x128xf32>, vector<512x128xf32> -> vector<512x128xf32>
      %get3A_38 = arith.constant 0 : index
      %get3A_39 = arith.constant 0 : index
      %get3A_40 = vector.load %arg11[%get3A_38, %get3A_39] : memref<1x128xf32, #tpu.memory_space<vmem>>, vector<1x128xf32>
      %mul3A_41 = vector.broadcast %get3A_40 : vector<1x128xf32> to vector<512x128xf32>
      %mul3A_42 = arith.mulf %mul3A_41, %dot_general3A_32 : vector<512x128xf32>
      %sub3A = arith.subf %get3A_19, %mul3A_42 : vector<512x128xf32>
      %mul3A_43 = arith.mulf %sub3A, %dot_general3A_37 : vector<512x128xf32>
      %get3A_44 = arith.constant 0 : index
      %get3A_45 = arith.constant 0 : index
      %get3A_46 = vector.load %arg9[%get3A_44, %get3A_45] : memref<1x128xf32, #tpu.memory_space<vmem>>, vector<1x128xf32>
      %mul3A_47 = vector.broadcast %get3A_46 : vector<1x128xf32> to vector<512x128xf32>
      %mul3A_48 = arith.mulf %mul3A_43, %mul3A_47 : vector<512x128xf32>
      %get3A_49 = arith.constant 0 : index
      %get3A_50 = arith.constant 0 : index
      %get3A_51 = vector.load %arg10[%get3A_49, %get3A_50] : memref<1x128xf32, #tpu.memory_space<vmem>>, vector<1x128xf32>
      %add3A = vector.broadcast %get3A_51 : vector<1x128xf32> to vector<512x128xf32>
      %add3A_52 = arith.addf %mul3A_48, %add3A : vector<512x128xf32>
      %gt3A = arith.constant 0.000000e+00 : f32
      %gt3A_53 = vector.broadcast %gt3A : f32 to vector<512x128xf32>
      %gt3A_54 = arith.cmpf ogt, %add3A_52, %gt3A_53 : vector<512x128xf32>
      %min3A = arith.constant 0.000000e+00 : f32
      %min3A_55 = vector.broadcast %min3A : f32 to vector<512x128xf32>
      %min3A_56 = arith.minimumf %add3A_52, %min3A_55 : vector<512x128xf32>
      %exp3A = math.exp %min3A_56 : vector<512x128xf32>
      %sub3A_57 = arith.constant 1.000000e+00 : f32
      %sub3A_58 = vector.broadcast %sub3A_57 : f32 to vector<512x128xf32>
      %sub3A_59 = arith.subf %exp3A, %sub3A_58 : vector<512x128xf32>
      %mul3A_60 = arith.constant 1.67326319 : f32
      %mul3A_61 = vector.broadcast %mul3A_60 : f32 to vector<512x128xf32>
      %mul3A_62 = arith.mulf %mul3A_61, %sub3A_59 : vector<512x128xf32>
      %select_n3A_63 = arith.select %gt3A_54, %add3A_52, %mul3A_62 : vector<512x128xi1>, vector<512x128xf32>
      %mul3A_64 = arith.constant 1.05070102 : f32
      %mul3A_65 = vector.broadcast %mul3A_64 : f32 to vector<512x128xf32>
      %mul3A_66 = arith.mulf %mul3A_65, %select_n3A_63 : vector<512x128xf32>
      %slice3A = vector.extract_strided_slice %mul3A_66 {offsets = [0, 0], sizes = [512, 64], strides = [1, 1]} : vector<512x128xf32> to vector<512x64xf32>
      %swap3A = arith.constant 0 : index
      %swap3A_67 = arith.constant 0 : index
      %swap3A_68 = vector.load %arg12[%swap3A, %swap3A_67] : memref<512x64xf32, #tpu.memory_space<vmem>>, vector<512x64xf32>
      tpu.vector_store %arg12[%swap3A, %swap3A_67], %slice3A {strides = array<i32>} : memref<512x64xf32, #tpu.memory_space<vmem>>, vector<512x64xf32>,
      %slice3A_69 = vector.extract_strided_slice %mul3A_66 {offsets = [0, 64], sizes = [512, 64], strides = [1, 1]} : vector<512x128xf32> to vector<512x64xf32>
      %swap3A_70 = arith.constant 0 : index
      %swap3A_71 = arith.constant 0 : index
      %swap3A_72 = vector.load %arg13[%swap3A_70, %swap3A_71] : memref<512x64xf32, #tpu.memory_space<vmem>>, vector<512x64xf32>
      tpu.vector_store %arg13[%swap3A_70, %swap3A_71], %slice3A_69 {strides = array<i32>} : memref<512x64xf32, #tpu.memory_space<vmem>>, vector<512x64xf32>,
      %get3A_73 = arith.constant 0 : index
      %get3A_74 = arith.constant 0 : index
      %get3A_75 = vector.load %arg14[%get3A_73, %get3A_74] : memref<64x128xf32, #tpu.memory_space<vmem>>, vector<64x128xf32>
      %dot_general3A_76 = arith.constant dense<0.000000e+00> : vector<64x128xf32>
      %dot_general3A_77 = tpu.matmul %select_n3A, %mul3A_66, %dot_general3A_76 {dimension_numbers = #tpu.dot_dimension_numbers<[0], [0], [1], [1], [0, 1, 1, 1], [], []>, precision = #tpu.contract_precision<fp32>, transpose_lhs_hint = false} : vector<512x64xf32>, vector<512x128xf32>, vector<64x128xf32> -> vector<64x128xf32>
      %get3A_78 = arith.constant 0 : index
      %get3A_79 = arith.constant 0 : index
      %get3A_80 = vector.load %arg23[%get3A_78, %get3A_79] : memref<64x128xf32, #tpu.memory_space<vmem>>, vector<64x128xf32>
      %div3A = arith.divf %dot_general3A_77, %get3A_80 : vector<64x128xf32>
      %add3A_81 = arith.addf %get3A_75, %div3A : vector<64x128xf32>
      %swap3A_82 = arith.constant 0 : index
      %swap3A_83 = arith.constant 0 : index
      %swap3A_84 = vector.load %arg14[%swap3A_82, %swap3A_83] : memref<64x128xf32, #tpu.memory_space<vmem>>, vector<64x128xf32>
      tpu.vector_store %arg14[%swap3A_82, %swap3A_83], %add3A_81 {strides = array<i32>} : memref<64x128xf32, #tpu.memory_space<vmem>>, vector<64x128xf32>,
    } else {
    }
    return
  }
  func.func @transform_0(%arg0: i32, %arg1: i32) -> (i32, i32, i32) {
    %lt3A = arith.constant 2 : i32
    %lt3A_0 = arith.cmpi slt, %arg0, %lt3A : i32
    %convert_element_type3A = arith.extui %lt3A_0 : i1 to i32
    %mul3A = arith.muli %arg1, %convert_element_type3A : i32
    %c0_i32 = arith.constant 0 : i32
    %c0_i32_1 = arith.constant 0 : i32
    %c0_i32_2 = arith.constant 0 : i32
    return %c0_i32, %mul3A, %c0_i32_1 : i32, i32, i32
  }
  func.func @transform_1(%arg0: i32, %arg1: i32) -> (i32, i32) {
    %gt3A = arith.constant 0 : i32
    %gt3A_0 = arith.cmpi sgt, %arg0, %gt3A : i32
    %convert_element_type3A = arith.extui %gt3A_0 : i1 to i32
    %mul3A = arith.muli %arg1, %convert_element_type3A : i32
    %c0_i32 = arith.constant 0 : i32
    %c0_i32_1 = arith.constant 0 : i32
    return %mul3A, %c0_i32 : i32, i32
  }
  func.func @transform_2(%arg0: i32, %arg1: i32) -> (i32, i32) {
    %c0_i32 = arith.constant 0 : i32
    %c0_i32_0 = arith.constant 0 : i32
    %c0_i32_1 = arith.constant 0 : i32
    return %c0_i32, %c0_i32_0 : i32, i32
  }
  func.func @transform_3(%arg0: i32, %arg1: i32) -> (i32, i32) {
    %c0_i32 = arith.constant 0 : i32
    %c0_i32_0 = arith.constant 0 : i32
    %c0_i32_1 = arith.constant 0 : i32
    return %c0_i32, %c0_i32_0 : i32, i32
  }
  func.func @transform_4(%arg0: i32, %arg1: i32) -> (i32, i32) {
    %c0_i32 = arith.constant 0 : i32
    %c0_i32_0 = arith.constant 0 : i32
    %c0_i32_1 = arith.constant 0 : i32
    return %c0_i32, %c0_i32_0 : i32, i32
  }
  func.func @transform_5(%arg0: i32, %arg1: i32) -> (i32, i32) {
    %c0_i32 = arith.constant 0 : i32
    %c0_i32_0 = arith.constant 0 : i32
    %c0_i32_1 = arith.constant 0 : i32
    return %c0_i32, %c0_i32_0 : i32, i32
  }
  func.func @transform_6(%arg0: i32, %arg1: i32) -> (i32, i32) {
    %c0_i32 = arith.constant 0 : i32
    %c0_i32_0 = arith.constant 0 : i32
    %c0_i32_1 = arith.constant 0 : i32
    return %c0_i32, %c0_i32_0 : i32, i32
  }
  func.func @transform_7(%arg0: i32, %arg1: i32) -> (i32, i32) {
    %c0_i32 = arith.constant 0 : i32
    %c0_i32_0 = arith.constant 0 : i32
    %c0_i32_1 = arith.constant 0 : i32
    return %c0_i32, %c0_i32_0 : i32, i32
  }
  func.func @transform_8(%arg0: i32, %arg1: i32) -> (i32, i32) {
    %c0_i32 = arith.constant 0 : i32
    %c0_i32_0 = arith.constant 0 : i32
    %c0_i32_1 = arith.constant 0 : i32
    return %c0_i32, %c0_i32_0 : i32, i32
  }
  func.func @transform_9(%arg0: i32, %arg1: i32) -> (i32, i32) {
    %c0_i32 = arith.constant 0 : i32
    %c0_i32_0 = arith.constant 0 : i32
    %c0_i32_1 = arith.constant 0 : i32
    return %c0_i32, %c0_i32_0 : i32, i32
  }
  func.func @transform_10(%arg0: i32, %arg1: i32) -> (i32, i32) {
    %c0_i32 = arith.constant 0 : i32
    %c0_i32_0 = arith.constant 0 : i32
    return %arg1, %c0_i32 : i32, i32
  }
  func.func @transform_11(%arg0: i32, %arg1: i32) -> (i32, i32) {
    %c0_i32 = arith.constant 0 : i32
    %c0_i32_0 = arith.constant 0 : i32
    return %arg1, %c0_i32 : i32, i32
  }
  func.func @transform_12(%arg0: i32, %arg1: i32) -> (i32, i32) {
    %c0_i32 = arith.constant 0 : i32
    %c0_i32_0 = arith.constant 0 : i32
    %c0_i32_1 = arith.constant 0 : i32
    return %c0_i32, %c0_i32_0 : i32, i32
  }
}

</mosaic_0001>

<sc_bundles>
// kernel: kernel.10.cloned.1.call-start
scs
__scs_entry_jumppad:
0x0: {  	(pc) =	sbr.rel $0x88, $3  }
0x1: {  	(tag) =	ssettag $0x0;
	lr =	simm.s32 $0x1  }
0x2: {  	[smem:$0x3F7E] =	sst lr;
	_ =	strace $0xD0000000  }
0x3: {  	_ = 	snop  }
0x4: {  	_ = 	snop  }
0x5: {  	_ = 	snop  }
0x6: {  	_ = 	snop  }
0x7: {  	_ = 	snop  }
__scs_overlays_trampoline_lowered:
0x8: {  	[smem:$0x3F8D] =	sst s0  }
0x9: {  	[smem:$0x3F8E] =	sst s1  }
0xa: {  	[smem:$0x3F8F] =	sst s2  }
0xb: {  	[smem:$0x3F90] =	sst s3  }
0xc: {  	[smem:$0x3F91] =	sst s4  }
0xd: {  	[smem:$0x3F92] =	sst s5  }
0xe: {  	[smem:$0x3F93] =	sst s6  }
0xf: {  	[smem:$0x3F94] =	sst s7  }
0x10: {  	[smem:$0x3F95] =	sst s8  }
0x11: {  	[smem:$0x3F96] =	sst s9;
	s0 =	simm.s32 @!p0 $0x0  }
0x12: {  	s1 =	sld [smem:$0x3F7C];
	s0 =	simm.s32 @p0 $0x1  }
0x13: {  	[smem:$0x3F97] =	sst s0;
	s0 =	simm.s32 @!p1 $0x0  }
0x14: {  	s2 =	sld [smem:$0x3F7B];
	s0 =	simm.s32 @p1 $0x1  }
0x15: {  	[smem:$0x3F98] =	sst s0;
	s0 =	simm.s32 @!p2 $0x0  }
0x16: {  	s3 =	sld [smem:$0x3FDB];
	s0 =	simm.s32 @p2 $0x1  }
0x17: {  	s4 =	simm.s32 $0x1BF5;
	[smem:$0x3F9A] =	sst s0  }
0x18: {  	s0 =	sld [smem:$0x3F7D];
	_ =	swait.ge [sflag:s4], $0x0  }
0x19: {  	s7 =	sld [smem:$0x3F7E]  }
0x1a: {  	s8 =	sadd.s32 $0xFFFFE003, lr  }
0x1b: {  	s9 =	sadd.s32 $0xFFFFFEF7, lr;
	s5 =	simm.s32 $0xFFFFFFFF;
	p2 =	slt.u32 s8, $0xFFFFF086  }
0x1c: {  	p1 =	slt.u32 s9, $0xF7A;
	s5 =	simm.s32 @!p2 $0x0  }
0x1d: {  	s5 =	simm.s32 @p1 $0x1;
	p0 =	seq.s32 s7, s2  }
0x1e: {  	s7 =	smul.u32 @!p0 $0xF7A, s2;
	p2 =	seq.s32 @!p0 s5, $0x0  }
0x1f: {  	s9 =	smul.u32 $0xF7A, s1;
	s8 =	simm.s32 @!p0 $0x1BF5;
	p2 =	por !p2, p0  }
0x20: {  	[sflag:s8] =	ssyncset.s32 @!p0 $0xFFFFF086;
	s6 =	sadd.s32 @!p0 s3, s7;
	s7 =	simm.s32 @!p0 $0x108  }
0x21: {  	s3 =	sadd.s32 s3, s9;
	s6 =	sadd.s32 @!p0 $0x88, s6;
	s7 =	simm.s32 @p2 $0x1082  }
0x22: {  	[simem:s7], [sflag:s8] =	dma.local @!p0 [hbm:s6], $0xF7A  }
0x23: {  	s9 =	sor.u32 $0xD0000000, s2;
	s6 =	simm.s32 $0x108;
	_ =	swait.ge @!p0 [sflag:s8], $0x0  }
0x24: {  	s3 =	sadd.s32 $0x88, s3;
	s6 =	simm.s32 @!p1 $0x1082;
	[sflag:s4] =	ssyncset.s32 $0xFFFFF086  }
0x25: {  	[simem:s6], [sflag:s4] =	dma.local [hbm:s3], $0xF7A  }
0x26: {  	[smem:$0x3F7E] =	sst s1;
	(tag) =	ssettag s2;
	_ =	strace s9  }
0x27: {  	s1 =	sld [smem:$0x3F8E]  }
0x28: {  	s2 =	sld [smem:$0x3F8F]  }
0x29: {  	s4 =	sld [smem:$0x3F91]  }
0x2a: {  	p0 =	seq.s32 s5, $0x0;
	s5 =	sld [smem:$0x3F92]  }
0x2b: {  	s6 =	sld [smem:$0x3F93]  }
0x2c: {  	s7 =	sld [smem:$0x3F94]  }
0x2d: {  	s3 =	simm.s32 $0x108;
	s8 =	sld [smem:$0x3F95]  }
0x2e: {  	s3 =	simm.s32 @!p0 $0x1082;
	s9 =	sld [smem:$0x3F96]  }
0x2f: {  	lr =	sadd.s32 s0, s3;
	s0 =	sld [smem:$0x3F8D]  }
0x30: {  	s3 =	sld [smem:$0x3F90]  }
0x31: {  	[smem:$0x3F99] =	sst s10  }
0x32: {  	s10 =	sld [smem:$0x3F97];
	_ =	sdelay $0x3  }
0x33: {  	p0 =	seq.s32 s10, $0x1;
	s10 =	sld [smem:$0x3F99];
	_ =	sdelay $0x3  }
0x34: {  	[smem:$0x3F99] =	sst s10  }
0x35: {  	s10 =	sld [smem:$0x3F98];
	_ =	sdelay $0x3  }
0x36: {  	p1 =	seq.s32 s10, $0x1;
	s10 =	sld [smem:$0x3F99];
	_ =	sdelay $0x3  }
0x37: {  	[smem:$0x3F99] =	sst s10  }
0x38: {  	s10 =	sld [smem:$0x3F9A]  }
0x39: {  	_ = 	snop;
	(pc) =	sbr.ind lr, $3  }
0x3a: {  	_ = 	snop  }
0x3b: {  	_ = 	snop  }
0x3c: {  	p2 =	seq.s32 s10, $0x1;
	s10 =	sld [smem:$0x3F99]  }
0x3d: {  	_ =	shalt  }
0x3e: {  	_ =	shalt  }
0x3f: {  	_ =	shalt  }
0x40: {  	_ =	shalt  }
0x41: {  	_ =	shalt  }
0x42: {  	_ =	shalt  }
0x43: {  	_ =	shalt  }
0x44: {  	_ =	shalt  }
0x45: {  	_ =	shalt  }
0x46: {  	_ =	shalt  }
0x47: {  	_ =	shalt  }
0x48: {  	_ =	shalt  }
0x49: {  	_ =	shalt  }
0x4a: {  	_ =	shalt  }
0x4b: {  	_ =	shalt  }
0x4c: {  	_ =	shalt  }
0x4d: {  	_ =	shalt  }
0x4e: {  	_ =	shalt  }
0x4f: {  	_ =	shalt  }
0x50: {  	_ =	shalt  }
0x51: {  	_ =	shalt  }
0x52: {  	_ =	shalt  }
0x53: {  	_ =	shalt  }
0x54: {  	_ =	shalt  }
0x55: {  	_ =	shalt  }
0x56: {  	_ =	shalt  }
0x57: {  	_ =	shalt  }
0x58: {  	_ =	shalt  }
0x59: {  	_ =	shalt  }
0x5a: {  	_ =	shalt  }
0x5b: {  	_ =	shalt  }
0x5c: {  	_ =	shalt  }
0x5d: {  	_ =	shalt  }
0x5e: {  	_ =	shalt  }
0x5f: {  	_ =	shalt  }
0x60: {  	_ =	shalt  }
0x61: {  	_ =	shalt  }
0x62: {  	_ =	shalt  }
0x63: {  	_ =	shalt  }
0x64: {  	_ =	shalt  }
0x65: {  	_ =	shalt  }
0x66: {  	_ =	shalt  }
0x67: {  	_ =	shalt  }
0x68: {  	_ =	shalt  }
0x69: {  	_ =	shalt  }
0x6a: {  	_ =	shalt  }
0x6b: {  	_ =	shalt  }
0x6c: {  	_ =	shalt  }
0x6d: {  	_ =	shalt  }
0x6e: {  	_ =	shalt  }
0x6f: {  	_ =	shalt  }
0x70: {  	_ =	shalt  }
0x71: {  	_ =	shalt  }
0x72: {  	_ =	shalt  }
0x73: {  	_ =	shalt  }
0x74: {  	_ =	shalt  }
0x75: {  	_ =	shalt  }
0x76: {  	_ =	shalt  }
0x77: {  	_ =	shalt  }
0x78: {  	_ =	shalt  }
0x79: {  	_ =	shalt  }
0x7a: {  	_ =	shalt  }
0x7b: {  	_ =	shalt  }
0x7c: {  	_ =	shalt  }
0x7d: {  	_ =	shalt  }
0x7e: {  	_ =	shalt  }
0x7f: {  	_ =	shalt  }
0x80: {  	_ =	shalt  }
0x81: {  	_ =	shalt  }
0x82: {  	_ =	shalt  }
0x83: {  	_ =	shalt  }
0x84: {  	_ =	shalt  }
0x85: {  	_ =	shalt  }
0x86: {  	_ =	shalt  }
0x87: {  	_ =	shalt  }
.Lfunc_end0:
.L_simem_size_0:
called_computation_lowered:
.L_overlay_start_0:
0x88: {  	s2 =	sld [smem:$0x3FD9]  }
0x89: {  	s3 =	sld [smem:$0x3FFE];
	_ =	sdelay $0x1  }
0x8a: {  	s1 =	srdreg.scid  }
0x8b: {  	s0 =	sand.u32 $0x1, s1  }
0x8c: {  	s16 =	sshll.u32 s0, $0xA;
	s2 =	sadd.s32 s3, s2  }
0x8d: {  	s2 =	sadd.s32 s2, s16  }
0x8e: {  	[smem:$0x3FA5] =	sst s2  }
0x8f: {  	_ = 	snop  }
0x90: {  	(tm) =	ssettm $0x1  }
0x91: {  	s17 =	sld [smem:$0x3FFB];
	_ =	sdelay $0x3  }
0x92: {  	_ =	strace s17  }
0x93: {  	s2 =	sld [smem:$0x3FFC];
	_ =	sdelay $0x3  }
0x94: {  	_ =	strace s2  }
0x95: {  	s2 =	sld [smem:$0x3FFD];
	_ =	sdelay $0x3  }
0x96: {  	_ =	strace s2  }
0x97: {  	_ =	strace $0x8FFFFFFF  }
0x98: {  	s18 =	sld [smem:$0x3FDB];
	_ =	sdelay $0x1  }
0x99: {  	s19 =	simm.s32 $_scs_section_size  }
0x9a: {  	s4 =	simm.s32 $_size__tile_overlayer_lowered;
	s5 =	simm.s32 $_tile_overlayer_lowered  }
0x9b: {  	s22 =	simm.s32 $0x1BFF;
	s21 =	sshll.u32 s5, $0x1;
	s2 =	sadd.s32 s19, s18  }
0x9c: {  	s6 =	simm.s32 $0x0;
	s20 =	sshll.u32 s4, $0x1;
	s4 =	sadd.s32 s21, s2  }
0x9d: {  	[timem:s6], [sflag:s22] =	dma.local [hbm:s4], s20  }
0x9e: {  	_ =	swait.ge [sflag:s22], s20  }
0x9f: {  	s3 =	ssub.s32 $0x0, s20;
	[sflag:s22] =	ssyncset.done $0x0  }
0xa0: {  	[sflag:s22] =	ssyncadd.s32 s3;
	_ =	sdelay $0x1  }
0xa1: {  	s23 =	simm.s32 $0x1B8B  }
0xa2: {  	_ =	swait.ge [sflag:s23], $0x1  }
0xa3: {  	[sflag:s23] =	ssyncset.done $0x0  }
0xa4: {  	s25 =	simm.s32 $0x1B8E;
	s24 =	sld [smem:$0x3FFE];
	[sflag:s23] =	ssyncadd.s32 $0xFFFFFFFF  }
0xa5: {  	s26 =	simm.s32 $execute0_lowered;
	[smem:$0x3FD2] =	sst s25  }
0xa6: {  	s4 =	sshll.u32 s26, $0x1;
	_ =	strace $0x80000046;
	[dreg:$0x1] =	wrdreg $0xFFFFFFFF  }
0xa7: {  	s28 =	simm.s32 $_size_execute0_lowered;
	s2 =	sadd.s32 s2, s4;
	[dreg:$0x0] =	wrdreg $0x0  }
0xa8: {  	s4 =	sshll.u32 s28, $0x1;
	[dreg:$0x2] =	wrdreg s2  }
0xa9: {  	[dreg:$0x3] =	wrdreg s4  }
0xaa: {  	[dreg:$0x4] =	wrdreg $0xC0  }
0xab: {  	_ =	task [dreg:s6], $0x5FFFF  }
0xac: {  	[dreg:$0x1] =	wrdreg $0xFFFFFFFF  }
0xad: {  	[dreg:$0x0] =	wrdreg $0x60  }
0xae: {  	[dreg:$0x2] =	wrdreg s24  }
0xaf: {  	[dreg:$0x3] =	wrdreg $0x120000  }
0xb0: {  	[dreg:$0x4] =	wrdreg $0x9  }
0xb1: {  	_ =	task.clear_ibuf [dreg:s6], $0x5FFFF;
	_ =	strace $0x90000046  }
0xb2: {  	s29 =	simm.s32 $0x9;
	_ =	strace $0x80000048  }
0xb3: {  	_ =	swait.ge [sflag:s29], $0x1  }
0xb4: {  	[sflag:s29] =	ssyncadd.s32 $0xFFFFFFFF  }
0xb5: {  	_ =	strace $0x90000048  }
0xb6: {  	_ =	sfence  }
0xb7: {  	s30 =	sld [smem:$0x0];
	_ =	sdelay $0x2  }
0xb8: {  	s31 =	sshll.u32 s1, $0xD;
	s1 =	sshrl.u32 s1, $0x2  }
0xb9: {  	s3 =	sand.u32 $0x4000, s31;
	s1 =	sadd.s32 s1, s30  }
0xba: {  	s0 =	sor.u32 s3, s0;
	s1 =	sshll.u32 s1, $0x11  }
0xbb: {  	s0 =	sor.u32 s1, s0  }
0xbc: {  	s0 =	sadd.s32 $0x8F2B, s0  }
0xbd: {  	[sflag:s0] =	ssyncadd.remote.s32 $0x1  }
0xbe: {  	_ =	sfence.sel $0xFFFF  }
0xbf: {  	[dreg:$0x0] =	wrdreg $0xFFFFFFFF;
	(pc) =	sbr.abs _section_cstart, $3  }
0xc0: {  	[dreg:$0x1] =	wrdreg $0xFFFFFFFF  }
0xc1: {  	_ =	task.clear_ibuf [dreg:s6], $0x2FFFF;
	_ =	strace $0x9FFFFFFF  }
0xc2: {  	(tm) =	ssettm $0x7FFFFFFF  }
0xc3: {  	_ =	shalt  }
tec
execute0_lowered:
.L_overlay_start_1:
0x0: {  	(tag) =	ssettag $0x1  }
0x1: {  	s0 =	rddreg [dreg:$0x0]  }
0x2: {  	s2 =	rddreg [dreg:$0x1]  }
0x3: {  	s12 =	stileid.u32;
	s1 =	srdreg.scid;
	s3 =	simm.s32 $0x0  }
0x4: {  	s16 =	simm.s32 $0x80;
	s17 =	simm.s32 $0xA000;
	s18 =	simm.s32 $0xC000  }
0x5: {  	s20 =	simm.s32 $0xE000;
	s22 =	simm.s32 $0x10000;
	s23 =	simm.s32 $0x1  }
0x6: {  	s28 =	simm.s32 $0x5;
	s29 =	simm.s32 $0x6;
	s30 =	simm.s32 $0x7  }
0x7: {  	s31 =	simm.s32 $0x8;
	s13 =	simm.s32 $0x9F00;
	s1 =	sand.u32 $0x1, s1  }
0x8: {  	s8 =	smul.u32 $0xA000, s12;
	[smem:$0x7FF] =	sst s3;
	s4 =	sadd.s32 $0x19800, s0  }
0x9: {  	s7 =	smul.u32 $0xA00, s12;
	s5 =	sadd.s32 $0x5800, s0;
	s26 =	sshll.u32 s12, $0x6  }
0xa: {  	s12 =	simm.s32 $0x9;
	s6 =	smul.u32 $0xA0000, s1;
	_ =	strace $0x80000047  }
0xb: {  	s9 =	ssub.s32 $0x2, s1;
	p0 =	seq.s32 s1, $0x1;
	s14 =	sor.u32 $0x1C09, s26  }
0xc: {  	s26 =	simm.s32 $0x4;
	s7 =	sadd.s32 s7, s0;
	s10 =	sshrl.u32 s9, $0x1  }
0xd: {  	s24 =	sshrl.u32 s8, $0x3;
	s6 =	sadd.s32 s8, s6;
	s9 =	ssub.s32 s9, s10  }
0xe: {  	s8 =	sadd.s32 s8, s2;
	s25 =	sadd.s32 s4, s24;
	s1 =	sadd.s32 s5, s24  }
.Ltmp0:
0xf: {  	s24 =	simm.s32 $0x2;
	[dreg:$0x3] =	wrdreg s25;
	(pc) =	sbr.rel .LBB2_1-.Ltmp0, $4  }
0x10: {  	s6 =	sshrl.u32 s6, $0x3;
	[dreg:$0x4] =	wrdreg s1;
	s11 =	smax.u32 s9, $0x1  }
0x11: {  	s15 =	sshrl.u32 s8, $0x3;
	s25 =	simm.s32 $0x3;
	s1 =	simm.s32 $0x9E80  }
0x12: {  	s8 =	simm.s32 $0x9F80;
	s9 =	simm.s32 $0x0;
	s0 =	sadd.s32 s6, s0  }
0x13: {  	s6 =	sadd.s32 $0x37800, s7;
	s7 =	sadd.s32 $0x2D800, s7;
	s10 =	sadd.s32 $0x41800, s0  }
.LBB2_7:
0x14: {  	[tilespmem:s22], [sflag:$0x4] =	stream.indirect.gather [hbm4b:s5+s16], $0x40, s21, s16, $0xb8;
	[tilespmem:$0x1C000] =	vst v63  }
.LBB2_8:
0x15: {  	_ =	swait.ge [sflag:s23], $0x2000  }
0x16: {  	[sflag:s23] =	ssyncset.done $0x0  }
0x17: {  	s0 =	simm.s32 $0x9E00;
	[sflag:s23] =	ssyncadd.s32 $0xFFFFE000  }
0x18: {  	[spmem:s2] =	stream.indirect.scatter.add.f32 [tilespmem:s17], [sflag:$0x5], $0x40, s0, s16, $0xb8;
	[tilespmem:$0x1C000] =	vst v63  }
0x19: {  	_ =	swait.ge [sflag:s24], $0x2000  }
0x1a: {  	[sflag:s24] =	ssyncset.done $0x0  }
0x1b: {  	[sflag:s24] =	ssyncadd.s32 $0xFFFFE000  }
0x1c: {  	[spmem:s2] =	stream.indirect.scatter.add.f32 [tilespmem:s18], [sflag:$0x6], $0x40, s1, s16, $0xb8;
	[tilespmem:$0x1C000] =	vst v63  }
0x1d: {  	_ =	swait.ge [sflag:s25], $0x2000  }
0x1e: {  	[sflag:s25] =	ssyncset.done $0x0  }
0x1f: {  	[sflag:s25] =	ssyncadd.s32 $0xFFFFE000  }
0x20: {  	[spmem:s2] =	stream.indirect.scatter.add.f32 [tilespmem:s20], [sflag:$0x7], $0x40, s13, s16, $0xb8;
	[tilespmem:$0x1C000] =	vst v63  }
0x21: {  	_ =	swait.ge [sflag:s26], $0x2000  }
0x22: {  	[sflag:s26] =	ssyncset.done $0x0  }
0x23: {  	[sflag:s26] =	ssyncadd.s32 $0xFFFFE000  }
0x24: {  	[spmem:s2] =	stream.indirect.scatter.add.f32 [tilespmem:s22], [sflag:$0x8], $0x40, s8, s16, $0xb8;
	[tilespmem:$0x1C000] =	vst v63  }
0x25: {  	_ =	swait.ge [sflag:s28], $0x2000  }
0x26: {  	[sflag:s28] =	ssyncset.done $0x0  }
0x27: {  	[sflag:s28] =	ssyncadd.s32 $0xFFFFE000  }
0x28: {  	_ =	swait.ge [sflag:s29], $0x2000  }
0x29: {  	[sflag:s29] =	ssyncset.done $0x0  }
0x2a: {  	[sflag:s29] =	ssyncadd.s32 $0xFFFFE000  }
0x2b: {  	_ =	swait.ge [sflag:s30], $0x2000  }
0x2c: {  	[sflag:s30] =	ssyncset.done $0x0  }
0x2d: {  	[sflag:s30] =	ssyncadd.s32 $0xFFFFE000  }
0x2e: {  	_ =	swait.ge [sflag:s31], $0x2000  }
0x2f: {  	s9 =	sadd.s32 $0x1, s9;
	[sflag:s31] =	ssyncset.done $0x0  }
0x30: {  	p1 =	sne.s32 s9, s11;
	[sflag:s31] =	ssyncadd.s32 $0xFFFFE000  }
.Ltmp1:
0x31: {  	[bflag:$0x0] =	sbarrier.arrive $0xFFFF;
	(pc) =	sbr.rel @!p1 .LBB2_9-.Ltmp1, $4  }
0x32: {  	[hbm:s10], [sflag:s14] =	dma.local [spmem:s15], $0x1400  }
0x33: {  	_ =	swait.ge [sflag:s12], $0x1400  }
0x34: {  	[sflag:s12] =	ssyncset.done $0x0  }
0x35: {  	[sflag:s12] =	ssyncadd.s32 $0xFFFFEC00  }
.LBB2_1:
0x36: {  	[tilespmem:s3], [sflag:$0x9] =	stream.linear.gather [hbm4b:s6+s3], $0x5000, $0x38;
	[tilespmem:$0x1C000] =	vst v63  }
0x37: {  	_ =	swait.ge [sflag:s12], $0x5000  }
0x38: {  	[sflag:s12] =	ssyncset.done $0x0  }
.Ltmp2:
0x39: {  	s0 =	simm.s32 $0x5000;
	[sflag:s12] =	ssyncadd.s32 $0xFFFFB000;
	(pc) =	sbr.rel @!p0 .LBB2_2-.Ltmp2, $4  }
0x3a: {  	[tilespmem:s0], [sflag:$0x9] =	stream.linear.gather [hbm4b:s7+s3], $0x5000, $0x38;
	[tilespmem:$0x1C000] =	vst v63  }
0x3b: {  	_ =	swait.ge [sflag:s12], $0x5000  }
0x3c: {  	[sflag:s12] =	ssyncset.done $0x0  }
0x3d: {  	[sflag:s12] =	ssyncadd.s32 $0xFFFFB000  }
0x3e: {  	s0 =	rddreg [dreg:$0x4]  }
0x3f: {  	[spmem:s15], [sflag:s14] =	dma.local [hbm:s0], $0x1400  }
0x40: {  	_ =	swait.ge [sflag:s12], $0x1400  }
0x41: {  	[sflag:s12] =	ssyncset.done $0x0  }
0x42: {  	[sflag:s12] =	ssyncadd.s32 $0xFFFFEC00  }
0x43: {  	s19 =	simm.s32 $0x0;
	[bflag:$0x0] =	sbarrier.arrive $0xFFFF  }
0x44: {  	[tilespmem:s17], [sflag:$0x1] =	stream.indirect.gather [hbm4b:s5+s16], $0x40, s19, s16, $0xb8;
	[tilespmem:$0x1C000] =	vst v63  }
0x45: {  	_ = 	snop  }
0x46: {  	[tilespmem:s18], [sflag:$0x2] =	stream.indirect.gather [hbm4b:s5+s16], $0x40, s16, s16, $0xb8;
	[tilespmem:$0x1C000] =	vst v63  }
0x47: {  	s21 =	simm.s32 $0x100  }
0x48: {  	[tilespmem:s20], [sflag:$0x3] =	stream.indirect.gather [hbm4b:s5+s16], $0x40, s21, s16, $0xb8;
	[tilespmem:$0x1C000] =	vst v63  }
0x49: {  	s19 =	simm.s32 $0x180  }
0x4a: {  	[tilespmem:s22], [sflag:$0x4] =	stream.indirect.gather [hbm4b:s5+s16], $0x40, s19, s16, $0xb8;
	[tilespmem:$0x1C000] =	vst v63  }
0x4b: {  	_ =	swait.ge [sflag:s23], $0x2000  }
0x4c: {  	[sflag:s23] =	ssyncset.done $0x0  }
0x4d: {  	s21 =	simm.s32 $0x5000;
	[sflag:s23] =	ssyncadd.s32 $0xFFFFE000  }
0x4e: {  	[spmem:s2] =	stream.indirect.scatter.add.f32 [tilespmem:s17], [sflag:$0x5], $0x40, s21, s16, $0xb8;
	[tilespmem:$0x1C000] =	vst v63  }
0x4f: {  	_ =	swait.ge [sflag:s24], $0x2000  }
0x50: {  	[sflag:s24] =	ssyncset.done $0x0  }
0x51: {  	s19 =	simm.s32 $0x5080;
	[sflag:s24] =	ssyncadd.s32 $0xFFFFE000  }
0x52: {  	[spmem:s2] =	stream.indirect.scatter.add.f32 [tilespmem:s18], [sflag:$0x6], $0x40, s19, s16, $0xb8;
	[tilespmem:$0x1C000] =	vst v63  }
0x53: {  	_ =	swait.ge [sflag:s25], $0x2000  }
0x54: {  	[sflag:s25] =	ssyncset.done $0x0  }
0x55: {  	s21 =	simm.s32 $0x5100;
	[sflag:s25] =	ssyncadd.s32 $0xFFFFE000  }
0x56: {  	[spmem:s2] =	stream.indirect.scatter.add.f32 [tilespmem:s20], [sflag:$0x7], $0x40, s21, s16, $0xb8;
	[tilespmem:$0x1C000] =	vst v63  }
0x57: {  	_ =	swait.ge [sflag:s26], $0x2000  }
0x58: {  	[sflag:s26] =	ssyncset.done $0x0  }
0x59: {  	s19 =	simm.s32 $0x5180;
	[sflag:s26] =	ssyncadd.s32 $0xFFFFE000  }
0x5a: {  	[spmem:s2] =	stream.indirect.scatter.add.f32 [tilespmem:s22], [sflag:$0x8], $0x40, s19, s16, $0xb8;
	[tilespmem:$0x1C000] =	vst v63  }
0x5b: {  	_ =	swait.ge [sflag:s28], $0x2000  }
0x5c: {  	[sflag:s28] =	ssyncset.done $0x0  }
0x5d: {  	s21 =	simm.s32 $0x200;
	[sflag:s28] =	ssyncadd.s32 $0xFFFFE000  }
0x5e: {  	[tilespmem:s17], [sflag:$0x1] =	stream.indirect.gather [hbm4b:s5+s16], $0x40, s21, s16, $0xb8;
	[tilespmem:$0x1C000] =	vst v63  }
0x5f: {  	_ =	swait.ge [sflag:s29], $0x2000  }
0x60: {  	[sflag:s29] =	ssyncset.done $0x0  }
0x61: {  	s19 =	simm.s32 $0x280;
	[sflag:s29] =	ssyncadd.s32 $0xFFFFE000  }
0x62: {  	[tilespmem:s18], [sflag:$0x2] =	stream.indirect.gather [hbm4b:s5+s16], $0x40, s19, s16, $0xb8;
	[tilespmem:$0x1C000] =	vst v63  }
0x63: {  	_ =	swait.ge [sflag:s30], $0x2000  }
0x64: {  	[sflag:s30] =	ssyncset.done $0x0  }
0x65: {  	s21 =	simm.s32 $0x300;
	[sflag:s30] =	ssyncadd.s32 $0xFFFFE000  }
0x66: {  	[tilespmem:s20], [sflag:$0x3] =	stream.indirect.gather [hbm4b:s5+s16], $0x40, s21, s16, $0xb8;
	[tilespmem:$0x1C000] =	vst v63  }
0x67: {  	_ =	swait.ge [sflag:s31], $0x2000  }
0x68: {  	[sflag:s31] =	ssyncset.done $0x0  }
0x69: {  	s19 =	simm.s32 $0x800;
	s21 =	simm.s32 $0x380;
	[sflag:s31] =	ssyncadd.s32 $0xFFFFE000  }
.LBB2_6:
0x6a: {  	[tilespmem:s22], [sflag:$0x4] =	stream.indirect.gather [hbm4b:s5+s16], $0x40, s21, s16, $0xb8;
	[tilespmem:$0x1C000] =	vst v63  }
0x6b: {  	s0 =	smov.u32 s19  }
0x6c: {  	p1 =	sne.s32 s19, $0x13000;
	s19 =	sadd.s32 $0x800, s19;
	_ =	swait.ge [sflag:s23], $0x2000  }
0x6d: {  	s21 =	sshra.s32 s0, $0x2;
	[sflag:s23] =	ssyncset.done $0x0  }
0x6e: {  	s0 =	sadd.s32 $0x5000, s21;
	[sflag:s23] =	ssyncadd.s32 $0xFFFFE000  }
0x6f: {  	[spmem:s2] =	stream.indirect.scatter.add.f32 [tilespmem:s17], [sflag:$0x5], $0x40, s0, s16, $0xb8;
	[tilespmem:$0x1C000] =	vst v63  }
0x70: {  	_ =	swait.ge [sflag:s24], $0x2000  }
0x71: {  	[sflag:s24] =	ssyncset.done $0x0  }
0x72: {  	s0 =	sadd.s32 $0x5080, s21;
	[sflag:s24] =	ssyncadd.s32 $0xFFFFE000  }
0x73: {  	[spmem:s2] =	stream.indirect.scatter.add.f32 [tilespmem:s18], [sflag:$0x6], $0x40, s0, s16, $0xb8;
	[tilespmem:$0x1C000] =	vst v63  }
0x74: {  	_ =	swait.ge [sflag:s25], $0x2000  }
0x75: {  	[sflag:s25] =	ssyncset.done $0x0  }
0x76: {  	s0 =	sadd.s32 $0x5100, s21;
	[sflag:s25] =	ssyncadd.s32 $0xFFFFE000  }
0x77: {  	[spmem:s2] =	stream.indirect.scatter.add.f32 [tilespmem:s20], [sflag:$0x7], $0x40, s0, s16, $0xb8;
	[tilespmem:$0x1C000] =	vst v63  }
0x78: {  	_ =	swait.ge [sflag:s26], $0x2000  }
0x79: {  	[sflag:s26] =	ssyncset.done $0x0  }
0x7a: {  	s0 =	sadd.s32 $0x5180, s21;
	[sflag:s26] =	ssyncadd.s32 $0xFFFFE000  }
0x7b: {  	[spmem:s2] =	stream.indirect.scatter.add.f32 [tilespmem:s22], [sflag:$0x8], $0x40, s0, s16, $0xb8;
	[tilespmem:$0x1C000] =	vst v63  }
0x7c: {  	_ =	swait.ge [sflag:s28], $0x2000  }
0x7d: {  	[sflag:s28] =	ssyncset.done $0x0  }
0x7e: {  	s0 =	sadd.s32 $0x200, s21;
	[sflag:s28] =	ssyncadd.s32 $0xFFFFE000  }
0x7f: {  	[tilespmem:s17], [sflag:$0x1] =	stream.indirect.gather [hbm4b:s5+s16], $0x40, s0, s16, $0xb8;
	[tilespmem:$0x1C000] =	vst v63  }
0x80: {  	_ =	swait.ge [sflag:s29], $0x2000  }
0x81: {  	[sflag:s29] =	ssyncset.done $0x0  }
0x82: {  	s0 =	sadd.s32 $0x280, s21;
	[sflag:s29] =	ssyncadd.s32 $0xFFFFE000  }
0x83: {  	[tilespmem:s18], [sflag:$0x2] =	stream.indirect.gather [hbm4b:s5+s16], $0x40, s0, s16, $0xb8;
	[tilespmem:$0x1C000] =	vst v63  }
0x84: {  	_ =	swait.ge [sflag:s30], $0x2000  }
0x85: {  	[sflag:s30] =	ssyncset.done $0x0  }
.Ltmp3:
0x86: {  	s0 =	sadd.s32 $0x300, s21;
	[sflag:s30] =	ssyncadd.s32 $0xFFFFE000;
	(pc) =	sbr.rel @p1 .LBB2_6-.Ltmp3, $4  }
0x87: {  	[tilespmem:s20], [sflag:$0x3] =	stream.indirect.gather [hbm4b:s5+s16], $0x40, s0, s16, $0xb8;
	[tilespmem:$0x1C000] =	vst v63  }
0x88: {  	_ =	swait.ge [sflag:s31], $0x2000  }
0x89: {  	[sflag:s31] =	ssyncset.done $0x0  }
0x8a: {  	s21 =	sadd.s32 $0x380, s21;
	[sflag:s31] =	ssyncadd.s32 $0xFFFFE000  }
.Ltmp4:
0x8b: {  	_ = 	snop;
	(pc) =	sbr.rel .LBB2_7-.Ltmp4, $1  }
0x8c: {  	_ =	sdelay $0x3  }
.LBB2_2:
0x8d: {  	s0 =	rddreg [dreg:$0x3]  }
0x8e: {  	[spmem:s15], [sflag:s14] =	dma.local [hbm:s0], $0x1400  }
0x8f: {  	_ =	swait.ge [sflag:s12], $0x1400  }
0x90: {  	[sflag:s12] =	ssyncset.done $0x0  }
0x91: {  	[sflag:s12] =	ssyncadd.s32 $0xFFFFEC00  }
0x92: {  	s19 =	simm.s32 $0x0;
	[bflag:$0x0] =	sbarrier.arrive $0xFFFF  }
0x93: {  	[tilespmem:s17], [sflag:$0x1] =	stream.indirect.gather [hbm4b:s4+s16], $0x40, s19, s16, $0xb8;
	[tilespmem:$0x1C000] =	vst v63  }
0x94: {  	_ = 	snop  }
0x95: {  	[tilespmem:s18], [sflag:$0x2] =	stream.indirect.gather [hbm4b:s4+s16], $0x40, s16, s16, $0xb8;
	[tilespmem:$0x1C000] =	vst v63  }
0x96: {  	s21 =	simm.s32 $0x100  }
0x97: {  	[tilespmem:s20], [sflag:$0x3] =	stream.indirect.gather [hbm4b:s4+s16], $0x40, s21, s16, $0xb8;
	[tilespmem:$0x1C000] =	vst v63  }
0x98: {  	s19 =	simm.s32 $0x180  }
0x99: {  	[tilespmem:s22], [sflag:$0x4] =	stream.indirect.gather [hbm4b:s4+s16], $0x40, s19, s16, $0xb8;
	[tilespmem:$0x1C000] =	vst v63  }
0x9a: {  	_ =	swait.ge [sflag:s23], $0x2000  }
0x9b: {  	[sflag:s23] =	ssyncset.done $0x0  }
0x9c: {  	s21 =	simm.s32 $0x5000;
	[sflag:s23] =	ssyncadd.s32 $0xFFFFE000  }
0x9d: {  	[spmem:s2] =	stream.indirect.scatter.add.f32 [tilespmem:s17], [sflag:$0x5], $0x40, s21, s16, $0xb8;
	[tilespmem:$0x1C000] =	vst v63  }
0x9e: {  	_ =	swait.ge [sflag:s24], $0x2000  }
0x9f: {  	[sflag:s24] =	ssyncset.done $0x0  }
0xa0: {  	s0 =	simm.s32 $0x5080;
	[sflag:s24] =	ssyncadd.s32 $0xFFFFE000  }
0xa1: {  	[spmem:s2] =	stream.indirect.scatter.add.f32 [tilespmem:s18], [sflag:$0x6], $0x40, s0, s16, $0xb8;
	[tilespmem:$0x1C000] =	vst v63  }
0xa2: {  	_ =	swait.ge [sflag:s25], $0x2000  }
0xa3: {  	[sflag:s25] =	ssyncset.done $0x0  }
0xa4: {  	s21 =	simm.s32 $0x5100;
	[sflag:s25] =	ssyncadd.s32 $0xFFFFE000  }
0xa5: {  	[spmem:s2] =	stream.indirect.scatter.add.f32 [tilespmem:s20], [sflag:$0x7], $0x40, s21, s16, $0xb8;
	[tilespmem:$0x1C000] =	vst v63  }
0xa6: {  	_ =	swait.ge [sflag:s26], $0x2000  }
0xa7: {  	[sflag:s26] =	ssyncset.done $0x0  }
0xa8: {  	s0 =	simm.s32 $0x5180;
	[sflag:s26] =	ssyncadd.s32 $0xFFFFE000  }
0xa9: {  	[spmem:s2] =	stream.indirect.scatter.add.f32 [tilespmem:s22], [sflag:$0x8], $0x40, s0, s16, $0xb8;
	[tilespmem:$0x1C000] =	vst v63  }
0xaa: {  	_ =	swait.ge [sflag:s28], $0x2000  }
0xab: {  	[sflag:s28] =	ssyncset.done $0x0  }
0xac: {  	s21 =	simm.s32 $0x200;
	[sflag:s28] =	ssyncadd.s32 $0xFFFFE000  }
0xad: {  	[tilespmem:s17], [sflag:$0x1] =	stream.indirect.gather [hbm4b:s4+s16], $0x40, s21, s16, $0xb8;
	[tilespmem:$0x1C000] =	vst v63  }
0xae: {  	_ =	swait.ge [sflag:s29], $0x2000  }
0xaf: {  	[sflag:s29] =	ssyncset.done $0x0  }
0xb0: {  	s0 =	simm.s32 $0x280;
	[sflag:s29] =	ssyncadd.s32 $0xFFFFE000  }
0xb1: {  	[tilespmem:s18], [sflag:$0x2] =	stream.indirect.gather [hbm4b:s4+s16], $0x40, s0, s16, $0xb8;
	[tilespmem:$0x1C000] =	vst v63  }
0xb2: {  	_ =	swait.ge [sflag:s30], $0x2000  }
0xb3: {  	[sflag:s30] =	ssyncset.done $0x0  }
0xb4: {  	s21 =	simm.s32 $0x300;
	[sflag:s30] =	ssyncadd.s32 $0xFFFFE000  }
0xb5: {  	[tilespmem:s20], [sflag:$0x3] =	stream.indirect.gather [hbm4b:s4+s16], $0x40, s21, s16, $0xb8;
	[tilespmem:$0x1C000] =	vst v63  }
0xb6: {  	_ =	swait.ge [sflag:s31], $0x2000  }
0xb7: {  	[sflag:s31] =	ssyncset.done $0x0  }
0xb8: {  	s19 =	simm.s32 $0x800;
	s21 =	simm.s32 $0x380;
	[sflag:s31] =	ssyncadd.s32 $0xFFFFE000  }
.LBB2_3:
0xb9: {  	[tilespmem:s22], [sflag:$0x4] =	stream.indirect.gather [hbm4b:s4+s16], $0x40, s21, s16, $0xb8;
	[tilespmem:$0x1C000] =	vst v63  }
0xba: {  	s21 =	smov.u32 s19  }
0xbb: {  	p1 =	seq.s32 s19, $0x13000;
	s19 =	sadd.s32 $0x800, s19;
	_ =	swait.ge [sflag:s23], $0x2000  }
0xbc: {  	s21 =	sshra.s32 s21, $0x2;
	[sflag:s23] =	ssyncset.done $0x0  }
0xbd: {  	s0 =	sadd.s32 $0x5000, s21;
	[sflag:s23] =	ssyncadd.s32 $0xFFFFE000  }
0xbe: {  	[spmem:s2] =	stream.indirect.scatter.add.f32 [tilespmem:s17], [sflag:$0x5], $0x40, s0, s16, $0xb8;
	[tilespmem:$0x1C000] =	vst v63  }
0xbf: {  	_ =	swait.ge [sflag:s24], $0x2000  }
0xc0: {  	[sflag:s24] =	ssyncset.done $0x0  }
0xc1: {  	s0 =	sadd.s32 $0x5080, s21;
	[sflag:s24] =	ssyncadd.s32 $0xFFFFE000  }
0xc2: {  	[spmem:s2] =	stream.indirect.scatter.add.f32 [tilespmem:s18], [sflag:$0x6], $0x40, s0, s16, $0xb8;
	[tilespmem:$0x1C000] =	vst v63  }
0xc3: {  	_ =	swait.ge [sflag:s25], $0x2000  }
0xc4: {  	[sflag:s25] =	ssyncset.done $0x0  }
0xc5: {  	s0 =	sadd.s32 $0x5100, s21;
	[sflag:s25] =	ssyncadd.s32 $0xFFFFE000  }
0xc6: {  	[spmem:s2] =	stream.indirect.scatter.add.f32 [tilespmem:s20], [sflag:$0x7], $0x40, s0, s16, $0xb8;
	[tilespmem:$0x1C000] =	vst v63  }
0xc7: {  	_ =	swait.ge [sflag:s26], $0x2000  }
0xc8: {  	[sflag:s26] =	ssyncset.done $0x0  }
0xc9: {  	s0 =	sadd.s32 $0x5180, s21;
	[sflag:s26] =	ssyncadd.s32 $0xFFFFE000  }
0xca: {  	[spmem:s2] =	stream.indirect.scatter.add.f32 [tilespmem:s22], [sflag:$0x8], $0x40, s0, s16, $0xb8;
	[tilespmem:$0x1C000] =	vst v63  }
0xcb: {  	_ =	swait.ge [sflag:s28], $0x2000  }
0xcc: {  	[sflag:s28] =	ssyncset.done $0x0  }
0xcd: {  	s0 =	sadd.s32 $0x200, s21;
	[sflag:s28] =	ssyncadd.s32 $0xFFFFE000  }
0xce: {  	[tilespmem:s17], [sflag:$0x1] =	stream.indirect.gather [hbm4b:s4+s16], $0x40, s0, s16, $0xb8;
	[tilespmem:$0x1C000] =	vst v63  }
0xcf: {  	_ =	swait.ge [sflag:s29], $0x2000  }
0xd0: {  	[sflag:s29] =	ssyncset.done $0x0  }
0xd1: {  	s0 =	sadd.s32 $0x280, s21;
	[sflag:s29] =	ssyncadd.s32 $0xFFFFE000  }
0xd2: {  	[tilespmem:s18], [sflag:$0x2] =	stream.indirect.gather [hbm4b:s4+s16], $0x40, s0, s16, $0xb8;
	[tilespmem:$0x1C000] =	vst v63  }
0xd3: {  	_ =	swait.ge [sflag:s30], $0x2000  }
0xd4: {  	[sflag:s30] =	ssyncset.done $0x0  }
.Ltmp5:
0xd5: {  	s0 =	sadd.s32 $0x300, s21;
	[sflag:s30] =	ssyncadd.s32 $0xFFFFE000;
	(pc) =	sbr.rel @!p1 .LBB2_3-.Ltmp5, $4  }
0xd6: {  	[tilespmem:s20], [sflag:$0x3] =	stream.indirect.gather [hbm4b:s4+s16], $0x40, s0, s16, $0xb8;
	[tilespmem:$0x1C000] =	vst v63  }
0xd7: {  	_ =	swait.ge [sflag:s31], $0x2000  }
0xd8: {  	[sflag:s31] =	ssyncset.done $0x0  }
0xd9: {  	s21 =	sadd.s32 $0x380, s21;
	[sflag:s31] =	ssyncadd.s32 $0xFFFFE000  }
.Ltmp6:
0xda: {  	(pc) =	sbr.rel .LBB2_8-.Ltmp6, $2  }
0xdb: {  	_ =	sdelay $0x2  }
0xdc: {  	[tilespmem:s22], [sflag:$0x4] =	stream.indirect.gather [hbm4b:s4+s16], $0x40, s21, s16, $0xb8;
	[tilespmem:$0x1C000] =	vst v63  }
.LBB2_9:
0xdd: {  	_ =	sfence.sel $0x180000  }
0xde: {  	[bflag:$0x0] =	sbarrier.arrive $0xFFFF  }
0xdf: {  	_ =	strace $0x90000047  }
0xe0: {  	s0 =	stileid.u32;
	[bflag:$0x2] =	sbarrier.arrive $0xFFFF  }
0xe1: {  	p0 =	sne.s32 s0, $0x0;
	s0 =	rddreg [dreg:$0x2]  }
0xe2: {  	s0 =	sadd.s32 @!p0 $0x100000, s0  }
0xe3: {  	[sflag:s0] =	ssyncadd.tile.s32 @!p0 $0x1;
	_ =	shalt  }
.Lfunc_end2:
_tile_overlayer_lowered:
.L_overlay_start_2:
0xe4: {  	(tag) =	ssettag $0x2  }
0xe5: {  	s0 =	rddreg [dreg:$0x0];
	s2 =	stileid.u32  }
0xe6: {  	s1 =	rddreg [dreg:$0x1];
	p0 =	sne.s32 s2, $0x0  }
0xe7: {  	s3 =	rddreg [dreg:$0x2];
	[bflag:$0x3] =	sbarrier.arrive $0xFFFF;
	s2 =	simm.s32 @!p0 $0x1C09  }
0xe8: {  	[timem:s3], [sflag:s2] =	dma.local @!p0 [hbm:s0], s1  }
0xe9: {  	s0 =	simm.s32 @!p0 $0x9  }
0xea: {  	_ =	swait.ge @!p0 [sflag:s0], s1  }
0xeb: {  	s1 =	ssub.s32 @!p0 $0x0, s1;
	[sflag:s0] =	ssyncset.done @!p0 $0x0  }
0xec: {  	[sflag:s0] =	ssyncadd.s32 @!p0 s1  }
0xed: {  	[bflag:$0x3] =	sbarrier.arrive $0xFFFF  }
0xee: {  	_ =	shalt  }

// kernel: kernel.13.cloned.1.call-start
scs
__scs_entry_jumppad:
0x0: {  	(pc) =	sbr.rel $0x88, $3  }
0x1: {  	(tag) =	ssettag $0x0;
	lr =	simm.s32 $0x1  }
0x2: {  	[smem:$0x3F7E] =	sst lr;
	_ =	strace $0xD0000000  }
0x3: {  	_ = 	snop  }
0x4: {  	_ = 	snop  }
0x5: {  	_ = 	snop  }
0x6: {  	_ = 	snop  }
0x7: {  	_ = 	snop  }
__scs_overlays_trampoline_lowered:
0x8: {  	[smem:$0x3F8D] =	sst s0  }
0x9: {  	[smem:$0x3F8E] =	sst s1  }
0xa: {  	[smem:$0x3F8F] =	sst s2  }
0xb: {  	[smem:$0x3F90] =	sst s3  }
0xc: {  	[smem:$0x3F91] =	sst s4  }
0xd: {  	[smem:$0x3F92] =	sst s5  }
0xe: {  	[smem:$0x3F93] =	sst s6  }
0xf: {  	[smem:$0x3F94] =	sst s7  }
0x10: {  	[smem:$0x3F95] =	sst s8  }
0x11: {  	[smem:$0x3F96] =	sst s9;
	s0 =	simm.s32 @!p0 $0x0  }
0x12: {  	s1 =	sld [smem:$0x3F7C];
	s0 =	simm.s32 @p0 $0x1  }
0x13: {  	[smem:$0x3F97] =	sst s0;
	s0 =	simm.s32 @!p1 $0x0  }
0x14: {  	s2 =	sld [smem:$0x3F7B];
	s0 =	simm.s32 @p1 $0x1  }
0x15: {  	[smem:$0x3F98] =	sst s0;
	s0 =	simm.s32 @!p2 $0x0  }
0x16: {  	s3 =	sld [smem:$0x3FDB];
	s0 =	simm.s32 @p2 $0x1  }
0x17: {  	s4 =	simm.s32 $0x1BF5;
	[smem:$0x3F9A] =	sst s0  }
0x18: {  	s0 =	sld [smem:$0x3F7D];
	_ =	swait.ge [sflag:s4], $0x0  }
0x19: {  	s7 =	sld [smem:$0x3F7E]  }
0x1a: {  	s8 =	sadd.s32 $0xFFFFE003, lr  }
0x1b: {  	s9 =	sadd.s32 $0xFFFFFEF7, lr;
	s5 =	simm.s32 $0xFFFFFFFF;
	p2 =	slt.u32 s8, $0xFFFFF086  }
0x1c: {  	p1 =	slt.u32 s9, $0xF7A;
	s5 =	simm.s32 @!p2 $0x0  }
0x1d: {  	s5 =	simm.s32 @p1 $0x1;
	p0 =	seq.s32 s7, s2  }
0x1e: {  	s7 =	smul.u32 @!p0 $0xF7A, s2;
	p2 =	seq.s32 @!p0 s5, $0x0  }
0x1f: {  	s9 =	smul.u32 $0xF7A, s1;
	s8 =	simm.s32 @!p0 $0x1BF5;
	p2 =	por !p2, p0  }
0x20: {  	[sflag:s8] =	ssyncset.s32 @!p0 $0xFFFFF086;
	s6 =	sadd.s32 @!p0 s3, s7;
	s7 =	simm.s32 @!p0 $0x108  }
0x21: {  	s3 =	sadd.s32 s3, s9;
	s6 =	sadd.s32 @!p0 $0x88, s6;
	s7 =	simm.s32 @p2 $0x1082  }
0x22: {  	[simem:s7], [sflag:s8] =	dma.local @!p0 [hbm:s6], $0xF7A  }
0x23: {  	s9 =	sor.u32 $0xD0000000, s2;
	s6 =	simm.s32 $0x108;
	_ =	swait.ge @!p0 [sflag:s8], $0x0  }
0x24: {  	s3 =	sadd.s32 $0x88, s3;
	s6 =	simm.s32 @!p1 $0x1082;
	[sflag:s4] =	ssyncset.s32 $0xFFFFF086  }
0x25: {  	[simem:s6], [sflag:s4] =	dma.local [hbm:s3], $0xF7A  }
0x26: {  	[smem:$0x3F7E] =	sst s1;
	(tag) =	ssettag s2;
	_ =	strace s9  }
0x27: {  	s1 =	sld [smem:$0x3F8E]  }
0x28: {  	s2 =	sld [smem:$0x3F8F]  }
0x29: {  	s4 =	sld [smem:$0x3F91]  }
0x2a: {  	p0 =	seq.s32 s5, $0x0;
	s5 =	sld [smem:$0x3F92]  }
0x2b: {  	s6 =	sld [smem:$0x3F93]  }
0x2c: {  	s7 =	sld [smem:$0x3F94]  }
0x2d: {  	s3 =	simm.s32 $0x108;
	s8 =	sld [smem:$0x3F95]  }
0x2e: {  	s3 =	simm.s32 @!p0 $0x1082;
	s9 =	sld [smem:$0x3F96]  }
0x2f: {  	lr =	sadd.s32 s0, s3;
	s0 =	sld [smem:$0x3F8D]  }
0x30: {  	s3 =	sld [smem:$0x3F90]  }
0x31: {  	[smem:$0x3F99] =	sst s10  }
0x32: {  	s10 =	sld [smem:$0x3F97];
	_ =	sdelay $0x3  }
0x33: {  	p0 =	seq.s32 s10, $0x1;
	s10 =	sld [smem:$0x3F99];
	_ =	sdelay $0x3  }
0x34: {  	[smem:$0x3F99] =	sst s10  }
0x35: {  	s10 =	sld [smem:$0x3F98];
	_ =	sdelay $0x3  }
0x36: {  	p1 =	seq.s32 s10, $0x1;
	s10 =	sld [smem:$0x3F99];
	_ =	sdelay $0x3  }
0x37: {  	[smem:$0x3F99] =	sst s10  }
0x38: {  	s10 =	sld [smem:$0x3F9A]  }
0x39: {  	_ = 	snop;
	(pc) =	sbr.ind lr, $3  }
0x3a: {  	_ = 	snop  }
0x3b: {  	_ = 	snop  }
0x3c: {  	p2 =	seq.s32 s10, $0x1;
	s10 =	sld [smem:$0x3F99]  }
0x3d: {  	_ =	shalt  }
0x3e: {  	_ =	shalt  }
0x3f: {  	_ =	shalt  }
0x40: {  	_ =	shalt  }
0x41: {  	_ =	shalt  }
0x42: {  	_ =	shalt  }
0x43: {  	_ =	shalt  }
0x44: {  	_ =	shalt  }
0x45: {  	_ =	shalt  }
0x46: {  	_ =	shalt  }
0x47: {  	_ =	shalt  }
0x48: {  	_ =	shalt  }
0x49: {  	_ =	shalt  }
0x4a: {  	_ =	shalt  }
0x4b: {  	_ =	shalt  }
0x4c: {  	_ =	shalt  }
0x4d: {  	_ =	shalt  }
0x4e: {  	_ =	shalt  }
0x4f: {  	_ =	shalt  }
0x50: {  	_ =	shalt  }
0x51: {  	_ =	shalt  }
0x52: {  	_ =	shalt  }
0x53: {  	_ =	shalt  }
0x54: {  	_ =	shalt  }
0x55: {  	_ =	shalt  }
0x56: {  	_ =	shalt  }
0x57: {  	_ =	shalt  }
0x58: {  	_ =	shalt  }
0x59: {  	_ =	shalt  }
0x5a: {  	_ =	shalt  }
0x5b: {  	_ =	shalt  }
0x5c: {  	_ =	shalt  }
0x5d: {  	_ =	shalt  }
0x5e: {  	_ =	shalt  }
0x5f: {  	_ =	shalt  }
0x60: {  	_ =	shalt  }
0x61: {  	_ =	shalt  }
0x62: {  	_ =	shalt  }
0x63: {  	_ =	shalt  }
0x64: {  	_ =	shalt  }
0x65: {  	_ =	shalt  }
0x66: {  	_ =	shalt  }
0x67: {  	_ =	shalt  }
0x68: {  	_ =	shalt  }
0x69: {  	_ =	shalt  }
0x6a: {  	_ =	shalt  }
0x6b: {  	_ =	shalt  }
0x6c: {  	_ =	shalt  }
0x6d: {  	_ =	shalt  }
0x6e: {  	_ =	shalt  }
0x6f: {  	_ =	shalt  }
0x70: {  	_ =	shalt  }
0x71: {  	_ =	shalt  }
0x72: {  	_ =	shalt  }
0x73: {  	_ =	shalt  }
0x74: {  	_ =	shalt  }
0x75: {  	_ =	shalt  }
0x76: {  	_ =	shalt  }
0x77: {  	_ =	shalt  }
0x78: {  	_ =	shalt  }
0x79: {  	_ =	shalt  }
0x7a: {  	_ =	shalt  }
0x7b: {  	_ =	shalt  }
0x7c: {  	_ =	shalt  }
0x7d: {  	_ =	shalt  }
0x7e: {  	_ =	shalt  }
0x7f: {  	_ =	shalt  }
0x80: {  	_ =	shalt  }
0x81: {  	_ =	shalt  }
0x82: {  	_ =	shalt  }
0x83: {  	_ =	shalt  }
0x84: {  	_ =	shalt  }
0x85: {  	_ =	shalt  }
0x86: {  	_ =	shalt  }
0x87: {  	_ =	shalt  }
.Lfunc_end0:
.L_simem_size_0:
called_computation.1_lowered:
.L_overlay_start_0:
0x88: {  	s2 =	sld [smem:$0x3FD9]  }
0x89: {  	s3 =	sld [smem:$0x3FFE];
	_ =	sdelay $0x1  }
0x8a: {  	s1 =	srdreg.scid  }
0x8b: {  	s0 =	sand.u32 $0x1, s1  }
0x8c: {  	s16 =	sshll.u32 s0, $0xA;
	s2 =	sadd.s32 s3, s2  }
0x8d: {  	s2 =	sadd.s32 s2, s16  }
0x8e: {  	[smem:$0x3FA5] =	sst s2  }
0x8f: {  	_ = 	snop  }
0x90: {  	(tm) =	ssettm $0x1  }
0x91: {  	s17 =	sld [smem:$0x3FFB];
	_ =	sdelay $0x3  }
0x92: {  	_ =	strace s17  }
0x93: {  	s2 =	sld [smem:$0x3FFC];
	_ =	sdelay $0x3  }
0x94: {  	_ =	strace s2  }
0x95: {  	s2 =	sld [smem:$0x3FFD];
	_ =	sdelay $0x3  }
0x96: {  	_ =	strace s2  }
0x97: {  	_ =	strace $0x8FFFFFFF  }
0x98: {  	s18 =	sld [smem:$0x3FDB];
	_ =	sdelay $0x1  }
0x99: {  	s19 =	simm.s32 $_scs_section_size  }
0x9a: {  	s4 =	simm.s32 $_size__tile_overlayer_lowered;
	s5 =	simm.s32 $_tile_overlayer_lowered  }
0x9b: {  	s22 =	simm.s32 $0x1BFF;
	s21 =	sshll.u32 s5, $0x1;
	s2 =	sadd.s32 s19, s18  }
0x9c: {  	s6 =	simm.s32 $0x0;
	s20 =	sshll.u32 s4, $0x1;
	s4 =	sadd.s32 s21, s2  }
0x9d: {  	[timem:s6], [sflag:s22] =	dma.local [hbm:s4], s20  }
0x9e: {  	_ =	swait.ge [sflag:s22], s20  }
0x9f: {  	s3 =	ssub.s32 $0x0, s20;
	[sflag:s22] =	ssyncset.done $0x0  }
0xa0: {  	[sflag:s22] =	ssyncadd.s32 s3;
	_ =	sdelay $0x1  }
0xa1: {  	s23 =	simm.s32 $0x1B8B  }
0xa2: {  	_ =	swait.ge [sflag:s23], $0x1  }
0xa3: {  	[sflag:s23] =	ssyncset.done $0x0  }
0xa4: {  	s25 =	simm.s32 $0x1B8E;
	s24 =	sld [smem:$0x3FFE];
	[sflag:s23] =	ssyncadd.s32 $0xFFFFFFFF  }
0xa5: {  	s26 =	simm.s32 $execute0_lowered;
	[smem:$0x3FD2] =	sst s25  }
0xa6: {  	s4 =	sshll.u32 s26, $0x1;
	_ =	strace $0x80000049;
	[dreg:$0x1] =	wrdreg $0xFFFFFFFF  }
0xa7: {  	s28 =	simm.s32 $_size_execute0_lowered;
	s2 =	sadd.s32 s2, s4;
	[dreg:$0x0] =	wrdreg $0x0  }
0xa8: {  	s4 =	sshll.u32 s28, $0x1;
	[dreg:$0x2] =	wrdreg s2  }
0xa9: {  	[dreg:$0x3] =	wrdreg s4  }
0xaa: {  	[dreg:$0x4] =	wrdreg $0xC0  }
0xab: {  	_ =	task [dreg:s6], $0x5FFFF  }
0xac: {  	[dreg:$0x1] =	wrdreg $0xFFFFFFFF  }
0xad: {  	[dreg:$0x0] =	wrdreg $0x60  }
0xae: {  	[dreg:$0x2] =	wrdreg s24  }
0xaf: {  	[dreg:$0x3] =	wrdreg $0x120000  }
0xb0: {  	[dreg:$0x4] =	wrdreg $0x9  }
0xb1: {  	_ =	task.clear_ibuf [dreg:s6], $0x5FFFF;
	_ =	strace $0x90000049  }
0xb2: {  	s29 =	simm.s32 $0x9;
	_ =	strace $0x8000004B  }
0xb3: {  	_ =	swait.ge [sflag:s29], $0x1  }
0xb4: {  	[sflag:s29] =	ssyncadd.s32 $0xFFFFFFFF  }
0xb5: {  	_ =	strace $0x9000004B  }
0xb6: {  	_ =	sfence  }
0xb7: {  	s30 =	sld [smem:$0x0];
	_ =	sdelay $0x2  }
0xb8: {  	s31 =	sshll.u32 s1, $0xD;
	s1 =	sshrl.u32 s1, $0x2  }
0xb9: {  	s3 =	sand.u32 $0x4000, s31;
	s1 =	sadd.s32 s1, s30  }
0xba: {  	s0 =	sor.u32 s3, s0;
	s1 =	sshll.u32 s1, $0x11  }
0xbb: {  	s0 =	sor.u32 s1, s0  }
0xbc: {  	s0 =	sadd.s32 $0x8F2B, s0  }
0xbd: {  	[sflag:s0] =	ssyncadd.remote.s32 $0x1  }
0xbe: {  	_ =	sfence.sel $0xFFFF  }
0xbf: {  	[dreg:$0x0] =	wrdreg $0xFFFFFFFF;
	(pc) =	sbr.abs _section_cstart, $3  }
0xc0: {  	[dreg:$0x1] =	wrdreg $0xFFFFFFFF  }
0xc1: {  	_ =	task.clear_ibuf [dreg:s6], $0x2FFFF;
	_ =	strace $0x9FFFFFFF  }
0xc2: {  	(tm) =	ssettm $0x7FFFFFFF  }
0xc3: {  	_ =	shalt  }
tec
execute0_lowered:
.L_overlay_start_1:
0x0: {  	(tag) =	ssettag $0x1  }
0x1: {  	s0 =	rddreg [dreg:$0x0]  }
0x2: {  	s2 =	rddreg [dreg:$0x1]  }
0x3: {  	s12 =	stileid.u32;
	s1 =	srdreg.scid;
	s3 =	simm.s32 $0x0  }
0x4: {  	s16 =	simm.s32 $0x80;
	s17 =	simm.s32 $0xA000;
	s18 =	simm.s32 $0xC000  }
0x5: {  	s20 =	simm.s32 $0xE000;
	s22 =	simm.s32 $0x10000;
	s23 =	simm.s32 $0x1  }
0x6: {  	s28 =	simm.s32 $0x5;
	s29 =	simm.s32 $0x6;
	s30 =	simm.s32 $0x7  }
0x7: {  	s31 =	simm.s32 $0x8;
	s13 =	simm.s32 $0x9F00;
	s1 =	sand.u32 $0x1, s1  }
0x8: {  	s8 =	smul.u32 $0xA000, s12;
	[smem:$0x7FF] =	sst s3;
	s4 =	sadd.s32 $0x5800, s0  }
0x9: {  	s7 =	smul.u32 $0xA00, s12;
	s5 =	sadd.s32 $0x19800, s0;
	s26 =	sshll.u32 s12, $0x6  }
0xa: {  	s12 =	simm.s32 $0x9;
	s6 =	smul.u32 $0xA0000, s1;
	_ =	strace $0x8000004A  }
0xb: {  	s9 =	ssub.s32 $0x2, s1;
	p0 =	seq.s32 s1, $0x1;
	s14 =	sor.u32 $0x1C09, s26  }
0xc: {  	s26 =	simm.s32 $0x4;
	s7 =	sadd.s32 s7, s0;
	s10 =	sshrl.u32 s9, $0x1  }
0xd: {  	s24 =	sshrl.u32 s8, $0x3;
	s6 =	sadd.s32 s8, s6;
	s9 =	ssub.s32 s9, s10  }
0xe: {  	s8 =	sadd.s32 s8, s2;
	s25 =	sadd.s32 s4, s24;
	s1 =	sadd.s32 s5, s24  }
.Ltmp0:
0xf: {  	s24 =	simm.s32 $0x2;
	[dreg:$0x3] =	wrdreg s25;
	(pc) =	sbr.rel .LBB2_1-.Ltmp0, $4  }
0x10: {  	s6 =	sshrl.u32 s6, $0x3;
	[dreg:$0x4] =	wrdreg s1;
	s11 =	smax.u32 s9, $0x1  }
0x11: {  	s15 =	sshrl.u32 s8, $0x3;
	s25 =	simm.s32 $0x3;
	s1 =	simm.s32 $0x9E80  }
0x12: {  	s8 =	simm.s32 $0x9F80;
	s9 =	simm.s32 $0x0;
	s0 =	sadd.s32 s6, s0  }
0x13: {  	s6 =	sadd.s32 $0x37800, s7;
	s7 =	sadd.s32 $0x2D800, s7;
	s10 =	sadd.s32 $0x41800, s0  }
.LBB2_7:
0x14: {  	[tilespmem:s22], [sflag:$0x4] =	stream.indirect.gather [hbm4b:s5+s16], $0x40, s21, s16, $0xb8;
	[tilespmem:$0x1C000] =	vst v63  }
.LBB2_8:
0x15: {  	_ =	swait.ge [sflag:s23], $0x2000  }
0x16: {  	[sflag:s23] =	ssyncset.done $0x0  }
0x17: {  	s0 =	simm.s32 $0x9E00;
	[sflag:s23] =	ssyncadd.s32 $0xFFFFE000  }
0x18: {  	[spmem:s2] =	stream.indirect.scatter.add.f32 [tilespmem:s17], [sflag:$0x5], $0x40, s0, s16, $0xb8;
	[tilespmem:$0x1C000] =	vst v63  }
0x19: {  	_ =	swait.ge [sflag:s24], $0x2000  }
0x1a: {  	[sflag:s24] =	ssyncset.done $0x0  }
0x1b: {  	[sflag:s24] =	ssyncadd.s32 $0xFFFFE000  }
0x1c: {  	[spmem:s2] =	stream.indirect.scatter.add.f32 [tilespmem:s18], [sflag:$0x6], $0x40, s1, s16, $0xb8;
	[tilespmem:$0x1C000] =	vst v63  }
0x1d: {  	_ =	swait.ge [sflag:s25], $0x2000  }
0x1e: {  	[sflag:s25] =	ssyncset.done $0x0  }
0x1f: {  	[sflag:s25] =	ssyncadd.s32 $0xFFFFE000  }
0x20: {  	[spmem:s2] =	stream.indirect.scatter.add.f32 [tilespmem:s20], [sflag:$0x7], $0x40, s13, s16, $0xb8;
	[tilespmem:$0x1C000] =	vst v63  }
0x21: {  	_ =	swait.ge [sflag:s26], $0x2000  }
0x22: {  	[sflag:s26] =	ssyncset.done $0x0  }
0x23: {  	[sflag:s26] =	ssyncadd.s32 $0xFFFFE000  }
0x24: {  	[spmem:s2] =	stream.indirect.scatter.add.f32 [tilespmem:s22], [sflag:$0x8], $0x40, s8, s16, $0xb8;
	[tilespmem:$0x1C000] =	vst v63  }
0x25: {  	_ =	swait.ge [sflag:s28], $0x2000  }
0x26: {  	[sflag:s28] =	ssyncset.done $0x0  }
0x27: {  	[sflag:s28] =	ssyncadd.s32 $0xFFFFE000  }
0x28: {  	_ =	swait.ge [sflag:s29], $0x2000  }
0x29: {  	[sflag:s29] =	ssyncset.done $0x0  }
0x2a: {  	[sflag:s29] =	ssyncadd.s32 $0xFFFFE000  }
0x2b: {  	_ =	swait.ge [sflag:s30], $0x2000  }
0x2c: {  	[sflag:s30] =	ssyncset.done $0x0  }
0x2d: {  	[sflag:s30] =	ssyncadd.s32 $0xFFFFE000  }
0x2e: {  	_ =	swait.ge [sflag:s31], $0x2000  }
0x2f: {  	s9 =	sadd.s32 $0x1, s9;
	[sflag:s31] =	ssyncset.done $0x0  }
0x30: {  	p1 =	sne.s32 s9, s11;
	[sflag:s31] =	ssyncadd.s32 $0xFFFFE000  }
.Ltmp1:
0x31: {  	[bflag:$0x0] =	sbarrier.arrive $0xFFFF;
	(pc) =	sbr.rel @!p1 .LBB2_9-.Ltmp1, $4  }
0x32: {  	[hbm:s10], [sflag:s14] =	dma.local [spmem:s15], $0x1400  }
0x33: {  	_ =	swait.ge [sflag:s12], $0x1400  }
0x34: {  	[sflag:s12] =	ssyncset.done $0x0  }
0x35: {  	[sflag:s12] =	ssyncadd.s32 $0xFFFFEC00  }
.LBB2_1:
0x36: {  	[tilespmem:s3], [sflag:$0x9] =	stream.linear.gather [hbm4b:s6+s3], $0x5000, $0x38;
	[tilespmem:$0x1C000] =	vst v63  }
0x37: {  	_ =	swait.ge [sflag:s12], $0x5000  }
0x38: {  	[sflag:s12] =	ssyncset.done $0x0  }
.Ltmp2:
0x39: {  	s0 =	simm.s32 $0x5000;
	[sflag:s12] =	ssyncadd.s32 $0xFFFFB000;
	(pc) =	sbr.rel @!p0 .LBB2_2-.Ltmp2, $4  }
0x3a: {  	[tilespmem:s0], [sflag:$0x9] =	stream.linear.gather [hbm4b:s7+s3], $0x5000, $0x38;
	[tilespmem:$0x1C000] =	vst v63  }
0x3b: {  	_ =	swait.ge [sflag:s12], $0x5000  }
0x3c: {  	[sflag:s12] =	ssyncset.done $0x0  }
0x3d: {  	[sflag:s12] =	ssyncadd.s32 $0xFFFFB000  }
0x3e: {  	s0 =	rddreg [dreg:$0x4]  }
0x3f: {  	[spmem:s15], [sflag:s14] =	dma.local [hbm:s0], $0x1400  }
0x40: {  	_ =	swait.ge [sflag:s12], $0x1400  }
0x41: {  	[sflag:s12] =	ssyncset.done $0x0  }
0x42: {  	[sflag:s12] =	ssyncadd.s32 $0xFFFFEC00  }
0x43: {  	s19 =	simm.s32 $0x0;
	[bflag:$0x0] =	sbarrier.arrive $0xFFFF  }
0x44: {  	[tilespmem:s17], [sflag:$0x1] =	stream.indirect.gather [hbm4b:s5+s16], $0x40, s19, s16, $0xb8;
	[tilespmem:$0x1C000] =	vst v63  }
0x45: {  	_ = 	snop  }
0x46: {  	[tilespmem:s18], [sflag:$0x2] =	stream.indirect.gather [hbm4b:s5+s16], $0x40, s16, s16, $0xb8;
	[tilespmem:$0x1C000] =	vst v63  }
0x47: {  	s21 =	simm.s32 $0x100  }
0x48: {  	[tilespmem:s20], [sflag:$0x3] =	stream.indirect.gather [hbm4b:s5+s16], $0x40, s21, s16, $0xb8;
	[tilespmem:$0x1C000] =	vst v63  }
0x49: {  	s19 =	simm.s32 $0x180  }
0x4a: {  	[tilespmem:s22], [sflag:$0x4] =	stream.indirect.gather [hbm4b:s5+s16], $0x40, s19, s16, $0xb8;
	[tilespmem:$0x1C000] =	vst v63  }
0x4b: {  	_ =	swait.ge [sflag:s23], $0x2000  }
0x4c: {  	[sflag:s23] =	ssyncset.done $0x0  }
0x4d: {  	s21 =	simm.s32 $0x5000;
	[sflag:s23] =	ssyncadd.s32 $0xFFFFE000  }
0x4e: {  	[spmem:s2] =	stream.indirect.scatter.add.f32 [tilespmem:s17], [sflag:$0x5], $0x40, s21, s16, $0xb8;
	[tilespmem:$0x1C000] =	vst v63  }
0x4f: {  	_ =	swait.ge [sflag:s24], $0x2000  }
0x50: {  	[sflag:s24] =	ssyncset.done $0x0  }
0x51: {  	s19 =	simm.s32 $0x5080;
	[sflag:s24] =	ssyncadd.s32 $0xFFFFE000  }
0x52: {  	[spmem:s2] =	stream.indirect.scatter.add.f32 [tilespmem:s18], [sflag:$0x6], $0x40, s19, s16, $0xb8;
	[tilespmem:$0x1C000] =	vst v63  }
0x53: {  	_ =	swait.ge [sflag:s25], $0x2000  }
0x54: {  	[sflag:s25] =	ssyncset.done $0x0  }
0x55: {  	s21 =	simm.s32 $0x5100;
	[sflag:s25] =	ssyncadd.s32 $0xFFFFE000  }
0x56: {  	[spmem:s2] =	stream.indirect.scatter.add.f32 [tilespmem:s20], [sflag:$0x7], $0x40, s21, s16, $0xb8;
	[tilespmem:$0x1C000] =	vst v63  }
0x57: {  	_ =	swait.ge [sflag:s26], $0x2000  }
0x58: {  	[sflag:s26] =	ssyncset.done $0x0  }
0x59: {  	s19 =	simm.s32 $0x5180;
	[sflag:s26] =	ssyncadd.s32 $0xFFFFE000  }
0x5a: {  	[spmem:s2] =	stream.indirect.scatter.add.f32 [tilespmem:s22], [sflag:$0x8], $0x40, s19, s16, $0xb8;
	[tilespmem:$0x1C000] =	vst v63  }
0x5b: {  	_ =	swait.ge [sflag:s28], $0x2000  }
0x5c: {  	[sflag:s28] =	ssyncset.done $0x0  }
0x5d: {  	s21 =	simm.s32 $0x200;
	[sflag:s28] =	ssyncadd.s32 $0xFFFFE000  }
0x5e: {  	[tilespmem:s17], [sflag:$0x1] =	stream.indirect.gather [hbm4b:s5+s16], $0x40, s21, s16, $0xb8;
	[tilespmem:$0x1C000] =	vst v63  }
0x5f: {  	_ =	swait.ge [sflag:s29], $0x2000  }
0x60: {  	[sflag:s29] =	ssyncset.done $0x0  }
0x61: {  	s19 =	simm.s32 $0x280;
	[sflag:s29] =	ssyncadd.s32 $0xFFFFE000  }
0x62: {  	[tilespmem:s18], [sflag:$0x2] =	stream.indirect.gather [hbm4b:s5+s16], $0x40, s19, s16, $0xb8;
	[tilespmem:$0x1C000] =	vst v63  }
0x63: {  	_ =	swait.ge [sflag:s30], $0x2000  }
0x64: {  	[sflag:s30] =	ssyncset.done $0x0  }
0x65: {  	s21 =	simm.s32 $0x300;
	[sflag:s30] =	ssyncadd.s32 $0xFFFFE000  }
0x66: {  	[tilespmem:s20], [sflag:$0x3] =	stream.indirect.gather [hbm4b:s5+s16], $0x40, s21, s16, $0xb8;
	[tilespmem:$0x1C000] =	vst v63  }
0x67: {  	_ =	swait.ge [sflag:s31], $0x2000  }
0x68: {  	[sflag:s31] =	ssyncset.done $0x0  }
0x69: {  	s19 =	simm.s32 $0x800;
	s21 =	simm.s32 $0x380;
	[sflag:s31] =	ssyncadd.s32 $0xFFFFE000  }
.LBB2_6:
0x6a: {  	[tilespmem:s22], [sflag:$0x4] =	stream.indirect.gather [hbm4b:s5+s16], $0x40, s21, s16, $0xb8;
	[tilespmem:$0x1C000] =	vst v63  }
0x6b: {  	s0 =	smov.u32 s19  }
0x6c: {  	p1 =	sne.s32 s19, $0x13000;
	s19 =	sadd.s32 $0x800, s19;
	_ =	swait.ge [sflag:s23], $0x2000  }
0x6d: {  	s21 =	sshra.s32 s0, $0x2;
	[sflag:s23] =	ssyncset.done $0x0  }
0x6e: {  	s0 =	sadd.s32 $0x5000, s21;
	[sflag:s23] =	ssyncadd.s32 $0xFFFFE000  }
0x6f: {  	[spmem:s2] =	stream.indirect.scatter.add.f32 [tilespmem:s17], [sflag:$0x5], $0x40, s0, s16, $0xb8;
	[tilespmem:$0x1C000] =	vst v63  }
0x70: {  	_ =	swait.ge [sflag:s24], $0x2000  }
0x71: {  	[sflag:s24] =	ssyncset.done $0x0  }
0x72: {  	s0 =	sadd.s32 $0x5080, s21;
	[sflag:s24] =	ssyncadd.s32 $0xFFFFE000  }
0x73: {  	[spmem:s2] =	stream.indirect.scatter.add.f32 [tilespmem:s18], [sflag:$0x6], $0x40, s0, s16, $0xb8;
	[tilespmem:$0x1C000] =	vst v63  }
0x74: {  	_ =	swait.ge [sflag:s25], $0x2000  }
0x75: {  	[sflag:s25] =	ssyncset.done $0x0  }
0x76: {  	s0 =	sadd.s32 $0x5100, s21;
	[sflag:s25] =	ssyncadd.s32 $0xFFFFE000  }
0x77: {  	[spmem:s2] =	stream.indirect.scatter.add.f32 [tilespmem:s20], [sflag:$0x7], $0x40, s0, s16, $0xb8;
	[tilespmem:$0x1C000] =	vst v63  }
0x78: {  	_ =	swait.ge [sflag:s26], $0x2000  }
0x79: {  	[sflag:s26] =	ssyncset.done $0x0  }
0x7a: {  	s0 =	sadd.s32 $0x5180, s21;
	[sflag:s26] =	ssyncadd.s32 $0xFFFFE000  }
0x7b: {  	[spmem:s2] =	stream.indirect.scatter.add.f32 [tilespmem:s22], [sflag:$0x8], $0x40, s0, s16, $0xb8;
	[tilespmem:$0x1C000] =	vst v63  }
0x7c: {  	_ =	swait.ge [sflag:s28], $0x2000  }
0x7d: {  	[sflag:s28] =	ssyncset.done $0x0  }
0x7e: {  	s0 =	sadd.s32 $0x200, s21;
	[sflag:s28] =	ssyncadd.s32 $0xFFFFE000  }
0x7f: {  	[tilespmem:s17], [sflag:$0x1] =	stream.indirect.gather [hbm4b:s5+s16], $0x40, s0, s16, $0xb8;
	[tilespmem:$0x1C000] =	vst v63  }
0x80: {  	_ =	swait.ge [sflag:s29], $0x2000  }
0x81: {  	[sflag:s29] =	ssyncset.done $0x0  }
0x82: {  	s0 =	sadd.s32 $0x280, s21;
	[sflag:s29] =	ssyncadd.s32 $0xFFFFE000  }
0x83: {  	[tilespmem:s18], [sflag:$0x2] =	stream.indirect.gather [hbm4b:s5+s16], $0x40, s0, s16, $0xb8;
	[tilespmem:$0x1C000] =	vst v63  }
0x84: {  	_ =	swait.ge [sflag:s30], $0x2000  }
0x85: {  	[sflag:s30] =	ssyncset.done $0x0  }
.Ltmp3:
0x86: {  	s0 =	sadd.s32 $0x300, s21;
	[sflag:s30] =	ssyncadd.s32 $0xFFFFE000;
	(pc) =	sbr.rel @p1 .LBB2_6-.Ltmp3, $4  }
0x87: {  	[tilespmem:s20], [sflag:$0x3] =	stream.indirect.gather [hbm4b:s5+s16], $0x40, s0, s16, $0xb8;
	[tilespmem:$0x1C000] =	vst v63  }
0x88: {  	_ =	swait.ge [sflag:s31], $0x2000  }
0x89: {  	[sflag:s31] =	ssyncset.done $0x0  }
0x8a: {  	s21 =	sadd.s32 $0x380, s21;
	[sflag:s31] =	ssyncadd.s32 $0xFFFFE000  }
.Ltmp4:
0x8b: {  	_ = 	snop;
	(pc) =	sbr.rel .LBB2_7-.Ltmp4, $1  }
0x8c: {  	_ =	sdelay $0x3  }
.LBB2_2:
0x8d: {  	s0 =	rddreg [dreg:$0x3]  }
0x8e: {  	[spmem:s15], [sflag:s14] =	dma.local [hbm:s0], $0x1400  }
0x8f: {  	_ =	swait.ge [sflag:s12], $0x1400  }
0x90: {  	[sflag:s12] =	ssyncset.done $0x0  }
0x91: {  	[sflag:s12] =	ssyncadd.s32 $0xFFFFEC00  }
0x92: {  	s19 =	simm.s32 $0x0;
	[bflag:$0x0] =	sbarrier.arrive $0xFFFF  }
0x93: {  	[tilespmem:s17], [sflag:$0x1] =	stream.indirect.gather [hbm4b:s4+s16], $0x40, s19, s16, $0xb8;
	[tilespmem:$0x1C000] =	vst v63  }
0x94: {  	_ = 	snop  }
0x95: {  	[tilespmem:s18], [sflag:$0x2] =	stream.indirect.gather [hbm4b:s4+s16], $0x40, s16, s16, $0xb8;
	[tilespmem:$0x1C000] =	vst v63  }
0x96: {  	s21 =	simm.s32 $0x100  }
0x97: {  	[tilespmem:s20], [sflag:$0x3] =	stream.indirect.gather [hbm4b:s4+s16], $0x40, s21, s16, $0xb8;
	[tilespmem:$0x1C000] =	vst v63  }
0x98: {  	s19 =	simm.s32 $0x180  }
0x99: {  	[tilespmem:s22], [sflag:$0x4] =	stream.indirect.gather [hbm4b:s4+s16], $0x40, s19, s16, $0xb8;
	[tilespmem:$0x1C000] =	vst v63  }
0x9a: {  	_ =	swait.ge [sflag:s23], $0x2000  }
0x9b: {  	[sflag:s23] =	ssyncset.done $0x0  }
0x9c: {  	s21 =	simm.s32 $0x5000;
	[sflag:s23] =	ssyncadd.s32 $0xFFFFE000  }
0x9d: {  	[spmem:s2] =	stream.indirect.scatter.add.f32 [tilespmem:s17], [sflag:$0x5], $0x40, s21, s16, $0xb8;
	[tilespmem:$0x1C000] =	vst v63  }
0x9e: {  	_ =	swait.ge [sflag:s24], $0x2000  }
0x9f: {  	[sflag:s24] =	ssyncset.done $0x0  }
0xa0: {  	s0 =	simm.s32 $0x5080;
	[sflag:s24] =	ssyncadd.s32 $0xFFFFE000  }
0xa1: {  	[spmem:s2] =	stream.indirect.scatter.add.f32 [tilespmem:s18], [sflag:$0x6], $0x40, s0, s16, $0xb8;
	[tilespmem:$0x1C000] =	vst v63  }
0xa2: {  	_ =	swait.ge [sflag:s25], $0x2000  }
0xa3: {  	[sflag:s25] =	ssyncset.done $0x0  }
0xa4: {  	s21 =	simm.s32 $0x5100;
	[sflag:s25] =	ssyncadd.s32 $0xFFFFE000  }
0xa5: {  	[spmem:s2] =	stream.indirect.scatter.add.f32 [tilespmem:s20], [sflag:$0x7], $0x40, s21, s16, $0xb8;
	[tilespmem:$0x1C000] =	vst v63  }
0xa6: {  	_ =	swait.ge [sflag:s26], $0x2000  }
0xa7: {  	[sflag:s26] =	ssyncset.done $0x0  }
0xa8: {  	s0 =	simm.s32 $0x5180;
	[sflag:s26] =	ssyncadd.s32 $0xFFFFE000  }
0xa9: {  	[spmem:s2] =	stream.indirect.scatter.add.f32 [tilespmem:s22], [sflag:$0x8], $0x40, s0, s16, $0xb8;
	[tilespmem:$0x1C000] =	vst v63  }
0xaa: {  	_ =	swait.ge [sflag:s28], $0x2000  }
0xab: {  	[sflag:s28] =	ssyncset.done $0x0  }
0xac: {  	s21 =	simm.s32 $0x200;
	[sflag:s28] =	ssyncadd.s32 $0xFFFFE000  }
0xad: {  	[tilespmem:s17], [sflag:$0x1] =	stream.indirect.gather [hbm4b:s4+s16], $0x40, s21, s16, $0xb8;
	[tilespmem:$0x1C000] =	vst v63  }
0xae: {  	_ =	swait.ge [sflag:s29], $0x2000  }
0xaf: {  	[sflag:s29] =	ssyncset.done $0x0  }
0xb0: {  	s0 =	simm.s32 $0x280;
	[sflag:s29] =	ssyncadd.s32 $0xFFFFE000  }
0xb1: {  	[tilespmem:s18], [sflag:$0x2] =	stream.indirect.gather [hbm4b:s4+s16], $0x40, s0, s16, $0xb8;
	[tilespmem:$0x1C000] =	vst v63  }
0xb2: {  	_ =	swait.ge [sflag:s30], $0x2000  }
0xb3: {  	[sflag:s30] =	ssyncset.done $0x0  }
0xb4: {  	s21 =	simm.s32 $0x300;
	[sflag:s30] =	ssyncadd.s32 $0xFFFFE000  }
0xb5: {  	[tilespmem:s20], [sflag:$0x3] =	stream.indirect.gather [hbm4b:s4+s16], $0x40, s21, s16, $0xb8;
	[tilespmem:$0x1C000] =	vst v63  }
0xb6: {  	_ =	swait.ge [sflag:s31], $0x2000  }
0xb7: {  	[sflag:s31] =	ssyncset.done $0x0  }
0xb8: {  	s19 =	simm.s32 $0x800;
	s21 =	simm.s32 $0x380;
	[sflag:s31] =	ssyncadd.s32 $0xFFFFE000  }
.LBB2_3:
0xb9: {  	[tilespmem:s22], [sflag:$0x4] =	stream.indirect.gather [hbm4b:s4+s16], $0x40, s21, s16, $0xb8;
	[tilespmem:$0x1C000] =	vst v63  }
0xba: {  	s21 =	smov.u32 s19  }
0xbb: {  	p1 =	seq.s32 s19, $0x13000;
	s19 =	sadd.s32 $0x800, s19;
	_ =	swait.ge [sflag:s23], $0x2000  }
0xbc: {  	s21 =	sshra.s32 s21, $0x2;
	[sflag:s23] =	ssyncset.done $0x0  }
0xbd: {  	s0 =	sadd.s32 $0x5000, s21;
	[sflag:s23] =	ssyncadd.s32 $0xFFFFE000  }
0xbe: {  	[spmem:s2] =	stream.indirect.scatter.add.f32 [tilespmem:s17], [sflag:$0x5], $0x40, s0, s16, $0xb8;
	[tilespmem:$0x1C000] =	vst v63  }
0xbf: {  	_ =	swait.ge [sflag:s24], $0x2000  }
0xc0: {  	[sflag:s24] =	ssyncset.done $0x0  }
0xc1: {  	s0 =	sadd.s32 $0x5080, s21;
	[sflag:s24] =	ssyncadd.s32 $0xFFFFE000  }
0xc2: {  	[spmem:s2] =	stream.indirect.scatter.add.f32 [tilespmem:s18], [sflag:$0x6], $0x40, s0, s16, $0xb8;
	[tilespmem:$0x1C000] =	vst v63  }
0xc3: {  	_ =	swait.ge [sflag:s25], $0x2000  }
0xc4: {  	[sflag:s25] =	ssyncset.done $0x0  }
0xc5: {  	s0 =	sadd.s32 $0x5100, s21;
	[sflag:s25] =	ssyncadd.s32 $0xFFFFE000  }
0xc6: {  	[spmem:s2] =	stream.indirect.scatter.add.f32 [tilespmem:s20], [sflag:$0x7], $0x40, s0, s16, $0xb8;
	[tilespmem:$0x1C000] =	vst v63  }
0xc7: {  	_ =	swait.ge [sflag:s26], $0x2000  }
0xc8: {  	[sflag:s26] =	ssyncset.done $0x0  }
0xc9: {  	s0 =	sadd.s32 $0x5180, s21;
	[sflag:s26] =	ssyncadd.s32 $0xFFFFE000  }
0xca: {  	[spmem:s2] =	stream.indirect.scatter.add.f32 [tilespmem:s22], [sflag:$0x8], $0x40, s0, s16, $0xb8;
	[tilespmem:$0x1C000] =	vst v63  }
0xcb: {  	_ =	swait.ge [sflag:s28], $0x2000  }
0xcc: {  	[sflag:s28] =	ssyncset.done $0x0  }
0xcd: {  	s0 =	sadd.s32 $0x200, s21;
	[sflag:s28] =	ssyncadd.s32 $0xFFFFE000  }
0xce: {  	[tilespmem:s17], [sflag:$0x1] =	stream.indirect.gather [hbm4b:s4+s16], $0x40, s0, s16, $0xb8;
	[tilespmem:$0x1C000] =	vst v63  }
0xcf: {  	_ =	swait.ge [sflag:s29], $0x2000  }
0xd0: {  	[sflag:s29] =	ssyncset.done $0x0  }
0xd1: {  	s0 =	sadd.s32 $0x280, s21;
	[sflag:s29] =	ssyncadd.s32 $0xFFFFE000  }
0xd2: {  	[tilespmem:s18], [sflag:$0x2] =	stream.indirect.gather [hbm4b:s4+s16], $0x40, s0, s16, $0xb8;
	[tilespmem:$0x1C000] =	vst v63  }
0xd3: {  	_ =	swait.ge [sflag:s30], $0x2000  }
0xd4: {  	[sflag:s30] =	ssyncset.done $0x0  }
.Ltmp5:
0xd5: {  	s0 =	sadd.s32 $0x300, s21;
	[sflag:s30] =	ssyncadd.s32 $0xFFFFE000;
	(pc) =	sbr.rel @!p1 .LBB2_3-.Ltmp5, $4  }
0xd6: {  	[tilespmem:s20], [sflag:$0x3] =	stream.indirect.gather [hbm4b:s4+s16], $0x40, s0, s16, $0xb8;
	[tilespmem:$0x1C000] =	vst v63  }
0xd7: {  	_ =	swait.ge [sflag:s31], $0x2000  }
0xd8: {  	[sflag:s31] =	ssyncset.done $0x0  }
0xd9: {  	s21 =	sadd.s32 $0x380, s21;
	[sflag:s31] =	ssyncadd.s32 $0xFFFFE000  }
.Ltmp6:
0xda: {  	(pc) =	sbr.rel .LBB2_8-.Ltmp6, $2  }
0xdb: {  	_ =	sdelay $0x2  }
0xdc: {  	[tilespmem:s22], [sflag:$0x4] =	stream.indirect.gather [hbm4b:s4+s16], $0x40, s21, s16, $0xb8;
	[tilespmem:$0x1C000] =	vst v63  }
.LBB2_9:
0xdd: {  	_ =	sfence.sel $0x180000  }
0xde: {  	[bflag:$0x0] =	sbarrier.arrive $0xFFFF  }
0xdf: {  	_ =	strace $0x9000004A  }
0xe0: {  	s0 =	stileid.u32;
	[bflag:$0x2] =	sbarrier.arrive $0xFFFF  }
0xe1: {  	p0 =	sne.s32 s0, $0x0;
	s0 =	rddreg [dreg:$0x2]  }
0xe2: {  	s0 =	sadd.s32 @!p0 $0x100000, s0  }
0xe3: {  	[sflag:s0] =	ssyncadd.tile.s32 @!p0 $0x1;
	_ =	shalt  }
.Lfunc_end2:
_tile_overlayer_lowered:
.L_overlay_start_2:
0xe4: {  	(tag) =	ssettag $0x2  }
0xe5: {  	s0 =	rddreg [dreg:$0x0];
	s2 =	stileid.u32  }
0xe6: {  	s1 =	rddreg [dreg:$0x1];
	p0 =	sne.s32 s2, $0x0  }
0xe7: {  	s3 =	rddreg [dreg:$0x2];
	[bflag:$0x3] =	sbarrier.arrive $0xFFFF;
	s2 =	simm.s32 @!p0 $0x1C09  }
0xe8: {  	[timem:s3], [sflag:s2] =	dma.local @!p0 [hbm:s0], s1  }
0xe9: {  	s0 =	simm.s32 @!p0 $0x9  }
0xea: {  	_ =	swait.ge @!p0 [sflag:s0], s1  }
0xeb: {  	s1 =	ssub.s32 @!p0 $0x0, s1;
	[sflag:s0] =	ssyncset.done @!p0 $0x0  }
0xec: {  	[sflag:s0] =	ssyncadd.s32 @!p0 s1  }
0xed: {  	[bflag:$0x3] =	sbarrier.arrive $0xFFFF  }
0xee: {  	_ =	shalt  }

// kernel: kernel.16.cloned.1.call-start
scs
__scs_entry_jumppad:
0x0: {  	(pc) =	sbr.rel $0x88, $3  }
0x1: {  	(tag) =	ssettag $0x0;
	lr =	simm.s32 $0x1  }
0x2: {  	[smem:$0x3F7E] =	sst lr;
	_ =	strace $0xD0000000  }
0x3: {  	_ = 	snop  }
0x4: {  	_ = 	snop  }
0x5: {  	_ = 	snop  }
0x6: {  	_ = 	snop  }
0x7: {  	_ = 	snop  }
__scs_overlays_trampoline_lowered:
0x8: {  	[smem:$0x3F8D] =	sst s0  }
0x9: {  	[smem:$0x3F8E] =	sst s1  }
0xa: {  	[smem:$0x3F8F] =	sst s2  }
0xb: {  	[smem:$0x3F90] =	sst s3  }
0xc: {  	[smem:$0x3F91] =	sst s4  }
0xd: {  	[smem:$0x3F92] =	sst s5  }
0xe: {  	[smem:$0x3F93] =	sst s6  }
0xf: {  	[smem:$0x3F94] =	sst s7  }
0x10: {  	[smem:$0x3F95] =	sst s8  }
0x11: {  	[smem:$0x3F96] =	sst s9;
	s0 =	simm.s32 @!p0 $0x0  }
0x12: {  	s1 =	sld [smem:$0x3F7C];
	s0 =	simm.s32 @p0 $0x1  }
0x13: {  	[smem:$0x3F97] =	sst s0;
	s0 =	simm.s32 @!p1 $0x0  }
0x14: {  	s2 =	sld [smem:$0x3F7B];
	s0 =	simm.s32 @p1 $0x1  }
0x15: {  	[smem:$0x3F98] =	sst s0;
	s0 =	simm.s32 @!p2 $0x0  }
0x16: {  	s3 =	sld [smem:$0x3FDB];
	s0 =	simm.s32 @p2 $0x1  }
0x17: {  	s4 =	simm.s32 $0x1BF5;
	[smem:$0x3F9A] =	sst s0  }
0x18: {  	s0 =	sld [smem:$0x3F7D];
	_ =	swait.ge [sflag:s4], $0x0  }
0x19: {  	s7 =	sld [smem:$0x3F7E]  }
0x1a: {  	s8 =	sadd.s32 $0xFFFFE003, lr  }
0x1b: {  	s9 =	sadd.s32 $0xFFFFFEF7, lr;
	s5 =	simm.s32 $0xFFFFFFFF;
	p2 =	slt.u32 s8, $0xFFFFF086  }
0x1c: {  	p1 =	slt.u32 s9, $0xF7A;
	s5 =	simm.s32 @!p2 $0x0  }
0x1d: {  	s5 =	simm.s32 @p1 $0x1;
	p0 =	seq.s32 s7, s2  }
0x1e: {  	s7 =	smul.u32 @!p0 $0xF7A, s2;
	p2 =	seq.s32 @!p0 s5, $0x0  }
0x1f: {  	s9 =	smul.u32 $0xF7A, s1;
	s8 =	simm.s32 @!p0 $0x1BF5;
	p2 =	por !p2, p0  }
0x20: {  	[sflag:s8] =	ssyncset.s32 @!p0 $0xFFFFF086;
	s6 =	sadd.s32 @!p0 s3, s7;
	s7 =	simm.s32 @!p0 $0x108  }
0x21: {  	s3 =	sadd.s32 s3, s9;
	s6 =	sadd.s32 @!p0 $0x88, s6;
	s7 =	simm.s32 @p2 $0x1082  }
0x22: {  	[simem:s7], [sflag:s8] =	dma.local @!p0 [hbm:s6], $0xF7A  }
0x23: {  	s9 =	sor.u32 $0xD0000000, s2;
	s6 =	simm.s32 $0x108;
	_ =	swait.ge @!p0 [sflag:s8], $0x0  }
0x24: {  	s3 =	sadd.s32 $0x88, s3;
	s6 =	simm.s32 @!p1 $0x1082;
	[sflag:s4] =	ssyncset.s32 $0xFFFFF086  }
0x25: {  	[simem:s6], [sflag:s4] =	dma.local [hbm:s3], $0xF7A  }
0x26: {  	[smem:$0x3F7E] =	sst s1;
	(tag) =	ssettag s2;
	_ =	strace s9  }
0x27: {  	s1 =	sld [smem:$0x3F8E]  }
0x28: {  	s2 =	sld [smem:$0x3F8F]  }
0x29: {  	s4 =	sld [smem:$0x3F91]  }
0x2a: {  	p0 =	seq.s32 s5, $0x0;
	s5 =	sld [smem:$0x3F92]  }
0x2b: {  	s6 =	sld [smem:$0x3F93]  }
0x2c: {  	s7 =	sld [smem:$0x3F94]  }
0x2d: {  	s3 =	simm.s32 $0x108;
	s8 =	sld [smem:$0x3F95]  }
0x2e: {  	s3 =	simm.s32 @!p0 $0x1082;
	s9 =	sld [smem:$0x3F96]  }
0x2f: {  	lr =	sadd.s32 s0, s3;
	s0 =	sld [smem:$0x3F8D]  }
0x30: {  	s3 =	sld [smem:$0x3F90]  }
0x31: {  	[smem:$0x3F99] =	sst s10  }
0x32: {  	s10 =	sld [smem:$0x3F97];
	_ =	sdelay $0x3  }
0x33: {  	p0 =	seq.s32 s10, $0x1;
	s10 =	sld [smem:$0x3F99];
	_ =	sdelay $0x3  }
0x34: {  	[smem:$0x3F99] =	sst s10  }
0x35: {  	s10 =	sld [smem:$0x3F98];
	_ =	sdelay $0x3  }
0x36: {  	p1 =	seq.s32 s10, $0x1;
	s10 =	sld [smem:$0x3F99];
	_ =	sdelay $0x3  }
0x37: {  	[smem:$0x3F99] =	sst s10  }
0x38: {  	s10 =	sld [smem:$0x3F9A]  }
0x39: {  	_ = 	snop;
	(pc) =	sbr.ind lr, $3  }
0x3a: {  	_ = 	snop  }
0x3b: {  	_ = 	snop  }
0x3c: {  	p2 =	seq.s32 s10, $0x1;
	s10 =	sld [smem:$0x3F99]  }
0x3d: {  	_ =	shalt  }
0x3e: {  	_ =	shalt  }
0x3f: {  	_ =	shalt  }
0x40: {  	_ =	shalt  }
0x41: {  	_ =	shalt  }
0x42: {  	_ =	shalt  }
0x43: {  	_ =	shalt  }
0x44: {  	_ =	shalt  }
0x45: {  	_ =	shalt  }
0x46: {  	_ =	shalt  }
0x47: {  	_ =	shalt  }
0x48: {  	_ =	shalt  }
0x49: {  	_ =	shalt  }
0x4a: {  	_ =	shalt  }
0x4b: {  	_ =	shalt  }
0x4c: {  	_ =	shalt  }
0x4d: {  	_ =	shalt  }
0x4e: {  	_ =	shalt  }
0x4f: {  	_ =	shalt  }
0x50: {  	_ =	shalt  }
0x51: {  	_ =	shalt  }
0x52: {  	_ =	shalt  }
0x53: {  	_ =	shalt  }
0x54: {  	_ =	shalt  }
0x55: {  	_ =	shalt  }
0x56: {  	_ =	shalt  }
0x57: {  	_ =	shalt  }
0x58: {  	_ =	shalt  }
0x59: {  	_ =	shalt  }
0x5a: {  	_ =	shalt  }
0x5b: {  	_ =	shalt  }
0x5c: {  	_ =	shalt  }
0x5d: {  	_ =	shalt  }
0x5e: {  	_ =	shalt  }
0x5f: {  	_ =	shalt  }
0x60: {  	_ =	shalt  }
0x61: {  	_ =	shalt  }
0x62: {  	_ =	shalt  }
0x63: {  	_ =	shalt  }
0x64: {  	_ =	shalt  }
0x65: {  	_ =	shalt  }
0x66: {  	_ =	shalt  }
0x67: {  	_ =	shalt  }
0x68: {  	_ =	shalt  }
0x69: {  	_ =	shalt  }
0x6a: {  	_ =	shalt  }
0x6b: {  	_ =	shalt  }
0x6c: {  	_ =	shalt  }
0x6d: {  	_ =	shalt  }
0x6e: {  	_ =	shalt  }
0x6f: {  	_ =	shalt  }
0x70: {  	_ =	shalt  }
0x71: {  	_ =	shalt  }
0x72: {  	_ =	shalt  }
0x73: {  	_ =	shalt  }
0x74: {  	_ =	shalt  }
0x75: {  	_ =	shalt  }
0x76: {  	_ =	shalt  }
0x77: {  	_ =	shalt  }
0x78: {  	_ =	shalt  }
0x79: {  	_ =	shalt  }
0x7a: {  	_ =	shalt  }
0x7b: {  	_ =	shalt  }
0x7c: {  	_ =	shalt  }
0x7d: {  	_ =	shalt  }
0x7e: {  	_ =	shalt  }
0x7f: {  	_ =	shalt  }
0x80: {  	_ =	shalt  }
0x81: {  	_ =	shalt  }
0x82: {  	_ =	shalt  }
0x83: {  	_ =	shalt  }
0x84: {  	_ =	shalt  }
0x85: {  	_ =	shalt  }
0x86: {  	_ =	shalt  }
0x87: {  	_ =	shalt  }
.Lfunc_end0:
.L_simem_size_0:
called_computation.2_lowered:
.L_overlay_start_0:
0x88: {  	s2 =	sld [smem:$0x3FD9]  }
0x89: {  	s3 =	sld [smem:$0x3FFE];
	_ =	sdelay $0x1  }
0x8a: {  	s1 =	srdreg.scid  }
0x8b: {  	s0 =	sand.u32 $0x1, s1  }
0x8c: {  	s16 =	sshll.u32 s0, $0xA;
	s2 =	sadd.s32 s3, s2  }
0x8d: {  	s2 =	sadd.s32 s2, s16  }
0x8e: {  	[smem:$0x3FA5] =	sst s2  }
0x8f: {  	_ = 	snop  }
0x90: {  	(tm) =	ssettm $0x1  }
0x91: {  	s17 =	sld [smem:$0x3FFB];
	_ =	sdelay $0x3  }
0x92: {  	_ =	strace s17  }
0x93: {  	s2 =	sld [smem:$0x3FFC];
	_ =	sdelay $0x3  }
0x94: {  	_ =	strace s2  }
0x95: {  	s2 =	sld [smem:$0x3FFD];
	_ =	sdelay $0x3  }
0x96: {  	_ =	strace s2  }
0x97: {  	_ =	strace $0x8FFFFFFF  }
0x98: {  	s18 =	sld [smem:$0x3FDB];
	_ =	sdelay $0x1  }
0x99: {  	s19 =	simm.s32 $_scs_section_size  }
0x9a: {  	s4 =	simm.s32 $_size__tile_overlayer_lowered;
	s5 =	simm.s32 $_tile_overlayer_lowered  }
0x9b: {  	s22 =	simm.s32 $0x1BFF;
	s21 =	sshll.u32 s5, $0x1;
	s2 =	sadd.s32 s19, s18  }
0x9c: {  	s6 =	simm.s32 $0x0;
	s20 =	sshll.u32 s4, $0x1;
	s4 =	sadd.s32 s21, s2  }
0x9d: {  	[timem:s6], [sflag:s22] =	dma.local [hbm:s4], s20  }
0x9e: {  	_ =	swait.ge [sflag:s22], s20  }
0x9f: {  	s3 =	ssub.s32 $0x0, s20;
	[sflag:s22] =	ssyncset.done $0x0  }
0xa0: {  	[sflag:s22] =	ssyncadd.s32 s3;
	_ =	sdelay $0x1  }
0xa1: {  	s23 =	simm.s32 $0x1B8B  }
0xa2: {  	_ =	swait.ge [sflag:s23], $0x1  }
0xa3: {  	[sflag:s23] =	ssyncset.done $0x0  }
0xa4: {  	s25 =	simm.s32 $0x1B8E;
	s24 =	sld [smem:$0x3FFE];
	[sflag:s23] =	ssyncadd.s32 $0xFFFFFFFF  }
0xa5: {  	s26 =	simm.s32 $execute0_lowered;
	[smem:$0x3FD2] =	sst s25  }
0xa6: {  	s4 =	sshll.u32 s26, $0x1;
	_ =	strace $0x8000004C;
	[dreg:$0x1] =	wrdreg $0xFFFFFFFF  }
0xa7: {  	s28 =	simm.s32 $_size_execute0_lowered;
	s2 =	sadd.s32 s2, s4;
	[dreg:$0x0] =	wrdreg $0x0  }
0xa8: {  	s4 =	sshll.u32 s28, $0x1;
	[dreg:$0x2] =	wrdreg s2  }
0xa9: {  	[dreg:$0x3] =	wrdreg s4  }
0xaa: {  	[dreg:$0x4] =	wrdreg $0xC0  }
0xab: {  	_ =	task [dreg:s6], $0x5FFFF  }
0xac: {  	[dreg:$0x1] =	wrdreg $0xFFFFFFFF  }
0xad: {  	[dreg:$0x0] =	wrdreg $0x60  }
0xae: {  	[dreg:$0x2] =	wrdreg s24  }
0xaf: {  	[dreg:$0x3] =	wrdreg $0x120000  }
0xb0: {  	[dreg:$0x4] =	wrdreg $0x9  }
0xb1: {  	_ =	task.clear_ibuf [dreg:s6], $0x5FFFF;
	_ =	strace $0x9000004C  }
0xb2: {  	s29 =	simm.s32 $0x9;
	_ =	strace $0x8000004E  }
0xb3: {  	_ =	swait.ge [sflag:s29], $0x1  }
0xb4: {  	[sflag:s29] =	ssyncadd.s32 $0xFFFFFFFF  }
0xb5: {  	_ =	strace $0x9000004E  }
0xb6: {  	_ =	sfence  }
0xb7: {  	s30 =	sld [smem:$0x0];
	_ =	sdelay $0x2  }
0xb8: {  	s31 =	sshll.u32 s1, $0xD;
	s1 =	sshrl.u32 s1, $0x2  }
0xb9: {  	s3 =	sand.u32 $0x4000, s31;
	s1 =	sadd.s32 s1, s30  }
0xba: {  	s0 =	sor.u32 s3, s0;
	s1 =	sshll.u32 s1, $0x11  }
0xbb: {  	s0 =	sor.u32 s1, s0  }
0xbc: {  	s0 =	sadd.s32 $0x8F2B, s0  }
0xbd: {  	[sflag:s0] =	ssyncadd.remote.s32 $0x1  }
0xbe: {  	_ =	sfence.sel $0xFFFF  }
0xbf: {  	[dreg:$0x0] =	wrdreg $0xFFFFFFFF;
	(pc) =	sbr.abs _section_cstart, $3  }
0xc0: {  	[dreg:$0x1] =	wrdreg $0xFFFFFFFF  }
0xc1: {  	_ =	task.clear_ibuf [dreg:s6], $0x2FFFF;
	_ =	strace $0x9FFFFFFF  }
0xc2: {  	(tm) =	ssettm $0x7FFFFFFF  }
0xc3: {  	_ =	shalt  }
tec
execute0_lowered:
.L_overlay_start_1:
0x0: {  	(tag) =	ssettag $0x1  }
0x1: {  	s0 =	rddreg [dreg:$0x0]  }
0x2: {  	s2 =	rddreg [dreg:$0x1]  }
0x3: {  	s12 =	stileid.u32;
	s1 =	srdreg.scid;
	s3 =	simm.s32 $0x0  }
0x4: {  	s16 =	simm.s32 $0x80;
	s17 =	simm.s32 $0xA000;
	s18 =	simm.s32 $0xC000  }
0x5: {  	s20 =	simm.s32 $0xE000;
	s22 =	simm.s32 $0x10000;
	s23 =	simm.s32 $0x1  }
0x6: {  	s28 =	simm.s32 $0x5;
	s29 =	simm.s32 $0x6;
	s30 =	simm.s32 $0x7  }
0x7: {  	s31 =	simm.s32 $0x8;
	s13 =	simm.s32 $0x9F00;
	s1 =	sand.u32 $0x1, s1  }
0x8: {  	s8 =	smul.u32 $0xA000, s12;
	[smem:$0x7FF] =	sst s3;
	s4 =	sadd.s32 $0x5800, s0  }
0x9: {  	s7 =	smul.u32 $0xA00, s12;
	s5 =	sadd.s32 $0x19800, s0;
	s26 =	sshll.u32 s12, $0x6  }
0xa: {  	s12 =	simm.s32 $0x9;
	s6 =	smul.u32 $0xA0000, s1;
	_ =	strace $0x8000004D  }
0xb: {  	s9 =	ssub.s32 $0x2, s1;
	p0 =	seq.s32 s1, $0x1;
	s14 =	sor.u32 $0x1C09, s26  }
0xc: {  	s26 =	simm.s32 $0x4;
	s7 =	sadd.s32 s7, s0;
	s10 =	sshrl.u32 s9, $0x1  }
0xd: {  	s24 =	sshrl.u32 s8, $0x3;
	s6 =	sadd.s32 s8, s6;
	s9 =	ssub.s32 s9, s10  }
0xe: {  	s8 =	sadd.s32 s8, s2;
	s25 =	sadd.s32 s4, s24;
	s1 =	sadd.s32 s5, s24  }
.Ltmp0:
0xf: {  	s24 =	simm.s32 $0x2;
	[dreg:$0x3] =	wrdreg s25;
	(pc) =	sbr.rel .LBB2_1-.Ltmp0, $4  }
0x10: {  	s6 =	sshrl.u32 s6, $0x3;
	[dreg:$0x4] =	wrdreg s1;
	s11 =	smax.u32 s9, $0x1  }
0x11: {  	s15 =	sshrl.u32 s8, $0x3;
	s25 =	simm.s32 $0x3;
	s1 =	simm.s32 $0x9E80  }
0x12: {  	s8 =	simm.s32 $0x9F80;
	s9 =	simm.s32 $0x0;
	s0 =	sadd.s32 s6, s0  }
0x13: {  	s6 =	sadd.s32 $0x37800, s7;
	s7 =	sadd.s32 $0x2D800, s7;
	s10 =	sadd.s32 $0x41800, s0  }
.LBB2_7:
0x14: {  	[tilespmem:s22], [sflag:$0x4] =	stream.indirect.gather [hbm4b:s5+s16], $0x40, s21, s16, $0xb8;
	[tilespmem:$0x1C000] =	vst v63  }
.LBB2_8:
0x15: {  	_ =	swait.ge [sflag:s23], $0x2000  }
0x16: {  	[sflag:s23] =	ssyncset.done $0x0  }
0x17: {  	s0 =	simm.s32 $0x9E00;
	[sflag:s23] =	ssyncadd.s32 $0xFFFFE000  }
0x18: {  	[spmem:s2] =	stream.indirect.scatter.add.f32 [tilespmem:s17], [sflag:$0x5], $0x40, s0, s16, $0xb8;
	[tilespmem:$0x1C000] =	vst v63  }
0x19: {  	_ =	swait.ge [sflag:s24], $0x2000  }
0x1a: {  	[sflag:s24] =	ssyncset.done $0x0  }
0x1b: {  	[sflag:s24] =	ssyncadd.s32 $0xFFFFE000  }
0x1c: {  	[spmem:s2] =	stream.indirect.scatter.add.f32 [tilespmem:s18], [sflag:$0x6], $0x40, s1, s16, $0xb8;
	[tilespmem:$0x1C000] =	vst v63  }
0x1d: {  	_ =	swait.ge [sflag:s25], $0x2000  }
0x1e: {  	[sflag:s25] =	ssyncset.done $0x0  }
0x1f: {  	[sflag:s25] =	ssyncadd.s32 $0xFFFFE000  }
0x20: {  	[spmem:s2] =	stream.indirect.scatter.add.f32 [tilespmem:s20], [sflag:$0x7], $0x40, s13, s16, $0xb8;
	[tilespmem:$0x1C000] =	vst v63  }
0x21: {  	_ =	swait.ge [sflag:s26], $0x2000  }
0x22: {  	[sflag:s26] =	ssyncset.done $0x0  }
0x23: {  	[sflag:s26] =	ssyncadd.s32 $0xFFFFE000  }
0x24: {  	[spmem:s2] =	stream.indirect.scatter.add.f32 [tilespmem:s22], [sflag:$0x8], $0x40, s8, s16, $0xb8;
	[tilespmem:$0x1C000] =	vst v63  }
0x25: {  	_ =	swait.ge [sflag:s28], $0x2000  }
0x26: {  	[sflag:s28] =	ssyncset.done $0x0  }
0x27: {  	[sflag:s28] =	ssyncadd.s32 $0xFFFFE000  }
0x28: {  	_ =	swait.ge [sflag:s29], $0x2000  }
0x29: {  	[sflag:s29] =	ssyncset.done $0x0  }
0x2a: {  	[sflag:s29] =	ssyncadd.s32 $0xFFFFE000  }
0x2b: {  	_ =	swait.ge [sflag:s30], $0x2000  }
0x2c: {  	[sflag:s30] =	ssyncset.done $0x0  }
0x2d: {  	[sflag:s30] =	ssyncadd.s32 $0xFFFFE000  }
0x2e: {  	_ =	swait.ge [sflag:s31], $0x2000  }
0x2f: {  	s9 =	sadd.s32 $0x1, s9;
	[sflag:s31] =	ssyncset.done $0x0  }
0x30: {  	p1 =	sne.s32 s9, s11;
	[sflag:s31] =	ssyncadd.s32 $0xFFFFE000  }
.Ltmp1:
0x31: {  	[bflag:$0x0] =	sbarrier.arrive $0xFFFF;
	(pc) =	sbr.rel @!p1 .LBB2_9-.Ltmp1, $4  }
0x32: {  	[hbm:s10], [sflag:s14] =	dma.local [spmem:s15], $0x1400  }
0x33: {  	_ =	swait.ge [sflag:s12], $0x1400  }
0x34: {  	[sflag:s12] =	ssyncset.done $0x0  }
0x35: {  	[sflag:s12] =	ssyncadd.s32 $0xFFFFEC00  }
.LBB2_1:
0x36: {  	[tilespmem:s3], [sflag:$0x9] =	stream.linear.gather [hbm4b:s6+s3], $0x5000, $0x38;
	[tilespmem:$0x1C000] =	vst v63  }
0x37: {  	_ =	swait.ge [sflag:s12], $0x5000  }
0x38: {  	[sflag:s12] =	ssyncset.done $0x0  }
.Ltmp2:
0x39: {  	s0 =	simm.s32 $0x5000;
	[sflag:s12] =	ssyncadd.s32 $0xFFFFB000;
	(pc) =	sbr.rel @!p0 .LBB2_2-.Ltmp2, $4  }
0x3a: {  	[tilespmem:s0], [sflag:$0x9] =	stream.linear.gather [hbm4b:s7+s3], $0x5000, $0x38;
	[tilespmem:$0x1C000] =	vst v63  }
0x3b: {  	_ =	swait.ge [sflag:s12], $0x5000  }
0x3c: {  	[sflag:s12] =	ssyncset.done $0x0  }
0x3d: {  	[sflag:s12] =	ssyncadd.s32 $0xFFFFB000  }
0x3e: {  	s0 =	rddreg [dreg:$0x4]  }
0x3f: {  	[spmem:s15], [sflag:s14] =	dma.local [hbm:s0], $0x1400  }
0x40: {  	_ =	swait.ge [sflag:s12], $0x1400  }
0x41: {  	[sflag:s12] =	ssyncset.done $0x0  }
0x42: {  	[sflag:s12] =	ssyncadd.s32 $0xFFFFEC00  }
0x43: {  	s19 =	simm.s32 $0x0;
	[bflag:$0x0] =	sbarrier.arrive $0xFFFF  }
0x44: {  	[tilespmem:s17], [sflag:$0x1] =	stream.indirect.gather [hbm4b:s5+s16], $0x40, s19, s16, $0xb8;
	[tilespmem:$0x1C000] =	vst v63  }
0x45: {  	_ = 	snop  }
0x46: {  	[tilespmem:s18], [sflag:$0x2] =	stream.indirect.gather [hbm4b:s5+s16], $0x40, s16, s16, $0xb8;
	[tilespmem:$0x1C000] =	vst v63  }
0x47: {  	s21 =	simm.s32 $0x100  }
0x48: {  	[tilespmem:s20], [sflag:$0x3] =	stream.indirect.gather [hbm4b:s5+s16], $0x40, s21, s16, $0xb8;
	[tilespmem:$0x1C000] =	vst v63  }
0x49: {  	s19 =	simm.s32 $0x180  }
0x4a: {  	[tilespmem:s22], [sflag:$0x4] =	stream.indirect.gather [hbm4b:s5+s16], $0x40, s19, s16, $0xb8;
	[tilespmem:$0x1C000] =	vst v63  }
0x4b: {  	_ =	swait.ge [sflag:s23], $0x2000  }
0x4c: {  	[sflag:s23] =	ssyncset.done $0x0  }
0x4d: {  	s21 =	simm.s32 $0x5000;
	[sflag:s23] =	ssyncadd.s32 $0xFFFFE000  }
0x4e: {  	[spmem:s2] =	stream.indirect.scatter.add.f32 [tilespmem:s17], [sflag:$0x5], $0x40, s21, s16, $0xb8;
	[tilespmem:$0x1C000] =	vst v63  }
0x4f: {  	_ =	swait.ge [sflag:s24], $0x2000  }
0x50: {  	[sflag:s24] =	ssyncset.done $0x0  }
0x51: {  	s19 =	simm.s32 $0x5080;
	[sflag:s24] =	ssyncadd.s32 $0xFFFFE000  }
0x52: {  	[spmem:s2] =	stream.indirect.scatter.add.f32 [tilespmem:s18], [sflag:$0x6], $0x40, s19, s16, $0xb8;
	[tilespmem:$0x1C000] =	vst v63  }
0x53: {  	_ =	swait.ge [sflag:s25], $0x2000  }
0x54: {  	[sflag:s25] =	ssyncset.done $0x0  }
0x55: {  	s21 =	simm.s32 $0x5100;
	[sflag:s25] =	ssyncadd.s32 $0xFFFFE000  }
0x56: {  	[spmem:s2] =	stream.indirect.scatter.add.f32 [tilespmem:s20], [sflag:$0x7], $0x40, s21, s16, $0xb8;
	[tilespmem:$0x1C000] =	vst v63  }
0x57: {  	_ =	swait.ge [sflag:s26], $0x2000  }
0x58: {  	[sflag:s26] =	ssyncset.done $0x0  }
0x59: {  	s19 =	simm.s32 $0x5180;
	[sflag:s26] =	ssyncadd.s32 $0xFFFFE000  }
0x5a: {  	[spmem:s2] =	stream.indirect.scatter.add.f32 [tilespmem:s22], [sflag:$0x8], $0x40, s19, s16, $0xb8;
	[tilespmem:$0x1C000] =	vst v63  }
0x5b: {  	_ =	swait.ge [sflag:s28], $0x2000  }
0x5c: {  	[sflag:s28] =	ssyncset.done $0x0  }
0x5d: {  	s21 =	simm.s32 $0x200;
	[sflag:s28] =	ssyncadd.s32 $0xFFFFE000  }
0x5e: {  	[tilespmem:s17], [sflag:$0x1] =	stream.indirect.gather [hbm4b:s5+s16], $0x40, s21, s16, $0xb8;
	[tilespmem:$0x1C000] =	vst v63  }
0x5f: {  	_ =	swait.ge [sflag:s29], $0x2000  }
0x60: {  	[sflag:s29] =	ssyncset.done $0x0  }
0x61: {  	s19 =	simm.s32 $0x280;
	[sflag:s29] =	ssyncadd.s32 $0xFFFFE000  }
0x62: {  	[tilespmem:s18], [sflag:$0x2] =	stream.indirect.gather [hbm4b:s5+s16], $0x40, s19, s16, $0xb8;
	[tilespmem:$0x1C000] =	vst v63  }
0x63: {  	_ =	swait.ge [sflag:s30], $0x2000  }
0x64: {  	[sflag:s30] =	ssyncset.done $0x0  }
0x65: {  	s21 =	simm.s32 $0x300;
	[sflag:s30] =	ssyncadd.s32 $0xFFFFE000  }
0x66: {  	[tilespmem:s20], [sflag:$0x3] =	stream.indirect.gather [hbm4b:s5+s16], $0x40, s21, s16, $0xb8;
	[tilespmem:$0x1C000] =	vst v63  }
0x67: {  	_ =	swait.ge [sflag:s31], $0x2000  }
0x68: {  	[sflag:s31] =	ssyncset.done $0x0  }
0x69: {  	s19 =	simm.s32 $0x800;
	s21 =	simm.s32 $0x380;
	[sflag:s31] =	ssyncadd.s32 $0xFFFFE000  }
.LBB2_6:
0x6a: {  	[tilespmem:s22], [sflag:$0x4] =	stream.indirect.gather [hbm4b:s5+s16], $0x40, s21, s16, $0xb8;
	[tilespmem:$0x1C000] =	vst v63  }
0x6b: {  	s0 =	smov.u32 s19  }
0x6c: {  	p1 =	sne.s32 s19, $0x13000;
	s19 =	sadd.s32 $0x800, s19;
	_ =	swait.ge [sflag:s23], $0x2000  }
0x6d: {  	s21 =	sshra.s32 s0, $0x2;
	[sflag:s23] =	ssyncset.done $0x0  }
0x6e: {  	s0 =	sadd.s32 $0x5000, s21;
	[sflag:s23] =	ssyncadd.s32 $0xFFFFE000  }
0x6f: {  	[spmem:s2] =	stream.indirect.scatter.add.f32 [tilespmem:s17], [sflag:$0x5], $0x40, s0, s16, $0xb8;
	[tilespmem:$0x1C000] =	vst v63  }
0x70: {  	_ =	swait.ge [sflag:s24], $0x2000  }
0x71: {  	[sflag:s24] =	ssyncset.done $0x0  }
0x72: {  	s0 =	sadd.s32 $0x5080, s21;
	[sflag:s24] =	ssyncadd.s32 $0xFFFFE000  }
0x73: {  	[spmem:s2] =	stream.indirect.scatter.add.f32 [tilespmem:s18], [sflag:$0x6], $0x40, s0, s16, $0xb8;
	[tilespmem:$0x1C000] =	vst v63  }
0x74: {  	_ =	swait.ge [sflag:s25], $0x2000  }
0x75: {  	[sflag:s25] =	ssyncset.done $0x0  }
0x76: {  	s0 =	sadd.s32 $0x5100, s21;
	[sflag:s25] =	ssyncadd.s32 $0xFFFFE000  }
0x77: {  	[spmem:s2] =	stream.indirect.scatter.add.f32 [tilespmem:s20], [sflag:$0x7], $0x40, s0, s16, $0xb8;
	[tilespmem:$0x1C000] =	vst v63  }
0x78: {  	_ =	swait.ge [sflag:s26], $0x2000  }
0x79: {  	[sflag:s26] =	ssyncset.done $0x0  }
0x7a: {  	s0 =	sadd.s32 $0x5180, s21;
	[sflag:s26] =	ssyncadd.s32 $0xFFFFE000  }
0x7b: {  	[spmem:s2] =	stream.indirect.scatter.add.f32 [tilespmem:s22], [sflag:$0x8], $0x40, s0, s16, $0xb8;
	[tilespmem:$0x1C000] =	vst v63  }
0x7c: {  	_ =	swait.ge [sflag:s28], $0x2000  }
0x7d: {  	[sflag:s28] =	ssyncset.done $0x0  }
0x7e: {  	s0 =	sadd.s32 $0x200, s21;
	[sflag:s28] =	ssyncadd.s32 $0xFFFFE000  }
0x7f: {  	[tilespmem:s17], [sflag:$0x1] =	stream.indirect.gather [hbm4b:s5+s16], $0x40, s0, s16, $0xb8;
	[tilespmem:$0x1C000] =	vst v63  }
0x80: {  	_ =	swait.ge [sflag:s29], $0x2000  }
0x81: {  	[sflag:s29] =	ssyncset.done $0x0  }
0x82: {  	s0 =	sadd.s32 $0x280, s21;
	[sflag:s29] =	ssyncadd.s32 $0xFFFFE000  }
0x83: {  	[tilespmem:s18], [sflag:$0x2] =	stream.indirect.gather [hbm4b:s5+s16], $0x40, s0, s16, $0xb8;
	[tilespmem:$0x1C000] =	vst v63  }
0x84: {  	_ =	swait.ge [sflag:s30], $0x2000  }
0x85: {  	[sflag:s30] =	ssyncset.done $0x0  }
.Ltmp3:
0x86: {  	s0 =	sadd.s32 $0x300, s21;
	[sflag:s30] =	ssyncadd.s32 $0xFFFFE000;
	(pc) =	sbr.rel @p1 .LBB2_6-.Ltmp3, $4  }
0x87: {  	[tilespmem:s20], [sflag:$0x3] =	stream.indirect.gather [hbm4b:s5+s16], $0x40, s0, s16, $0xb8;
	[tilespmem:$0x1C000] =	vst v63  }
0x88: {  	_ =	swait.ge [sflag:s31], $0x2000  }
0x89: {  	[sflag:s31] =	ssyncset.done $0x0  }
0x8a: {  	s21 =	sadd.s32 $0x380, s21;
	[sflag:s31] =	ssyncadd.s32 $0xFFFFE000  }
.Ltmp4:
0x8b: {  	_ = 	snop;
	(pc) =	sbr.rel .LBB2_7-.Ltmp4, $1  }
0x8c: {  	_ =	sdelay $0x3  }
.LBB2_2:
0x8d: {  	s0 =	rddreg [dreg:$0x3]  }
0x8e: {  	[spmem:s15], [sflag:s14] =	dma.local [hbm:s0], $0x1400  }
0x8f: {  	_ =	swait.ge [sflag:s12], $0x1400  }
0x90: {  	[sflag:s12] =	ssyncset.done $0x0  }
0x91: {  	[sflag:s12] =	ssyncadd.s32 $0xFFFFEC00  }
0x92: {  	s19 =	simm.s32 $0x0;
	[bflag:$0x0] =	sbarrier.arrive $0xFFFF  }
0x93: {  	[tilespmem:s17], [sflag:$0x1] =	stream.indirect.gather [hbm4b:s4+s16], $0x40, s19, s16, $0xb8;
	[tilespmem:$0x1C000] =	vst v63  }
0x94: {  	_ = 	snop  }
0x95: {  	[tilespmem:s18], [sflag:$0x2] =	stream.indirect.gather [hbm4b:s4+s16], $0x40, s16, s16, $0xb8;
	[tilespmem:$0x1C000] =	vst v63  }
0x96: {  	s21 =	simm.s32 $0x100  }
0x97: {  	[tilespmem:s20], [sflag:$0x3] =	stream.indirect.gather [hbm4b:s4+s16], $0x40, s21, s16, $0xb8;
	[tilespmem:$0x1C000] =	vst v63  }
0x98: {  	s19 =	simm.s32 $0x180  }
0x99: {  	[tilespmem:s22], [sflag:$0x4] =	stream.indirect.gather [hbm4b:s4+s16], $0x40, s19, s16, $0xb8;
	[tilespmem:$0x1C000] =	vst v63  }
0x9a: {  	_ =	swait.ge [sflag:s23], $0x2000  }
0x9b: {  	[sflag:s23] =	ssyncset.done $0x0  }
0x9c: {  	s21 =	simm.s32 $0x5000;
	[sflag:s23] =	ssyncadd.s32 $0xFFFFE000  }
0x9d: {  	[spmem:s2] =	stream.indirect.scatter.add.f32 [tilespmem:s17], [sflag:$0x5], $0x40, s21, s16, $0xb8;
	[tilespmem:$0x1C000] =	vst v63  }
0x9e: {  	_ =	swait.ge [sflag:s24], $0x2000  }
0x9f: {  	[sflag:s24] =	ssyncset.done $0x0  }
0xa0: {  	s0 =	simm.s32 $0x5080;
	[sflag:s24] =	ssyncadd.s32 $0xFFFFE000  }
0xa1: {  	[spmem:s2] =	stream.indirect.scatter.add.f32 [tilespmem:s18], [sflag:$0x6], $0x40, s0, s16, $0xb8;
	[tilespmem:$0x1C000] =	vst v63  }
0xa2: {  	_ =	swait.ge [sflag:s25], $0x2000  }
0xa3: {  	[sflag:s25] =	ssyncset.done $0x0  }
0xa4: {  	s21 =	simm.s32 $0x5100;
	[sflag:s25] =	ssyncadd.s32 $0xFFFFE000  }
0xa5: {  	[spmem:s2] =	stream.indirect.scatter.add.f32 [tilespmem:s20], [sflag:$0x7], $0x40, s21, s16, $0xb8;
	[tilespmem:$0x1C000] =	vst v63  }
0xa6: {  	_ =	swait.ge [sflag:s26], $0x2000  }
0xa7: {  	[sflag:s26] =	ssyncset.done $0x0  }
0xa8: {  	s0 =	simm.s32 $0x5180;
	[sflag:s26] =	ssyncadd.s32 $0xFFFFE000  }
0xa9: {  	[spmem:s2] =	stream.indirect.scatter.add.f32 [tilespmem:s22], [sflag:$0x8], $0x40, s0, s16, $0xb8;
	[tilespmem:$0x1C000] =	vst v63  }
0xaa: {  	_ =	swait.ge [sflag:s28], $0x2000  }
0xab: {  	[sflag:s28] =	ssyncset.done $0x0  }
0xac: {  	s21 =	simm.s32 $0x200;
	[sflag:s28] =	ssyncadd.s32 $0xFFFFE000  }
0xad: {  	[tilespmem:s17], [sflag:$0x1] =	stream.indirect.gather [hbm4b:s4+s16], $0x40, s21, s16, $0xb8;
	[tilespmem:$0x1C000] =	vst v63  }
0xae: {  	_ =	swait.ge [sflag:s29], $0x2000  }
0xaf: {  	[sflag:s29] =	ssyncset.done $0x0  }
0xb0: {  	s0 =	simm.s32 $0x280;
	[sflag:s29] =	ssyncadd.s32 $0xFFFFE000  }
0xb1: {  	[tilespmem:s18], [sflag:$0x2] =	stream.indirect.gather [hbm4b:s4+s16], $0x40, s0, s16, $0xb8;
	[tilespmem:$0x1C000] =	vst v63  }
0xb2: {  	_ =	swait.ge [sflag:s30], $0x2000  }
0xb3: {  	[sflag:s30] =	ssyncset.done $0x0  }
0xb4: {  	s21 =	simm.s32 $0x300;
	[sflag:s30] =	ssyncadd.s32 $0xFFFFE000  }
0xb5: {  	[tilespmem:s20], [sflag:$0x3] =	stream.indirect.gather [hbm4b:s4+s16], $0x40, s21, s16, $0xb8;
	[tilespmem:$0x1C000] =	vst v63  }
0xb6: {  	_ =	swait.ge [sflag:s31], $0x2000  }
0xb7: {  	[sflag:s31] =	ssyncset.done $0x0  }
0xb8: {  	s19 =	simm.s32 $0x800;
	s21 =	simm.s32 $0x380;
	[sflag:s31] =	ssyncadd.s32 $0xFFFFE000  }
.LBB2_3:
0xb9: {  	[tilespmem:s22], [sflag:$0x4] =	stream.indirect.gather [hbm4b:s4+s16], $0x40, s21, s16, $0xb8;
	[tilespmem:$0x1C000] =	vst v63  }
0xba: {  	s21 =	smov.u32 s19  }
0xbb: {  	p1 =	seq.s32 s19, $0x13000;
	s19 =	sadd.s32 $0x800, s19;
	_ =	swait.ge [sflag:s23], $0x2000  }
0xbc: {  	s21 =	sshra.s32 s21, $0x2;
	[sflag:s23] =	ssyncset.done $0x0  }
0xbd: {  	s0 =	sadd.s32 $0x5000, s21;
	[sflag:s23] =	ssyncadd.s32 $0xFFFFE000  }
0xbe: {  	[spmem:s2] =	stream.indirect.scatter.add.f32 [tilespmem:s17], [sflag:$0x5], $0x40, s0, s16, $0xb8;
	[tilespmem:$0x1C000] =	vst v63  }
0xbf: {  	_ =	swait.ge [sflag:s24], $0x2000  }
0xc0: {  	[sflag:s24] =	ssyncset.done $0x0  }
0xc1: {  	s0 =	sadd.s32 $0x5080, s21;
	[sflag:s24] =	ssyncadd.s32 $0xFFFFE000  }
0xc2: {  	[spmem:s2] =	stream.indirect.scatter.add.f32 [tilespmem:s18], [sflag:$0x6], $0x40, s0, s16, $0xb8;
	[tilespmem:$0x1C000] =	vst v63  }
0xc3: {  	_ =	swait.ge [sflag:s25], $0x2000  }
0xc4: {  	[sflag:s25] =	ssyncset.done $0x0  }
0xc5: {  	s0 =	sadd.s32 $0x5100, s21;
	[sflag:s25] =	ssyncadd.s32 $0xFFFFE000  }
0xc6: {  	[spmem:s2] =	stream.indirect.scatter.add.f32 [tilespmem:s20], [sflag:$0x7], $0x40, s0, s16, $0xb8;
	[tilespmem:$0x1C000] =	vst v63  }
0xc7: {  	_ =	swait.ge [sflag:s26], $0x2000  }
0xc8: {  	[sflag:s26] =	ssyncset.done $0x0  }
0xc9: {  	s0 =	sadd.s32 $0x5180, s21;
	[sflag:s26] =	ssyncadd.s32 $0xFFFFE000  }
0xca: {  	[spmem:s2] =	stream.indirect.scatter.add.f32 [tilespmem:s22], [sflag:$0x8], $0x40, s0, s16, $0xb8;
	[tilespmem:$0x1C000] =	vst v63  }
0xcb: {  	_ =	swait.ge [sflag:s28], $0x2000  }
0xcc: {  	[sflag:s28] =	ssyncset.done $0x0  }
0xcd: {  	s0 =	sadd.s32 $0x200, s21;
	[sflag:s28] =	ssyncadd.s32 $0xFFFFE000  }
0xce: {  	[tilespmem:s17], [sflag:$0x1] =	stream.indirect.gather [hbm4b:s4+s16], $0x40, s0, s16, $0xb8;
	[tilespmem:$0x1C000] =	vst v63  }
0xcf: {  	_ =	swait.ge [sflag:s29], $0x2000  }
0xd0: {  	[sflag:s29] =	ssyncset.done $0x0  }
0xd1: {  	s0 =	sadd.s32 $0x280, s21;
	[sflag:s29] =	ssyncadd.s32 $0xFFFFE000  }
0xd2: {  	[tilespmem:s18], [sflag:$0x2] =	stream.indirect.gather [hbm4b:s4+s16], $0x40, s0, s16, $0xb8;
	[tilespmem:$0x1C000] =	vst v63  }
0xd3: {  	_ =	swait.ge [sflag:s30], $0x2000  }
0xd4: {  	[sflag:s30] =	ssyncset.done $0x0  }
.Ltmp5:
0xd5: {  	s0 =	sadd.s32 $0x300, s21;
	[sflag:s30] =	ssyncadd.s32 $0xFFFFE000;
	(pc) =	sbr.rel @!p1 .LBB2_3-.Ltmp5, $4  }
0xd6: {  	[tilespmem:s20], [sflag:$0x3] =	stream.indirect.gather [hbm4b:s4+s16], $0x40, s0, s16, $0xb8;
	[tilespmem:$0x1C000] =	vst v63  }
0xd7: {  	_ =	swait.ge [sflag:s31], $0x2000  }
0xd8: {  	[sflag:s31] =	ssyncset.done $0x0  }
0xd9: {  	s21 =	sadd.s32 $0x380, s21;
	[sflag:s31] =	ssyncadd.s32 $0xFFFFE000  }
.Ltmp6:
0xda: {  	(pc) =	sbr.rel .LBB2_8-.Ltmp6, $2  }
0xdb: {  	_ =	sdelay $0x2  }
0xdc: {  	[tilespmem:s22], [sflag:$0x4] =	stream.indirect.gather [hbm4b:s4+s16], $0x40, s21, s16, $0xb8;
	[tilespmem:$0x1C000] =	vst v63  }
.LBB2_9:
0xdd: {  	_ =	sfence.sel $0x180000  }
0xde: {  	[bflag:$0x0] =	sbarrier.arrive $0xFFFF  }
0xdf: {  	_ =	strace $0x9000004D  }
0xe0: {  	s0 =	stileid.u32;
	[bflag:$0x2] =	sbarrier.arrive $0xFFFF  }
0xe1: {  	p0 =	sne.s32 s0, $0x0;
	s0 =	rddreg [dreg:$0x2]  }
0xe2: {  	s0 =	sadd.s32 @!p0 $0x100000, s0  }
0xe3: {  	[sflag:s0] =	ssyncadd.tile.s32 @!p0 $0x1;
	_ =	shalt  }
.Lfunc_end2:
_tile_overlayer_lowered:
.L_overlay_start_2:
0xe4: {  	(tag) =	ssettag $0x2  }
0xe5: {  	s0 =	rddreg [dreg:$0x0];
	s2 =	stileid.u32  }
0xe6: {  	s1 =	rddreg [dreg:$0x1];
	p0 =	sne.s32 s2, $0x0  }
0xe7: {  	s3 =	rddreg [dreg:$0x2];
	[bflag:$0x3] =	sbarrier.arrive $0xFFFF;
	s2 =	simm.s32 @!p0 $0x1C09  }
0xe8: {  	[timem:s3], [sflag:s2] =	dma.local @!p0 [hbm:s0], s1  }
0xe9: {  	s0 =	simm.s32 @!p0 $0x9  }
0xea: {  	_ =	swait.ge @!p0 [sflag:s0], s1  }
0xeb: {  	s1 =	ssub.s32 @!p0 $0x0, s1;
	[sflag:s0] =	ssyncset.done @!p0 $0x0  }
0xec: {  	[sflag:s0] =	ssyncadd.s32 @!p0 s1  }
0xed: {  	[bflag:$0x3] =	sbarrier.arrive $0xFFFF  }
0xee: {  	_ =	shalt  }

// kernel: kernel.19.cloned.1.call-start
scs
__scs_entry_jumppad:
0x0: {  	(pc) =	sbr.rel $0x88, $3  }
0x1: {  	(tag) =	ssettag $0x0;
	lr =	simm.s32 $0x1  }
0x2: {  	[smem:$0x3F7E] =	sst lr;
	_ =	strace $0xD0000000  }
0x3: {  	_ = 	snop  }
0x4: {  	_ = 	snop  }
0x5: {  	_ = 	snop  }
0x6: {  	_ = 	snop  }
0x7: {  	_ = 	snop  }
__scs_overlays_trampoline_lowered:
0x8: {  	[smem:$0x3F8D] =	sst s0  }
0x9: {  	[smem:$0x3F8E] =	sst s1  }
0xa: {  	[smem:$0x3F8F] =	sst s2  }
0xb: {  	[smem:$0x3F90] =	sst s3  }
0xc: {  	[smem:$0x3F91] =	sst s4  }
0xd: {  	[smem:$0x3F92] =	sst s5  }
0xe: {  	[smem:$0x3F93] =	sst s6  }
0xf: {  	[smem:$0x3F94] =	sst s7  }
0x10: {  	[smem:$0x3F95] =	sst s8  }
0x11: {  	[smem:$0x3F96] =	sst s9;
	s0 =	simm.s32 @!p0 $0x0  }
0x12: {  	s1 =	sld [smem:$0x3F7C];
	s0 =	simm.s32 @p0 $0x1  }
0x13: {  	[smem:$0x3F97] =	sst s0;
	s0 =	simm.s32 @!p1 $0x0  }
0x14: {  	s2 =	sld [smem:$0x3F7B];
	s0 =	simm.s32 @p1 $0x1  }
0x15: {  	[smem:$0x3F98] =	sst s0;
	s0 =	simm.s32 @!p2 $0x0  }
0x16: {  	s3 =	sld [smem:$0x3FDB];
	s0 =	simm.s32 @p2 $0x1  }
0x17: {  	s4 =	simm.s32 $0x1BF5;
	[smem:$0x3F9A] =	sst s0  }
0x18: {  	s0 =	sld [smem:$0x3F7D];
	_ =	swait.ge [sflag:s4], $0x0  }
0x19: {  	s7 =	sld [smem:$0x3F7E]  }
0x1a: {  	s8 =	sadd.s32 $0xFFFFE003, lr  }
0x1b: {  	s9 =	sadd.s32 $0xFFFFFEF7, lr;
	s5 =	simm.s32 $0xFFFFFFFF;
	p2 =	slt.u32 s8, $0xFFFFF086  }
0x1c: {  	p1 =	slt.u32 s9, $0xF7A;
	s5 =	simm.s32 @!p2 $0x0  }
0x1d: {  	s5 =	simm.s32 @p1 $0x1;
	p0 =	seq.s32 s7, s2  }
0x1e: {  	s7 =	smul.u32 @!p0 $0xF7A, s2;
	p2 =	seq.s32 @!p0 s5, $0x0  }
0x1f: {  	s9 =	smul.u32 $0xF7A, s1;
	s8 =	simm.s32 @!p0 $0x1BF5;
	p2 =	por !p2, p0  }
0x20: {  	[sflag:s8] =	ssyncset.s32 @!p0 $0xFFFFF086;
	s6 =	sadd.s32 @!p0 s3, s7;
	s7 =	simm.s32 @!p0 $0x108  }
0x21: {  	s3 =	sadd.s32 s3, s9;
	s6 =	sadd.s32 @!p0 $0x88, s6;
	s7 =	simm.s32 @p2 $0x1082  }
0x22: {  	[simem:s7], [sflag:s8] =	dma.local @!p0 [hbm:s6], $0xF7A  }
0x23: {  	s9 =	sor.u32 $0xD0000000, s2;
	s6 =	simm.s32 $0x108;
	_ =	swait.ge @!p0 [sflag:s8], $0x0  }
0x24: {  	s3 =	sadd.s32 $0x88, s3;
	s6 =	simm.s32 @!p1 $0x1082;
	[sflag:s4] =	ssyncset.s32 $0xFFFFF086  }
0x25: {  	[simem:s6], [sflag:s4] =	dma.local [hbm:s3], $0xF7A  }
0x26: {  	[smem:$0x3F7E] =	sst s1;
	(tag) =	ssettag s2;
	_ =	strace s9  }
0x27: {  	s1 =	sld [smem:$0x3F8E]  }
0x28: {  	s2 =	sld [smem:$0x3F8F]  }
0x29: {  	s4 =	sld [smem:$0x3F91]  }
0x2a: {  	p0 =	seq.s32 s5, $0x0;
	s5 =	sld [smem:$0x3F92]  }
0x2b: {  	s6 =	sld [smem:$0x3F93]  }
0x2c: {  	s7 =	sld [smem:$0x3F94]  }
0x2d: {  	s3 =	simm.s32 $0x108;
	s8 =	sld [smem:$0x3F95]  }
0x2e: {  	s3 =	simm.s32 @!p0 $0x1082;
	s9 =	sld [smem:$0x3F96]  }
0x2f: {  	lr =	sadd.s32 s0, s3;
	s0 =	sld [smem:$0x3F8D]  }
0x30: {  	s3 =	sld [smem:$0x3F90]  }
0x31: {  	[smem:$0x3F99] =	sst s10  }
0x32: {  	s10 =	sld [smem:$0x3F97];
	_ =	sdelay $0x3  }
0x33: {  	p0 =	seq.s32 s10, $0x1;
	s10 =	sld [smem:$0x3F99];
	_ =	sdelay $0x3  }
0x34: {  	[smem:$0x3F99] =	sst s10  }
0x35: {  	s10 =	sld [smem:$0x3F98];
	_ =	sdelay $0x3  }
0x36: {  	p1 =	seq.s32 s10, $0x1;
	s10 =	sld [smem:$0x3F99];
	_ =	sdelay $0x3  }
0x37: {  	[smem:$0x3F99] =	sst s10  }
0x38: {  	s10 =	sld [smem:$0x3F9A]  }
0x39: {  	_ = 	snop;
	(pc) =	sbr.ind lr, $3  }
0x3a: {  	_ = 	snop  }
0x3b: {  	_ = 	snop  }
0x3c: {  	p2 =	seq.s32 s10, $0x1;
	s10 =	sld [smem:$0x3F99]  }
0x3d: {  	_ =	shalt  }
0x3e: {  	_ =	shalt  }
0x3f: {  	_ =	shalt  }
0x40: {  	_ =	shalt  }
0x41: {  	_ =	shalt  }
0x42: {  	_ =	shalt  }
0x43: {  	_ =	shalt  }
0x44: {  	_ =	shalt  }
0x45: {  	_ =	shalt  }
0x46: {  	_ =	shalt  }
0x47: {  	_ =	shalt  }
0x48: {  	_ =	shalt  }
0x49: {  	_ =	shalt  }
0x4a: {  	_ =	shalt  }
0x4b: {  	_ =	shalt  }
0x4c: {  	_ =	shalt  }
0x4d: {  	_ =	shalt  }
0x4e: {  	_ =	shalt  }
0x4f: {  	_ =	shalt  }
0x50: {  	_ =	shalt  }
0x51: {  	_ =	shalt  }
0x52: {  	_ =	shalt  }
0x53: {  	_ =	shalt  }
0x54: {  	_ =	shalt  }
0x55: {  	_ =	shalt  }
0x56: {  	_ =	shalt  }
0x57: {  	_ =	shalt  }
0x58: {  	_ =	shalt  }
0x59: {  	_ =	shalt  }
0x5a: {  	_ =	shalt  }
0x5b: {  	_ =	shalt  }
0x5c: {  	_ =	shalt  }
0x5d: {  	_ =	shalt  }
0x5e: {  	_ =	shalt  }
0x5f: {  	_ =	shalt  }
0x60: {  	_ =	shalt  }
0x61: {  	_ =	shalt  }
0x62: {  	_ =	shalt  }
0x63: {  	_ =	shalt  }
0x64: {  	_ =	shalt  }
0x65: {  	_ =	shalt  }
0x66: {  	_ =	shalt  }
0x67: {  	_ =	shalt  }
0x68: {  	_ =	shalt  }
0x69: {  	_ =	shalt  }
0x6a: {  	_ =	shalt  }
0x6b: {  	_ =	shalt  }
0x6c: {  	_ =	shalt  }
0x6d: {  	_ =	shalt  }
0x6e: {  	_ =	shalt  }
0x6f: {  	_ =	shalt  }
0x70: {  	_ =	shalt  }
0x71: {  	_ =	shalt  }
0x72: {  	_ =	shalt  }
0x73: {  	_ =	shalt  }
0x74: {  	_ =	shalt  }
0x75: {  	_ =	shalt  }
0x76: {  	_ =	shalt  }
0x77: {  	_ =	shalt  }
0x78: {  	_ =	shalt  }
0x79: {  	_ =	shalt  }
0x7a: {  	_ =	shalt  }
0x7b: {  	_ =	shalt  }
0x7c: {  	_ =	shalt  }
0x7d: {  	_ =	shalt  }
0x7e: {  	_ =	shalt  }
0x7f: {  	_ =	shalt  }
0x80: {  	_ =	shalt  }
0x81: {  	_ =	shalt  }
0x82: {  	_ =	shalt  }
0x83: {  	_ =	shalt  }
0x84: {  	_ =	shalt  }
0x85: {  	_ =	shalt  }
0x86: {  	_ =	shalt  }
0x87: {  	_ =	shalt  }
.Lfunc_end0:
.L_simem_size_0:
called_computation.3_lowered:
.L_overlay_start_0:
0x88: {  	s2 =	sld [smem:$0x3FD9]  }
0x89: {  	s3 =	sld [smem:$0x3FFE];
	_ =	sdelay $0x1  }
0x8a: {  	s1 =	srdreg.scid  }
0x8b: {  	s0 =	sand.u32 $0x1, s1  }
0x8c: {  	s16 =	sshll.u32 s0, $0xA;
	s2 =	sadd.s32 s3, s2  }
0x8d: {  	s2 =	sadd.s32 s2, s16  }
0x8e: {  	[smem:$0x3FA5] =	sst s2  }
0x8f: {  	_ = 	snop  }
0x90: {  	(tm) =	ssettm $0x1  }
0x91: {  	s17 =	sld [smem:$0x3FFB];
	_ =	sdelay $0x3  }
0x92: {  	_ =	strace s17  }
0x93: {  	s2 =	sld [smem:$0x3FFC];
	_ =	sdelay $0x3  }
0x94: {  	_ =	strace s2  }
0x95: {  	s2 =	sld [smem:$0x3FFD];
	_ =	sdelay $0x3  }
0x96: {  	_ =	strace s2  }
0x97: {  	_ =	strace $0x8FFFFFFF  }
0x98: {  	s18 =	sld [smem:$0x3FDB];
	_ =	sdelay $0x1  }
0x99: {  	s19 =	simm.s32 $_scs_section_size  }
0x9a: {  	s4 =	simm.s32 $_size__tile_overlayer_lowered;
	s5 =	simm.s32 $_tile_overlayer_lowered  }
0x9b: {  	s22 =	simm.s32 $0x1BFF;
	s21 =	sshll.u32 s5, $0x1;
	s2 =	sadd.s32 s19, s18  }
0x9c: {  	s6 =	simm.s32 $0x0;
	s20 =	sshll.u32 s4, $0x1;
	s4 =	sadd.s32 s21, s2  }
0x9d: {  	[timem:s6], [sflag:s22] =	dma.local [hbm:s4], s20  }
0x9e: {  	_ =	swait.ge [sflag:s22], s20  }
0x9f: {  	s3 =	ssub.s32 $0x0, s20;
	[sflag:s22] =	ssyncset.done $0x0  }
0xa0: {  	[sflag:s22] =	ssyncadd.s32 s3;
	_ =	sdelay $0x1  }
0xa1: {  	s23 =	simm.s32 $0x1B8B  }
0xa2: {  	_ =	swait.ge [sflag:s23], $0x1  }
0xa3: {  	[sflag:s23] =	ssyncset.done $0x0  }
0xa4: {  	s25 =	simm.s32 $0x1B8E;
	s24 =	sld [smem:$0x3FFE];
	[sflag:s23] =	ssyncadd.s32 $0xFFFFFFFF  }
0xa5: {  	s26 =	simm.s32 $execute0_lowered;
	[smem:$0x3FD2] =	sst s25  }
0xa6: {  	s4 =	sshll.u32 s26, $0x1;
	_ =	strace $0x8000004F;
	[dreg:$0x1] =	wrdreg $0xFFFFFFFF  }
0xa7: {  	s28 =	simm.s32 $_size_execute0_lowered;
	s2 =	sadd.s32 s2, s4;
	[dreg:$0x0] =	wrdreg $0x0  }
0xa8: {  	s4 =	sshll.u32 s28, $0x1;
	[dreg:$0x2] =	wrdreg s2  }
0xa9: {  	[dreg:$0x3] =	wrdreg s4  }
0xaa: {  	[dreg:$0x4] =	wrdreg $0xC0  }
0xab: {  	_ =	task [dreg:s6], $0x5FFFF  }
0xac: {  	[dreg:$0x1] =	wrdreg $0xFFFFFFFF  }
0xad: {  	[dreg:$0x0] =	wrdreg $0x60  }
0xae: {  	[dreg:$0x2] =	wrdreg s24  }
0xaf: {  	[dreg:$0x3] =	wrdreg $0x120000  }
0xb0: {  	[dreg:$0x4] =	wrdreg $0x9  }
0xb1: {  	_ =	task.clear_ibuf [dreg:s6], $0x5FFFF;
	_ =	strace $0x9000004F  }
0xb2: {  	s29 =	simm.s32 $0x9;
	_ =	strace $0x80000051  }
0xb3: {  	_ =	swait.ge [sflag:s29], $0x1  }
0xb4: {  	[sflag:s29] =	ssyncadd.s32 $0xFFFFFFFF  }
0xb5: {  	_ =	strace $0x90000051  }
0xb6: {  	_ =	sfence  }
0xb7: {  	s30 =	sld [smem:$0x0];
	_ =	sdelay $0x2  }
0xb8: {  	s31 =	sshll.u32 s1, $0xD;
	s1 =	sshrl.u32 s1, $0x2  }
0xb9: {  	s3 =	sand.u32 $0x4000, s31;
	s1 =	sadd.s32 s1, s30  }
0xba: {  	s0 =	sor.u32 s3, s0;
	s1 =	sshll.u32 s1, $0x11  }
0xbb: {  	s0 =	sor.u32 s1, s0  }
0xbc: {  	s0 =	sadd.s32 $0x8F2B, s0  }
0xbd: {  	[sflag:s0] =	ssyncadd.remote.s32 $0x1  }
0xbe: {  	_ =	sfence.sel $0xFFFF  }
0xbf: {  	[dreg:$0x0] =	wrdreg $0xFFFFFFFF;
	(pc) =	sbr.abs _section_cstart, $3  }
0xc0: {  	[dreg:$0x1] =	wrdreg $0xFFFFFFFF  }
0xc1: {  	_ =	task.clear_ibuf [dreg:s6], $0x2FFFF;
	_ =	strace $0x9FFFFFFF  }
0xc2: {  	(tm) =	ssettm $0x7FFFFFFF  }
0xc3: {  	_ =	shalt  }
tec
execute0_lowered:
.L_overlay_start_1:
0x0: {  	(tag) =	ssettag $0x1  }
0x1: {  	s0 =	rddreg [dreg:$0x0]  }
0x2: {  	s2 =	rddreg [dreg:$0x1]  }
0x3: {  	s12 =	stileid.u32;
	s1 =	srdreg.scid;
	s3 =	simm.s32 $0x0  }
0x4: {  	s16 =	simm.s32 $0x80;
	s17 =	simm.s32 $0xA000;
	s18 =	simm.s32 $0xC000  }
0x5: {  	s20 =	simm.s32 $0xE000;
	s22 =	simm.s32 $0x10000;
	s23 =	simm.s32 $0x1  }
0x6: {  	s28 =	simm.s32 $0x5;
	s29 =	simm.s32 $0x6;
	s30 =	simm.s32 $0x7  }
0x7: {  	s31 =	simm.s32 $0x8;
	s13 =	simm.s32 $0x9F00;
	s1 =	sand.u32 $0x1, s1  }
0x8: {  	s8 =	smul.u32 $0xA000, s12;
	[smem:$0x7FF] =	sst s3;
	s4 =	sadd.s32 $0x5800, s0  }
0x9: {  	s7 =	smul.u32 $0xA00, s12;
	s5 =	sadd.s32 $0x19800, s0;
	s26 =	sshll.u32 s12, $0x6  }
0xa: {  	s12 =	simm.s32 $0x9;
	s6 =	smul.u32 $0xA0000, s1;
	_ =	strace $0x80000050  }
0xb: {  	s9 =	ssub.s32 $0x2, s1;
	p0 =	seq.s32 s1, $0x1;
	s14 =	sor.u32 $0x1C09, s26  }
0xc: {  	s26 =	simm.s32 $0x4;
	s7 =	sadd.s32 s7, s0;
	s10 =	sshrl.u32 s9, $0x1  }
0xd: {  	s24 =	sshrl.u32 s8, $0x3;
	s6 =	sadd.s32 s8, s6;
	s9 =	ssub.s32 s9, s10  }
0xe: {  	s8 =	sadd.s32 s8, s2;
	s25 =	sadd.s32 s4, s24;
	s1 =	sadd.s32 s5, s24  }
.Ltmp0:
0xf: {  	s24 =	simm.s32 $0x2;
	[dreg:$0x3] =	wrdreg s25;
	(pc) =	sbr.rel .LBB2_1-.Ltmp0, $4  }
0x10: {  	s6 =	sshrl.u32 s6, $0x3;
	[dreg:$0x4] =	wrdreg s1;
	s11 =	smax.u32 s9, $0x1  }
0x11: {  	s15 =	sshrl.u32 s8, $0x3;
	s25 =	simm.s32 $0x3;
	s1 =	simm.s32 $0x9E80  }
0x12: {  	s8 =	simm.s32 $0x9F80;
	s9 =	simm.s32 $0x0;
	s0 =	sadd.s32 s6, s0  }
0x13: {  	s6 =	sadd.s32 $0x37800, s7;
	s7 =	sadd.s32 $0x2D800, s7;
	s10 =	sadd.s32 $0x41800, s0  }
.LBB2_7:
0x14: {  	[tilespmem:s22], [sflag:$0x4] =	stream.indirect.gather [hbm4b:s5+s16], $0x40, s21, s16, $0xb8;
	[tilespmem:$0x1C000] =	vst v63  }
.LBB2_8:
0x15: {  	_ =	swait.ge [sflag:s23], $0x2000  }
0x16: {  	[sflag:s23] =	ssyncset.done $0x0  }
0x17: {  	s0 =	simm.s32 $0x9E00;
	[sflag:s23] =	ssyncadd.s32 $0xFFFFE000  }
0x18: {  	[spmem:s2] =	stream.indirect.scatter.add.f32 [tilespmem:s17], [sflag:$0x5], $0x40, s0, s16, $0xb8;
	[tilespmem:$0x1C000] =	vst v63  }
0x19: {  	_ =	swait.ge [sflag:s24], $0x2000  }
0x1a: {  	[sflag:s24] =	ssyncset.done $0x0  }
0x1b: {  	[sflag:s24] =	ssyncadd.s32 $0xFFFFE000  }
0x1c: {  	[spmem:s2] =	stream.indirect.scatter.add.f32 [tilespmem:s18], [sflag:$0x6], $0x40, s1, s16, $0xb8;
	[tilespmem:$0x1C000] =	vst v63  }
0x1d: {  	_ =	swait.ge [sflag:s25], $0x2000  }
0x1e: {  	[sflag:s25] =	ssyncset.done $0x0  }
0x1f: {  	[sflag:s25] =	ssyncadd.s32 $0xFFFFE000  }
0x20: {  	[spmem:s2] =	stream.indirect.scatter.add.f32 [tilespmem:s20], [sflag:$0x7], $0x40, s13, s16, $0xb8;
	[tilespmem:$0x1C000] =	vst v63  }
0x21: {  	_ =	swait.ge [sflag:s26], $0x2000  }
0x22: {  	[sflag:s26] =	ssyncset.done $0x0  }
0x23: {  	[sflag:s26] =	ssyncadd.s32 $0xFFFFE000  }
0x24: {  	[spmem:s2] =	stream.indirect.scatter.add.f32 [tilespmem:s22], [sflag:$0x8], $0x40, s8, s16, $0xb8;
	[tilespmem:$0x1C000] =	vst v63  }
0x25: {  	_ =	swait.ge [sflag:s28], $0x2000  }
0x26: {  	[sflag:s28] =	ssyncset.done $0x0  }
0x27: {  	[sflag:s28] =	ssyncadd.s32 $0xFFFFE000  }
0x28: {  	_ =	swait.ge [sflag:s29], $0x2000  }
0x29: {  	[sflag:s29] =	ssyncset.done $0x0  }
0x2a: {  	[sflag:s29] =	ssyncadd.s32 $0xFFFFE000  }
0x2b: {  	_ =	swait.ge [sflag:s30], $0x2000  }
0x2c: {  	[sflag:s30] =	ssyncset.done $0x0  }
0x2d: {  	[sflag:s30] =	ssyncadd.s32 $0xFFFFE000  }
0x2e: {  	_ =	swait.ge [sflag:s31], $0x2000  }
0x2f: {  	s9 =	sadd.s32 $0x1, s9;
	[sflag:s31] =	ssyncset.done $0x0  }
0x30: {  	p1 =	sne.s32 s9, s11;
	[sflag:s31] =	ssyncadd.s32 $0xFFFFE000  }
.Ltmp1:
0x31: {  	[bflag:$0x0] =	sbarrier.arrive $0xFFFF;
	(pc) =	sbr.rel @!p1 .LBB2_9-.Ltmp1, $4  }
0x32: {  	[hbm:s10], [sflag:s14] =	dma.local [spmem:s15], $0x1400  }
0x33: {  	_ =	swait.ge [sflag:s12], $0x1400  }
0x34: {  	[sflag:s12] =	ssyncset.done $0x0  }
0x35: {  	[sflag:s12] =	ssyncadd.s32 $0xFFFFEC00  }
.LBB2_1:
0x36: {  	[tilespmem:s3], [sflag:$0x9] =	stream.linear.gather [hbm4b:s6+s3], $0x5000, $0x38;
	[tilespmem:$0x1C000] =	vst v63  }
0x37: {  	_ =	swait.ge [sflag:s12], $0x5000  }
0x38: {  	[sflag:s12] =	ssyncset.done $0x0  }
.Ltmp2:
0x39: {  	s0 =	simm.s32 $0x5000;
	[sflag:s12] =	ssyncadd.s32 $0xFFFFB000;
	(pc) =	sbr.rel @!p0 .LBB2_2-.Ltmp2, $4  }
0x3a: {  	[tilespmem:s0], [sflag:$0x9] =	stream.linear.gather [hbm4b:s7+s3], $0x5000, $0x38;
	[tilespmem:$0x1C000] =	vst v63  }
0x3b: {  	_ =	swait.ge [sflag:s12], $0x5000  }
0x3c: {  	[sflag:s12] =	ssyncset.done $0x0  }
0x3d: {  	[sflag:s12] =	ssyncadd.s32 $0xFFFFB000  }
0x3e: {  	s0 =	rddreg [dreg:$0x4]  }
0x3f: {  	[spmem:s15], [sflag:s14] =	dma.local [hbm:s0], $0x1400  }
0x40: {  	_ =	swait.ge [sflag:s12], $0x1400  }
0x41: {  	[sflag:s12] =	ssyncset.done $0x0  }
0x42: {  	[sflag:s12] =	ssyncadd.s32 $0xFFFFEC00  }
0x43: {  	s19 =	simm.s32 $0x0;
	[bflag:$0x0] =	sbarrier.arrive $0xFFFF  }
0x44: {  	[tilespmem:s17], [sflag:$0x1] =	stream.indirect.gather [hbm4b:s5+s16], $0x40, s19, s16, $0xb8;
	[tilespmem:$0x1C000] =	vst v63  }
0x45: {  	_ = 	snop  }
0x46: {  	[tilespmem:s18], [sflag:$0x2] =	stream.indirect.gather [hbm4b:s5+s16], $0x40, s16, s16, $0xb8;
	[tilespmem:$0x1C000] =	vst v63  }
0x47: {  	s21 =	simm.s32 $0x100  }
0x48: {  	[tilespmem:s20], [sflag:$0x3] =	stream.indirect.gather [hbm4b:s5+s16], $0x40, s21, s16, $0xb8;
	[tilespmem:$0x1C000] =	vst v63  }
0x49: {  	s19 =	simm.s32 $0x180  }
0x4a: {  	[tilespmem:s22], [sflag:$0x4] =	stream.indirect.gather [hbm4b:s5+s16], $0x40, s19, s16, $0xb8;
	[tilespmem:$0x1C000] =	vst v63  }
0x4b: {  	_ =	swait.ge [sflag:s23], $0x2000  }
0x4c: {  	[sflag:s23] =	ssyncset.done $0x0  }
0x4d: {  	s21 =	simm.s32 $0x5000;
	[sflag:s23] =	ssyncadd.s32 $0xFFFFE000  }
0x4e: {  	[spmem:s2] =	stream.indirect.scatter.add.f32 [tilespmem:s17], [sflag:$0x5], $0x40, s21, s16, $0xb8;
	[tilespmem:$0x1C000] =	vst v63  }
0x4f: {  	_ =	swait.ge [sflag:s24], $0x2000  }
0x50: {  	[sflag:s24] =	ssyncset.done $0x0  }
0x51: {  	s19 =	simm.s32 $0x5080;
	[sflag:s24] =	ssyncadd.s32 $0xFFFFE000  }
0x52: {  	[spmem:s2] =	stream.indirect.scatter.add.f32 [tilespmem:s18], [sflag:$0x6], $0x40, s19, s16, $0xb8;
	[tilespmem:$0x1C000] =	vst v63  }
0x53: {  	_ =	swait.ge [sflag:s25], $0x2000  }
0x54: {  	[sflag:s25] =	ssyncset.done $0x0  }
0x55: {  	s21 =	simm.s32 $0x5100;
	[sflag:s25] =	ssyncadd.s32 $0xFFFFE000  }
0x56: {  	[spmem:s2] =	stream.indirect.scatter.add.f32 [tilespmem:s20], [sflag:$0x7], $0x40, s21, s16, $0xb8;
	[tilespmem:$0x1C000] =	vst v63  }
0x57: {  	_ =	swait.ge [sflag:s26], $0x2000  }
0x58: {  	[sflag:s26] =	ssyncset.done $0x0  }
0x59: {  	s19 =	simm.s32 $0x5180;
	[sflag:s26] =	ssyncadd.s32 $0xFFFFE000  }
0x5a: {  	[spmem:s2] =	stream.indirect.scatter.add.f32 [tilespmem:s22], [sflag:$0x8], $0x40, s19, s16, $0xb8;
	[tilespmem:$0x1C000] =	vst v63  }
0x5b: {  	_ =	swait.ge [sflag:s28], $0x2000  }
0x5c: {  	[sflag:s28] =	ssyncset.done $0x0  }
0x5d: {  	s21 =	simm.s32 $0x200;
	[sflag:s28] =	ssyncadd.s32 $0xFFFFE000  }
0x5e: {  	[tilespmem:s17], [sflag:$0x1] =	stream.indirect.gather [hbm4b:s5+s16], $0x40, s21, s16, $0xb8;
	[tilespmem:$0x1C000] =	vst v63  }
0x5f: {  	_ =	swait.ge [sflag:s29], $0x2000  }
0x60: {  	[sflag:s29] =	ssyncset.done $0x0  }
0x61: {  	s19 =	simm.s32 $0x280;
	[sflag:s29] =	ssyncadd.s32 $0xFFFFE000  }
0x62: {  	[tilespmem:s18], [sflag:$0x2] =	stream.indirect.gather [hbm4b:s5+s16], $0x40, s19, s16, $0xb8;
	[tilespmem:$0x1C000] =	vst v63  }
0x63: {  	_ =	swait.ge [sflag:s30], $0x2000  }
0x64: {  	[sflag:s30] =	ssyncset.done $0x0  }
0x65: {  	s21 =	simm.s32 $0x300;
	[sflag:s30] =	ssyncadd.s32 $0xFFFFE000  }
0x66: {  	[tilespmem:s20], [sflag:$0x3] =	stream.indirect.gather [hbm4b:s5+s16], $0x40, s21, s16, $0xb8;
	[tilespmem:$0x1C000] =	vst v63  }
0x67: {  	_ =	swait.ge [sflag:s31], $0x2000  }
0x68: {  	[sflag:s31] =	ssyncset.done $0x0  }
0x69: {  	s19 =	simm.s32 $0x800;
	s21 =	simm.s32 $0x380;
	[sflag:s31] =	ssyncadd.s32 $0xFFFFE000  }
.LBB2_6:
0x6a: {  	[tilespmem:s22], [sflag:$0x4] =	stream.indirect.gather [hbm4b:s5+s16], $0x40, s21, s16, $0xb8;
	[tilespmem:$0x1C000] =	vst v63  }
0x6b: {  	s0 =	smov.u32 s19  }
0x6c: {  	p1 =	sne.s32 s19, $0x13000;
	s19 =	sadd.s32 $0x800, s19;
	_ =	swait.ge [sflag:s23], $0x2000  }
0x6d: {  	s21 =	sshra.s32 s0, $0x2;
	[sflag:s23] =	ssyncset.done $0x0  }
0x6e: {  	s0 =	sadd.s32 $0x5000, s21;
	[sflag:s23] =	ssyncadd.s32 $0xFFFFE000  }
0x6f: {  	[spmem:s2] =	stream.indirect.scatter.add.f32 [tilespmem:s17], [sflag:$0x5], $0x40, s0, s16, $0xb8;
	[tilespmem:$0x1C000] =	vst v63  }
0x70: {  	_ =	swait.ge [sflag:s24], $0x2000  }
0x71: {  	[sflag:s24] =	ssyncset.done $0x0  }
0x72: {  	s0 =	sadd.s32 $0x5080, s21;
	[sflag:s24] =	ssyncadd.s32 $0xFFFFE000  }
0x73: {  	[spmem:s2] =	stream.indirect.scatter.add.f32 [tilespmem:s18], [sflag:$0x6], $0x40, s0, s16, $0xb8;
	[tilespmem:$0x1C000] =	vst v63  }
0x74: {  	_ =	swait.ge [sflag:s25], $0x2000  }
0x75: {  	[sflag:s25] =	ssyncset.done $0x0  }
0x76: {  	s0 =	sadd.s32 $0x5100, s21;
	[sflag:s25] =	ssyncadd.s32 $0xFFFFE000  }
0x77: {  	[spmem:s2] =	stream.indirect.scatter.add.f32 [tilespmem:s20], [sflag:$0x7], $0x40, s0, s16, $0xb8;
	[tilespmem:$0x1C000] =	vst v63  }
0x78: {  	_ =	swait.ge [sflag:s26], $0x2000  }
0x79: {  	[sflag:s26] =	ssyncset.done $0x0  }
0x7a: {  	s0 =	sadd.s32 $0x5180, s21;
	[sflag:s26] =	ssyncadd.s32 $0xFFFFE000  }
0x7b: {  	[spmem:s2] =	stream.indirect.scatter.add.f32 [tilespmem:s22], [sflag:$0x8], $0x40, s0, s16, $0xb8;
	[tilespmem:$0x1C000] =	vst v63  }
0x7c: {  	_ =	swait.ge [sflag:s28], $0x2000  }
0x7d: {  	[sflag:s28] =	ssyncset.done $0x0  }
0x7e: {  	s0 =	sadd.s32 $0x200, s21;
	[sflag:s28] =	ssyncadd.s32 $0xFFFFE000  }
0x7f: {  	[tilespmem:s17], [sflag:$0x1] =	stream.indirect.gather [hbm4b:s5+s16], $0x40, s0, s16, $0xb8;
	[tilespmem:$0x1C000] =	vst v63  }
0x80: {  	_ =	swait.ge [sflag:s29], $0x2000  }
0x81: {  	[sflag:s29] =	ssyncset.done $0x0  }
0x82: {  	s0 =	sadd.s32 $0x280, s21;
	[sflag:s29] =	ssyncadd.s32 $0xFFFFE000  }
0x83: {  	[tilespmem:s18], [sflag:$0x2] =	stream.indirect.gather [hbm4b:s5+s16], $0x40, s0, s16, $0xb8;
	[tilespmem:$0x1C000] =	vst v63  }
0x84: {  	_ =	swait.ge [sflag:s30], $0x2000  }
0x85: {  	[sflag:s30] =	ssyncset.done $0x0  }
.Ltmp3:
0x86: {  	s0 =	sadd.s32 $0x300, s21;
	[sflag:s30] =	ssyncadd.s32 $0xFFFFE000;
	(pc) =	sbr.rel @p1 .LBB2_6-.Ltmp3, $4  }
0x87: {  	[tilespmem:s20], [sflag:$0x3] =	stream.indirect.gather [hbm4b:s5+s16], $0x40, s0, s16, $0xb8;
	[tilespmem:$0x1C000] =	vst v63  }
0x88: {  	_ =	swait.ge [sflag:s31], $0x2000  }
0x89: {  	[sflag:s31] =	ssyncset.done $0x0  }
0x8a: {  	s21 =	sadd.s32 $0x380, s21;
	[sflag:s31] =	ssyncadd.s32 $0xFFFFE000  }
.Ltmp4:
0x8b: {  	_ = 	snop;
	(pc) =	sbr.rel .LBB2_7-.Ltmp4, $1  }
0x8c: {  	_ =	sdelay $0x3  }
.LBB2_2:
0x8d: {  	s0 =	rddreg [dreg:$0x3]  }
0x8e: {  	[spmem:s15], [sflag:s14] =	dma.local [hbm:s0], $0x1400  }
0x8f: {  	_ =	swait.ge [sflag:s12], $0x1400  }
0x90: {  	[sflag:s12] =	ssyncset.done $0x0  }
0x91: {  	[sflag:s12] =	ssyncadd.s32 $0xFFFFEC00  }
0x92: {  	s19 =	simm.s32 $0x0;
	[bflag:$0x0] =	sbarrier.arrive $0xFFFF  }
0x93: {  	[tilespmem:s17], [sflag:$0x1] =	stream.indirect.gather [hbm4b:s4+s16], $0x40, s19, s16, $0xb8;
	[tilespmem:$0x1C000] =	vst v63  }
0x94: {  	_ = 	snop  }
0x95: {  	[tilespmem:s18], [sflag:$0x2] =	stream.indirect.gather [hbm4b:s4+s16], $0x40, s16, s16, $0xb8;
	[tilespmem:$0x1C000] =	vst v63  }
0x96: {  	s21 =	simm.s32 $0x100  }
0x97: {  	[tilespmem:s20], [sflag:$0x3] =	stream.indirect.gather [hbm4b:s4+s16], $0x40, s21, s16, $0xb8;
	[tilespmem:$0x1C000] =	vst v63  }
0x98: {  	s19 =	simm.s32 $0x180  }
0x99: {  	[tilespmem:s22], [sflag:$0x4] =	stream.indirect.gather [hbm4b:s4+s16], $0x40, s19, s16, $0xb8;
	[tilespmem:$0x1C000] =	vst v63  }
0x9a: {  	_ =	swait.ge [sflag:s23], $0x2000  }
0x9b: {  	[sflag:s23] =	ssyncset.done $0x0  }
0x9c: {  	s21 =	simm.s32 $0x5000;
	[sflag:s23] =	ssyncadd.s32 $0xFFFFE000  }
0x9d: {  	[spmem:s2] =	stream.indirect.scatter.add.f32 [tilespmem:s17], [sflag:$0x5], $0x40, s21, s16, $0xb8;
	[tilespmem:$0x1C000] =	vst v63  }
0x9e: {  	_ =	swait.ge [sflag:s24], $0x2000  }
0x9f: {  	[sflag:s24] =	ssyncset.done $0x0  }
0xa0: {  	s0 =	simm.s32 $0x5080;
	[sflag:s24] =	ssyncadd.s32 $0xFFFFE000  }
0xa1: {  	[spmem:s2] =	stream.indirect.scatter.add.f32 [tilespmem:s18], [sflag:$0x6], $0x40, s0, s16, $0xb8;
	[tilespmem:$0x1C000] =	vst v63  }
0xa2: {  	_ =	swait.ge [sflag:s25], $0x2000  }
0xa3: {  	[sflag:s25] =	ssyncset.done $0x0  }
0xa4: {  	s21 =	simm.s32 $0x5100;
	[sflag:s25] =	ssyncadd.s32 $0xFFFFE000  }
0xa5: {  	[spmem:s2] =	stream.indirect.scatter.add.f32 [tilespmem:s20], [sflag:$0x7], $0x40, s21, s16, $0xb8;
	[tilespmem:$0x1C000] =	vst v63  }
0xa6: {  	_ =	swait.ge [sflag:s26], $0x2000  }
0xa7: {  	[sflag:s26] =	ssyncset.done $0x0  }
0xa8: {  	s0 =	simm.s32 $0x5180;
	[sflag:s26] =	ssyncadd.s32 $0xFFFFE000  }
0xa9: {  	[spmem:s2] =	stream.indirect.scatter.add.f32 [tilespmem:s22], [sflag:$0x8], $0x40, s0, s16, $0xb8;
	[tilespmem:$0x1C000] =	vst v63  }
0xaa: {  	_ =	swait.ge [sflag:s28], $0x2000  }
0xab: {  	[sflag:s28] =	ssyncset.done $0x0  }
0xac: {  	s21 =	simm.s32 $0x200;
	[sflag:s28] =	ssyncadd.s32 $0xFFFFE000  }
0xad: {  	[tilespmem:s17], [sflag:$0x1] =	stream.indirect.gather [hbm4b:s4+s16], $0x40, s21, s16, $0xb8;
	[tilespmem:$0x1C000] =	vst v63  }
0xae: {  	_ =	swait.ge [sflag:s29], $0x2000  }
0xaf: {  	[sflag:s29] =	ssyncset.done $0x0  }
0xb0: {  	s0 =	simm.s32 $0x280;
	[sflag:s29] =	ssyncadd.s32 $0xFFFFE000  }
0xb1: {  	[tilespmem:s18], [sflag:$0x2] =	stream.indirect.gather [hbm4b:s4+s16], $0x40, s0, s16, $0xb8;
	[tilespmem:$0x1C000] =	vst v63  }
0xb2: {  	_ =	swait.ge [sflag:s30], $0x2000  }
0xb3: {  	[sflag:s30] =	ssyncset.done $0x0  }
0xb4: {  	s21 =	simm.s32 $0x300;
	[sflag:s30] =	ssyncadd.s32 $0xFFFFE000  }
0xb5: {  	[tilespmem:s20], [sflag:$0x3] =	stream.indirect.gather [hbm4b:s4+s16], $0x40, s21, s16, $0xb8;
	[tilespmem:$0x1C000] =	vst v63  }
0xb6: {  	_ =	swait.ge [sflag:s31], $0x2000  }
0xb7: {  	[sflag:s31] =	ssyncset.done $0x0  }
0xb8: {  	s19 =	simm.s32 $0x800;
	s21 =	simm.s32 $0x380;
	[sflag:s31] =	ssyncadd.s32 $0xFFFFE000  }
.LBB2_3:
0xb9: {  	[tilespmem:s22], [sflag:$0x4] =	stream.indirect.gather [hbm4b:s4+s16], $0x40, s21, s16, $0xb8;
	[tilespmem:$0x1C000] =	vst v63  }
0xba: {  	s21 =	smov.u32 s19  }
0xbb: {  	p1 =	seq.s32 s19, $0x13000;
	s19 =	sadd.s32 $0x800, s19;
	_ =	swait.ge [sflag:s23], $0x2000  }
0xbc: {  	s21 =	sshra.s32 s21, $0x2;
	[sflag:s23] =	ssyncset.done $0x0  }
0xbd: {  	s0 =	sadd.s32 $0x5000, s21;
	[sflag:s23] =	ssyncadd.s32 $0xFFFFE000  }
0xbe: {  	[spmem:s2] =	stream.indirect.scatter.add.f32 [tilespmem:s17], [sflag:$0x5], $0x40, s0, s16, $0xb8;
	[tilespmem:$0x1C000] =	vst v63  }
0xbf: {  	_ =	swait.ge [sflag:s24], $0x2000  }
0xc0: {  	[sflag:s24] =	ssyncset.done $0x0  }
0xc1: {  	s0 =	sadd.s32 $0x5080, s21;
	[sflag:s24] =	ssyncadd.s32 $0xFFFFE000  }
0xc2: {  	[spmem:s2] =	stream.indirect.scatter.add.f32 [tilespmem:s18], [sflag:$0x6], $0x40, s0, s16, $0xb8;
	[tilespmem:$0x1C000] =	vst v63  }
0xc3: {  	_ =	swait.ge [sflag:s25], $0x2000  }
0xc4: {  	[sflag:s25] =	ssyncset.done $0x0  }
0xc5: {  	s0 =	sadd.s32 $0x5100, s21;
	[sflag:s25] =	ssyncadd.s32 $0xFFFFE000  }
0xc6: {  	[spmem:s2] =	stream.indirect.scatter.add.f32 [tilespmem:s20], [sflag:$0x7], $0x40, s0, s16, $0xb8;
	[tilespmem:$0x1C000] =	vst v63  }
0xc7: {  	_ =	swait.ge [sflag:s26], $0x2000  }
0xc8: {  	[sflag:s26] =	ssyncset.done $0x0  }
0xc9: {  	s0 =	sadd.s32 $0x5180, s21;
	[sflag:s26] =	ssyncadd.s32 $0xFFFFE000  }
0xca: {  	[spmem:s2] =	stream.indirect.scatter.add.f32 [tilespmem:s22], [sflag:$0x8], $0x40, s0, s16, $0xb8;
	[tilespmem:$0x1C000] =	vst v63  }
0xcb: {  	_ =	swait.ge [sflag:s28], $0x2000  }
0xcc: {  	[sflag:s28] =	ssyncset.done $0x0  }
0xcd: {  	s0 =	sadd.s32 $0x200, s21;
	[sflag:s28] =	ssyncadd.s32 $0xFFFFE000  }
0xce: {  	[tilespmem:s17], [sflag:$0x1] =	stream.indirect.gather [hbm4b:s4+s16], $0x40, s0, s16, $0xb8;
	[tilespmem:$0x1C000] =	vst v63  }
0xcf: {  	_ =	swait.ge [sflag:s29], $0x2000  }
0xd0: {  	[sflag:s29] =	ssyncset.done $0x0  }
0xd1: {  	s0 =	sadd.s32 $0x280, s21;
	[sflag:s29] =	ssyncadd.s32 $0xFFFFE000  }
0xd2: {  	[tilespmem:s18], [sflag:$0x2] =	stream.indirect.gather [hbm4b:s4+s16], $0x40, s0, s16, $0xb8;
	[tilespmem:$0x1C000] =	vst v63  }
0xd3: {  	_ =	swait.ge [sflag:s30], $0x2000  }
0xd4: {  	[sflag:s30] =	ssyncset.done $0x0  }
.Ltmp5:
0xd5: {  	s0 =	sadd.s32 $0x300, s21;
	[sflag:s30] =	ssyncadd.s32 $0xFFFFE000;
	(pc) =	sbr.rel @!p1 .LBB2_3-.Ltmp5, $4  }
0xd6: {  	[tilespmem:s20], [sflag:$0x3] =	stream.indirect.gather [hbm4b:s4+s16], $0x40, s0, s16, $0xb8;
	[tilespmem:$0x1C000] =	vst v63  }
0xd7: {  	_ =	swait.ge [sflag:s31], $0x2000  }
0xd8: {  	[sflag:s31] =	ssyncset.done $0x0  }
0xd9: {  	s21 =	sadd.s32 $0x380, s21;
	[sflag:s31] =	ssyncadd.s32 $0xFFFFE000  }
.Ltmp6:
0xda: {  	(pc) =	sbr.rel .LBB2_8-.Ltmp6, $2  }
0xdb: {  	_ =	sdelay $0x2  }
0xdc: {  	[tilespmem:s22], [sflag:$0x4] =	stream.indirect.gather [hbm4b:s4+s16], $0x40, s21, s16, $0xb8;
	[tilespmem:$0x1C000] =	vst v63  }
.LBB2_9:
0xdd: {  	_ =	sfence.sel $0x180000  }
0xde: {  	[bflag:$0x0] =	sbarrier.arrive $0xFFFF  }
0xdf: {  	_ =	strace $0x90000050  }
0xe0: {  	s0 =	stileid.u32;
	[bflag:$0x2] =	sbarrier.arrive $0xFFFF  }
0xe1: {  	p0 =	sne.s32 s0, $0x0;
	s0 =	rddreg [dreg:$0x2]  }
0xe2: {  	s0 =	sadd.s32 @!p0 $0x100000, s0  }
0xe3: {  	[sflag:s0] =	ssyncadd.tile.s32 @!p0 $0x1;
	_ =	shalt  }
.Lfunc_end2:
_tile_overlayer_lowered:
.L_overlay_start_2:
0xe4: {  	(tag) =	ssettag $0x2  }
0xe5: {  	s0 =	rddreg [dreg:$0x0];
	s2 =	stileid.u32  }
0xe6: {  	s1 =	rddreg [dreg:$0x1];
	p0 =	sne.s32 s2, $0x0  }
0xe7: {  	s3 =	rddreg [dreg:$0x2];
	[bflag:$0x3] =	sbarrier.arrive $0xFFFF;
	s2 =	simm.s32 @!p0 $0x1C09  }
0xe8: {  	[timem:s3], [sflag:s2] =	dma.local @!p0 [hbm:s0], s1  }
0xe9: {  	s0 =	simm.s32 @!p0 $0x9  }
0xea: {  	_ =	swait.ge @!p0 [sflag:s0], s1  }
0xeb: {  	s1 =	ssub.s32 @!p0 $0x0, s1;
	[sflag:s0] =	ssyncset.done @!p0 $0x0  }
0xec: {  	[sflag:s0] =	ssyncadd.s32 @!p0 s1  }
0xed: {  	[bflag:$0x3] =	sbarrier.arrive $0xFFFF  }
0xee: {  	_ =	shalt  }

</sc_bundles>
